<compile_context>
chip_gen: v7x
topology: tpu7x:2x2x1
jax: 0.10.2.dev20260603
libtpu: 0.0.44.dev20260713+nightly
codegen_flags: <defaults>
</compile_context>

<pallas_src>
import functools

import jax
import jax.numpy as jnp
from jax import lax
from jax.experimental import pallas as pl
from jax.experimental.pallas import tpu as pltpu
from jax.experimental.pallas import tpu_sc as plsc

N = 10000
E = 320000
D = 128
T = 4
STEPS = 8
G = 16

NP = 10240
NB = 10
BR = NP // NB

NC = 2
NS = 16
NW = NC * NS
CH = 128
NCHUNK = 79
PER_W = NCHUNK * CH
E_PAD = NW * PER_W
ZR = 128
ROWS_PER_TILE = NP // NS
DUMMY_DST = N


def _sc_body(ht_ref, gidx_ref, dst_ref, zrow_ref, out_ref,
             acc_ref, gi_buf, di_buf, row_buf, sem):
    c = lax.axis_index("c")
    s = lax.axis_index("s")
    wid = c * NS + s

    for q in range(ROWS_PER_TILE // ZR):
        pltpu.sync_copy(
            zrow_ref, acc_ref.at[pl.ds(s * ROWS_PER_TILE + q * ZR, ZR)])
    plsc.subcore_barrier()

    def chunk(i, carry):
        base = pl.multiple_of(wid * PER_W + i * CH, CH)
        pltpu.sync_copy(gidx_ref.at[pl.ds(base, CH)], gi_buf)
        pltpu.sync_copy(dst_ref.at[pl.ds(base, CH)], di_buf)
        pltpu.async_copy(ht_ref.at[gi_buf], row_buf, sem).wait()
        pltpu.sync_copy(row_buf, acc_ref.at[di_buf], add=True)
        return carry

    lax.fori_loop(0, NCHUNK, chunk, 0)
    plsc.subcore_barrier()

    pltpu.sync_copy(acc_ref.at[pl.ds(s * ROWS_PER_TILE, ROWS_PER_TILE)],
                    out_ref.at[c, pl.ds(s * ROWS_PER_TILE, ROWS_PER_TILE)])


def _make_sc_segsum():
    mesh = plsc.VectorSubcoreMesh(core_axis_name="c", subcore_axis_name="s")
    return pl.kernel(
        _sc_body,
        out_type=jax.ShapeDtypeStruct((NC, NP, D), jnp.float32),
        mesh=mesh,
        scratch_types=[
            pltpu.VMEM_SHARED((NP, D), jnp.float32),
            pltpu.VMEM((CH,), jnp.int32),
            pltpu.VMEM((CH,), jnp.int32),
            pltpu.VMEM((CH, D), jnp.float32),
            pltpu.SemaphoreType.DMA,
        ],
    )


def _prep_body(x_ref, wall_ref, ball_ref, ht_ref):
    ht_ref[...] = (jnp.dot(x_ref[...], wall_ref[...],
                           preferred_element_type=jnp.float32) + ball_ref[...])


def _gru(h, a, wih, whh, bih, bhh):
    gi = jnp.dot(a, wih, preferred_element_type=jnp.float32) + bih
    gh = jnp.dot(h, whh, preferred_element_type=jnp.float32) + bhh
    r = jax.nn.sigmoid(gi[:, :D] + gh[:, :D])
    z = jax.nn.sigmoid(gi[:, D:2 * D] + gh[:, D:2 * D])
    n = jnp.tanh(gi[:, 2 * D:] + r * gh[:, 2 * D:])
    return (1.0 - z) * n + z * h


def _step_body(h_ref, a_ref, wih_ref, whh_ref, bih_ref, bhh_ref,
               wall_ref, ball_ref, hnew_ref, htnext_ref):
    a = a_ref[0] + a_ref[1]
    hn = _gru(h_ref[...], a,
              wih_ref[...], whh_ref[...], bih_ref[...], bhh_ref[...])
    hnew_ref[...] = hn
    htnext_ref[...] = (jnp.dot(hn, wall_ref[...],
                               preferred_element_type=jnp.float32) + ball_ref[...])


def _final_body(h_ref, a_ref, wih_ref, whh_ref, bih_ref, bhh_ref,
                gid_ref, wc_ref, bc_ref, hsum_ref, ggnn_ref):
    i = pl.program_id(0)
    a = a_ref[0] + a_ref[1]
    hn = _gru(h_ref[...], a,
              wih_ref[...], whh_ref[...], bih_ref[...], bhh_ref[...])
    gid = gid_ref[...].reshape(BR).astype(jnp.int32)
    onehot = (lax.broadcasted_iota(jnp.int32, (G, BR), 0)
              == gid[None, :]).astype(jnp.float32)
    contrib = jnp.dot(onehot, hn, preferred_element_type=jnp.float32)

    @pl.when(i == 0)
    def _():
        hsum_ref[...] = jnp.zeros_like(hsum_ref)

    hsum_ref[...] += contrib

    @pl.when(i == NB - 1)
    def _():
        hs = hsum_ref[...]
        ggnn_ref[...] = (jnp.sum(hs * wc_ref[...], axis=1, keepdims=True)
                         + bc_ref[...])


def _full(i):
    return pl.BlockSpec(None, lambda j: tuple(0 for _ in range(i)))


def kernel(x, edge_index, edge_types, graph_ids, W, b, W_ih, W_hh,
           b_ih, b_hh, W_c, b_c):
    f32 = jnp.float32
    src = edge_index[0].astype(jnp.int32)
    dst = edge_index[1].astype(jnp.int32)
    et = edge_types.astype(jnp.int32)
    gidx = src * T + et
    pad = E_PAD - E
    gidx = jnp.concatenate([gidx, jnp.zeros((pad,), jnp.int32)])
    dstp = jnp.concatenate([dst, jnp.full((pad,), DUMMY_DST, jnp.int32)])

    x_pad = jnp.concatenate([x, jnp.zeros((NP - N, D), f32)], axis=0)
    gid_pad = jnp.concatenate([graph_ids.astype(f32),
                               jnp.full((NP - N,), 1e6, f32)]).reshape(NP // D, D)

    wall = W.transpose(2, 0, 1).reshape(D, T * D)
    ball = b.reshape(1, T * D)
    wih = W_ih.T
    whh = W_hh.T
    bih = b_ih.reshape(1, 3 * D)
    bhh = b_hh.reshape(1, 3 * D)
    bc = b_c.reshape(1, 1)
    wc = W_c
    zrow = jnp.zeros((ZR, D), f32)

    sc_segsum = _make_sc_segsum()

    prep = pl.pallas_call(
        _prep_body,
        grid=(NB,),
        in_specs=[pl.BlockSpec((BR, D), lambda i: (i, 0)), _full(2), _full(2)],
        out_specs=pl.BlockSpec((BR, T * D), lambda i: (i, 0)),
        out_shape=jax.ShapeDtypeStruct((NP, T * D), f32),
    )

    step = pl.pallas_call(
        _step_body,
        grid=(NB,),
        in_specs=[
            pl.BlockSpec((BR, D), lambda i: (i, 0)),
            pl.BlockSpec((2, BR, D), lambda i: (0, i, 0)),
            _full(2), _full(2), _full(2), _full(2), _full(2), _full(2),
        ],
        out_specs=[
            pl.BlockSpec((BR, D), lambda i: (i, 0)),
            pl.BlockSpec((BR, T * D), lambda i: (i, 0)),
        ],
        out_shape=[
            jax.ShapeDtypeStruct((NP, D), f32),
            jax.ShapeDtypeStruct((NP, T * D), f32),
        ],
    )

    final = pl.pallas_call(
        _final_body,
        grid=(NB,),
        in_specs=[
            pl.BlockSpec((BR, D), lambda i: (i, 0)),
            pl.BlockSpec((2, BR, D), lambda i: (0, i, 0)),
            _full(2), _full(2), _full(2), _full(2),
            pl.BlockSpec((BR // D, D), lambda i: (i, 0)),
            _full(2), _full(2),
        ],
        out_specs=[
            pl.BlockSpec((G, D), lambda i: (0, 0)),
            pl.BlockSpec((G, 1), lambda i: (0, 0)),
        ],
        out_shape=[
            jax.ShapeDtypeStruct((G, D), f32),
            jax.ShapeDtypeStruct((G, 1), f32),
        ],
    )

    h = x_pad
    ht = prep(x_pad, wall, ball)
    for s in range(STEPS):
        parts = sc_segsum(ht.reshape(T * NP, D), gidx, dstp, zrow)
        if s < STEPS - 1:
            h, ht = step(h, parts, wih, whh, bih, bhh, wall, ball)
        else:
            h_sum, ggnn = final(h, parts, wih, whh, bih, bhh, gid_pad, wc, bc)
    return (ggnn, h_sum)

# --- scband reference (transcript-rebuilt; emitter-appended) ---
"""Pipeline reference for scband-ggnnsum-52037823758814 (READ-ONLY COPY).

The authoritative reference and input builder live on the scoring server;
editing this copy changes nothing except your own understanding.
"""

import jax, jax.numpy as jnp
import numpy as np

N = 10000
E = 320000
D = 128
T = 4
STEPS = 8
G = 16


def setup_inputs(seed: int = 0) -> dict:
    key = jax.random.key(seed)
    ks = jax.random.split(key, 12)
    s = 1.0 / np.sqrt(D)
    x = jax.random.normal(ks[0], (N, D), dtype=jnp.float32)
    edge_index = jax.random.randint(ks[1], (2, E), 0, N, dtype=jnp.int64)
    edge_types = jax.random.randint(ks[2], (E,), 0, T, dtype=jnp.int64)
    graph_ids = jnp.sort(jax.random.randint(ks[3], (N,), 0, G, dtype=jnp.int64))
    W = jax.random.uniform(ks[4], (T, D, D), minval=-s, maxval=s, dtype=jnp.float32)
    b = jax.random.uniform(ks[5], (T, D), minval=-s, maxval=s, dtype=jnp.float32)
    W_ih = jax.random.uniform(ks[6], (3 * D, D), minval=-s, maxval=s, dtype=jnp.float32)
    W_hh = jax.random.uniform(ks[7], (3 * D, D), minval=-s, maxval=s, dtype=jnp.float32)
    b_ih = jax.random.uniform(ks[8], (3 * D,), minval=-s, maxval=s, dtype=jnp.float32)
    b_hh = jax.random.uniform(ks[9], (3 * D,), minval=-s, maxval=s, dtype=jnp.float32)
    W_c = jax.random.uniform(ks[10], (1, D), minval=-s, maxval=s, dtype=jnp.float32)
    b_c = jnp.zeros((1,), dtype=jnp.float32)
    return {"x": x, "edge_index": edge_index, "edge_types": edge_types,
            "graph_ids": graph_ids, "W": W, "b": b, "W_ih": W_ih, "W_hh": W_hh,
            "b_ih": b_ih, "b_hh": b_hh, "W_c": W_c, "b_c": b_c}


def _gru_cell(a, h, W_ih, W_hh, b_ih, b_hh):
    gi = a @ W_ih.T + b_ih
    gh = h @ W_hh.T + b_hh
    i_r, i_z, i_n = jnp.split(gi, 3, axis=-1)
    h_r, h_z, h_n = jnp.split(gh, 3, axis=-1)
    r = jax.nn.sigmoid(i_r + h_r)
    z = jax.nn.sigmoid(i_z + h_z)
    n = jnp.tanh(i_n + r * h_n)
    return (1.0 - z) * n + z * h


def reference(x, edge_index, edge_types, graph_ids, W, b, W_ih, W_hh, b_ih, b_hh, W_c, b_c):
    src = edge_index[0]
    dst = edge_index[1]
    h = x  # in_feats == out_feats, no zero padding needed
    for _ in range(STEPS):
        # per-edge-type linear transform of source node states
        m = jnp.einsum('eij,ej->ei', W[edge_types], h[src]) + b[edge_types]
        # sum aggregation onto destination nodes
        a = jax.ops.segment_sum(m, dst, num_segments=N)
        # GRU update
        h = _gru_cell(a, h, W_ih, W_hh, b_ih, b_hh)
    # de-batchify + sum over nodes of each graph
    h_sum = jax.ops.segment_sum(h, graph_ids, num_segments=G)
    ggnn_sum = h_sum @ W_c.T + b_c
    return (ggnn_sum, h_sum)

if __name__ == "__main__":
    import jax
    _d = setup_inputs()
    print(jax.jit(kernel)(*tuple(_d.values())))

</pallas_src>

<mosaic_0001>
#map = affine_map<(d0, d1) -> (0, 0)>
#map1 = affine_map<(d0, d1) -> (0)>
#map2 = affine_map<(d0, d1) -> (0, 0, 0)>
module attributes {stable_mosaic.version = 14 : i64} {
  func.func @_sc_body(%arg0: i32, %arg1: i32, %arg2: memref<40960x128xf32, #tpu.memory_space<hbm>>, %arg3: memref<323584xi32, #tpu.memory_space<hbm>>, %arg4: memref<323584xi32, #tpu.memory_space<hbm>>, %arg5: memref<128x128xf32, #tpu.memory_space<hbm>>, %arg6: memref<2x10240x128xf32, #tpu.memory_space<hbm>>, %arg7: memref<10240x128xf32, #tpu.memory_space<vmem_shared>>, %arg8: memref<128xi32, #tpu.memory_space<vmem>>, %arg9: memref<128xi32, #tpu.memory_space<vmem>>, %arg10: memref<128x128xf32, #tpu.memory_space<vmem>>, %arg11: memref<!tpu.dma_semaphore, #tpu.memory_space<semaphore_mem>>) attributes {dimension_semantics = [#tpu.dimension_semantics<core_parallel>, #tpu.dimension_semantics<subcore_parallel>], iteration_bounds = array<i64: 2, 16>, scalar_prefetch = 0 : i64, scratch_operands = 5 : i64, tpu.core_type = #tpu.core_type<sc_vector_subcore>, window_params = [{transform_indices = #map}, {transform_indices = #map1}, {transform_indices = #map1}, {transform_indices = #map}, {transform_indices = #map2}]} {
    %mul3A = arith.constant 16 : i32
    %mul3A_0 = arith.muli %arg0, %mul3A : i32
    %add3A = arith.addi %mul3A_0, %arg1 : i32
    %mul3A_1 = arith.constant 640 : i32
    %mul3A_2 = arith.muli %arg1, %mul3A_1 : i32
    %add3A_3 = arith.constant 0 : i32
    %add3A_4 = arith.addi %mul3A_2, %add3A_3 : i32
    "tpu.region"() ({
      %run_scoped3A = tpu.sem_alloc : memref<!tpu.dma_semaphore, #tpu.memory_space<semaphore_mem>>
      %dma_start3A = arith.constant 0 : i32
      %dma_start3A_31 = tpu.memref_slice %arg7[%add3A_4, %dma_start3A] : memref<10240x128xf32, #tpu.memory_space<vmem_shared>> -> memref<128x128xf32, #tpu.memory_space<vmem_shared>>
      tpu.enqueue_dma source(%arg5 : memref<128x128xf32, #tpu.memory_space<hbm>>) target(%dma_start3A_31 : memref<128x128xf32, #tpu.memory_space<vmem_shared>>) target_semaphore(%run_scoped3A : memref<!tpu.dma_semaphore, #tpu.memory_space<semaphore_mem>>)
      %dma_wait3A = arith.constant 0 : i32
      %dma_wait3A_32 = tpu.memref_slice %arg7[%add3A_4, %dma_wait3A] : memref<10240x128xf32, #tpu.memory_space<vmem_shared>> -> memref<128x128xf32, #tpu.memory_space<vmem_shared>>
      tpu.wait_dma2 semaphore(%run_scoped3A : memref<!tpu.dma_semaphore, #tpu.memory_space<semaphore_mem>>) src(%arg5 : memref<128x128xf32, #tpu.memory_space<hbm>>) dst(%dma_wait3A_32 : memref<128x128xf32, #tpu.memory_space<vmem_shared>>)
      tpu.yield
    }) : () -> ()
    %mul3A_5 = arith.constant 640 : i32
    %mul3A_6 = arith.muli %arg1, %mul3A_5 : i32
    %add3A_7 = arith.constant 128 : i32
    %add3A_8 = arith.addi %mul3A_6, %add3A_7 : i32
    "tpu.region"() ({
      %run_scoped3A = tpu.sem_alloc : memref<!tpu.dma_semaphore, #tpu.memory_space<semaphore_mem>>
      %dma_start3A = arith.constant 0 : i32
      %dma_start3A_31 = tpu.memref_slice %arg7[%add3A_8, %dma_start3A] : memref<10240x128xf32, #tpu.memory_space<vmem_shared>> -> memref<128x128xf32, #tpu.memory_space<vmem_shared>>
      tpu.enqueue_dma source(%arg5 : memref<128x128xf32, #tpu.memory_space<hbm>>) target(%dma_start3A_31 : memref<128x128xf32, #tpu.memory_space<vmem_shared>>) target_semaphore(%run_scoped3A : memref<!tpu.dma_semaphore, #tpu.memory_space<semaphore_mem>>)
      %dma_wait3A = arith.constant 0 : i32
      %dma_wait3A_32 = tpu.memref_slice %arg7[%add3A_8, %dma_wait3A] : memref<10240x128xf32, #tpu.memory_space<vmem_shared>> -> memref<128x128xf32, #tpu.memory_space<vmem_shared>>
      tpu.wait_dma2 semaphore(%run_scoped3A : memref<!tpu.dma_semaphore, #tpu.memory_space<semaphore_mem>>) src(%arg5 : memref<128x128xf32, #tpu.memory_space<hbm>>) dst(%dma_wait3A_32 : memref<128x128xf32, #tpu.memory_space<vmem_shared>>)
      tpu.yield
    }) : () -> ()
    %mul3A_9 = arith.constant 640 : i32
    %mul3A_10 = arith.muli %arg1, %mul3A_9 : i32
    %add3A_11 = arith.constant 256 : i32
    %add3A_12 = arith.addi %mul3A_10, %add3A_11 : i32
    "tpu.region"() ({
      %run_scoped3A = tpu.sem_alloc : memref<!tpu.dma_semaphore, #tpu.memory_space<semaphore_mem>>
      %dma_start3A = arith.constant 0 : i32
      %dma_start3A_31 = tpu.memref_slice %arg7[%add3A_12, %dma_start3A] : memref<10240x128xf32, #tpu.memory_space<vmem_shared>> -> memref<128x128xf32, #tpu.memory_space<vmem_shared>>
      tpu.enqueue_dma source(%arg5 : memref<128x128xf32, #tpu.memory_space<hbm>>) target(%dma_start3A_31 : memref<128x128xf32, #tpu.memory_space<vmem_shared>>) target_semaphore(%run_scoped3A : memref<!tpu.dma_semaphore, #tpu.memory_space<semaphore_mem>>)
      %dma_wait3A = arith.constant 0 : i32
      %dma_wait3A_32 = tpu.memref_slice %arg7[%add3A_12, %dma_wait3A] : memref<10240x128xf32, #tpu.memory_space<vmem_shared>> -> memref<128x128xf32, #tpu.memory_space<vmem_shared>>
      tpu.wait_dma2 semaphore(%run_scoped3A : memref<!tpu.dma_semaphore, #tpu.memory_space<semaphore_mem>>) src(%arg5 : memref<128x128xf32, #tpu.memory_space<hbm>>) dst(%dma_wait3A_32 : memref<128x128xf32, #tpu.memory_space<vmem_shared>>)
      tpu.yield
    }) : () -> ()
    %mul3A_13 = arith.constant 640 : i32
    %mul3A_14 = arith.muli %arg1, %mul3A_13 : i32
    %add3A_15 = arith.constant 384 : i32
    %add3A_16 = arith.addi %mul3A_14, %add3A_15 : i32
    "tpu.region"() ({
      %run_scoped3A = tpu.sem_alloc : memref<!tpu.dma_semaphore, #tpu.memory_space<semaphore_mem>>
      %dma_start3A = arith.constant 0 : i32
      %dma_start3A_31 = tpu.memref_slice %arg7[%add3A_16, %dma_start3A] : memref<10240x128xf32, #tpu.memory_space<vmem_shared>> -> memref<128x128xf32, #tpu.memory_space<vmem_shared>>
      tpu.enqueue_dma source(%arg5 : memref<128x128xf32, #tpu.memory_space<hbm>>) target(%dma_start3A_31 : memref<128x128xf32, #tpu.memory_space<vmem_shared>>) target_semaphore(%run_scoped3A : memref<!tpu.dma_semaphore, #tpu.memory_space<semaphore_mem>>)
      %dma_wait3A = arith.constant 0 : i32
      %dma_wait3A_32 = tpu.memref_slice %arg7[%add3A_16, %dma_wait3A] : memref<10240x128xf32, #tpu.memory_space<vmem_shared>> -> memref<128x128xf32, #tpu.memory_space<vmem_shared>>
      tpu.wait_dma2 semaphore(%run_scoped3A : memref<!tpu.dma_semaphore, #tpu.memory_space<semaphore_mem>>) src(%arg5 : memref<128x128xf32, #tpu.memory_space<hbm>>) dst(%dma_wait3A_32 : memref<128x128xf32, #tpu.memory_space<vmem_shared>>)
      tpu.yield
    }) : () -> ()
    %mul3A_17 = arith.constant 640 : i32
    %mul3A_18 = arith.muli %arg1, %mul3A_17 : i32
    %add3A_19 = arith.constant 512 : i32
    %add3A_20 = arith.addi %mul3A_18, %add3A_19 : i32
    "tpu.region"() ({
      %run_scoped3A = tpu.sem_alloc : memref<!tpu.dma_semaphore, #tpu.memory_space<semaphore_mem>>
      %dma_start3A = arith.constant 0 : i32
      %dma_start3A_31 = tpu.memref_slice %arg7[%add3A_20, %dma_start3A] : memref<10240x128xf32, #tpu.memory_space<vmem_shared>> -> memref<128x128xf32, #tpu.memory_space<vmem_shared>>
      tpu.enqueue_dma source(%arg5 : memref<128x128xf32, #tpu.memory_space<hbm>>) target(%dma_start3A_31 : memref<128x128xf32, #tpu.memory_space<vmem_shared>>) target_semaphore(%run_scoped3A : memref<!tpu.dma_semaphore, #tpu.memory_space<semaphore_mem>>)
      %dma_wait3A = arith.constant 0 : i32
      %dma_wait3A_32 = tpu.memref_slice %arg7[%add3A_20, %dma_wait3A] : memref<10240x128xf32, #tpu.memory_space<vmem_shared>> -> memref<128x128xf32, #tpu.memory_space<vmem_shared>>
      tpu.wait_dma2 semaphore(%run_scoped3A : memref<!tpu.dma_semaphore, #tpu.memory_space<semaphore_mem>>) src(%arg5 : memref<128x128xf32, #tpu.memory_space<hbm>>) dst(%dma_wait3A_32 : memref<128x128xf32, #tpu.memory_space<vmem_shared>>)
      tpu.yield
    }) : () -> ()
    %barrier3A = arith.constant 0 : index
    tpu.barrier barrier_id(%barrier3A)
    %scan3A = arith.constant 0 : i32
    %scan3A_21 = arith.constant 0 : i32
    %scan3A_22 = arith.constant 79 : i32
    %scan3A_23 = arith.addi %scan3A_21, %scan3A_22 : i32
    %scan3A_24 = arith.constant 1 : i32
    scf.for %scan3A_31 = %scan3A_21 to %scan3A_23 step %scan3A_24  : i32 {
      %mul3A_32 = arith.constant 10112 : i32
      %mul3A_33 = arith.muli %add3A, %mul3A_32 : i32
      %mul3A_34 = arith.constant 128 : i32
      %mul3A_35 = arith.muli %scan3A_31, %mul3A_34 : i32
      %add3A_36 = arith.addi %mul3A_33, %mul3A_35 : i32
      %multiple_of3A = tpu.assume_multiple %add3A_36, 128 : i32
      "tpu.region"() ({
        %run_scoped3A = tpu.sem_alloc : memref<!tpu.dma_semaphore, #tpu.memory_space<semaphore_mem>>
        %dma_start3A_41 = tpu.memref_slice %arg3[%multiple_of3A] : memref<323584xi32, #tpu.memory_space<hbm>> -> memref<128xi32, #tpu.memory_space<hbm>>
        %dma_start3A_42 = tpu.memref_slice %arg3[%multiple_of3A] : memref<323584xi32, #tpu.memory_space<hbm>> -> memref<128xi32, #tpu.memory_space<hbm>>
        tpu.enqueue_dma source(%dma_start3A_42 : memref<128xi32, #tpu.memory_space<hbm>>) target(%arg8 : memref<128xi32, #tpu.memory_space<vmem>>) target_semaphore(%run_scoped3A : memref<!tpu.dma_semaphore, #tpu.memory_space<semaphore_mem>>)
        %dma_wait3A_43 = tpu.memref_slice %arg3[%multiple_of3A] : memref<323584xi32, #tpu.memory_space<hbm>> -> memref<128xi32, #tpu.memory_space<hbm>>
        %dma_wait3A_44 = tpu.memref_slice %arg3[%multiple_of3A] : memref<323584xi32, #tpu.memory_space<hbm>> -> memref<128xi32, #tpu.memory_space<hbm>>
        tpu.wait_dma2 semaphore(%run_scoped3A : memref<!tpu.dma_semaphore, #tpu.memory_space<semaphore_mem>>) src(%dma_wait3A_44 : memref<128xi32, #tpu.memory_space<hbm>>) dst(%arg8 : memref<128xi32, #tpu.memory_space<vmem>>)
        tpu.yield
      }) : () -> ()
      "tpu.region"() ({
        %run_scoped3A = tpu.sem_alloc : memref<!tpu.dma_semaphore, #tpu.memory_space<semaphore_mem>>
        %dma_start3A_41 = tpu.memref_slice %arg4[%multiple_of3A] : memref<323584xi32, #tpu.memory_space<hbm>> -> memref<128xi32, #tpu.memory_space<hbm>>
        %dma_start3A_42 = tpu.memref_slice %arg4[%multiple_of3A] : memref<323584xi32, #tpu.memory_space<hbm>> -> memref<128xi32, #tpu.memory_space<hbm>>
        tpu.enqueue_dma source(%dma_start3A_42 : memref<128xi32, #tpu.memory_space<hbm>>) target(%arg9 : memref<128xi32, #tpu.memory_space<vmem>>) target_semaphore(%run_scoped3A : memref<!tpu.dma_semaphore, #tpu.memory_space<semaphore_mem>>)
        %dma_wait3A_43 = tpu.memref_slice %arg4[%multiple_of3A] : memref<323584xi32, #tpu.memory_space<hbm>> -> memref<128xi32, #tpu.memory_space<hbm>>
        %dma_wait3A_44 = tpu.memref_slice %arg4[%multiple_of3A] : memref<323584xi32, #tpu.memory_space<hbm>> -> memref<128xi32, #tpu.memory_space<hbm>>
        tpu.wait_dma2 semaphore(%run_scoped3A : memref<!tpu.dma_semaphore, #tpu.memory_space<semaphore_mem>>) src(%dma_wait3A_44 : memref<128xi32, #tpu.memory_space<hbm>>) dst(%arg9 : memref<128xi32, #tpu.memory_space<vmem>>)
        tpu.yield
      }) : () -> ()
      %dma_start3A = arith.constant 0 : i32
      %dma_start3A_37 = arith.constant 0 : i32
      %dma_start3A_38 = tpu.memref_slice %arg2[%dma_start3A, %dma_start3A_37] : memref<40960x128xf32, #tpu.memory_space<hbm>> -> memref<40960x128xf32, #tpu.memory_space<hbm>>
      tpu.enqueue_indirect_dma source(%dma_start3A_38 : memref<40960x128xf32, #tpu.memory_space<hbm>>) target(%arg10 : memref<128x128xf32, #tpu.memory_space<vmem>>) offsets(%arg8 : memref<128xi32, #tpu.memory_space<vmem>>) semaphore(%arg11 : memref<!tpu.dma_semaphore, #tpu.memory_space<semaphore_mem>>)
      %dma_wait3A = arith.constant 0 : i32
      %dma_wait3A_39 = arith.constant 0 : i32
      %dma_wait3A_40 = tpu.memref_slice %arg2[%dma_wait3A, %dma_wait3A_39] : memref<40960x128xf32, #tpu.memory_space<hbm>> -> memref<40960x128xf32, #tpu.memory_space<hbm>>
      tpu.wait_indirect_dma semaphore(%arg11 : memref<!tpu.dma_semaphore, #tpu.memory_space<semaphore_mem>>) src(%dma_wait3A_40 : memref<40960x128xf32, #tpu.memory_space<hbm>>) dst(%arg10 : memref<128x128xf32, #tpu.memory_space<vmem>>)
      "tpu.region"() ({
        %run_scoped3A = tpu.sem_alloc : memref<!tpu.dma_semaphore, #tpu.memory_space<semaphore_mem>>
        %dma_start3A_41 = arith.constant 0 : i32
        %dma_start3A_42 = arith.constant 0 : i32
        %dma_start3A_43 = tpu.memref_slice %arg7[%dma_start3A_41, %dma_start3A_42] : memref<10240x128xf32, #tpu.memory_space<vmem_shared>> -> memref<10240x128xf32, #tpu.memory_space<vmem_shared>>
        tpu.enqueue_indirect_dma source(%arg10 : memref<128x128xf32, #tpu.memory_space<vmem>>) target(%dma_start3A_43 : memref<10240x128xf32, #tpu.memory_space<vmem_shared>>) offsets(%arg9 : memref<128xi32, #tpu.memory_space<vmem>>) semaphore(%run_scoped3A : memref<!tpu.dma_semaphore, #tpu.memory_space<semaphore_mem>>) {add = true}
        %dma_wait3A_44 = arith.constant 0 : i32
        %dma_wait3A_45 = arith.constant 0 : i32
        %dma_wait3A_46 = tpu.memref_slice %arg7[%dma_wait3A_44, %dma_wait3A_45] : memref<10240x128xf32, #tpu.memory_space<vmem_shared>> -> memref<10240x128xf32, #tpu.memory_space<vmem_shared>>
        tpu.wait_indirect_dma semaphore(%run_scoped3A : memref<!tpu.dma_semaphore, #tpu.memory_space<semaphore_mem>>) src(%arg10 : memref<128x128xf32, #tpu.memory_space<vmem>>) dst(%dma_wait3A_46 : memref<10240x128xf32, #tpu.memory_space<vmem_shared>>)
        tpu.yield
      }) : () -> ()
    }
    %scan3A_25 = arith.constant 79 : i32
    %barrier3A_26 = arith.constant 0 : index
    tpu.barrier barrier_id(%barrier3A_26)
    %mul3A_27 = arith.constant 640 : i32
    %mul3A_28 = arith.muli %arg1, %mul3A_27 : i32
    %mul3A_29 = arith.constant 640 : i32
    %mul3A_30 = arith.muli %arg1, %mul3A_29 : i32
    "tpu.region"() ({
      %run_scoped3A = tpu.sem_alloc : memref<!tpu.dma_semaphore, #tpu.memory_space<semaphore_mem>>
      %dma_start3A = arith.constant 0 : i32
      %dma_start3A_31 = tpu.memref_slice %arg6[%arg0, %mul3A_30, %dma_start3A] : memref<2x10240x128xf32, #tpu.memory_space<hbm>> -> memref<1x640x128xf32, #tpu.memory_space<hbm>>
      %dma_start3A_32 = tpu.memref_squeeze %dma_start3A_31 : memref<1x640x128xf32, #tpu.memory_space<hbm>> -> memref<640x128xf32, #tpu.memory_space<hbm>>
      %dma_start3A_33 = arith.constant 0 : i32
      %dma_start3A_34 = tpu.memref_slice %arg7[%mul3A_28, %dma_start3A_33] : memref<10240x128xf32, #tpu.memory_space<vmem_shared>> -> memref<640x128xf32, #tpu.memory_space<vmem_shared>>
      tpu.enqueue_dma source(%dma_start3A_34 : memref<640x128xf32, #tpu.memory_space<vmem_shared>>) target(%dma_start3A_32 : memref<640x128xf32, #tpu.memory_space<hbm>>) target_semaphore(%run_scoped3A : memref<!tpu.dma_semaphore, #tpu.memory_space<semaphore_mem>>)
      %dma_wait3A = arith.constant 0 : i32
      %dma_wait3A_35 = tpu.memref_slice %arg6[%arg0, %mul3A_30, %dma_wait3A] : memref<2x10240x128xf32, #tpu.memory_space<hbm>> -> memref<1x640x128xf32, #tpu.memory_space<hbm>>
      %dma_wait3A_36 = tpu.memref_squeeze %dma_wait3A_35 : memref<1x640x128xf32, #tpu.memory_space<hbm>> -> memref<640x128xf32, #tpu.memory_space<hbm>>
      %dma_wait3A_37 = arith.constant 0 : i32
      %dma_wait3A_38 = tpu.memref_slice %arg7[%mul3A_28, %dma_wait3A_37] : memref<10240x128xf32, #tpu.memory_space<vmem_shared>> -> memref<640x128xf32, #tpu.memory_space<vmem_shared>>
      tpu.wait_dma2 semaphore(%run_scoped3A : memref<!tpu.dma_semaphore, #tpu.memory_space<semaphore_mem>>) src(%dma_wait3A_38 : memref<640x128xf32, #tpu.memory_space<vmem_shared>>) dst(%dma_wait3A_36 : memref<640x128xf32, #tpu.memory_space<hbm>>)
      tpu.yield
    }) : () -> ()
    return
  }
}

#map = affine_map<(d0, d1) -> (0, 0)>
#map1 = affine_map<(d0, d1) -> (0)>
#map2 = affine_map<(d0, d1) -> (0, 0, 0)>
module attributes {stable_mosaic.version = 14 : i64} {
  func.func @_sc_body(%arg0: i32, %arg1: i32, %arg2: memref<40960x128xf32, #tpu.memory_space<hbm>>, %arg3: memref<323584xi32, #tpu.memory_space<hbm>>, %arg4: memref<323584xi32, #tpu.memory_space<hbm>>, %arg5: memref<128x128xf32, #tpu.memory_space<hbm>>, %arg6: memref<2x10240x128xf32, #tpu.memory_space<hbm>>, %arg7: memref<10240x128xf32, #tpu.memory_space<vmem_shared>>, %arg8: memref<128xi32, #tpu.memory_space<vmem>>, %arg9: memref<128xi32, #tpu.memory_space<vmem>>, %arg10: memref<128x128xf32, #tpu.memory_space<vmem>>, %arg11: memref<!tpu.dma_semaphore, #tpu.memory_space<semaphore_mem>>) attributes {dimension_semantics = [#tpu.dimension_semantics<core_parallel>, #tpu.dimension_semantics<subcore_parallel>], iteration_bounds = array<i64: 2, 16>, scalar_prefetch = 0 : i64, scratch_operands = 5 : i64, tpu.core_type = #tpu.core_type<sc_vector_subcore>, window_params = [{transform_indices = #map}, {transform_indices = #map1}, {transform_indices = #map1}, {transform_indices = #map}, {transform_indices = #map2}]} {
    %mul3A = arith.constant 16 : i32
    %mul3A_0 = arith.muli %arg0, %mul3A : i32
    %add3A = arith.addi %mul3A_0, %arg1 : i32
    %mul3A_1 = arith.constant 640 : i32
    %mul3A_2 = arith.muli %arg1, %mul3A_1 : i32
    %add3A_3 = arith.constant 0 : i32
    %add3A_4 = arith.addi %mul3A_2, %add3A_3 : i32
    "tpu.region"() ({
      %run_scoped3A = tpu.sem_alloc : memref<!tpu.dma_semaphore, #tpu.memory_space<semaphore_mem>>
      %dma_start3A = arith.constant 0 : i32
      %dma_start3A_31 = tpu.memref_slice %arg7[%add3A_4, %dma_start3A] : memref<10240x128xf32, #tpu.memory_space<vmem_shared>> -> memref<128x128xf32, #tpu.memory_space<vmem_shared>>
      tpu.enqueue_dma source(%arg5 : memref<128x128xf32, #tpu.memory_space<hbm>>) target(%dma_start3A_31 : memref<128x128xf32, #tpu.memory_space<vmem_shared>>) target_semaphore(%run_scoped3A : memref<!tpu.dma_semaphore, #tpu.memory_space<semaphore_mem>>)
      %dma_wait3A = arith.constant 0 : i32
      %dma_wait3A_32 = tpu.memref_slice %arg7[%add3A_4, %dma_wait3A] : memref<10240x128xf32, #tpu.memory_space<vmem_shared>> -> memref<128x128xf32, #tpu.memory_space<vmem_shared>>
      tpu.wait_dma2 semaphore(%run_scoped3A : memref<!tpu.dma_semaphore, #tpu.memory_space<semaphore_mem>>) src(%arg5 : memref<128x128xf32, #tpu.memory_space<hbm>>) dst(%dma_wait3A_32 : memref<128x128xf32, #tpu.memory_space<vmem_shared>>)
      tpu.yield
    }) : () -> ()
    %mul3A_5 = arith.constant 640 : i32
    %mul3A_6 = arith.muli %arg1, %mul3A_5 : i32
    %add3A_7 = arith.constant 128 : i32
    %add3A_8 = arith.addi %mul3A_6, %add3A_7 : i32
    "tpu.region"() ({
      %run_scoped3A = tpu.sem_alloc : memref<!tpu.dma_semaphore, #tpu.memory_space<semaphore_mem>>
      %dma_start3A = arith.constant 0 : i32
      %dma_start3A_31 = tpu.memref_slice %arg7[%add3A_8, %dma_start3A] : memref<10240x128xf32, #tpu.memory_space<vmem_shared>> -> memref<128x128xf32, #tpu.memory_space<vmem_shared>>
      tpu.enqueue_dma source(%arg5 : memref<128x128xf32, #tpu.memory_space<hbm>>) target(%dma_start3A_31 : memref<128x128xf32, #tpu.memory_space<vmem_shared>>) target_semaphore(%run_scoped3A : memref<!tpu.dma_semaphore, #tpu.memory_space<semaphore_mem>>)
      %dma_wait3A = arith.constant 0 : i32
      %dma_wait3A_32 = tpu.memref_slice %arg7[%add3A_8, %dma_wait3A] : memref<10240x128xf32, #tpu.memory_space<vmem_shared>> -> memref<128x128xf32, #tpu.memory_space<vmem_shared>>
      tpu.wait_dma2 semaphore(%run_scoped3A : memref<!tpu.dma_semaphore, #tpu.memory_space<semaphore_mem>>) src(%arg5 : memref<128x128xf32, #tpu.memory_space<hbm>>) dst(%dma_wait3A_32 : memref<128x128xf32, #tpu.memory_space<vmem_shared>>)
      tpu.yield
    }) : () -> ()
    %mul3A_9 = arith.constant 640 : i32
    %mul3A_10 = arith.muli %arg1, %mul3A_9 : i32
    %add3A_11 = arith.constant 256 : i32
    %add3A_12 = arith.addi %mul3A_10, %add3A_11 : i32
    "tpu.region"() ({
      %run_scoped3A = tpu.sem_alloc : memref<!tpu.dma_semaphore, #tpu.memory_space<semaphore_mem>>
      %dma_start3A = arith.constant 0 : i32
      %dma_start3A_31 = tpu.memref_slice %arg7[%add3A_12, %dma_start3A] : memref<10240x128xf32, #tpu.memory_space<vmem_shared>> -> memref<128x128xf32, #tpu.memory_space<vmem_shared>>
      tpu.enqueue_dma source(%arg5 : memref<128x128xf32, #tpu.memory_space<hbm>>) target(%dma_start3A_31 : memref<128x128xf32, #tpu.memory_space<vmem_shared>>) target_semaphore(%run_scoped3A : memref<!tpu.dma_semaphore, #tpu.memory_space<semaphore_mem>>)
      %dma_wait3A = arith.constant 0 : i32
      %dma_wait3A_32 = tpu.memref_slice %arg7[%add3A_12, %dma_wait3A] : memref<10240x128xf32, #tpu.memory_space<vmem_shared>> -> memref<128x128xf32, #tpu.memory_space<vmem_shared>>
      tpu.wait_dma2 semaphore(%run_scoped3A : memref<!tpu.dma_semaphore, #tpu.memory_space<semaphore_mem>>) src(%arg5 : memref<128x128xf32, #tpu.memory_space<hbm>>) dst(%dma_wait3A_32 : memref<128x128xf32, #tpu.memory_space<vmem_shared>>)
      tpu.yield
    }) : () -> ()
    %mul3A_13 = arith.constant 640 : i32
    %mul3A_14 = arith.muli %arg1, %mul3A_13 : i32
    %add3A_15 = arith.constant 384 : i32
    %add3A_16 = arith.addi %mul3A_14, %add3A_15 : i32
    "tpu.region"() ({
      %run_scoped3A = tpu.sem_alloc : memref<!tpu.dma_semaphore, #tpu.memory_space<semaphore_mem>>
      %dma_start3A = arith.constant 0 : i32
      %dma_start3A_31 = tpu.memref_slice %arg7[%add3A_16, %dma_start3A] : memref<10240x128xf32, #tpu.memory_space<vmem_shared>> -> memref<128x128xf32, #tpu.memory_space<vmem_shared>>
      tpu.enqueue_dma source(%arg5 : memref<128x128xf32, #tpu.memory_space<hbm>>) target(%dma_start3A_31 : memref<128x128xf32, #tpu.memory_space<vmem_shared>>) target_semaphore(%run_scoped3A : memref<!tpu.dma_semaphore, #tpu.memory_space<semaphore_mem>>)
      %dma_wait3A = arith.constant 0 : i32
      %dma_wait3A_32 = tpu.memref_slice %arg7[%add3A_16, %dma_wait3A] : memref<10240x128xf32, #tpu.memory_space<vmem_shared>> -> memref<128x128xf32, #tpu.memory_space<vmem_shared>>
      tpu.wait_dma2 semaphore(%run_scoped3A : memref<!tpu.dma_semaphore, #tpu.memory_space<semaphore_mem>>) src(%arg5 : memref<128x128xf32, #tpu.memory_space<hbm>>) dst(%dma_wait3A_32 : memref<128x128xf32, #tpu.memory_space<vmem_shared>>)
      tpu.yield
    }) : () -> ()
    %mul3A_17 = arith.constant 640 : i32
    %mul3A_18 = arith.muli %arg1, %mul3A_17 : i32
    %add3A_19 = arith.constant 512 : i32
    %add3A_20 = arith.addi %mul3A_18, %add3A_19 : i32
    "tpu.region"() ({
      %run_scoped3A = tpu.sem_alloc : memref<!tpu.dma_semaphore, #tpu.memory_space<semaphore_mem>>
      %dma_start3A = arith.constant 0 : i32
      %dma_start3A_31 = tpu.memref_slice %arg7[%add3A_20, %dma_start3A] : memref<10240x128xf32, #tpu.memory_space<vmem_shared>> -> memref<128x128xf32, #tpu.memory_space<vmem_shared>>
      tpu.enqueue_dma source(%arg5 : memref<128x128xf32, #tpu.memory_space<hbm>>) target(%dma_start3A_31 : memref<128x128xf32, #tpu.memory_space<vmem_shared>>) target_semaphore(%run_scoped3A : memref<!tpu.dma_semaphore, #tpu.memory_space<semaphore_mem>>)
      %dma_wait3A = arith.constant 0 : i32
      %dma_wait3A_32 = tpu.memref_slice %arg7[%add3A_20, %dma_wait3A] : memref<10240x128xf32, #tpu.memory_space<vmem_shared>> -> memref<128x128xf32, #tpu.memory_space<vmem_shared>>
      tpu.wait_dma2 semaphore(%run_scoped3A : memref<!tpu.dma_semaphore, #tpu.memory_space<semaphore_mem>>) src(%arg5 : memref<128x128xf32, #tpu.memory_space<hbm>>) dst(%dma_wait3A_32 : memref<128x128xf32, #tpu.memory_space<vmem_shared>>)
      tpu.yield
    }) : () -> ()
    %barrier3A = arith.constant 0 : index
    tpu.barrier barrier_id(%barrier3A)
    %scan3A = arith.constant 0 : i32
    %scan3A_21 = arith.constant 0 : i32
    %scan3A_22 = arith.constant 79 : i32
    %scan3A_23 = arith.addi %scan3A_21, %scan3A_22 : i32
    %scan3A_24 = arith.constant 1 : i32
    scf.for %scan3A_31 = %scan3A_21 to %scan3A_23 step %scan3A_24  : i32 {
      %mul3A_32 = arith.constant 10112 : i32
      %mul3A_33 = arith.muli %add3A, %mul3A_32 : i32
      %mul3A_34 = arith.constant 128 : i32
      %mul3A_35 = arith.muli %scan3A_31, %mul3A_34 : i32
      %add3A_36 = arith.addi %mul3A_33, %mul3A_35 : i32
      %multiple_of3A = tpu.assume_multiple %add3A_36, 128 : i32
      "tpu.region"() ({
        %run_scoped3A = tpu.sem_alloc : memref<!tpu.dma_semaphore, #tpu.memory_space<semaphore_mem>>
        %dma_start3A_41 = tpu.memref_slice %arg3[%multiple_of3A] : memref<323584xi32, #tpu.memory_space<hbm>> -> memref<128xi32, #tpu.memory_space<hbm>>
        %dma_start3A_42 = tpu.memref_slice %arg3[%multiple_of3A] : memref<323584xi32, #tpu.memory_space<hbm>> -> memref<128xi32, #tpu.memory_space<hbm>>
        tpu.enqueue_dma source(%dma_start3A_42 : memref<128xi32, #tpu.memory_space<hbm>>) target(%arg8 : memref<128xi32, #tpu.memory_space<vmem>>) target_semaphore(%run_scoped3A : memref<!tpu.dma_semaphore, #tpu.memory_space<semaphore_mem>>)
        %dma_wait3A_43 = tpu.memref_slice %arg3[%multiple_of3A] : memref<323584xi32, #tpu.memory_space<hbm>> -> memref<128xi32, #tpu.memory_space<hbm>>
        %dma_wait3A_44 = tpu.memref_slice %arg3[%multiple_of3A] : memref<323584xi32, #tpu.memory_space<hbm>> -> memref<128xi32, #tpu.memory_space<hbm>>
        tpu.wait_dma2 semaphore(%run_scoped3A : memref<!tpu.dma_semaphore, #tpu.memory_space<semaphore_mem>>) src(%dma_wait3A_44 : memref<128xi32, #tpu.memory_space<hbm>>) dst(%arg8 : memref<128xi32, #tpu.memory_space<vmem>>)
        tpu.yield
      }) : () -> ()
      "tpu.region"() ({
        %run_scoped3A = tpu.sem_alloc : memref<!tpu.dma_semaphore, #tpu.memory_space<semaphore_mem>>
        %dma_start3A_41 = tpu.memref_slice %arg4[%multiple_of3A] : memref<323584xi32, #tpu.memory_space<hbm>> -> memref<128xi32, #tpu.memory_space<hbm>>
        %dma_start3A_42 = tpu.memref_slice %arg4[%multiple_of3A] : memref<323584xi32, #tpu.memory_space<hbm>> -> memref<128xi32, #tpu.memory_space<hbm>>
        tpu.enqueue_dma source(%dma_start3A_42 : memref<128xi32, #tpu.memory_space<hbm>>) target(%arg9 : memref<128xi32, #tpu.memory_space<vmem>>) target_semaphore(%run_scoped3A : memref<!tpu.dma_semaphore, #tpu.memory_space<semaphore_mem>>)
        %dma_wait3A_43 = tpu.memref_slice %arg4[%multiple_of3A] : memref<323584xi32, #tpu.memory_space<hbm>> -> memref<128xi32, #tpu.memory_space<hbm>>
        %dma_wait3A_44 = tpu.memref_slice %arg4[%multiple_of3A] : memref<323584xi32, #tpu.memory_space<hbm>> -> memref<128xi32, #tpu.memory_space<hbm>>
        tpu.wait_dma2 semaphore(%run_scoped3A : memref<!tpu.dma_semaphore, #tpu.memory_space<semaphore_mem>>) src(%dma_wait3A_44 : memref<128xi32, #tpu.memory_space<hbm>>) dst(%arg9 : memref<128xi32, #tpu.memory_space<vmem>>)
        tpu.yield
      }) : () -> ()
      %dma_start3A = arith.constant 0 : i32
      %dma_start3A_37 = arith.constant 0 : i32
      %dma_start3A_38 = tpu.memref_slice %arg2[%dma_start3A, %dma_start3A_37] : memref<40960x128xf32, #tpu.memory_space<hbm>> -> memref<40960x128xf32, #tpu.memory_space<hbm>>
      tpu.enqueue_indirect_dma source(%dma_start3A_38 : memref<40960x128xf32, #tpu.memory_space<hbm>>) target(%arg10 : memref<128x128xf32, #tpu.memory_space<vmem>>) offsets(%arg8 : memref<128xi32, #tpu.memory_space<vmem>>) semaphore(%arg11 : memref<!tpu.dma_semaphore, #tpu.memory_space<semaphore_mem>>)
      %dma_wait3A = arith.constant 0 : i32
      %dma_wait3A_39 = arith.constant 0 : i32
      %dma_wait3A_40 = tpu.memref_slice %arg2[%dma_wait3A, %dma_wait3A_39] : memref<40960x128xf32, #tpu.memory_space<hbm>> -> memref<40960x128xf32, #tpu.memory_space<hbm>>
      tpu.wait_indirect_dma semaphore(%arg11 : memref<!tpu.dma_semaphore, #tpu.memory_space<semaphore_mem>>) src(%dma_wait3A_40 : memref<40960x128xf32, #tpu.memory_space<hbm>>) dst(%arg10 : memref<128x128xf32, #tpu.memory_space<vmem>>)
      "tpu.region"() ({
        %run_scoped3A = tpu.sem_alloc : memref<!tpu.dma_semaphore, #tpu.memory_space<semaphore_mem>>
        %dma_start3A_41 = arith.constant 0 : i32
        %dma_start3A_42 = arith.constant 0 : i32
        %dma_start3A_43 = tpu.memref_slice %arg7[%dma_start3A_41, %dma_start3A_42] : memref<10240x128xf32, #tpu.memory_space<vmem_shared>> -> memref<10240x128xf32, #tpu.memory_space<vmem_shared>>
        tpu.enqueue_indirect_dma source(%arg10 : memref<128x128xf32, #tpu.memory_space<vmem>>) target(%dma_start3A_43 : memref<10240x128xf32, #tpu.memory_space<vmem_shared>>) offsets(%arg9 : memref<128xi32, #tpu.memory_space<vmem>>) semaphore(%run_scoped3A : memref<!tpu.dma_semaphore, #tpu.memory_space<semaphore_mem>>) {add = true}
        %dma_wait3A_44 = arith.constant 0 : i32
        %dma_wait3A_45 = arith.constant 0 : i32
        %dma_wait3A_46 = tpu.memref_slice %arg7[%dma_wait3A_44, %dma_wait3A_45] : memref<10240x128xf32, #tpu.memory_space<vmem_shared>> -> memref<10240x128xf32, #tpu.memory_space<vmem_shared>>
        tpu.wait_indirect_dma semaphore(%run_scoped3A : memref<!tpu.dma_semaphore, #tpu.memory_space<semaphore_mem>>) src(%arg10 : memref<128x128xf32, #tpu.memory_space<vmem>>) dst(%dma_wait3A_46 : memref<10240x128xf32, #tpu.memory_space<vmem_shared>>)
        tpu.yield
      }) : () -> ()
    }
    %scan3A_25 = arith.constant 79 : i32
    %barrier3A_26 = arith.constant 0 : index
    tpu.barrier barrier_id(%barrier3A_26)
    %mul3A_27 = arith.constant 640 : i32
    %mul3A_28 = arith.muli %arg1, %mul3A_27 : i32
    %mul3A_29 = arith.constant 640 : i32
    %mul3A_30 = arith.muli %arg1, %mul3A_29 : i32
    "tpu.region"() ({
      %run_scoped3A = tpu.sem_alloc : memref<!tpu.dma_semaphore, #tpu.memory_space<semaphore_mem>>
      %dma_start3A = arith.constant 0 : i32
      %dma_start3A_31 = tpu.memref_slice %arg6[%arg0, %mul3A_30, %dma_start3A] : memref<2x10240x128xf32, #tpu.memory_space<hbm>> -> memref<1x640x128xf32, #tpu.memory_space<hbm>>
      %dma_start3A_32 = tpu.memref_squeeze %dma_start3A_31 : memref<1x640x128xf32, #tpu.memory_space<hbm>> -> memref<640x128xf32, #tpu.memory_space<hbm>>
      %dma_start3A_33 = arith.constant 0 : i32
      %dma_start3A_34 = tpu.memref_slice %arg7[%mul3A_28, %dma_start3A_33] : memref<10240x128xf32, #tpu.memory_space<vmem_shared>> -> memref<640x128xf32, #tpu.memory_space<vmem_shared>>
      tpu.enqueue_dma source(%dma_start3A_34 : memref<640x128xf32, #tpu.memory_space<vmem_shared>>) target(%dma_start3A_32 : memref<640x128xf32, #tpu.memory_space<hbm>>) target_semaphore(%run_scoped3A : memref<!tpu.dma_semaphore, #tpu.memory_space<semaphore_mem>>)
      %dma_wait3A = arith.constant 0 : i32
      %dma_wait3A_35 = tpu.memref_slice %arg6[%arg0, %mul3A_30, %dma_wait3A] : memref<2x10240x128xf32, #tpu.memory_space<hbm>> -> memref<1x640x128xf32, #tpu.memory_space<hbm>>
      %dma_wait3A_36 = tpu.memref_squeeze %dma_wait3A_35 : memref<1x640x128xf32, #tpu.memory_space<hbm>> -> memref<640x128xf32, #tpu.memory_space<hbm>>
      %dma_wait3A_37 = arith.constant 0 : i32
      %dma_wait3A_38 = tpu.memref_slice %arg7[%mul3A_28, %dma_wait3A_37] : memref<10240x128xf32, #tpu.memory_space<vmem_shared>> -> memref<640x128xf32, #tpu.memory_space<vmem_shared>>
      tpu.wait_dma2 semaphore(%run_scoped3A : memref<!tpu.dma_semaphore, #tpu.memory_space<semaphore_mem>>) src(%dma_wait3A_38 : memref<640x128xf32, #tpu.memory_space<vmem_shared>>) dst(%dma_wait3A_36 : memref<640x128xf32, #tpu.memory_space<hbm>>)
      tpu.yield
    }) : () -> ()
    return
  }
}

#map = affine_map<(d0, d1) -> (0, 0)>
#map1 = affine_map<(d0, d1) -> (0)>
#map2 = affine_map<(d0, d1) -> (0, 0, 0)>
module attributes {stable_mosaic.version = 14 : i64} {
  func.func @_sc_body(%arg0: i32, %arg1: i32, %arg2: memref<40960x128xf32, #tpu.memory_space<hbm>>, %arg3: memref<323584xi32, #tpu.memory_space<hbm>>, %arg4: memref<323584xi32, #tpu.memory_space<hbm>>, %arg5: memref<128x128xf32, #tpu.memory_space<hbm>>, %arg6: memref<2x10240x128xf32, #tpu.memory_space<hbm>>, %arg7: memref<10240x128xf32, #tpu.memory_space<vmem_shared>>, %arg8: memref<128xi32, #tpu.memory_space<vmem>>, %arg9: memref<128xi32, #tpu.memory_space<vmem>>, %arg10: memref<128x128xf32, #tpu.memory_space<vmem>>, %arg11: memref<!tpu.dma_semaphore, #tpu.memory_space<semaphore_mem>>) attributes {dimension_semantics = [#tpu.dimension_semantics<core_parallel>, #tpu.dimension_semantics<subcore_parallel>], iteration_bounds = array<i64: 2, 16>, scalar_prefetch = 0 : i64, scratch_operands = 5 : i64, tpu.core_type = #tpu.core_type<sc_vector_subcore>, window_params = [{transform_indices = #map}, {transform_indices = #map1}, {transform_indices = #map1}, {transform_indices = #map}, {transform_indices = #map2}]} {
    %mul3A = arith.constant 16 : i32
    %mul3A_0 = arith.muli %arg0, %mul3A : i32
    %add3A = arith.addi %mul3A_0, %arg1 : i32
    %mul3A_1 = arith.constant 640 : i32
    %mul3A_2 = arith.muli %arg1, %mul3A_1 : i32
    %add3A_3 = arith.constant 0 : i32
    %add3A_4 = arith.addi %mul3A_2, %add3A_3 : i32
    "tpu.region"() ({
      %run_scoped3A = tpu.sem_alloc : memref<!tpu.dma_semaphore, #tpu.memory_space<semaphore_mem>>
      %dma_start3A = arith.constant 0 : i32
      %dma_start3A_31 = tpu.memref_slice %arg7[%add3A_4, %dma_start3A] : memref<10240x128xf32, #tpu.memory_space<vmem_shared>> -> memref<128x128xf32, #tpu.memory_space<vmem_shared>>
      tpu.enqueue_dma source(%arg5 : memref<128x128xf32, #tpu.memory_space<hbm>>) target(%dma_start3A_31 : memref<128x128xf32, #tpu.memory_space<vmem_shared>>) target_semaphore(%run_scoped3A : memref<!tpu.dma_semaphore, #tpu.memory_space<semaphore_mem>>)
      %dma_wait3A = arith.constant 0 : i32
      %dma_wait3A_32 = tpu.memref_slice %arg7[%add3A_4, %dma_wait3A] : memref<10240x128xf32, #tpu.memory_space<vmem_shared>> -> memref<128x128xf32, #tpu.memory_space<vmem_shared>>
      tpu.wait_dma2 semaphore(%run_scoped3A : memref<!tpu.dma_semaphore, #tpu.memory_space<semaphore_mem>>) src(%arg5 : memref<128x128xf32, #tpu.memory_space<hbm>>) dst(%dma_wait3A_32 : memref<128x128xf32, #tpu.memory_space<vmem_shared>>)
      tpu.yield
    }) : () -> ()
    %mul3A_5 = arith.constant 640 : i32
    %mul3A_6 = arith.muli %arg1, %mul3A_5 : i32
    %add3A_7 = arith.constant 128 : i32
    %add3A_8 = arith.addi %mul3A_6, %add3A_7 : i32
    "tpu.region"() ({
      %run_scoped3A = tpu.sem_alloc : memref<!tpu.dma_semaphore, #tpu.memory_space<semaphore_mem>>
      %dma_start3A = arith.constant 0 : i32
      %dma_start3A_31 = tpu.memref_slice %arg7[%add3A_8, %dma_start3A] : memref<10240x128xf32, #tpu.memory_space<vmem_shared>> -> memref<128x128xf32, #tpu.memory_space<vmem_shared>>
      tpu.enqueue_dma source(%arg5 : memref<128x128xf32, #tpu.memory_space<hbm>>) target(%dma_start3A_31 : memref<128x128xf32, #tpu.memory_space<vmem_shared>>) target_semaphore(%run_scoped3A : memref<!tpu.dma_semaphore, #tpu.memory_space<semaphore_mem>>)
      %dma_wait3A = arith.constant 0 : i32
      %dma_wait3A_32 = tpu.memref_slice %arg7[%add3A_8, %dma_wait3A] : memref<10240x128xf32, #tpu.memory_space<vmem_shared>> -> memref<128x128xf32, #tpu.memory_space<vmem_shared>>
      tpu.wait_dma2 semaphore(%run_scoped3A : memref<!tpu.dma_semaphore, #tpu.memory_space<semaphore_mem>>) src(%arg5 : memref<128x128xf32, #tpu.memory_space<hbm>>) dst(%dma_wait3A_32 : memref<128x128xf32, #tpu.memory_space<vmem_shared>>)
      tpu.yield
    }) : () -> ()
    %mul3A_9 = arith.constant 640 : i32
    %mul3A_10 = arith.muli %arg1, %mul3A_9 : i32
    %add3A_11 = arith.constant 256 : i32
    %add3A_12 = arith.addi %mul3A_10, %add3A_11 : i32
    "tpu.region"() ({
      %run_scoped3A = tpu.sem_alloc : memref<!tpu.dma_semaphore, #tpu.memory_space<semaphore_mem>>
      %dma_start3A = arith.constant 0 : i32
      %dma_start3A_31 = tpu.memref_slice %arg7[%add3A_12, %dma_start3A] : memref<10240x128xf32, #tpu.memory_space<vmem_shared>> -> memref<128x128xf32, #tpu.memory_space<vmem_shared>>
      tpu.enqueue_dma source(%arg5 : memref<128x128xf32, #tpu.memory_space<hbm>>) target(%dma_start3A_31 : memref<128x128xf32, #tpu.memory_space<vmem_shared>>) target_semaphore(%run_scoped3A : memref<!tpu.dma_semaphore, #tpu.memory_space<semaphore_mem>>)
      %dma_wait3A = arith.constant 0 : i32
      %dma_wait3A_32 = tpu.memref_slice %arg7[%add3A_12, %dma_wait3A] : memref<10240x128xf32, #tpu.memory_space<vmem_shared>> -> memref<128x128xf32, #tpu.memory_space<vmem_shared>>
      tpu.wait_dma2 semaphore(%run_scoped3A : memref<!tpu.dma_semaphore, #tpu.memory_space<semaphore_mem>>) src(%arg5 : memref<128x128xf32, #tpu.memory_space<hbm>>) dst(%dma_wait3A_32 : memref<128x128xf32, #tpu.memory_space<vmem_shared>>)
      tpu.yield
    }) : () -> ()
    %mul3A_13 = arith.constant 640 : i32
    %mul3A_14 = arith.muli %arg1, %mul3A_13 : i32
    %add3A_15 = arith.constant 384 : i32
    %add3A_16 = arith.addi %mul3A_14, %add3A_15 : i32
    "tpu.region"() ({
      %run_scoped3A = tpu.sem_alloc : memref<!tpu.dma_semaphore, #tpu.memory_space<semaphore_mem>>
      %dma_start3A = arith.constant 0 : i32
      %dma_start3A_31 = tpu.memref_slice %arg7[%add3A_16, %dma_start3A] : memref<10240x128xf32, #tpu.memory_space<vmem_shared>> -> memref<128x128xf32, #tpu.memory_space<vmem_shared>>
      tpu.enqueue_dma source(%arg5 : memref<128x128xf32, #tpu.memory_space<hbm>>) target(%dma_start3A_31 : memref<128x128xf32, #tpu.memory_space<vmem_shared>>) target_semaphore(%run_scoped3A : memref<!tpu.dma_semaphore, #tpu.memory_space<semaphore_mem>>)
      %dma_wait3A = arith.constant 0 : i32
      %dma_wait3A_32 = tpu.memref_slice %arg7[%add3A_16, %dma_wait3A] : memref<10240x128xf32, #tpu.memory_space<vmem_shared>> -> memref<128x128xf32, #tpu.memory_space<vmem_shared>>
      tpu.wait_dma2 semaphore(%run_scoped3A : memref<!tpu.dma_semaphore, #tpu.memory_space<semaphore_mem>>) src(%arg5 : memref<128x128xf32, #tpu.memory_space<hbm>>) dst(%dma_wait3A_32 : memref<128x128xf32, #tpu.memory_space<vmem_shared>>)
      tpu.yield
    }) : () -> ()
    %mul3A_17 = arith.constant 640 : i32
    %mul3A_18 = arith.muli %arg1, %mul3A_17 : i32
    %add3A_19 = arith.constant 512 : i32
    %add3A_20 = arith.addi %mul3A_18, %add3A_19 : i32
    "tpu.region"() ({
      %run_scoped3A = tpu.sem_alloc : memref<!tpu.dma_semaphore, #tpu.memory_space<semaphore_mem>>
      %dma_start3A = arith.constant 0 : i32
      %dma_start3A_31 = tpu.memref_slice %arg7[%add3A_20, %dma_start3A] : memref<10240x128xf32, #tpu.memory_space<vmem_shared>> -> memref<128x128xf32, #tpu.memory_space<vmem_shared>>
      tpu.enqueue_dma source(%arg5 : memref<128x128xf32, #tpu.memory_space<hbm>>) target(%dma_start3A_31 : memref<128x128xf32, #tpu.memory_space<vmem_shared>>) target_semaphore(%run_scoped3A : memref<!tpu.dma_semaphore, #tpu.memory_space<semaphore_mem>>)
      %dma_wait3A = arith.constant 0 : i32
      %dma_wait3A_32 = tpu.memref_slice %arg7[%add3A_20, %dma_wait3A] : memref<10240x128xf32, #tpu.memory_space<vmem_shared>> -> memref<128x128xf32, #tpu.memory_space<vmem_shared>>
      tpu.wait_dma2 semaphore(%run_scoped3A : memref<!tpu.dma_semaphore, #tpu.memory_space<semaphore_mem>>) src(%arg5 : memref<128x128xf32, #tpu.memory_space<hbm>>) dst(%dma_wait3A_32 : memref<128x128xf32, #tpu.memory_space<vmem_shared>>)
      tpu.yield
    }) : () -> ()
    %barrier3A = arith.constant 0 : index
    tpu.barrier barrier_id(%barrier3A)
    %scan3A = arith.constant 0 : i32
    %scan3A_21 = arith.constant 0 : i32
    %scan3A_22 = arith.constant 79 : i32
    %scan3A_23 = arith.addi %scan3A_21, %scan3A_22 : i32
    %scan3A_24 = arith.constant 1 : i32
    scf.for %scan3A_31 = %scan3A_21 to %scan3A_23 step %scan3A_24  : i32 {
      %mul3A_32 = arith.constant 10112 : i32
      %mul3A_33 = arith.muli %add3A, %mul3A_32 : i32
      %mul3A_34 = arith.constant 128 : i32
      %mul3A_35 = arith.muli %scan3A_31, %mul3A_34 : i32
      %add3A_36 = arith.addi %mul3A_33, %mul3A_35 : i32
      %multiple_of3A = tpu.assume_multiple %add3A_36, 128 : i32
      "tpu.region"() ({
        %run_scoped3A = tpu.sem_alloc : memref<!tpu.dma_semaphore, #tpu.memory_space<semaphore_mem>>
        %dma_start3A_41 = tpu.memref_slice %arg3[%multiple_of3A] : memref<323584xi32, #tpu.memory_space<hbm>> -> memref<128xi32, #tpu.memory_space<hbm>>
        %dma_start3A_42 = tpu.memref_slice %arg3[%multiple_of3A] : memref<323584xi32, #tpu.memory_space<hbm>> -> memref<128xi32, #tpu.memory_space<hbm>>
        tpu.enqueue_dma source(%dma_start3A_42 : memref<128xi32, #tpu.memory_space<hbm>>) target(%arg8 : memref<128xi32, #tpu.memory_space<vmem>>) target_semaphore(%run_scoped3A : memref<!tpu.dma_semaphore, #tpu.memory_space<semaphore_mem>>)
        %dma_wait3A_43 = tpu.memref_slice %arg3[%multiple_of3A] : memref<323584xi32, #tpu.memory_space<hbm>> -> memref<128xi32, #tpu.memory_space<hbm>>
        %dma_wait3A_44 = tpu.memref_slice %arg3[%multiple_of3A] : memref<323584xi32, #tpu.memory_space<hbm>> -> memref<128xi32, #tpu.memory_space<hbm>>
        tpu.wait_dma2 semaphore(%run_scoped3A : memref<!tpu.dma_semaphore, #tpu.memory_space<semaphore_mem>>) src(%dma_wait3A_44 : memref<128xi32, #tpu.memory_space<hbm>>) dst(%arg8 : memref<128xi32, #tpu.memory_space<vmem>>)
        tpu.yield
      }) : () -> ()
      "tpu.region"() ({
        %run_scoped3A = tpu.sem_alloc : memref<!tpu.dma_semaphore, #tpu.memory_space<semaphore_mem>>
        %dma_start3A_41 = tpu.memref_slice %arg4[%multiple_of3A] : memref<323584xi32, #tpu.memory_space<hbm>> -> memref<128xi32, #tpu.memory_space<hbm>>
        %dma_start3A_42 = tpu.memref_slice %arg4[%multiple_of3A] : memref<323584xi32, #tpu.memory_space<hbm>> -> memref<128xi32, #tpu.memory_space<hbm>>
        tpu.enqueue_dma source(%dma_start3A_42 : memref<128xi32, #tpu.memory_space<hbm>>) target(%arg9 : memref<128xi32, #tpu.memory_space<vmem>>) target_semaphore(%run_scoped3A : memref<!tpu.dma_semaphore, #tpu.memory_space<semaphore_mem>>)
        %dma_wait3A_43 = tpu.memref_slice %arg4[%multiple_of3A] : memref<323584xi32, #tpu.memory_space<hbm>> -> memref<128xi32, #tpu.memory_space<hbm>>
        %dma_wait3A_44 = tpu.memref_slice %arg4[%multiple_of3A] : memref<323584xi32, #tpu.memory_space<hbm>> -> memref<128xi32, #tpu.memory_space<hbm>>
        tpu.wait_dma2 semaphore(%run_scoped3A : memref<!tpu.dma_semaphore, #tpu.memory_space<semaphore_mem>>) src(%dma_wait3A_44 : memref<128xi32, #tpu.memory_space<hbm>>) dst(%arg9 : memref<128xi32, #tpu.memory_space<vmem>>)
        tpu.yield
      }) : () -> ()
      %dma_start3A = arith.constant 0 : i32
      %dma_start3A_37 = arith.constant 0 : i32
      %dma_start3A_38 = tpu.memref_slice %arg2[%dma_start3A, %dma_start3A_37] : memref<40960x128xf32, #tpu.memory_space<hbm>> -> memref<40960x128xf32, #tpu.memory_space<hbm>>
      tpu.enqueue_indirect_dma source(%dma_start3A_38 : memref<40960x128xf32, #tpu.memory_space<hbm>>) target(%arg10 : memref<128x128xf32, #tpu.memory_space<vmem>>) offsets(%arg8 : memref<128xi32, #tpu.memory_space<vmem>>) semaphore(%arg11 : memref<!tpu.dma_semaphore, #tpu.memory_space<semaphore_mem>>)
      %dma_wait3A = arith.constant 0 : i32
      %dma_wait3A_39 = arith.constant 0 : i32
      %dma_wait3A_40 = tpu.memref_slice %arg2[%dma_wait3A, %dma_wait3A_39] : memref<40960x128xf32, #tpu.memory_space<hbm>> -> memref<40960x128xf32, #tpu.memory_space<hbm>>
      tpu.wait_indirect_dma semaphore(%arg11 : memref<!tpu.dma_semaphore, #tpu.memory_space<semaphore_mem>>) src(%dma_wait3A_40 : memref<40960x128xf32, #tpu.memory_space<hbm>>) dst(%arg10 : memref<128x128xf32, #tpu.memory_space<vmem>>)
      "tpu.region"() ({
        %run_scoped3A = tpu.sem_alloc : memref<!tpu.dma_semaphore, #tpu.memory_space<semaphore_mem>>
        %dma_start3A_41 = arith.constant 0 : i32
        %dma_start3A_42 = arith.constant 0 : i32
        %dma_start3A_43 = tpu.memref_slice %arg7[%dma_start3A_41, %dma_start3A_42] : memref<10240x128xf32, #tpu.memory_space<vmem_shared>> -> memref<10240x128xf32, #tpu.memory_space<vmem_shared>>
        tpu.enqueue_indirect_dma source(%arg10 : memref<128x128xf32, #tpu.memory_space<vmem>>) target(%dma_start3A_43 : memref<10240x128xf32, #tpu.memory_space<vmem_shared>>) offsets(%arg9 : memref<128xi32, #tpu.memory_space<vmem>>) semaphore(%run_scoped3A : memref<!tpu.dma_semaphore, #tpu.memory_space<semaphore_mem>>) {add = true}
        %dma_wait3A_44 = arith.constant 0 : i32
        %dma_wait3A_45 = arith.constant 0 : i32
        %dma_wait3A_46 = tpu.memref_slice %arg7[%dma_wait3A_44, %dma_wait3A_45] : memref<10240x128xf32, #tpu.memory_space<vmem_shared>> -> memref<10240x128xf32, #tpu.memory_space<vmem_shared>>
        tpu.wait_indirect_dma semaphore(%run_scoped3A : memref<!tpu.dma_semaphore, #tpu.memory_space<semaphore_mem>>) src(%arg10 : memref<128x128xf32, #tpu.memory_space<vmem>>) dst(%dma_wait3A_46 : memref<10240x128xf32, #tpu.memory_space<vmem_shared>>)
        tpu.yield
      }) : () -> ()
    }
    %scan3A_25 = arith.constant 79 : i32
    %barrier3A_26 = arith.constant 0 : index
    tpu.barrier barrier_id(%barrier3A_26)
    %mul3A_27 = arith.constant 640 : i32
    %mul3A_28 = arith.muli %arg1, %mul3A_27 : i32
    %mul3A_29 = arith.constant 640 : i32
    %mul3A_30 = arith.muli %arg1, %mul3A_29 : i32
    "tpu.region"() ({
      %run_scoped3A = tpu.sem_alloc : memref<!tpu.dma_semaphore, #tpu.memory_space<semaphore_mem>>
      %dma_start3A = arith.constant 0 : i32
      %dma_start3A_31 = tpu.memref_slice %arg6[%arg0, %mul3A_30, %dma_start3A] : memref<2x10240x128xf32, #tpu.memory_space<hbm>> -> memref<1x640x128xf32, #tpu.memory_space<hbm>>
      %dma_start3A_32 = tpu.memref_squeeze %dma_start3A_31 : memref<1x640x128xf32, #tpu.memory_space<hbm>> -> memref<640x128xf32, #tpu.memory_space<hbm>>
      %dma_start3A_33 = arith.constant 0 : i32
      %dma_start3A_34 = tpu.memref_slice %arg7[%mul3A_28, %dma_start3A_33] : memref<10240x128xf32, #tpu.memory_space<vmem_shared>> -> memref<640x128xf32, #tpu.memory_space<vmem_shared>>
      tpu.enqueue_dma source(%dma_start3A_34 : memref<640x128xf32, #tpu.memory_space<vmem_shared>>) target(%dma_start3A_32 : memref<640x128xf32, #tpu.memory_space<hbm>>) target_semaphore(%run_scoped3A : memref<!tpu.dma_semaphore, #tpu.memory_space<semaphore_mem>>)
      %dma_wait3A = arith.constant 0 : i32
      %dma_wait3A_35 = tpu.memref_slice %arg6[%arg0, %mul3A_30, %dma_wait3A] : memref<2x10240x128xf32, #tpu.memory_space<hbm>> -> memref<1x640x128xf32, #tpu.memory_space<hbm>>
      %dma_wait3A_36 = tpu.memref_squeeze %dma_wait3A_35 : memref<1x640x128xf32, #tpu.memory_space<hbm>> -> memref<640x128xf32, #tpu.memory_space<hbm>>
      %dma_wait3A_37 = arith.constant 0 : i32
      %dma_wait3A_38 = tpu.memref_slice %arg7[%mul3A_28, %dma_wait3A_37] : memref<10240x128xf32, #tpu.memory_space<vmem_shared>> -> memref<640x128xf32, #tpu.memory_space<vmem_shared>>
      tpu.wait_dma2 semaphore(%run_scoped3A : memref<!tpu.dma_semaphore, #tpu.memory_space<semaphore_mem>>) src(%dma_wait3A_38 : memref<640x128xf32, #tpu.memory_space<vmem_shared>>) dst(%dma_wait3A_36 : memref<640x128xf32, #tpu.memory_space<hbm>>)
      tpu.yield
    }) : () -> ()
    return
  }
}

#map = affine_map<(d0, d1) -> (0, 0)>
#map1 = affine_map<(d0, d1) -> (0)>
#map2 = affine_map<(d0, d1) -> (0, 0, 0)>
module attributes {stable_mosaic.version = 14 : i64} {
  func.func @_sc_body(%arg0: i32, %arg1: i32, %arg2: memref<40960x128xf32, #tpu.memory_space<hbm>>, %arg3: memref<323584xi32, #tpu.memory_space<hbm>>, %arg4: memref<323584xi32, #tpu.memory_space<hbm>>, %arg5: memref<128x128xf32, #tpu.memory_space<hbm>>, %arg6: memref<2x10240x128xf32, #tpu.memory_space<hbm>>, %arg7: memref<10240x128xf32, #tpu.memory_space<vmem_shared>>, %arg8: memref<128xi32, #tpu.memory_space<vmem>>, %arg9: memref<128xi32, #tpu.memory_space<vmem>>, %arg10: memref<128x128xf32, #tpu.memory_space<vmem>>, %arg11: memref<!tpu.dma_semaphore, #tpu.memory_space<semaphore_mem>>) attributes {dimension_semantics = [#tpu.dimension_semantics<core_parallel>, #tpu.dimension_semantics<subcore_parallel>], iteration_bounds = array<i64: 2, 16>, scalar_prefetch = 0 : i64, scratch_operands = 5 : i64, tpu.core_type = #tpu.core_type<sc_vector_subcore>, window_params = [{transform_indices = #map}, {transform_indices = #map1}, {transform_indices = #map1}, {transform_indices = #map}, {transform_indices = #map2}]} {
    %mul3A = arith.constant 16 : i32
    %mul3A_0 = arith.muli %arg0, %mul3A : i32
    %add3A = arith.addi %mul3A_0, %arg1 : i32
    %mul3A_1 = arith.constant 640 : i32
    %mul3A_2 = arith.muli %arg1, %mul3A_1 : i32
    %add3A_3 = arith.constant 0 : i32
    %add3A_4 = arith.addi %mul3A_2, %add3A_3 : i32
    "tpu.region"() ({
      %run_scoped3A = tpu.sem_alloc : memref<!tpu.dma_semaphore, #tpu.memory_space<semaphore_mem>>
      %dma_start3A = arith.constant 0 : i32
      %dma_start3A_31 = tpu.memref_slice %arg7[%add3A_4, %dma_start3A] : memref<10240x128xf32, #tpu.memory_space<vmem_shared>> -> memref<128x128xf32, #tpu.memory_space<vmem_shared>>
      tpu.enqueue_dma source(%arg5 : memref<128x128xf32, #tpu.memory_space<hbm>>) target(%dma_start3A_31 : memref<128x128xf32, #tpu.memory_space<vmem_shared>>) target_semaphore(%run_scoped3A : memref<!tpu.dma_semaphore, #tpu.memory_space<semaphore_mem>>)
      %dma_wait3A = arith.constant 0 : i32
      %dma_wait3A_32 = tpu.memref_slice %arg7[%add3A_4, %dma_wait3A] : memref<10240x128xf32, #tpu.memory_space<vmem_shared>> -> memref<128x128xf32, #tpu.memory_space<vmem_shared>>
      tpu.wait_dma2 semaphore(%run_scoped3A : memref<!tpu.dma_semaphore, #tpu.memory_space<semaphore_mem>>) src(%arg5 : memref<128x128xf32, #tpu.memory_space<hbm>>) dst(%dma_wait3A_32 : memref<128x128xf32, #tpu.memory_space<vmem_shared>>)
      tpu.yield
    }) : () -> ()
    %mul3A_5 = arith.constant 640 : i32
    %mul3A_6 = arith.muli %arg1, %mul3A_5 : i32
    %add3A_7 = arith.constant 128 : i32
    %add3A_8 = arith.addi %mul3A_6, %add3A_7 : i32
    "tpu.region"() ({
      %run_scoped3A = tpu.sem_alloc : memref<!tpu.dma_semaphore, #tpu.memory_space<semaphore_mem>>
      %dma_start3A = arith.constant 0 : i32
      %dma_start3A_31 = tpu.memref_slice %arg7[%add3A_8, %dma_start3A] : memref<10240x128xf32, #tpu.memory_space<vmem_shared>> -> memref<128x128xf32, #tpu.memory_space<vmem_shared>>
      tpu.enqueue_dma source(%arg5 : memref<128x128xf32, #tpu.memory_space<hbm>>) target(%dma_start3A_31 : memref<128x128xf32, #tpu.memory_space<vmem_shared>>) target_semaphore(%run_scoped3A : memref<!tpu.dma_semaphore, #tpu.memory_space<semaphore_mem>>)
      %dma_wait3A = arith.constant 0 : i32
      %dma_wait3A_32 = tpu.memref_slice %arg7[%add3A_8, %dma_wait3A] : memref<10240x128xf32, #tpu.memory_space<vmem_shared>> -> memref<128x128xf32, #tpu.memory_space<vmem_shared>>
      tpu.wait_dma2 semaphore(%run_scoped3A : memref<!tpu.dma_semaphore, #tpu.memory_space<semaphore_mem>>) src(%arg5 : memref<128x128xf32, #tpu.memory_space<hbm>>) dst(%dma_wait3A_32 : memref<128x128xf32, #tpu.memory_space<vmem_shared>>)
      tpu.yield
    }) : () -> ()
    %mul3A_9 = arith.constant 640 : i32
    %mul3A_10 = arith.muli %arg1, %mul3A_9 : i32
    %add3A_11 = arith.constant 256 : i32
    %add3A_12 = arith.addi %mul3A_10, %add3A_11 : i32
    "tpu.region"() ({
      %run_scoped3A = tpu.sem_alloc : memref<!tpu.dma_semaphore, #tpu.memory_space<semaphore_mem>>
      %dma_start3A = arith.constant 0 : i32
      %dma_start3A_31 = tpu.memref_slice %arg7[%add3A_12, %dma_start3A] : memref<10240x128xf32, #tpu.memory_space<vmem_shared>> -> memref<128x128xf32, #tpu.memory_space<vmem_shared>>
      tpu.enqueue_dma source(%arg5 : memref<128x128xf32, #tpu.memory_space<hbm>>) target(%dma_start3A_31 : memref<128x128xf32, #tpu.memory_space<vmem_shared>>) target_semaphore(%run_scoped3A : memref<!tpu.dma_semaphore, #tpu.memory_space<semaphore_mem>>)
      %dma_wait3A = arith.constant 0 : i32
      %dma_wait3A_32 = tpu.memref_slice %arg7[%add3A_12, %dma_wait3A] : memref<10240x128xf32, #tpu.memory_space<vmem_shared>> -> memref<128x128xf32, #tpu.memory_space<vmem_shared>>
      tpu.wait_dma2 semaphore(%run_scoped3A : memref<!tpu.dma_semaphore, #tpu.memory_space<semaphore_mem>>) src(%arg5 : memref<128x128xf32, #tpu.memory_space<hbm>>) dst(%dma_wait3A_32 : memref<128x128xf32, #tpu.memory_space<vmem_shared>>)
      tpu.yield
    }) : () -> ()
    %mul3A_13 = arith.constant 640 : i32
    %mul3A_14 = arith.muli %arg1, %mul3A_13 : i32
    %add3A_15 = arith.constant 384 : i32
    %add3A_16 = arith.addi %mul3A_14, %add3A_15 : i32
    "tpu.region"() ({
      %run_scoped3A = tpu.sem_alloc : memref<!tpu.dma_semaphore, #tpu.memory_space<semaphore_mem>>
      %dma_start3A = arith.constant 0 : i32
      %dma_start3A_31 = tpu.memref_slice %arg7[%add3A_16, %dma_start3A] : memref<10240x128xf32, #tpu.memory_space<vmem_shared>> -> memref<128x128xf32, #tpu.memory_space<vmem_shared>>
      tpu.enqueue_dma source(%arg5 : memref<128x128xf32, #tpu.memory_space<hbm>>) target(%dma_start3A_31 : memref<128x128xf32, #tpu.memory_space<vmem_shared>>) target_semaphore(%run_scoped3A : memref<!tpu.dma_semaphore, #tpu.memory_space<semaphore_mem>>)
      %dma_wait3A = arith.constant 0 : i32
      %dma_wait3A_32 = tpu.memref_slice %arg7[%add3A_16, %dma_wait3A] : memref<10240x128xf32, #tpu.memory_space<vmem_shared>> -> memref<128x128xf32, #tpu.memory_space<vmem_shared>>
      tpu.wait_dma2 semaphore(%run_scoped3A : memref<!tpu.dma_semaphore, #tpu.memory_space<semaphore_mem>>) src(%arg5 : memref<128x128xf32, #tpu.memory_space<hbm>>) dst(%dma_wait3A_32 : memref<128x128xf32, #tpu.memory_space<vmem_shared>>)
      tpu.yield
    }) : () -> ()
    %mul3A_17 = arith.constant 640 : i32
    %mul3A_18 = arith.muli %arg1, %mul3A_17 : i32
    %add3A_19 = arith.constant 512 : i32
    %add3A_20 = arith.addi %mul3A_18, %add3A_19 : i32
    "tpu.region"() ({
      %run_scoped3A = tpu.sem_alloc : memref<!tpu.dma_semaphore, #tpu.memory_space<semaphore_mem>>
      %dma_start3A = arith.constant 0 : i32
      %dma_start3A_31 = tpu.memref_slice %arg7[%add3A_20, %dma_start3A] : memref<10240x128xf32, #tpu.memory_space<vmem_shared>> -> memref<128x128xf32, #tpu.memory_space<vmem_shared>>
      tpu.enqueue_dma source(%arg5 : memref<128x128xf32, #tpu.memory_space<hbm>>) target(%dma_start3A_31 : memref<128x128xf32, #tpu.memory_space<vmem_shared>>) target_semaphore(%run_scoped3A : memref<!tpu.dma_semaphore, #tpu.memory_space<semaphore_mem>>)
      %dma_wait3A = arith.constant 0 : i32
      %dma_wait3A_32 = tpu.memref_slice %arg7[%add3A_20, %dma_wait3A] : memref<10240x128xf32, #tpu.memory_space<vmem_shared>> -> memref<128x128xf32, #tpu.memory_space<vmem_shared>>
      tpu.wait_dma2 semaphore(%run_scoped3A : memref<!tpu.dma_semaphore, #tpu.memory_space<semaphore_mem>>) src(%arg5 : memref<128x128xf32, #tpu.memory_space<hbm>>) dst(%dma_wait3A_32 : memref<128x128xf32, #tpu.memory_space<vmem_shared>>)
      tpu.yield
    }) : () -> ()
    %barrier3A = arith.constant 0 : index
    tpu.barrier barrier_id(%barrier3A)
    %scan3A = arith.constant 0 : i32
    %scan3A_21 = arith.constant 0 : i32
    %scan3A_22 = arith.constant 79 : i32
    %scan3A_23 = arith.addi %scan3A_21, %scan3A_22 : i32
    %scan3A_24 = arith.constant 1 : i32
    scf.for %scan3A_31 = %scan3A_21 to %scan3A_23 step %scan3A_24  : i32 {
      %mul3A_32 = arith.constant 10112 : i32
      %mul3A_33 = arith.muli %add3A, %mul3A_32 : i32
      %mul3A_34 = arith.constant 128 : i32
      %mul3A_35 = arith.muli %scan3A_31, %mul3A_34 : i32
      %add3A_36 = arith.addi %mul3A_33, %mul3A_35 : i32
      %multiple_of3A = tpu.assume_multiple %add3A_36, 128 : i32
      "tpu.region"() ({
        %run_scoped3A = tpu.sem_alloc : memref<!tpu.dma_semaphore, #tpu.memory_space<semaphore_mem>>
        %dma_start3A_41 = tpu.memref_slice %arg3[%multiple_of3A] : memref<323584xi32, #tpu.memory_space<hbm>> -> memref<128xi32, #tpu.memory_space<hbm>>
        %dma_start3A_42 = tpu.memref_slice %arg3[%multiple_of3A] : memref<323584xi32, #tpu.memory_space<hbm>> -> memref<128xi32, #tpu.memory_space<hbm>>
        tpu.enqueue_dma source(%dma_start3A_42 : memref<128xi32, #tpu.memory_space<hbm>>) target(%arg8 : memref<128xi32, #tpu.memory_space<vmem>>) target_semaphore(%run_scoped3A : memref<!tpu.dma_semaphore, #tpu.memory_space<semaphore_mem>>)
        %dma_wait3A_43 = tpu.memref_slice %arg3[%multiple_of3A] : memref<323584xi32, #tpu.memory_space<hbm>> -> memref<128xi32, #tpu.memory_space<hbm>>
        %dma_wait3A_44 = tpu.memref_slice %arg3[%multiple_of3A] : memref<323584xi32, #tpu.memory_space<hbm>> -> memref<128xi32, #tpu.memory_space<hbm>>
        tpu.wait_dma2 semaphore(%run_scoped3A : memref<!tpu.dma_semaphore, #tpu.memory_space<semaphore_mem>>) src(%dma_wait3A_44 : memref<128xi32, #tpu.memory_space<hbm>>) dst(%arg8 : memref<128xi32, #tpu.memory_space<vmem>>)
        tpu.yield
      }) : () -> ()
      "tpu.region"() ({
        %run_scoped3A = tpu.sem_alloc : memref<!tpu.dma_semaphore, #tpu.memory_space<semaphore_mem>>
        %dma_start3A_41 = tpu.memref_slice %arg4[%multiple_of3A] : memref<323584xi32, #tpu.memory_space<hbm>> -> memref<128xi32, #tpu.memory_space<hbm>>
        %dma_start3A_42 = tpu.memref_slice %arg4[%multiple_of3A] : memref<323584xi32, #tpu.memory_space<hbm>> -> memref<128xi32, #tpu.memory_space<hbm>>
        tpu.enqueue_dma source(%dma_start3A_42 : memref<128xi32, #tpu.memory_space<hbm>>) target(%arg9 : memref<128xi32, #tpu.memory_space<vmem>>) target_semaphore(%run_scoped3A : memref<!tpu.dma_semaphore, #tpu.memory_space<semaphore_mem>>)
        %dma_wait3A_43 = tpu.memref_slice %arg4[%multiple_of3A] : memref<323584xi32, #tpu.memory_space<hbm>> -> memref<128xi32, #tpu.memory_space<hbm>>
        %dma_wait3A_44 = tpu.memref_slice %arg4[%multiple_of3A] : memref<323584xi32, #tpu.memory_space<hbm>> -> memref<128xi32, #tpu.memory_space<hbm>>
        tpu.wait_dma2 semaphore(%run_scoped3A : memref<!tpu.dma_semaphore, #tpu.memory_space<semaphore_mem>>) src(%dma_wait3A_44 : memref<128xi32, #tpu.memory_space<hbm>>) dst(%arg9 : memref<128xi32, #tpu.memory_space<vmem>>)
        tpu.yield
      }) : () -> ()
      %dma_start3A = arith.constant 0 : i32
      %dma_start3A_37 = arith.constant 0 : i32
      %dma_start3A_38 = tpu.memref_slice %arg2[%dma_start3A, %dma_start3A_37] : memref<40960x128xf32, #tpu.memory_space<hbm>> -> memref<40960x128xf32, #tpu.memory_space<hbm>>
      tpu.enqueue_indirect_dma source(%dma_start3A_38 : memref<40960x128xf32, #tpu.memory_space<hbm>>) target(%arg10 : memref<128x128xf32, #tpu.memory_space<vmem>>) offsets(%arg8 : memref<128xi32, #tpu.memory_space<vmem>>) semaphore(%arg11 : memref<!tpu.dma_semaphore, #tpu.memory_space<semaphore_mem>>)
      %dma_wait3A = arith.constant 0 : i32
      %dma_wait3A_39 = arith.constant 0 : i32
      %dma_wait3A_40 = tpu.memref_slice %arg2[%dma_wait3A, %dma_wait3A_39] : memref<40960x128xf32, #tpu.memory_space<hbm>> -> memref<40960x128xf32, #tpu.memory_space<hbm>>
      tpu.wait_indirect_dma semaphore(%arg11 : memref<!tpu.dma_semaphore, #tpu.memory_space<semaphore_mem>>) src(%dma_wait3A_40 : memref<40960x128xf32, #tpu.memory_space<hbm>>) dst(%arg10 : memref<128x128xf32, #tpu.memory_space<vmem>>)
      "tpu.region"() ({
        %run_scoped3A = tpu.sem_alloc : memref<!tpu.dma_semaphore, #tpu.memory_space<semaphore_mem>>
        %dma_start3A_41 = arith.constant 0 : i32
        %dma_start3A_42 = arith.constant 0 : i32
        %dma_start3A_43 = tpu.memref_slice %arg7[%dma_start3A_41, %dma_start3A_42] : memref<10240x128xf32, #tpu.memory_space<vmem_shared>> -> memref<10240x128xf32, #tpu.memory_space<vmem_shared>>
        tpu.enqueue_indirect_dma source(%arg10 : memref<128x128xf32, #tpu.memory_space<vmem>>) target(%dma_start3A_43 : memref<10240x128xf32, #tpu.memory_space<vmem_shared>>) offsets(%arg9 : memref<128xi32, #tpu.memory_space<vmem>>) semaphore(%run_scoped3A : memref<!tpu.dma_semaphore, #tpu.memory_space<semaphore_mem>>) {add = true}
        %dma_wait3A_44 = arith.constant 0 : i32
        %dma_wait3A_45 = arith.constant 0 : i32
        %dma_wait3A_46 = tpu.memref_slice %arg7[%dma_wait3A_44, %dma_wait3A_45] : memref<10240x128xf32, #tpu.memory_space<vmem_shared>> -> memref<10240x128xf32, #tpu.memory_space<vmem_shared>>
        tpu.wait_indirect_dma semaphore(%run_scoped3A : memref<!tpu.dma_semaphore, #tpu.memory_space<semaphore_mem>>) src(%arg10 : memref<128x128xf32, #tpu.memory_space<vmem>>) dst(%dma_wait3A_46 : memref<10240x128xf32, #tpu.memory_space<vmem_shared>>)
        tpu.yield
      }) : () -> ()
    }
    %scan3A_25 = arith.constant 79 : i32
    %barrier3A_26 = arith.constant 0 : index
    tpu.barrier barrier_id(%barrier3A_26)
    %mul3A_27 = arith.constant 640 : i32
    %mul3A_28 = arith.muli %arg1, %mul3A_27 : i32
    %mul3A_29 = arith.constant 640 : i32
    %mul3A_30 = arith.muli %arg1, %mul3A_29 : i32
    "tpu.region"() ({
      %run_scoped3A = tpu.sem_alloc : memref<!tpu.dma_semaphore, #tpu.memory_space<semaphore_mem>>
      %dma_start3A = arith.constant 0 : i32
      %dma_start3A_31 = tpu.memref_slice %arg6[%arg0, %mul3A_30, %dma_start3A] : memref<2x10240x128xf32, #tpu.memory_space<hbm>> -> memref<1x640x128xf32, #tpu.memory_space<hbm>>
      %dma_start3A_32 = tpu.memref_squeeze %dma_start3A_31 : memref<1x640x128xf32, #tpu.memory_space<hbm>> -> memref<640x128xf32, #tpu.memory_space<hbm>>
      %dma_start3A_33 = arith.constant 0 : i32
      %dma_start3A_34 = tpu.memref_slice %arg7[%mul3A_28, %dma_start3A_33] : memref<10240x128xf32, #tpu.memory_space<vmem_shared>> -> memref<640x128xf32, #tpu.memory_space<vmem_shared>>
      tpu.enqueue_dma source(%dma_start3A_34 : memref<640x128xf32, #tpu.memory_space<vmem_shared>>) target(%dma_start3A_32 : memref<640x128xf32, #tpu.memory_space<hbm>>) target_semaphore(%run_scoped3A : memref<!tpu.dma_semaphore, #tpu.memory_space<semaphore_mem>>)
      %dma_wait3A = arith.constant 0 : i32
      %dma_wait3A_35 = tpu.memref_slice %arg6[%arg0, %mul3A_30, %dma_wait3A] : memref<2x10240x128xf32, #tpu.memory_space<hbm>> -> memref<1x640x128xf32, #tpu.memory_space<hbm>>
      %dma_wait3A_36 = tpu.memref_squeeze %dma_wait3A_35 : memref<1x640x128xf32, #tpu.memory_space<hbm>> -> memref<640x128xf32, #tpu.memory_space<hbm>>
      %dma_wait3A_37 = arith.constant 0 : i32
      %dma_wait3A_38 = tpu.memref_slice %arg7[%mul3A_28, %dma_wait3A_37] : memref<10240x128xf32, #tpu.memory_space<vmem_shared>> -> memref<640x128xf32, #tpu.memory_space<vmem_shared>>
      tpu.wait_dma2 semaphore(%run_scoped3A : memref<!tpu.dma_semaphore, #tpu.memory_space<semaphore_mem>>) src(%dma_wait3A_38 : memref<640x128xf32, #tpu.memory_space<vmem_shared>>) dst(%dma_wait3A_36 : memref<640x128xf32, #tpu.memory_space<hbm>>)
      tpu.yield
    }) : () -> ()
    return
  }
}

#map = affine_map<(d0, d1) -> (0, 0)>
#map1 = affine_map<(d0, d1) -> (0)>
#map2 = affine_map<(d0, d1) -> (0, 0, 0)>
module attributes {stable_mosaic.version = 14 : i64} {
  func.func @_sc_body(%arg0: i32, %arg1: i32, %arg2: memref<40960x128xf32, #tpu.memory_space<hbm>>, %arg3: memref<323584xi32, #tpu.memory_space<hbm>>, %arg4: memref<323584xi32, #tpu.memory_space<hbm>>, %arg5: memref<128x128xf32, #tpu.memory_space<hbm>>, %arg6: memref<2x10240x128xf32, #tpu.memory_space<hbm>>, %arg7: memref<10240x128xf32, #tpu.memory_space<vmem_shared>>, %arg8: memref<128xi32, #tpu.memory_space<vmem>>, %arg9: memref<128xi32, #tpu.memory_space<vmem>>, %arg10: memref<128x128xf32, #tpu.memory_space<vmem>>, %arg11: memref<!tpu.dma_semaphore, #tpu.memory_space<semaphore_mem>>) attributes {dimension_semantics = [#tpu.dimension_semantics<core_parallel>, #tpu.dimension_semantics<subcore_parallel>], iteration_bounds = array<i64: 2, 16>, scalar_prefetch = 0 : i64, scratch_operands = 5 : i64, tpu.core_type = #tpu.core_type<sc_vector_subcore>, window_params = [{transform_indices = #map}, {transform_indices = #map1}, {transform_indices = #map1}, {transform_indices = #map}, {transform_indices = #map2}]} {
    %mul3A = arith.constant 16 : i32
    %mul3A_0 = arith.muli %arg0, %mul3A : i32
    %add3A = arith.addi %mul3A_0, %arg1 : i32
    %mul3A_1 = arith.constant 640 : i32
    %mul3A_2 = arith.muli %arg1, %mul3A_1 : i32
    %add3A_3 = arith.constant 0 : i32
    %add3A_4 = arith.addi %mul3A_2, %add3A_3 : i32
    "tpu.region"() ({
      %run_scoped3A = tpu.sem_alloc : memref<!tpu.dma_semaphore, #tpu.memory_space<semaphore_mem>>
      %dma_start3A = arith.constant 0 : i32
      %dma_start3A_31 = tpu.memref_slice %arg7[%add3A_4, %dma_start3A] : memref<10240x128xf32, #tpu.memory_space<vmem_shared>> -> memref<128x128xf32, #tpu.memory_space<vmem_shared>>
      tpu.enqueue_dma source(%arg5 : memref<128x128xf32, #tpu.memory_space<hbm>>) target(%dma_start3A_31 : memref<128x128xf32, #tpu.memory_space<vmem_shared>>) target_semaphore(%run_scoped3A : memref<!tpu.dma_semaphore, #tpu.memory_space<semaphore_mem>>)
      %dma_wait3A = arith.constant 0 : i32
      %dma_wait3A_32 = tpu.memref_slice %arg7[%add3A_4, %dma_wait3A] : memref<10240x128xf32, #tpu.memory_space<vmem_shared>> -> memref<128x128xf32, #tpu.memory_space<vmem_shared>>
      tpu.wait_dma2 semaphore(%run_scoped3A : memref<!tpu.dma_semaphore, #tpu.memory_space<semaphore_mem>>) src(%arg5 : memref<128x128xf32, #tpu.memory_space<hbm>>) dst(%dma_wait3A_32 : memref<128x128xf32, #tpu.memory_space<vmem_shared>>)
      tpu.yield
    }) : () -> ()
    %mul3A_5 = arith.constant 640 : i32
    %mul3A_6 = arith.muli %arg1, %mul3A_5 : i32
    %add3A_7 = arith.constant 128 : i32
    %add3A_8 = arith.addi %mul3A_6, %add3A_7 : i32
    "tpu.region"() ({
      %run_scoped3A = tpu.sem_alloc : memref<!tpu.dma_semaphore, #tpu.memory_space<semaphore_mem>>
      %dma_start3A = arith.constant 0 : i32
      %dma_start3A_31 = tpu.memref_slice %arg7[%add3A_8, %dma_start3A] : memref<10240x128xf32, #tpu.memory_space<vmem_shared>> -> memref<128x128xf32, #tpu.memory_space<vmem_shared>>
      tpu.enqueue_dma source(%arg5 : memref<128x128xf32, #tpu.memory_space<hbm>>) target(%dma_start3A_31 : memref<128x128xf32, #tpu.memory_space<vmem_shared>>) target_semaphore(%run_scoped3A : memref<!tpu.dma_semaphore, #tpu.memory_space<semaphore_mem>>)
      %dma_wait3A = arith.constant 0 : i32
      %dma_wait3A_32 = tpu.memref_slice %arg7[%add3A_8, %dma_wait3A] : memref<10240x128xf32, #tpu.memory_space<vmem_shared>> -> memref<128x128xf32, #tpu.memory_space<vmem_shared>>
      tpu.wait_dma2 semaphore(%run_scoped3A : memref<!tpu.dma_semaphore, #tpu.memory_space<semaphore_mem>>) src(%arg5 : memref<128x128xf32, #tpu.memory_space<hbm>>) dst(%dma_wait3A_32 : memref<128x128xf32, #tpu.memory_space<vmem_shared>>)
      tpu.yield
    }) : () -> ()
    %mul3A_9 = arith.constant 640 : i32
    %mul3A_10 = arith.muli %arg1, %mul3A_9 : i32
    %add3A_11 = arith.constant 256 : i32
    %add3A_12 = arith.addi %mul3A_10, %add3A_11 : i32
    "tpu.region"() ({
      %run_scoped3A = tpu.sem_alloc : memref<!tpu.dma_semaphore, #tpu.memory_space<semaphore_mem>>
      %dma_start3A = arith.constant 0 : i32
      %dma_start3A_31 = tpu.memref_slice %arg7[%add3A_12, %dma_start3A] : memref<10240x128xf32, #tpu.memory_space<vmem_shared>> -> memref<128x128xf32, #tpu.memory_space<vmem_shared>>
      tpu.enqueue_dma source(%arg5 : memref<128x128xf32, #tpu.memory_space<hbm>>) target(%dma_start3A_31 : memref<128x128xf32, #tpu.memory_space<vmem_shared>>) target_semaphore(%run_scoped3A : memref<!tpu.dma_semaphore, #tpu.memory_space<semaphore_mem>>)
      %dma_wait3A = arith.constant 0 : i32
      %dma_wait3A_32 = tpu.memref_slice %arg7[%add3A_12, %dma_wait3A] : memref<10240x128xf32, #tpu.memory_space<vmem_shared>> -> memref<128x128xf32, #tpu.memory_space<vmem_shared>>
      tpu.wait_dma2 semaphore(%run_scoped3A : memref<!tpu.dma_semaphore, #tpu.memory_space<semaphore_mem>>) src(%arg5 : memref<128x128xf32, #tpu.memory_space<hbm>>) dst(%dma_wait3A_32 : memref<128x128xf32, #tpu.memory_space<vmem_shared>>)
      tpu.yield
    }) : () -> ()
    %mul3A_13 = arith.constant 640 : i32
    %mul3A_14 = arith.muli %arg1, %mul3A_13 : i32
    %add3A_15 = arith.constant 384 : i32
    %add3A_16 = arith.addi %mul3A_14, %add3A_15 : i32
    "tpu.region"() ({
      %run_scoped3A = tpu.sem_alloc : memref<!tpu.dma_semaphore, #tpu.memory_space<semaphore_mem>>
      %dma_start3A = arith.constant 0 : i32
      %dma_start3A_31 = tpu.memref_slice %arg7[%add3A_16, %dma_start3A] : memref<10240x128xf32, #tpu.memory_space<vmem_shared>> -> memref<128x128xf32, #tpu.memory_space<vmem_shared>>
      tpu.enqueue_dma source(%arg5 : memref<128x128xf32, #tpu.memory_space<hbm>>) target(%dma_start3A_31 : memref<128x128xf32, #tpu.memory_space<vmem_shared>>) target_semaphore(%run_scoped3A : memref<!tpu.dma_semaphore, #tpu.memory_space<semaphore_mem>>)
      %dma_wait3A = arith.constant 0 : i32
      %dma_wait3A_32 = tpu.memref_slice %arg7[%add3A_16, %dma_wait3A] : memref<10240x128xf32, #tpu.memory_space<vmem_shared>> -> memref<128x128xf32, #tpu.memory_space<vmem_shared>>
      tpu.wait_dma2 semaphore(%run_scoped3A : memref<!tpu.dma_semaphore, #tpu.memory_space<semaphore_mem>>) src(%arg5 : memref<128x128xf32, #tpu.memory_space<hbm>>) dst(%dma_wait3A_32 : memref<128x128xf32, #tpu.memory_space<vmem_shared>>)
      tpu.yield
    }) : () -> ()
    %mul3A_17 = arith.constant 640 : i32
    %mul3A_18 = arith.muli %arg1, %mul3A_17 : i32
    %add3A_19 = arith.constant 512 : i32
    %add3A_20 = arith.addi %mul3A_18, %add3A_19 : i32
    "tpu.region"() ({
      %run_scoped3A = tpu.sem_alloc : memref<!tpu.dma_semaphore, #tpu.memory_space<semaphore_mem>>
      %dma_start3A = arith.constant 0 : i32
      %dma_start3A_31 = tpu.memref_slice %arg7[%add3A_20, %dma_start3A] : memref<10240x128xf32, #tpu.memory_space<vmem_shared>> -> memref<128x128xf32, #tpu.memory_space<vmem_shared>>
      tpu.enqueue_dma source(%arg5 : memref<128x128xf32, #tpu.memory_space<hbm>>) target(%dma_start3A_31 : memref<128x128xf32, #tpu.memory_space<vmem_shared>>) target_semaphore(%run_scoped3A : memref<!tpu.dma_semaphore, #tpu.memory_space<semaphore_mem>>)
      %dma_wait3A = arith.constant 0 : i32
      %dma_wait3A_32 = tpu.memref_slice %arg7[%add3A_20, %dma_wait3A] : memref<10240x128xf32, #tpu.memory_space<vmem_shared>> -> memref<128x128xf32, #tpu.memory_space<vmem_shared>>
      tpu.wait_dma2 semaphore(%run_scoped3A : memref<!tpu.dma_semaphore, #tpu.memory_space<semaphore_mem>>) src(%arg5 : memref<128x128xf32, #tpu.memory_space<hbm>>) dst(%dma_wait3A_32 : memref<128x128xf32, #tpu.memory_space<vmem_shared>>)
      tpu.yield
    }) : () -> ()
    %barrier3A = arith.constant 0 : index
    tpu.barrier barrier_id(%barrier3A)
    %scan3A = arith.constant 0 : i32
    %scan3A_21 = arith.constant 0 : i32
    %scan3A_22 = arith.constant 79 : i32
    %scan3A_23 = arith.addi %scan3A_21, %scan3A_22 : i32
    %scan3A_24 = arith.constant 1 : i32
    scf.for %scan3A_31 = %scan3A_21 to %scan3A_23 step %scan3A_24  : i32 {
      %mul3A_32 = arith.constant 10112 : i32
      %mul3A_33 = arith.muli %add3A, %mul3A_32 : i32
      %mul3A_34 = arith.constant 128 : i32
      %mul3A_35 = arith.muli %scan3A_31, %mul3A_34 : i32
      %add3A_36 = arith.addi %mul3A_33, %mul3A_35 : i32
      %multiple_of3A = tpu.assume_multiple %add3A_36, 128 : i32
      "tpu.region"() ({
        %run_scoped3A = tpu.sem_alloc : memref<!tpu.dma_semaphore, #tpu.memory_space<semaphore_mem>>
        %dma_start3A_41 = tpu.memref_slice %arg3[%multiple_of3A] : memref<323584xi32, #tpu.memory_space<hbm>> -> memref<128xi32, #tpu.memory_space<hbm>>
        %dma_start3A_42 = tpu.memref_slice %arg3[%multiple_of3A] : memref<323584xi32, #tpu.memory_space<hbm>> -> memref<128xi32, #tpu.memory_space<hbm>>
        tpu.enqueue_dma source(%dma_start3A_42 : memref<128xi32, #tpu.memory_space<hbm>>) target(%arg8 : memref<128xi32, #tpu.memory_space<vmem>>) target_semaphore(%run_scoped3A : memref<!tpu.dma_semaphore, #tpu.memory_space<semaphore_mem>>)
        %dma_wait3A_43 = tpu.memref_slice %arg3[%multiple_of3A] : memref<323584xi32, #tpu.memory_space<hbm>> -> memref<128xi32, #tpu.memory_space<hbm>>
        %dma_wait3A_44 = tpu.memref_slice %arg3[%multiple_of3A] : memref<323584xi32, #tpu.memory_space<hbm>> -> memref<128xi32, #tpu.memory_space<hbm>>
        tpu.wait_dma2 semaphore(%run_scoped3A : memref<!tpu.dma_semaphore, #tpu.memory_space<semaphore_mem>>) src(%dma_wait3A_44 : memref<128xi32, #tpu.memory_space<hbm>>) dst(%arg8 : memref<128xi32, #tpu.memory_space<vmem>>)
        tpu.yield
      }) : () -> ()
      "tpu.region"() ({
        %run_scoped3A = tpu.sem_alloc : memref<!tpu.dma_semaphore, #tpu.memory_space<semaphore_mem>>
        %dma_start3A_41 = tpu.memref_slice %arg4[%multiple_of3A] : memref<323584xi32, #tpu.memory_space<hbm>> -> memref<128xi32, #tpu.memory_space<hbm>>
        %dma_start3A_42 = tpu.memref_slice %arg4[%multiple_of3A] : memref<323584xi32, #tpu.memory_space<hbm>> -> memref<128xi32, #tpu.memory_space<hbm>>
        tpu.enqueue_dma source(%dma_start3A_42 : memref<128xi32, #tpu.memory_space<hbm>>) target(%arg9 : memref<128xi32, #tpu.memory_space<vmem>>) target_semaphore(%run_scoped3A : memref<!tpu.dma_semaphore, #tpu.memory_space<semaphore_mem>>)
        %dma_wait3A_43 = tpu.memref_slice %arg4[%multiple_of3A] : memref<323584xi32, #tpu.memory_space<hbm>> -> memref<128xi32, #tpu.memory_space<hbm>>
        %dma_wait3A_44 = tpu.memref_slice %arg4[%multiple_of3A] : memref<323584xi32, #tpu.memory_space<hbm>> -> memref<128xi32, #tpu.memory_space<hbm>>
        tpu.wait_dma2 semaphore(%run_scoped3A : memref<!tpu.dma_semaphore, #tpu.memory_space<semaphore_mem>>) src(%dma_wait3A_44 : memref<128xi32, #tpu.memory_space<hbm>>) dst(%arg9 : memref<128xi32, #tpu.memory_space<vmem>>)
        tpu.yield
      }) : () -> ()
      %dma_start3A = arith.constant 0 : i32
      %dma_start3A_37 = arith.constant 0 : i32
      %dma_start3A_38 = tpu.memref_slice %arg2[%dma_start3A, %dma_start3A_37] : memref<40960x128xf32, #tpu.memory_space<hbm>> -> memref<40960x128xf32, #tpu.memory_space<hbm>>
      tpu.enqueue_indirect_dma source(%dma_start3A_38 : memref<40960x128xf32, #tpu.memory_space<hbm>>) target(%arg10 : memref<128x128xf32, #tpu.memory_space<vmem>>) offsets(%arg8 : memref<128xi32, #tpu.memory_space<vmem>>) semaphore(%arg11 : memref<!tpu.dma_semaphore, #tpu.memory_space<semaphore_mem>>)
      %dma_wait3A = arith.constant 0 : i32
      %dma_wait3A_39 = arith.constant 0 : i32
      %dma_wait3A_40 = tpu.memref_slice %arg2[%dma_wait3A, %dma_wait3A_39] : memref<40960x128xf32, #tpu.memory_space<hbm>> -> memref<40960x128xf32, #tpu.memory_space<hbm>>
      tpu.wait_indirect_dma semaphore(%arg11 : memref<!tpu.dma_semaphore, #tpu.memory_space<semaphore_mem>>) src(%dma_wait3A_40 : memref<40960x128xf32, #tpu.memory_space<hbm>>) dst(%arg10 : memref<128x128xf32, #tpu.memory_space<vmem>>)
      "tpu.region"() ({
        %run_scoped3A = tpu.sem_alloc : memref<!tpu.dma_semaphore, #tpu.memory_space<semaphore_mem>>
        %dma_start3A_41 = arith.constant 0 : i32
        %dma_start3A_42 = arith.constant 0 : i32
        %dma_start3A_43 = tpu.memref_slice %arg7[%dma_start3A_41, %dma_start3A_42] : memref<10240x128xf32, #tpu.memory_space<vmem_shared>> -> memref<10240x128xf32, #tpu.memory_space<vmem_shared>>
        tpu.enqueue_indirect_dma source(%arg10 : memref<128x128xf32, #tpu.memory_space<vmem>>) target(%dma_start3A_43 : memref<10240x128xf32, #tpu.memory_space<vmem_shared>>) offsets(%arg9 : memref<128xi32, #tpu.memory_space<vmem>>) semaphore(%run_scoped3A : memref<!tpu.dma_semaphore, #tpu.memory_space<semaphore_mem>>) {add = true}
        %dma_wait3A_44 = arith.constant 0 : i32
        %dma_wait3A_45 = arith.constant 0 : i32
        %dma_wait3A_46 = tpu.memref_slice %arg7[%dma_wait3A_44, %dma_wait3A_45] : memref<10240x128xf32, #tpu.memory_space<vmem_shared>> -> memref<10240x128xf32, #tpu.memory_space<vmem_shared>>
        tpu.wait_indirect_dma semaphore(%run_scoped3A : memref<!tpu.dma_semaphore, #tpu.memory_space<semaphore_mem>>) src(%arg10 : memref<128x128xf32, #tpu.memory_space<vmem>>) dst(%dma_wait3A_46 : memref<10240x128xf32, #tpu.memory_space<vmem_shared>>)
        tpu.yield
      }) : () -> ()
    }
    %scan3A_25 = arith.constant 79 : i32
    %barrier3A_26 = arith.constant 0 : index
    tpu.barrier barrier_id(%barrier3A_26)
    %mul3A_27 = arith.constant 640 : i32
    %mul3A_28 = arith.muli %arg1, %mul3A_27 : i32
    %mul3A_29 = arith.constant 640 : i32
    %mul3A_30 = arith.muli %arg1, %mul3A_29 : i32
    "tpu.region"() ({
      %run_scoped3A = tpu.sem_alloc : memref<!tpu.dma_semaphore, #tpu.memory_space<semaphore_mem>>
      %dma_start3A = arith.constant 0 : i32
      %dma_start3A_31 = tpu.memref_slice %arg6[%arg0, %mul3A_30, %dma_start3A] : memref<2x10240x128xf32, #tpu.memory_space<hbm>> -> memref<1x640x128xf32, #tpu.memory_space<hbm>>
      %dma_start3A_32 = tpu.memref_squeeze %dma_start3A_31 : memref<1x640x128xf32, #tpu.memory_space<hbm>> -> memref<640x128xf32, #tpu.memory_space<hbm>>
      %dma_start3A_33 = arith.constant 0 : i32
      %dma_start3A_34 = tpu.memref_slice %arg7[%mul3A_28, %dma_start3A_33] : memref<10240x128xf32, #tpu.memory_space<vmem_shared>> -> memref<640x128xf32, #tpu.memory_space<vmem_shared>>
      tpu.enqueue_dma source(%dma_start3A_34 : memref<640x128xf32, #tpu.memory_space<vmem_shared>>) target(%dma_start3A_32 : memref<640x128xf32, #tpu.memory_space<hbm>>) target_semaphore(%run_scoped3A : memref<!tpu.dma_semaphore, #tpu.memory_space<semaphore_mem>>)
      %dma_wait3A = arith.constant 0 : i32
      %dma_wait3A_35 = tpu.memref_slice %arg6[%arg0, %mul3A_30, %dma_wait3A] : memref<2x10240x128xf32, #tpu.memory_space<hbm>> -> memref<1x640x128xf32, #tpu.memory_space<hbm>>
      %dma_wait3A_36 = tpu.memref_squeeze %dma_wait3A_35 : memref<1x640x128xf32, #tpu.memory_space<hbm>> -> memref<640x128xf32, #tpu.memory_space<hbm>>
      %dma_wait3A_37 = arith.constant 0 : i32
      %dma_wait3A_38 = tpu.memref_slice %arg7[%mul3A_28, %dma_wait3A_37] : memref<10240x128xf32, #tpu.memory_space<vmem_shared>> -> memref<640x128xf32, #tpu.memory_space<vmem_shared>>
      tpu.wait_dma2 semaphore(%run_scoped3A : memref<!tpu.dma_semaphore, #tpu.memory_space<semaphore_mem>>) src(%dma_wait3A_38 : memref<640x128xf32, #tpu.memory_space<vmem_shared>>) dst(%dma_wait3A_36 : memref<640x128xf32, #tpu.memory_space<hbm>>)
      tpu.yield
    }) : () -> ()
    return
  }
}

#map = affine_map<(d0, d1) -> (0, 0)>
#map1 = affine_map<(d0, d1) -> (0)>
#map2 = affine_map<(d0, d1) -> (0, 0, 0)>
module attributes {stable_mosaic.version = 14 : i64} {
  func.func @_sc_body(%arg0: i32, %arg1: i32, %arg2: memref<40960x128xf32, #tpu.memory_space<hbm>>, %arg3: memref<323584xi32, #tpu.memory_space<hbm>>, %arg4: memref<323584xi32, #tpu.memory_space<hbm>>, %arg5: memref<128x128xf32, #tpu.memory_space<hbm>>, %arg6: memref<2x10240x128xf32, #tpu.memory_space<hbm>>, %arg7: memref<10240x128xf32, #tpu.memory_space<vmem_shared>>, %arg8: memref<128xi32, #tpu.memory_space<vmem>>, %arg9: memref<128xi32, #tpu.memory_space<vmem>>, %arg10: memref<128x128xf32, #tpu.memory_space<vmem>>, %arg11: memref<!tpu.dma_semaphore, #tpu.memory_space<semaphore_mem>>) attributes {dimension_semantics = [#tpu.dimension_semantics<core_parallel>, #tpu.dimension_semantics<subcore_parallel>], iteration_bounds = array<i64: 2, 16>, scalar_prefetch = 0 : i64, scratch_operands = 5 : i64, tpu.core_type = #tpu.core_type<sc_vector_subcore>, window_params = [{transform_indices = #map}, {transform_indices = #map1}, {transform_indices = #map1}, {transform_indices = #map}, {transform_indices = #map2}]} {
    %mul3A = arith.constant 16 : i32
    %mul3A_0 = arith.muli %arg0, %mul3A : i32
    %add3A = arith.addi %mul3A_0, %arg1 : i32
    %mul3A_1 = arith.constant 640 : i32
    %mul3A_2 = arith.muli %arg1, %mul3A_1 : i32
    %add3A_3 = arith.constant 0 : i32
    %add3A_4 = arith.addi %mul3A_2, %add3A_3 : i32
    "tpu.region"() ({
      %run_scoped3A = tpu.sem_alloc : memref<!tpu.dma_semaphore, #tpu.memory_space<semaphore_mem>>
      %dma_start3A = arith.constant 0 : i32
      %dma_start3A_31 = tpu.memref_slice %arg7[%add3A_4, %dma_start3A] : memref<10240x128xf32, #tpu.memory_space<vmem_shared>> -> memref<128x128xf32, #tpu.memory_space<vmem_shared>>
      tpu.enqueue_dma source(%arg5 : memref<128x128xf32, #tpu.memory_space<hbm>>) target(%dma_start3A_31 : memref<128x128xf32, #tpu.memory_space<vmem_shared>>) target_semaphore(%run_scoped3A : memref<!tpu.dma_semaphore, #tpu.memory_space<semaphore_mem>>)
      %dma_wait3A = arith.constant 0 : i32
      %dma_wait3A_32 = tpu.memref_slice %arg7[%add3A_4, %dma_wait3A] : memref<10240x128xf32, #tpu.memory_space<vmem_shared>> -> memref<128x128xf32, #tpu.memory_space<vmem_shared>>
      tpu.wait_dma2 semaphore(%run_scoped3A : memref<!tpu.dma_semaphore, #tpu.memory_space<semaphore_mem>>) src(%arg5 : memref<128x128xf32, #tpu.memory_space<hbm>>) dst(%dma_wait3A_32 : memref<128x128xf32, #tpu.memory_space<vmem_shared>>)
      tpu.yield
    }) : () -> ()
    %mul3A_5 = arith.constant 640 : i32
    %mul3A_6 = arith.muli %arg1, %mul3A_5 : i32
    %add3A_7 = arith.constant 128 : i32
    %add3A_8 = arith.addi %mul3A_6, %add3A_7 : i32
    "tpu.region"() ({
      %run_scoped3A = tpu.sem_alloc : memref<!tpu.dma_semaphore, #tpu.memory_space<semaphore_mem>>
      %dma_start3A = arith.constant 0 : i32
      %dma_start3A_31 = tpu.memref_slice %arg7[%add3A_8, %dma_start3A] : memref<10240x128xf32, #tpu.memory_space<vmem_shared>> -> memref<128x128xf32, #tpu.memory_space<vmem_shared>>
      tpu.enqueue_dma source(%arg5 : memref<128x128xf32, #tpu.memory_space<hbm>>) target(%dma_start3A_31 : memref<128x128xf32, #tpu.memory_space<vmem_shared>>) target_semaphore(%run_scoped3A : memref<!tpu.dma_semaphore, #tpu.memory_space<semaphore_mem>>)
      %dma_wait3A = arith.constant 0 : i32
      %dma_wait3A_32 = tpu.memref_slice %arg7[%add3A_8, %dma_wait3A] : memref<10240x128xf32, #tpu.memory_space<vmem_shared>> -> memref<128x128xf32, #tpu.memory_space<vmem_shared>>
      tpu.wait_dma2 semaphore(%run_scoped3A : memref<!tpu.dma_semaphore, #tpu.memory_space<semaphore_mem>>) src(%arg5 : memref<128x128xf32, #tpu.memory_space<hbm>>) dst(%dma_wait3A_32 : memref<128x128xf32, #tpu.memory_space<vmem_shared>>)
      tpu.yield
    }) : () -> ()
    %mul3A_9 = arith.constant 640 : i32
    %mul3A_10 = arith.muli %arg1, %mul3A_9 : i32
    %add3A_11 = arith.constant 256 : i32
    %add3A_12 = arith.addi %mul3A_10, %add3A_11 : i32
    "tpu.region"() ({
      %run_scoped3A = tpu.sem_alloc : memref<!tpu.dma_semaphore, #tpu.memory_space<semaphore_mem>>
      %dma_start3A = arith.constant 0 : i32
      %dma_start3A_31 = tpu.memref_slice %arg7[%add3A_12, %dma_start3A] : memref<10240x128xf32, #tpu.memory_space<vmem_shared>> -> memref<128x128xf32, #tpu.memory_space<vmem_shared>>
      tpu.enqueue_dma source(%arg5 : memref<128x128xf32, #tpu.memory_space<hbm>>) target(%dma_start3A_31 : memref<128x128xf32, #tpu.memory_space<vmem_shared>>) target_semaphore(%run_scoped3A : memref<!tpu.dma_semaphore, #tpu.memory_space<semaphore_mem>>)
      %dma_wait3A = arith.constant 0 : i32
      %dma_wait3A_32 = tpu.memref_slice %arg7[%add3A_12, %dma_wait3A] : memref<10240x128xf32, #tpu.memory_space<vmem_shared>> -> memref<128x128xf32, #tpu.memory_space<vmem_shared>>
      tpu.wait_dma2 semaphore(%run_scoped3A : memref<!tpu.dma_semaphore, #tpu.memory_space<semaphore_mem>>) src(%arg5 : memref<128x128xf32, #tpu.memory_space<hbm>>) dst(%dma_wait3A_32 : memref<128x128xf32, #tpu.memory_space<vmem_shared>>)
      tpu.yield
    }) : () -> ()
    %mul3A_13 = arith.constant 640 : i32
    %mul3A_14 = arith.muli %arg1, %mul3A_13 : i32
    %add3A_15 = arith.constant 384 : i32
    %add3A_16 = arith.addi %mul3A_14, %add3A_15 : i32
    "tpu.region"() ({
      %run_scoped3A = tpu.sem_alloc : memref<!tpu.dma_semaphore, #tpu.memory_space<semaphore_mem>>
      %dma_start3A = arith.constant 0 : i32
      %dma_start3A_31 = tpu.memref_slice %arg7[%add3A_16, %dma_start3A] : memref<10240x128xf32, #tpu.memory_space<vmem_shared>> -> memref<128x128xf32, #tpu.memory_space<vmem_shared>>
      tpu.enqueue_dma source(%arg5 : memref<128x128xf32, #tpu.memory_space<hbm>>) target(%dma_start3A_31 : memref<128x128xf32, #tpu.memory_space<vmem_shared>>) target_semaphore(%run_scoped3A : memref<!tpu.dma_semaphore, #tpu.memory_space<semaphore_mem>>)
      %dma_wait3A = arith.constant 0 : i32
      %dma_wait3A_32 = tpu.memref_slice %arg7[%add3A_16, %dma_wait3A] : memref<10240x128xf32, #tpu.memory_space<vmem_shared>> -> memref<128x128xf32, #tpu.memory_space<vmem_shared>>
      tpu.wait_dma2 semaphore(%run_scoped3A : memref<!tpu.dma_semaphore, #tpu.memory_space<semaphore_mem>>) src(%arg5 : memref<128x128xf32, #tpu.memory_space<hbm>>) dst(%dma_wait3A_32 : memref<128x128xf32, #tpu.memory_space<vmem_shared>>)
      tpu.yield
    }) : () -> ()
    %mul3A_17 = arith.constant 640 : i32
    %mul3A_18 = arith.muli %arg1, %mul3A_17 : i32
    %add3A_19 = arith.constant 512 : i32
    %add3A_20 = arith.addi %mul3A_18, %add3A_19 : i32
    "tpu.region"() ({
      %run_scoped3A = tpu.sem_alloc : memref<!tpu.dma_semaphore, #tpu.memory_space<semaphore_mem>>
      %dma_start3A = arith.constant 0 : i32
      %dma_start3A_31 = tpu.memref_slice %arg7[%add3A_20, %dma_start3A] : memref<10240x128xf32, #tpu.memory_space<vmem_shared>> -> memref<128x128xf32, #tpu.memory_space<vmem_shared>>
      tpu.enqueue_dma source(%arg5 : memref<128x128xf32, #tpu.memory_space<hbm>>) target(%dma_start3A_31 : memref<128x128xf32, #tpu.memory_space<vmem_shared>>) target_semaphore(%run_scoped3A : memref<!tpu.dma_semaphore, #tpu.memory_space<semaphore_mem>>)
      %dma_wait3A = arith.constant 0 : i32
      %dma_wait3A_32 = tpu.memref_slice %arg7[%add3A_20, %dma_wait3A] : memref<10240x128xf32, #tpu.memory_space<vmem_shared>> -> memref<128x128xf32, #tpu.memory_space<vmem_shared>>
      tpu.wait_dma2 semaphore(%run_scoped3A : memref<!tpu.dma_semaphore, #tpu.memory_space<semaphore_mem>>) src(%arg5 : memref<128x128xf32, #tpu.memory_space<hbm>>) dst(%dma_wait3A_32 : memref<128x128xf32, #tpu.memory_space<vmem_shared>>)
      tpu.yield
    }) : () -> ()
    %barrier3A = arith.constant 0 : index
    tpu.barrier barrier_id(%barrier3A)
    %scan3A = arith.constant 0 : i32
    %scan3A_21 = arith.constant 0 : i32
    %scan3A_22 = arith.constant 79 : i32
    %scan3A_23 = arith.addi %scan3A_21, %scan3A_22 : i32
    %scan3A_24 = arith.constant 1 : i32
    scf.for %scan3A_31 = %scan3A_21 to %scan3A_23 step %scan3A_24  : i32 {
      %mul3A_32 = arith.constant 10112 : i32
      %mul3A_33 = arith.muli %add3A, %mul3A_32 : i32
      %mul3A_34 = arith.constant 128 : i32
      %mul3A_35 = arith.muli %scan3A_31, %mul3A_34 : i32
      %add3A_36 = arith.addi %mul3A_33, %mul3A_35 : i32
      %multiple_of3A = tpu.assume_multiple %add3A_36, 128 : i32
      "tpu.region"() ({
        %run_scoped3A = tpu.sem_alloc : memref<!tpu.dma_semaphore, #tpu.memory_space<semaphore_mem>>
        %dma_start3A_41 = tpu.memref_slice %arg3[%multiple_of3A] : memref<323584xi32, #tpu.memory_space<hbm>> -> memref<128xi32, #tpu.memory_space<hbm>>
        %dma_start3A_42 = tpu.memref_slice %arg3[%multiple_of3A] : memref<323584xi32, #tpu.memory_space<hbm>> -> memref<128xi32, #tpu.memory_space<hbm>>
        tpu.enqueue_dma source(%dma_start3A_42 : memref<128xi32, #tpu.memory_space<hbm>>) target(%arg8 : memref<128xi32, #tpu.memory_space<vmem>>) target_semaphore(%run_scoped3A : memref<!tpu.dma_semaphore, #tpu.memory_space<semaphore_mem>>)
        %dma_wait3A_43 = tpu.memref_slice %arg3[%multiple_of3A] : memref<323584xi32, #tpu.memory_space<hbm>> -> memref<128xi32, #tpu.memory_space<hbm>>
        %dma_wait3A_44 = tpu.memref_slice %arg3[%multiple_of3A] : memref<323584xi32, #tpu.memory_space<hbm>> -> memref<128xi32, #tpu.memory_space<hbm>>
        tpu.wait_dma2 semaphore(%run_scoped3A : memref<!tpu.dma_semaphore, #tpu.memory_space<semaphore_mem>>) src(%dma_wait3A_44 : memref<128xi32, #tpu.memory_space<hbm>>) dst(%arg8 : memref<128xi32, #tpu.memory_space<vmem>>)
        tpu.yield
      }) : () -> ()
      "tpu.region"() ({
        %run_scoped3A = tpu.sem_alloc : memref<!tpu.dma_semaphore, #tpu.memory_space<semaphore_mem>>
        %dma_start3A_41 = tpu.memref_slice %arg4[%multiple_of3A] : memref<323584xi32, #tpu.memory_space<hbm>> -> memref<128xi32, #tpu.memory_space<hbm>>
        %dma_start3A_42 = tpu.memref_slice %arg4[%multiple_of3A] : memref<323584xi32, #tpu.memory_space<hbm>> -> memref<128xi32, #tpu.memory_space<hbm>>
        tpu.enqueue_dma source(%dma_start3A_42 : memref<128xi32, #tpu.memory_space<hbm>>) target(%arg9 : memref<128xi32, #tpu.memory_space<vmem>>) target_semaphore(%run_scoped3A : memref<!tpu.dma_semaphore, #tpu.memory_space<semaphore_mem>>)
        %dma_wait3A_43 = tpu.memref_slice %arg4[%multiple_of3A] : memref<323584xi32, #tpu.memory_space<hbm>> -> memref<128xi32, #tpu.memory_space<hbm>>
        %dma_wait3A_44 = tpu.memref_slice %arg4[%multiple_of3A] : memref<323584xi32, #tpu.memory_space<hbm>> -> memref<128xi32, #tpu.memory_space<hbm>>
        tpu.wait_dma2 semaphore(%run_scoped3A : memref<!tpu.dma_semaphore, #tpu.memory_space<semaphore_mem>>) src(%dma_wait3A_44 : memref<128xi32, #tpu.memory_space<hbm>>) dst(%arg9 : memref<128xi32, #tpu.memory_space<vmem>>)
        tpu.yield
      }) : () -> ()
      %dma_start3A = arith.constant 0 : i32
      %dma_start3A_37 = arith.constant 0 : i32
      %dma_start3A_38 = tpu.memref_slice %arg2[%dma_start3A, %dma_start3A_37] : memref<40960x128xf32, #tpu.memory_space<hbm>> -> memref<40960x128xf32, #tpu.memory_space<hbm>>
      tpu.enqueue_indirect_dma source(%dma_start3A_38 : memref<40960x128xf32, #tpu.memory_space<hbm>>) target(%arg10 : memref<128x128xf32, #tpu.memory_space<vmem>>) offsets(%arg8 : memref<128xi32, #tpu.memory_space<vmem>>) semaphore(%arg11 : memref<!tpu.dma_semaphore, #tpu.memory_space<semaphore_mem>>)
      %dma_wait3A = arith.constant 0 : i32
      %dma_wait3A_39 = arith.constant 0 : i32
      %dma_wait3A_40 = tpu.memref_slice %arg2[%dma_wait3A, %dma_wait3A_39] : memref<40960x128xf32, #tpu.memory_space<hbm>> -> memref<40960x128xf32, #tpu.memory_space<hbm>>
      tpu.wait_indirect_dma semaphore(%arg11 : memref<!tpu.dma_semaphore, #tpu.memory_space<semaphore_mem>>) src(%dma_wait3A_40 : memref<40960x128xf32, #tpu.memory_space<hbm>>) dst(%arg10 : memref<128x128xf32, #tpu.memory_space<vmem>>)
      "tpu.region"() ({
        %run_scoped3A = tpu.sem_alloc : memref<!tpu.dma_semaphore, #tpu.memory_space<semaphore_mem>>
        %dma_start3A_41 = arith.constant 0 : i32
        %dma_start3A_42 = arith.constant 0 : i32
        %dma_start3A_43 = tpu.memref_slice %arg7[%dma_start3A_41, %dma_start3A_42] : memref<10240x128xf32, #tpu.memory_space<vmem_shared>> -> memref<10240x128xf32, #tpu.memory_space<vmem_shared>>
        tpu.enqueue_indirect_dma source(%arg10 : memref<128x128xf32, #tpu.memory_space<vmem>>) target(%dma_start3A_43 : memref<10240x128xf32, #tpu.memory_space<vmem_shared>>) offsets(%arg9 : memref<128xi32, #tpu.memory_space<vmem>>) semaphore(%run_scoped3A : memref<!tpu.dma_semaphore, #tpu.memory_space<semaphore_mem>>) {add = true}
        %dma_wait3A_44 = arith.constant 0 : i32
        %dma_wait3A_45 = arith.constant 0 : i32
        %dma_wait3A_46 = tpu.memref_slice %arg7[%dma_wait3A_44, %dma_wait3A_45] : memref<10240x128xf32, #tpu.memory_space<vmem_shared>> -> memref<10240x128xf32, #tpu.memory_space<vmem_shared>>
        tpu.wait_indirect_dma semaphore(%run_scoped3A : memref<!tpu.dma_semaphore, #tpu.memory_space<semaphore_mem>>) src(%arg10 : memref<128x128xf32, #tpu.memory_space<vmem>>) dst(%dma_wait3A_46 : memref<10240x128xf32, #tpu.memory_space<vmem_shared>>)
        tpu.yield
      }) : () -> ()
    }
    %scan3A_25 = arith.constant 79 : i32
    %barrier3A_26 = arith.constant 0 : index
    tpu.barrier barrier_id(%barrier3A_26)
    %mul3A_27 = arith.constant 640 : i32
    %mul3A_28 = arith.muli %arg1, %mul3A_27 : i32
    %mul3A_29 = arith.constant 640 : i32
    %mul3A_30 = arith.muli %arg1, %mul3A_29 : i32
    "tpu.region"() ({
      %run_scoped3A = tpu.sem_alloc : memref<!tpu.dma_semaphore, #tpu.memory_space<semaphore_mem>>
      %dma_start3A = arith.constant 0 : i32
      %dma_start3A_31 = tpu.memref_slice %arg6[%arg0, %mul3A_30, %dma_start3A] : memref<2x10240x128xf32, #tpu.memory_space<hbm>> -> memref<1x640x128xf32, #tpu.memory_space<hbm>>
      %dma_start3A_32 = tpu.memref_squeeze %dma_start3A_31 : memref<1x640x128xf32, #tpu.memory_space<hbm>> -> memref<640x128xf32, #tpu.memory_space<hbm>>
      %dma_start3A_33 = arith.constant 0 : i32
      %dma_start3A_34 = tpu.memref_slice %arg7[%mul3A_28, %dma_start3A_33] : memref<10240x128xf32, #tpu.memory_space<vmem_shared>> -> memref<640x128xf32, #tpu.memory_space<vmem_shared>>
      tpu.enqueue_dma source(%dma_start3A_34 : memref<640x128xf32, #tpu.memory_space<vmem_shared>>) target(%dma_start3A_32 : memref<640x128xf32, #tpu.memory_space<hbm>>) target_semaphore(%run_scoped3A : memref<!tpu.dma_semaphore, #tpu.memory_space<semaphore_mem>>)
      %dma_wait3A = arith.constant 0 : i32
      %dma_wait3A_35 = tpu.memref_slice %arg6[%arg0, %mul3A_30, %dma_wait3A] : memref<2x10240x128xf32, #tpu.memory_space<hbm>> -> memref<1x640x128xf32, #tpu.memory_space<hbm>>
      %dma_wait3A_36 = tpu.memref_squeeze %dma_wait3A_35 : memref<1x640x128xf32, #tpu.memory_space<hbm>> -> memref<640x128xf32, #tpu.memory_space<hbm>>
      %dma_wait3A_37 = arith.constant 0 : i32
      %dma_wait3A_38 = tpu.memref_slice %arg7[%mul3A_28, %dma_wait3A_37] : memref<10240x128xf32, #tpu.memory_space<vmem_shared>> -> memref<640x128xf32, #tpu.memory_space<vmem_shared>>
      tpu.wait_dma2 semaphore(%run_scoped3A : memref<!tpu.dma_semaphore, #tpu.memory_space<semaphore_mem>>) src(%dma_wait3A_38 : memref<640x128xf32, #tpu.memory_space<vmem_shared>>) dst(%dma_wait3A_36 : memref<640x128xf32, #tpu.memory_space<hbm>>)
      tpu.yield
    }) : () -> ()
    return
  }
}

#map = affine_map<(d0, d1) -> (0, 0)>
#map1 = affine_map<(d0, d1) -> (0)>
#map2 = affine_map<(d0, d1) -> (0, 0, 0)>
module attributes {stable_mosaic.version = 14 : i64} {
  func.func @_sc_body(%arg0: i32, %arg1: i32, %arg2: memref<40960x128xf32, #tpu.memory_space<hbm>>, %arg3: memref<323584xi32, #tpu.memory_space<hbm>>, %arg4: memref<323584xi32, #tpu.memory_space<hbm>>, %arg5: memref<128x128xf32, #tpu.memory_space<hbm>>, %arg6: memref<2x10240x128xf32, #tpu.memory_space<hbm>>, %arg7: memref<10240x128xf32, #tpu.memory_space<vmem_shared>>, %arg8: memref<128xi32, #tpu.memory_space<vmem>>, %arg9: memref<128xi32, #tpu.memory_space<vmem>>, %arg10: memref<128x128xf32, #tpu.memory_space<vmem>>, %arg11: memref<!tpu.dma_semaphore, #tpu.memory_space<semaphore_mem>>) attributes {dimension_semantics = [#tpu.dimension_semantics<core_parallel>, #tpu.dimension_semantics<subcore_parallel>], iteration_bounds = array<i64: 2, 16>, scalar_prefetch = 0 : i64, scratch_operands = 5 : i64, tpu.core_type = #tpu.core_type<sc_vector_subcore>, window_params = [{transform_indices = #map}, {transform_indices = #map1}, {transform_indices = #map1}, {transform_indices = #map}, {transform_indices = #map2}]} {
    %mul3A = arith.constant 16 : i32
    %mul3A_0 = arith.muli %arg0, %mul3A : i32
    %add3A = arith.addi %mul3A_0, %arg1 : i32
    %mul3A_1 = arith.constant 640 : i32
    %mul3A_2 = arith.muli %arg1, %mul3A_1 : i32
    %add3A_3 = arith.constant 0 : i32
    %add3A_4 = arith.addi %mul3A_2, %add3A_3 : i32
    "tpu.region"() ({
      %run_scoped3A = tpu.sem_alloc : memref<!tpu.dma_semaphore, #tpu.memory_space<semaphore_mem>>
      %dma_start3A = arith.constant 0 : i32
      %dma_start3A_31 = tpu.memref_slice %arg7[%add3A_4, %dma_start3A] : memref<10240x128xf32, #tpu.memory_space<vmem_shared>> -> memref<128x128xf32, #tpu.memory_space<vmem_shared>>
      tpu.enqueue_dma source(%arg5 : memref<128x128xf32, #tpu.memory_space<hbm>>) target(%dma_start3A_31 : memref<128x128xf32, #tpu.memory_space<vmem_shared>>) target_semaphore(%run_scoped3A : memref<!tpu.dma_semaphore, #tpu.memory_space<semaphore_mem>>)
      %dma_wait3A = arith.constant 0 : i32
      %dma_wait3A_32 = tpu.memref_slice %arg7[%add3A_4, %dma_wait3A] : memref<10240x128xf32, #tpu.memory_space<vmem_shared>> -> memref<128x128xf32, #tpu.memory_space<vmem_shared>>
      tpu.wait_dma2 semaphore(%run_scoped3A : memref<!tpu.dma_semaphore, #tpu.memory_space<semaphore_mem>>) src(%arg5 : memref<128x128xf32, #tpu.memory_space<hbm>>) dst(%dma_wait3A_32 : memref<128x128xf32, #tpu.memory_space<vmem_shared>>)
      tpu.yield
    }) : () -> ()
    %mul3A_5 = arith.constant 640 : i32
    %mul3A_6 = arith.muli %arg1, %mul3A_5 : i32
    %add3A_7 = arith.constant 128 : i32
    %add3A_8 = arith.addi %mul3A_6, %add3A_7 : i32
    "tpu.region"() ({
      %run_scoped3A = tpu.sem_alloc : memref<!tpu.dma_semaphore, #tpu.memory_space<semaphore_mem>>
      %dma_start3A = arith.constant 0 : i32
      %dma_start3A_31 = tpu.memref_slice %arg7[%add3A_8, %dma_start3A] : memref<10240x128xf32, #tpu.memory_space<vmem_shared>> -> memref<128x128xf32, #tpu.memory_space<vmem_shared>>
      tpu.enqueue_dma source(%arg5 : memref<128x128xf32, #tpu.memory_space<hbm>>) target(%dma_start3A_31 : memref<128x128xf32, #tpu.memory_space<vmem_shared>>) target_semaphore(%run_scoped3A : memref<!tpu.dma_semaphore, #tpu.memory_space<semaphore_mem>>)
      %dma_wait3A = arith.constant 0 : i32
      %dma_wait3A_32 = tpu.memref_slice %arg7[%add3A_8, %dma_wait3A] : memref<10240x128xf32, #tpu.memory_space<vmem_shared>> -> memref<128x128xf32, #tpu.memory_space<vmem_shared>>
      tpu.wait_dma2 semaphore(%run_scoped3A : memref<!tpu.dma_semaphore, #tpu.memory_space<semaphore_mem>>) src(%arg5 : memref<128x128xf32, #tpu.memory_space<hbm>>) dst(%dma_wait3A_32 : memref<128x128xf32, #tpu.memory_space<vmem_shared>>)
      tpu.yield
    }) : () -> ()
    %mul3A_9 = arith.constant 640 : i32
    %mul3A_10 = arith.muli %arg1, %mul3A_9 : i32
    %add3A_11 = arith.constant 256 : i32
    %add3A_12 = arith.addi %mul3A_10, %add3A_11 : i32
    "tpu.region"() ({
      %run_scoped3A = tpu.sem_alloc : memref<!tpu.dma_semaphore, #tpu.memory_space<semaphore_mem>>
      %dma_start3A = arith.constant 0 : i32
      %dma_start3A_31 = tpu.memref_slice %arg7[%add3A_12, %dma_start3A] : memref<10240x128xf32, #tpu.memory_space<vmem_shared>> -> memref<128x128xf32, #tpu.memory_space<vmem_shared>>
      tpu.enqueue_dma source(%arg5 : memref<128x128xf32, #tpu.memory_space<hbm>>) target(%dma_start3A_31 : memref<128x128xf32, #tpu.memory_space<vmem_shared>>) target_semaphore(%run_scoped3A : memref<!tpu.dma_semaphore, #tpu.memory_space<semaphore_mem>>)
      %dma_wait3A = arith.constant 0 : i32
      %dma_wait3A_32 = tpu.memref_slice %arg7[%add3A_12, %dma_wait3A] : memref<10240x128xf32, #tpu.memory_space<vmem_shared>> -> memref<128x128xf32, #tpu.memory_space<vmem_shared>>
      tpu.wait_dma2 semaphore(%run_scoped3A : memref<!tpu.dma_semaphore, #tpu.memory_space<semaphore_mem>>) src(%arg5 : memref<128x128xf32, #tpu.memory_space<hbm>>) dst(%dma_wait3A_32 : memref<128x128xf32, #tpu.memory_space<vmem_shared>>)
      tpu.yield
    }) : () -> ()
    %mul3A_13 = arith.constant 640 : i32
    %mul3A_14 = arith.muli %arg1, %mul3A_13 : i32
    %add3A_15 = arith.constant 384 : i32
    %add3A_16 = arith.addi %mul3A_14, %add3A_15 : i32
    "tpu.region"() ({
      %run_scoped3A = tpu.sem_alloc : memref<!tpu.dma_semaphore, #tpu.memory_space<semaphore_mem>>
      %dma_start3A = arith.constant 0 : i32
      %dma_start3A_31 = tpu.memref_slice %arg7[%add3A_16, %dma_start3A] : memref<10240x128xf32, #tpu.memory_space<vmem_shared>> -> memref<128x128xf32, #tpu.memory_space<vmem_shared>>
      tpu.enqueue_dma source(%arg5 : memref<128x128xf32, #tpu.memory_space<hbm>>) target(%dma_start3A_31 : memref<128x128xf32, #tpu.memory_space<vmem_shared>>) target_semaphore(%run_scoped3A : memref<!tpu.dma_semaphore, #tpu.memory_space<semaphore_mem>>)
      %dma_wait3A = arith.constant 0 : i32
      %dma_wait3A_32 = tpu.memref_slice %arg7[%add3A_16, %dma_wait3A] : memref<10240x128xf32, #tpu.memory_space<vmem_shared>> -> memref<128x128xf32, #tpu.memory_space<vmem_shared>>
      tpu.wait_dma2 semaphore(%run_scoped3A : memref<!tpu.dma_semaphore, #tpu.memory_space<semaphore_mem>>) src(%arg5 : memref<128x128xf32, #tpu.memory_space<hbm>>) dst(%dma_wait3A_32 : memref<128x128xf32, #tpu.memory_space<vmem_shared>>)
      tpu.yield
    }) : () -> ()
    %mul3A_17 = arith.constant 640 : i32
    %mul3A_18 = arith.muli %arg1, %mul3A_17 : i32
    %add3A_19 = arith.constant 512 : i32
    %add3A_20 = arith.addi %mul3A_18, %add3A_19 : i32
    "tpu.region"() ({
      %run_scoped3A = tpu.sem_alloc : memref<!tpu.dma_semaphore, #tpu.memory_space<semaphore_mem>>
      %dma_start3A = arith.constant 0 : i32
      %dma_start3A_31 = tpu.memref_slice %arg7[%add3A_20, %dma_start3A] : memref<10240x128xf32, #tpu.memory_space<vmem_shared>> -> memref<128x128xf32, #tpu.memory_space<vmem_shared>>
      tpu.enqueue_dma source(%arg5 : memref<128x128xf32, #tpu.memory_space<hbm>>) target(%dma_start3A_31 : memref<128x128xf32, #tpu.memory_space<vmem_shared>>) target_semaphore(%run_scoped3A : memref<!tpu.dma_semaphore, #tpu.memory_space<semaphore_mem>>)
      %dma_wait3A = arith.constant 0 : i32
      %dma_wait3A_32 = tpu.memref_slice %arg7[%add3A_20, %dma_wait3A] : memref<10240x128xf32, #tpu.memory_space<vmem_shared>> -> memref<128x128xf32, #tpu.memory_space<vmem_shared>>
      tpu.wait_dma2 semaphore(%run_scoped3A : memref<!tpu.dma_semaphore, #tpu.memory_space<semaphore_mem>>) src(%arg5 : memref<128x128xf32, #tpu.memory_space<hbm>>) dst(%dma_wait3A_32 : memref<128x128xf32, #tpu.memory_space<vmem_shared>>)
      tpu.yield
    }) : () -> ()
    %barrier3A = arith.constant 0 : index
    tpu.barrier barrier_id(%barrier3A)
    %scan3A = arith.constant 0 : i32
    %scan3A_21 = arith.constant 0 : i32
    %scan3A_22 = arith.constant 79 : i32
    %scan3A_23 = arith.addi %scan3A_21, %scan3A_22 : i32
    %scan3A_24 = arith.constant 1 : i32
    scf.for %scan3A_31 = %scan3A_21 to %scan3A_23 step %scan3A_24  : i32 {
      %mul3A_32 = arith.constant 10112 : i32
      %mul3A_33 = arith.muli %add3A, %mul3A_32 : i32
      %mul3A_34 = arith.constant 128 : i32
      %mul3A_35 = arith.muli %scan3A_31, %mul3A_34 : i32
      %add3A_36 = arith.addi %mul3A_33, %mul3A_35 : i32
      %multiple_of3A = tpu.assume_multiple %add3A_36, 128 : i32
      "tpu.region"() ({
        %run_scoped3A = tpu.sem_alloc : memref<!tpu.dma_semaphore, #tpu.memory_space<semaphore_mem>>
        %dma_start3A_41 = tpu.memref_slice %arg3[%multiple_of3A] : memref<323584xi32, #tpu.memory_space<hbm>> -> memref<128xi32, #tpu.memory_space<hbm>>
        %dma_start3A_42 = tpu.memref_slice %arg3[%multiple_of3A] : memref<323584xi32, #tpu.memory_space<hbm>> -> memref<128xi32, #tpu.memory_space<hbm>>
        tpu.enqueue_dma source(%dma_start3A_42 : memref<128xi32, #tpu.memory_space<hbm>>) target(%arg8 : memref<128xi32, #tpu.memory_space<vmem>>) target_semaphore(%run_scoped3A : memref<!tpu.dma_semaphore, #tpu.memory_space<semaphore_mem>>)
        %dma_wait3A_43 = tpu.memref_slice %arg3[%multiple_of3A] : memref<323584xi32, #tpu.memory_space<hbm>> -> memref<128xi32, #tpu.memory_space<hbm>>
        %dma_wait3A_44 = tpu.memref_slice %arg3[%multiple_of3A] : memref<323584xi32, #tpu.memory_space<hbm>> -> memref<128xi32, #tpu.memory_space<hbm>>
        tpu.wait_dma2 semaphore(%run_scoped3A : memref<!tpu.dma_semaphore, #tpu.memory_space<semaphore_mem>>) src(%dma_wait3A_44 : memref<128xi32, #tpu.memory_space<hbm>>) dst(%arg8 : memref<128xi32, #tpu.memory_space<vmem>>)
        tpu.yield
      }) : () -> ()
      "tpu.region"() ({
        %run_scoped3A = tpu.sem_alloc : memref<!tpu.dma_semaphore, #tpu.memory_space<semaphore_mem>>
        %dma_start3A_41 = tpu.memref_slice %arg4[%multiple_of3A] : memref<323584xi32, #tpu.memory_space<hbm>> -> memref<128xi32, #tpu.memory_space<hbm>>
        %dma_start3A_42 = tpu.memref_slice %arg4[%multiple_of3A] : memref<323584xi32, #tpu.memory_space<hbm>> -> memref<128xi32, #tpu.memory_space<hbm>>
        tpu.enqueue_dma source(%dma_start3A_42 : memref<128xi32, #tpu.memory_space<hbm>>) target(%arg9 : memref<128xi32, #tpu.memory_space<vmem>>) target_semaphore(%run_scoped3A : memref<!tpu.dma_semaphore, #tpu.memory_space<semaphore_mem>>)
        %dma_wait3A_43 = tpu.memref_slice %arg4[%multiple_of3A] : memref<323584xi32, #tpu.memory_space<hbm>> -> memref<128xi32, #tpu.memory_space<hbm>>
        %dma_wait3A_44 = tpu.memref_slice %arg4[%multiple_of3A] : memref<323584xi32, #tpu.memory_space<hbm>> -> memref<128xi32, #tpu.memory_space<hbm>>
        tpu.wait_dma2 semaphore(%run_scoped3A : memref<!tpu.dma_semaphore, #tpu.memory_space<semaphore_mem>>) src(%dma_wait3A_44 : memref<128xi32, #tpu.memory_space<hbm>>) dst(%arg9 : memref<128xi32, #tpu.memory_space<vmem>>)
        tpu.yield
      }) : () -> ()
      %dma_start3A = arith.constant 0 : i32
      %dma_start3A_37 = arith.constant 0 : i32
      %dma_start3A_38 = tpu.memref_slice %arg2[%dma_start3A, %dma_start3A_37] : memref<40960x128xf32, #tpu.memory_space<hbm>> -> memref<40960x128xf32, #tpu.memory_space<hbm>>
      tpu.enqueue_indirect_dma source(%dma_start3A_38 : memref<40960x128xf32, #tpu.memory_space<hbm>>) target(%arg10 : memref<128x128xf32, #tpu.memory_space<vmem>>) offsets(%arg8 : memref<128xi32, #tpu.memory_space<vmem>>) semaphore(%arg11 : memref<!tpu.dma_semaphore, #tpu.memory_space<semaphore_mem>>)
      %dma_wait3A = arith.constant 0 : i32
      %dma_wait3A_39 = arith.constant 0 : i32
      %dma_wait3A_40 = tpu.memref_slice %arg2[%dma_wait3A, %dma_wait3A_39] : memref<40960x128xf32, #tpu.memory_space<hbm>> -> memref<40960x128xf32, #tpu.memory_space<hbm>>
      tpu.wait_indirect_dma semaphore(%arg11 : memref<!tpu.dma_semaphore, #tpu.memory_space<semaphore_mem>>) src(%dma_wait3A_40 : memref<40960x128xf32, #tpu.memory_space<hbm>>) dst(%arg10 : memref<128x128xf32, #tpu.memory_space<vmem>>)
      "tpu.region"() ({
        %run_scoped3A = tpu.sem_alloc : memref<!tpu.dma_semaphore, #tpu.memory_space<semaphore_mem>>
        %dma_start3A_41 = arith.constant 0 : i32
        %dma_start3A_42 = arith.constant 0 : i32
        %dma_start3A_43 = tpu.memref_slice %arg7[%dma_start3A_41, %dma_start3A_42] : memref<10240x128xf32, #tpu.memory_space<vmem_shared>> -> memref<10240x128xf32, #tpu.memory_space<vmem_shared>>
        tpu.enqueue_indirect_dma source(%arg10 : memref<128x128xf32, #tpu.memory_space<vmem>>) target(%dma_start3A_43 : memref<10240x128xf32, #tpu.memory_space<vmem_shared>>) offsets(%arg9 : memref<128xi32, #tpu.memory_space<vmem>>) semaphore(%run_scoped3A : memref<!tpu.dma_semaphore, #tpu.memory_space<semaphore_mem>>) {add = true}
        %dma_wait3A_44 = arith.constant 0 : i32
        %dma_wait3A_45 = arith.constant 0 : i32
        %dma_wait3A_46 = tpu.memref_slice %arg7[%dma_wait3A_44, %dma_wait3A_45] : memref<10240x128xf32, #tpu.memory_space<vmem_shared>> -> memref<10240x128xf32, #tpu.memory_space<vmem_shared>>
        tpu.wait_indirect_dma semaphore(%run_scoped3A : memref<!tpu.dma_semaphore, #tpu.memory_space<semaphore_mem>>) src(%arg10 : memref<128x128xf32, #tpu.memory_space<vmem>>) dst(%dma_wait3A_46 : memref<10240x128xf32, #tpu.memory_space<vmem_shared>>)
        tpu.yield
      }) : () -> ()
    }
    %scan3A_25 = arith.constant 79 : i32
    %barrier3A_26 = arith.constant 0 : index
    tpu.barrier barrier_id(%barrier3A_26)
    %mul3A_27 = arith.constant 640 : i32
    %mul3A_28 = arith.muli %arg1, %mul3A_27 : i32
    %mul3A_29 = arith.constant 640 : i32
    %mul3A_30 = arith.muli %arg1, %mul3A_29 : i32
    "tpu.region"() ({
      %run_scoped3A = tpu.sem_alloc : memref<!tpu.dma_semaphore, #tpu.memory_space<semaphore_mem>>
      %dma_start3A = arith.constant 0 : i32
      %dma_start3A_31 = tpu.memref_slice %arg6[%arg0, %mul3A_30, %dma_start3A] : memref<2x10240x128xf32, #tpu.memory_space<hbm>> -> memref<1x640x128xf32, #tpu.memory_space<hbm>>
      %dma_start3A_32 = tpu.memref_squeeze %dma_start3A_31 : memref<1x640x128xf32, #tpu.memory_space<hbm>> -> memref<640x128xf32, #tpu.memory_space<hbm>>
      %dma_start3A_33 = arith.constant 0 : i32
      %dma_start3A_34 = tpu.memref_slice %arg7[%mul3A_28, %dma_start3A_33] : memref<10240x128xf32, #tpu.memory_space<vmem_shared>> -> memref<640x128xf32, #tpu.memory_space<vmem_shared>>
      tpu.enqueue_dma source(%dma_start3A_34 : memref<640x128xf32, #tpu.memory_space<vmem_shared>>) target(%dma_start3A_32 : memref<640x128xf32, #tpu.memory_space<hbm>>) target_semaphore(%run_scoped3A : memref<!tpu.dma_semaphore, #tpu.memory_space<semaphore_mem>>)
      %dma_wait3A = arith.constant 0 : i32
      %dma_wait3A_35 = tpu.memref_slice %arg6[%arg0, %mul3A_30, %dma_wait3A] : memref<2x10240x128xf32, #tpu.memory_space<hbm>> -> memref<1x640x128xf32, #tpu.memory_space<hbm>>
      %dma_wait3A_36 = tpu.memref_squeeze %dma_wait3A_35 : memref<1x640x128xf32, #tpu.memory_space<hbm>> -> memref<640x128xf32, #tpu.memory_space<hbm>>
      %dma_wait3A_37 = arith.constant 0 : i32
      %dma_wait3A_38 = tpu.memref_slice %arg7[%mul3A_28, %dma_wait3A_37] : memref<10240x128xf32, #tpu.memory_space<vmem_shared>> -> memref<640x128xf32, #tpu.memory_space<vmem_shared>>
      tpu.wait_dma2 semaphore(%run_scoped3A : memref<!tpu.dma_semaphore, #tpu.memory_space<semaphore_mem>>) src(%dma_wait3A_38 : memref<640x128xf32, #tpu.memory_space<vmem_shared>>) dst(%dma_wait3A_36 : memref<640x128xf32, #tpu.memory_space<hbm>>)
      tpu.yield
    }) : () -> ()
    return
  }
}

#map = affine_map<(d0, d1) -> (0, 0)>
#map1 = affine_map<(d0, d1) -> (0)>
#map2 = affine_map<(d0, d1) -> (0, 0, 0)>
module attributes {stable_mosaic.version = 14 : i64} {
  func.func @_sc_body(%arg0: i32, %arg1: i32, %arg2: memref<40960x128xf32, #tpu.memory_space<hbm>>, %arg3: memref<323584xi32, #tpu.memory_space<hbm>>, %arg4: memref<323584xi32, #tpu.memory_space<hbm>>, %arg5: memref<128x128xf32, #tpu.memory_space<hbm>>, %arg6: memref<2x10240x128xf32, #tpu.memory_space<hbm>>, %arg7: memref<10240x128xf32, #tpu.memory_space<vmem_shared>>, %arg8: memref<128xi32, #tpu.memory_space<vmem>>, %arg9: memref<128xi32, #tpu.memory_space<vmem>>, %arg10: memref<128x128xf32, #tpu.memory_space<vmem>>, %arg11: memref<!tpu.dma_semaphore, #tpu.memory_space<semaphore_mem>>) attributes {dimension_semantics = [#tpu.dimension_semantics<core_parallel>, #tpu.dimension_semantics<subcore_parallel>], iteration_bounds = array<i64: 2, 16>, scalar_prefetch = 0 : i64, scratch_operands = 5 : i64, tpu.core_type = #tpu.core_type<sc_vector_subcore>, window_params = [{transform_indices = #map}, {transform_indices = #map1}, {transform_indices = #map1}, {transform_indices = #map}, {transform_indices = #map2}]} {
    %mul3A = arith.constant 16 : i32
    %mul3A_0 = arith.muli %arg0, %mul3A : i32
    %add3A = arith.addi %mul3A_0, %arg1 : i32
    %mul3A_1 = arith.constant 640 : i32
    %mul3A_2 = arith.muli %arg1, %mul3A_1 : i32
    %add3A_3 = arith.constant 0 : i32
    %add3A_4 = arith.addi %mul3A_2, %add3A_3 : i32
    "tpu.region"() ({
      %run_scoped3A = tpu.sem_alloc : memref<!tpu.dma_semaphore, #tpu.memory_space<semaphore_mem>>
      %dma_start3A = arith.constant 0 : i32
      %dma_start3A_31 = tpu.memref_slice %arg7[%add3A_4, %dma_start3A] : memref<10240x128xf32, #tpu.memory_space<vmem_shared>> -> memref<128x128xf32, #tpu.memory_space<vmem_shared>>
      tpu.enqueue_dma source(%arg5 : memref<128x128xf32, #tpu.memory_space<hbm>>) target(%dma_start3A_31 : memref<128x128xf32, #tpu.memory_space<vmem_shared>>) target_semaphore(%run_scoped3A : memref<!tpu.dma_semaphore, #tpu.memory_space<semaphore_mem>>)
      %dma_wait3A = arith.constant 0 : i32
      %dma_wait3A_32 = tpu.memref_slice %arg7[%add3A_4, %dma_wait3A] : memref<10240x128xf32, #tpu.memory_space<vmem_shared>> -> memref<128x128xf32, #tpu.memory_space<vmem_shared>>
      tpu.wait_dma2 semaphore(%run_scoped3A : memref<!tpu.dma_semaphore, #tpu.memory_space<semaphore_mem>>) src(%arg5 : memref<128x128xf32, #tpu.memory_space<hbm>>) dst(%dma_wait3A_32 : memref<128x128xf32, #tpu.memory_space<vmem_shared>>)
      tpu.yield
    }) : () -> ()
    %mul3A_5 = arith.constant 640 : i32
    %mul3A_6 = arith.muli %arg1, %mul3A_5 : i32
    %add3A_7 = arith.constant 128 : i32
    %add3A_8 = arith.addi %mul3A_6, %add3A_7 : i32
    "tpu.region"() ({
      %run_scoped3A = tpu.sem_alloc : memref<!tpu.dma_semaphore, #tpu.memory_space<semaphore_mem>>
      %dma_start3A = arith.constant 0 : i32
      %dma_start3A_31 = tpu.memref_slice %arg7[%add3A_8, %dma_start3A] : memref<10240x128xf32, #tpu.memory_space<vmem_shared>> -> memref<128x128xf32, #tpu.memory_space<vmem_shared>>
      tpu.enqueue_dma source(%arg5 : memref<128x128xf32, #tpu.memory_space<hbm>>) target(%dma_start3A_31 : memref<128x128xf32, #tpu.memory_space<vmem_shared>>) target_semaphore(%run_scoped3A : memref<!tpu.dma_semaphore, #tpu.memory_space<semaphore_mem>>)
      %dma_wait3A = arith.constant 0 : i32
      %dma_wait3A_32 = tpu.memref_slice %arg7[%add3A_8, %dma_wait3A] : memref<10240x128xf32, #tpu.memory_space<vmem_shared>> -> memref<128x128xf32, #tpu.memory_space<vmem_shared>>
      tpu.wait_dma2 semaphore(%run_scoped3A : memref<!tpu.dma_semaphore, #tpu.memory_space<semaphore_mem>>) src(%arg5 : memref<128x128xf32, #tpu.memory_space<hbm>>) dst(%dma_wait3A_32 : memref<128x128xf32, #tpu.memory_space<vmem_shared>>)
      tpu.yield
    }) : () -> ()
    %mul3A_9 = arith.constant 640 : i32
    %mul3A_10 = arith.muli %arg1, %mul3A_9 : i32
    %add3A_11 = arith.constant 256 : i32
    %add3A_12 = arith.addi %mul3A_10, %add3A_11 : i32
    "tpu.region"() ({
      %run_scoped3A = tpu.sem_alloc : memref<!tpu.dma_semaphore, #tpu.memory_space<semaphore_mem>>
      %dma_start3A = arith.constant 0 : i32
      %dma_start3A_31 = tpu.memref_slice %arg7[%add3A_12, %dma_start3A] : memref<10240x128xf32, #tpu.memory_space<vmem_shared>> -> memref<128x128xf32, #tpu.memory_space<vmem_shared>>
      tpu.enqueue_dma source(%arg5 : memref<128x128xf32, #tpu.memory_space<hbm>>) target(%dma_start3A_31 : memref<128x128xf32, #tpu.memory_space<vmem_shared>>) target_semaphore(%run_scoped3A : memref<!tpu.dma_semaphore, #tpu.memory_space<semaphore_mem>>)
      %dma_wait3A = arith.constant 0 : i32
      %dma_wait3A_32 = tpu.memref_slice %arg7[%add3A_12, %dma_wait3A] : memref<10240x128xf32, #tpu.memory_space<vmem_shared>> -> memref<128x128xf32, #tpu.memory_space<vmem_shared>>
      tpu.wait_dma2 semaphore(%run_scoped3A : memref<!tpu.dma_semaphore, #tpu.memory_space<semaphore_mem>>) src(%arg5 : memref<128x128xf32, #tpu.memory_space<hbm>>) dst(%dma_wait3A_32 : memref<128x128xf32, #tpu.memory_space<vmem_shared>>)
      tpu.yield
    }) : () -> ()
    %mul3A_13 = arith.constant 640 : i32
    %mul3A_14 = arith.muli %arg1, %mul3A_13 : i32
    %add3A_15 = arith.constant 384 : i32
    %add3A_16 = arith.addi %mul3A_14, %add3A_15 : i32
    "tpu.region"() ({
      %run_scoped3A = tpu.sem_alloc : memref<!tpu.dma_semaphore, #tpu.memory_space<semaphore_mem>>
      %dma_start3A = arith.constant 0 : i32
      %dma_start3A_31 = tpu.memref_slice %arg7[%add3A_16, %dma_start3A] : memref<10240x128xf32, #tpu.memory_space<vmem_shared>> -> memref<128x128xf32, #tpu.memory_space<vmem_shared>>
      tpu.enqueue_dma source(%arg5 : memref<128x128xf32, #tpu.memory_space<hbm>>) target(%dma_start3A_31 : memref<128x128xf32, #tpu.memory_space<vmem_shared>>) target_semaphore(%run_scoped3A : memref<!tpu.dma_semaphore, #tpu.memory_space<semaphore_mem>>)
      %dma_wait3A = arith.constant 0 : i32
      %dma_wait3A_32 = tpu.memref_slice %arg7[%add3A_16, %dma_wait3A] : memref<10240x128xf32, #tpu.memory_space<vmem_shared>> -> memref<128x128xf32, #tpu.memory_space<vmem_shared>>
      tpu.wait_dma2 semaphore(%run_scoped3A : memref<!tpu.dma_semaphore, #tpu.memory_space<semaphore_mem>>) src(%arg5 : memref<128x128xf32, #tpu.memory_space<hbm>>) dst(%dma_wait3A_32 : memref<128x128xf32, #tpu.memory_space<vmem_shared>>)
      tpu.yield
    }) : () -> ()
    %mul3A_17 = arith.constant 640 : i32
    %mul3A_18 = arith.muli %arg1, %mul3A_17 : i32
    %add3A_19 = arith.constant 512 : i32
    %add3A_20 = arith.addi %mul3A_18, %add3A_19 : i32
    "tpu.region"() ({
      %run_scoped3A = tpu.sem_alloc : memref<!tpu.dma_semaphore, #tpu.memory_space<semaphore_mem>>
      %dma_start3A = arith.constant 0 : i32
      %dma_start3A_31 = tpu.memref_slice %arg7[%add3A_20, %dma_start3A] : memref<10240x128xf32, #tpu.memory_space<vmem_shared>> -> memref<128x128xf32, #tpu.memory_space<vmem_shared>>
      tpu.enqueue_dma source(%arg5 : memref<128x128xf32, #tpu.memory_space<hbm>>) target(%dma_start3A_31 : memref<128x128xf32, #tpu.memory_space<vmem_shared>>) target_semaphore(%run_scoped3A : memref<!tpu.dma_semaphore, #tpu.memory_space<semaphore_mem>>)
      %dma_wait3A = arith.constant 0 : i32
      %dma_wait3A_32 = tpu.memref_slice %arg7[%add3A_20, %dma_wait3A] : memref<10240x128xf32, #tpu.memory_space<vmem_shared>> -> memref<128x128xf32, #tpu.memory_space<vmem_shared>>
      tpu.wait_dma2 semaphore(%run_scoped3A : memref<!tpu.dma_semaphore, #tpu.memory_space<semaphore_mem>>) src(%arg5 : memref<128x128xf32, #tpu.memory_space<hbm>>) dst(%dma_wait3A_32 : memref<128x128xf32, #tpu.memory_space<vmem_shared>>)
      tpu.yield
    }) : () -> ()
    %barrier3A = arith.constant 0 : index
    tpu.barrier barrier_id(%barrier3A)
    %scan3A = arith.constant 0 : i32
    %scan3A_21 = arith.constant 0 : i32
    %scan3A_22 = arith.constant 79 : i32
    %scan3A_23 = arith.addi %scan3A_21, %scan3A_22 : i32
    %scan3A_24 = arith.constant 1 : i32
    scf.for %scan3A_31 = %scan3A_21 to %scan3A_23 step %scan3A_24  : i32 {
      %mul3A_32 = arith.constant 10112 : i32
      %mul3A_33 = arith.muli %add3A, %mul3A_32 : i32
      %mul3A_34 = arith.constant 128 : i32
      %mul3A_35 = arith.muli %scan3A_31, %mul3A_34 : i32
      %add3A_36 = arith.addi %mul3A_33, %mul3A_35 : i32
      %multiple_of3A = tpu.assume_multiple %add3A_36, 128 : i32
      "tpu.region"() ({
        %run_scoped3A = tpu.sem_alloc : memref<!tpu.dma_semaphore, #tpu.memory_space<semaphore_mem>>
        %dma_start3A_41 = tpu.memref_slice %arg3[%multiple_of3A] : memref<323584xi32, #tpu.memory_space<hbm>> -> memref<128xi32, #tpu.memory_space<hbm>>
        %dma_start3A_42 = tpu.memref_slice %arg3[%multiple_of3A] : memref<323584xi32, #tpu.memory_space<hbm>> -> memref<128xi32, #tpu.memory_space<hbm>>
        tpu.enqueue_dma source(%dma_start3A_42 : memref<128xi32, #tpu.memory_space<hbm>>) target(%arg8 : memref<128xi32, #tpu.memory_space<vmem>>) target_semaphore(%run_scoped3A : memref<!tpu.dma_semaphore, #tpu.memory_space<semaphore_mem>>)
        %dma_wait3A_43 = tpu.memref_slice %arg3[%multiple_of3A] : memref<323584xi32, #tpu.memory_space<hbm>> -> memref<128xi32, #tpu.memory_space<hbm>>
        %dma_wait3A_44 = tpu.memref_slice %arg3[%multiple_of3A] : memref<323584xi32, #tpu.memory_space<hbm>> -> memref<128xi32, #tpu.memory_space<hbm>>
        tpu.wait_dma2 semaphore(%run_scoped3A : memref<!tpu.dma_semaphore, #tpu.memory_space<semaphore_mem>>) src(%dma_wait3A_44 : memref<128xi32, #tpu.memory_space<hbm>>) dst(%arg8 : memref<128xi32, #tpu.memory_space<vmem>>)
        tpu.yield
      }) : () -> ()
      "tpu.region"() ({
        %run_scoped3A = tpu.sem_alloc : memref<!tpu.dma_semaphore, #tpu.memory_space<semaphore_mem>>
        %dma_start3A_41 = tpu.memref_slice %arg4[%multiple_of3A] : memref<323584xi32, #tpu.memory_space<hbm>> -> memref<128xi32, #tpu.memory_space<hbm>>
        %dma_start3A_42 = tpu.memref_slice %arg4[%multiple_of3A] : memref<323584xi32, #tpu.memory_space<hbm>> -> memref<128xi32, #tpu.memory_space<hbm>>
        tpu.enqueue_dma source(%dma_start3A_42 : memref<128xi32, #tpu.memory_space<hbm>>) target(%arg9 : memref<128xi32, #tpu.memory_space<vmem>>) target_semaphore(%run_scoped3A : memref<!tpu.dma_semaphore, #tpu.memory_space<semaphore_mem>>)
        %dma_wait3A_43 = tpu.memref_slice %arg4[%multiple_of3A] : memref<323584xi32, #tpu.memory_space<hbm>> -> memref<128xi32, #tpu.memory_space<hbm>>
        %dma_wait3A_44 = tpu.memref_slice %arg4[%multiple_of3A] : memref<323584xi32, #tpu.memory_space<hbm>> -> memref<128xi32, #tpu.memory_space<hbm>>
        tpu.wait_dma2 semaphore(%run_scoped3A : memref<!tpu.dma_semaphore, #tpu.memory_space<semaphore_mem>>) src(%dma_wait3A_44 : memref<128xi32, #tpu.memory_space<hbm>>) dst(%arg9 : memref<128xi32, #tpu.memory_space<vmem>>)
        tpu.yield
      }) : () -> ()
      %dma_start3A = arith.constant 0 : i32
      %dma_start3A_37 = arith.constant 0 : i32
      %dma_start3A_38 = tpu.memref_slice %arg2[%dma_start3A, %dma_start3A_37] : memref<40960x128xf32, #tpu.memory_space<hbm>> -> memref<40960x128xf32, #tpu.memory_space<hbm>>
      tpu.enqueue_indirect_dma source(%dma_start3A_38 : memref<40960x128xf32, #tpu.memory_space<hbm>>) target(%arg10 : memref<128x128xf32, #tpu.memory_space<vmem>>) offsets(%arg8 : memref<128xi32, #tpu.memory_space<vmem>>) semaphore(%arg11 : memref<!tpu.dma_semaphore, #tpu.memory_space<semaphore_mem>>)
      %dma_wait3A = arith.constant 0 : i32
      %dma_wait3A_39 = arith.constant 0 : i32
      %dma_wait3A_40 = tpu.memref_slice %arg2[%dma_wait3A, %dma_wait3A_39] : memref<40960x128xf32, #tpu.memory_space<hbm>> -> memref<40960x128xf32, #tpu.memory_space<hbm>>
      tpu.wait_indirect_dma semaphore(%arg11 : memref<!tpu.dma_semaphore, #tpu.memory_space<semaphore_mem>>) src(%dma_wait3A_40 : memref<40960x128xf32, #tpu.memory_space<hbm>>) dst(%arg10 : memref<128x128xf32, #tpu.memory_space<vmem>>)
      "tpu.region"() ({
        %run_scoped3A = tpu.sem_alloc : memref<!tpu.dma_semaphore, #tpu.memory_space<semaphore_mem>>
        %dma_start3A_41 = arith.constant 0 : i32
        %dma_start3A_42 = arith.constant 0 : i32
        %dma_start3A_43 = tpu.memref_slice %arg7[%dma_start3A_41, %dma_start3A_42] : memref<10240x128xf32, #tpu.memory_space<vmem_shared>> -> memref<10240x128xf32, #tpu.memory_space<vmem_shared>>
        tpu.enqueue_indirect_dma source(%arg10 : memref<128x128xf32, #tpu.memory_space<vmem>>) target(%dma_start3A_43 : memref<10240x128xf32, #tpu.memory_space<vmem_shared>>) offsets(%arg9 : memref<128xi32, #tpu.memory_space<vmem>>) semaphore(%run_scoped3A : memref<!tpu.dma_semaphore, #tpu.memory_space<semaphore_mem>>) {add = true}
        %dma_wait3A_44 = arith.constant 0 : i32
        %dma_wait3A_45 = arith.constant 0 : i32
        %dma_wait3A_46 = tpu.memref_slice %arg7[%dma_wait3A_44, %dma_wait3A_45] : memref<10240x128xf32, #tpu.memory_space<vmem_shared>> -> memref<10240x128xf32, #tpu.memory_space<vmem_shared>>
        tpu.wait_indirect_dma semaphore(%run_scoped3A : memref<!tpu.dma_semaphore, #tpu.memory_space<semaphore_mem>>) src(%arg10 : memref<128x128xf32, #tpu.memory_space<vmem>>) dst(%dma_wait3A_46 : memref<10240x128xf32, #tpu.memory_space<vmem_shared>>)
        tpu.yield
      }) : () -> ()
    }
    %scan3A_25 = arith.constant 79 : i32
    %barrier3A_26 = arith.constant 0 : index
    tpu.barrier barrier_id(%barrier3A_26)
    %mul3A_27 = arith.constant 640 : i32
    %mul3A_28 = arith.muli %arg1, %mul3A_27 : i32
    %mul3A_29 = arith.constant 640 : i32
    %mul3A_30 = arith.muli %arg1, %mul3A_29 : i32
    "tpu.region"() ({
      %run_scoped3A = tpu.sem_alloc : memref<!tpu.dma_semaphore, #tpu.memory_space<semaphore_mem>>
      %dma_start3A = arith.constant 0 : i32
      %dma_start3A_31 = tpu.memref_slice %arg6[%arg0, %mul3A_30, %dma_start3A] : memref<2x10240x128xf32, #tpu.memory_space<hbm>> -> memref<1x640x128xf32, #tpu.memory_space<hbm>>
      %dma_start3A_32 = tpu.memref_squeeze %dma_start3A_31 : memref<1x640x128xf32, #tpu.memory_space<hbm>> -> memref<640x128xf32, #tpu.memory_space<hbm>>
      %dma_start3A_33 = arith.constant 0 : i32
      %dma_start3A_34 = tpu.memref_slice %arg7[%mul3A_28, %dma_start3A_33] : memref<10240x128xf32, #tpu.memory_space<vmem_shared>> -> memref<640x128xf32, #tpu.memory_space<vmem_shared>>
      tpu.enqueue_dma source(%dma_start3A_34 : memref<640x128xf32, #tpu.memory_space<vmem_shared>>) target(%dma_start3A_32 : memref<640x128xf32, #tpu.memory_space<hbm>>) target_semaphore(%run_scoped3A : memref<!tpu.dma_semaphore, #tpu.memory_space<semaphore_mem>>)
      %dma_wait3A = arith.constant 0 : i32
      %dma_wait3A_35 = tpu.memref_slice %arg6[%arg0, %mul3A_30, %dma_wait3A] : memref<2x10240x128xf32, #tpu.memory_space<hbm>> -> memref<1x640x128xf32, #tpu.memory_space<hbm>>
      %dma_wait3A_36 = tpu.memref_squeeze %dma_wait3A_35 : memref<1x640x128xf32, #tpu.memory_space<hbm>> -> memref<640x128xf32, #tpu.memory_space<hbm>>
      %dma_wait3A_37 = arith.constant 0 : i32
      %dma_wait3A_38 = tpu.memref_slice %arg7[%mul3A_28, %dma_wait3A_37] : memref<10240x128xf32, #tpu.memory_space<vmem_shared>> -> memref<640x128xf32, #tpu.memory_space<vmem_shared>>
      tpu.wait_dma2 semaphore(%run_scoped3A : memref<!tpu.dma_semaphore, #tpu.memory_space<semaphore_mem>>) src(%dma_wait3A_38 : memref<640x128xf32, #tpu.memory_space<vmem_shared>>) dst(%dma_wait3A_36 : memref<640x128xf32, #tpu.memory_space<hbm>>)
      tpu.yield
    }) : () -> ()
    return
  }
}

module attributes {stable_mosaic.version = 14 : i64} {
  func.func @_prep_body(%arg0: i32, %arg1: memref<1024x128xf32, #tpu.memory_space<vmem>>, %arg2: memref<128x512xf32, #tpu.memory_space<vmem>>, %arg3: memref<1x512xf32, #tpu.memory_space<vmem>>, %arg4: memref<1024x512xf32, #tpu.memory_space<vmem>>) attributes {dimension_semantics = [#tpu.dimension_semantics<arbitrary>], iteration_bounds = array<i64: 10>, scalar_prefetch = 0 : i64, scratch_operands = 0 : i64, tpu.core_type = #tpu.core_type<tc>, window_params = [{transform_indices = @transform_0, window_bounds = array<i64: 1024, 128>}, {pipeline_mode = #tpu.pipeline_mode<synchronous>, transform_indices = @transform_1, window_bounds = array<i64: 128, 512>}, {pipeline_mode = #tpu.pipeline_mode<synchronous>, transform_indices = @transform_2, window_bounds = array<i64: 1, 512>}, {transform_indices = @transform_3, window_bounds = array<i64: 1024, 512>}]} {
    %get3A = arith.constant 0 : index
    %get3A_0 = arith.constant 0 : index
    %get3A_1 = vector.load %arg1[%get3A, %get3A_0] : memref<1024x128xf32, #tpu.memory_space<vmem>>, vector<1024x128xf32>
    %get3A_2 = arith.constant 0 : index
    %get3A_3 = arith.constant 0 : index
    %get3A_4 = vector.load %arg2[%get3A_2, %get3A_3] : memref<128x512xf32, #tpu.memory_space<vmem>>, vector<128x512xf32>
    %dot_general3A = arith.constant dense<0.000000e+00> : vector<1024x512xf32>
    %dot_general3A_5 = tpu.matmul %get3A_1, %get3A_4, %dot_general3A {dimension_numbers = #tpu.dot_dimension_numbers<[1], [0], [0], [1], [0, 0, 1, 1], [], []>, transpose_lhs_hint = false} : vector<1024x128xf32>, vector<128x512xf32>, vector<1024x512xf32> -> vector<1024x512xf32>
    %get3A_6 = arith.constant 0 : index
    %get3A_7 = arith.constant 0 : index
    %get3A_8 = vector.load %arg3[%get3A_6, %get3A_7] : memref<1x512xf32, #tpu.memory_space<vmem>>, vector<1x512xf32>
    %add3A = vector.broadcast %get3A_8 : vector<1x512xf32> to vector<1024x512xf32>
    %add3A_9 = arith.addf %dot_general3A_5, %add3A : vector<1024x512xf32>
    %swap3A = arith.constant 0 : index
    %swap3A_10 = arith.constant 0 : index
    %swap3A_11 = vector.load %arg4[%swap3A, %swap3A_10] : memref<1024x512xf32, #tpu.memory_space<vmem>>, vector<1024x512xf32>
    tpu.vector_store %arg4[%swap3A, %swap3A_10], %add3A_9 {strides = array<i32>} : memref<1024x512xf32, #tpu.memory_space<vmem>>, vector<1024x512xf32>,
    return
  }
  func.func @transform_0(%arg0: i32) -> (i32, i32) {
    %c0_i32 = arith.constant 0 : i32
    %c0_i32_0 = arith.constant 0 : i32
    return %arg0, %c0_i32 : i32, i32
  }
  func.func @transform_1(%arg0: i32) -> (i32, i32) {
    %c0_i32 = arith.constant 0 : i32
    %c0_i32_0 = arith.constant 0 : i32
    %c0_i32_1 = arith.constant 0 : i32
    return %c0_i32, %c0_i32_0 : i32, i32
  }
  func.func @transform_2(%arg0: i32) -> (i32, i32) {
    %c0_i32 = arith.constant 0 : i32
    %c0_i32_0 = arith.constant 0 : i32
    %c0_i32_1 = arith.constant 0 : i32
    return %c0_i32, %c0_i32_0 : i32, i32
  }
  func.func @transform_3(%arg0: i32) -> (i32, i32) {
    %c0_i32 = arith.constant 0 : i32
    %c0_i32_0 = arith.constant 0 : i32
    return %arg0, %c0_i32 : i32, i32
  }
}

module attributes {stable_mosaic.version = 14 : i64} {
  func.func @_step_body(%arg0: i32, %arg1: memref<1024x128xf32, #tpu.memory_space<vmem>>, %arg2: memref<2x1024x128xf32, #tpu.memory_space<vmem>>, %arg3: memref<128x384xf32, #tpu.memory_space<vmem>>, %arg4: memref<128x384xf32, #tpu.memory_space<vmem>>, %arg5: memref<1x384xf32, #tpu.memory_space<vmem>>, %arg6: memref<1x384xf32, #tpu.memory_space<vmem>>, %arg7: memref<128x512xf32, #tpu.memory_space<vmem>>, %arg8: memref<1x512xf32, #tpu.memory_space<vmem>>, %arg9: memref<1024x128xf32, #tpu.memory_space<vmem>>, %arg10: memref<1024x512xf32, #tpu.memory_space<vmem>>) attributes {dimension_semantics = [#tpu.dimension_semantics<arbitrary>], iteration_bounds = array<i64: 10>, scalar_prefetch = 0 : i64, scratch_operands = 0 : i64, tpu.core_type = #tpu.core_type<tc>, window_params = [{transform_indices = @transform_0, window_bounds = array<i64: 1024, 128>}, {transform_indices = @transform_1, window_bounds = array<i64: 2, 1024, 128>}, {pipeline_mode = #tpu.pipeline_mode<synchronous>, transform_indices = @transform_2, window_bounds = array<i64: 128, 384>}, {pipeline_mode = #tpu.pipeline_mode<synchronous>, transform_indices = @transform_3, window_bounds = array<i64: 128, 384>}, {pipeline_mode = #tpu.pipeline_mode<synchronous>, transform_indices = @transform_4, window_bounds = array<i64: 1, 384>}, {pipeline_mode = #tpu.pipeline_mode<synchronous>, transform_indices = @transform_5, window_bounds = array<i64: 1, 384>}, {pipeline_mode = #tpu.pipeline_mode<synchronous>, transform_indices = @transform_6, window_bounds = array<i64: 128, 512>}, {pipeline_mode = #tpu.pipeline_mode<synchronous>, transform_indices = @transform_7, window_bounds = array<i64: 1, 512>}, {transform_indices = @transform_8, window_bounds = array<i64: 1024, 128>}, {transform_indices = @transform_9, window_bounds = array<i64: 1024, 512>}]} {
    %get3A = arith.constant 0 : index
    %get3A_0 = arith.constant 0 : index
    %get3A_1 = arith.constant 0 : index
    %get3A_2 = vector.load %arg2[%get3A, %get3A_0, %get3A_1] : memref<2x1024x128xf32, #tpu.memory_space<vmem>>, vector<1x1024x128xf32>
    %get3A_3 = vector.shape_cast %get3A_2 : vector<1x1024x128xf32> to vector<1024x128xf32>
    %get3A_4 = arith.constant 1 : index
    %get3A_5 = arith.constant 0 : index
    %get3A_6 = arith.constant 0 : index
    %get3A_7 = vector.load %arg2[%get3A_4, %get3A_5, %get3A_6] : memref<2x1024x128xf32, #tpu.memory_space<vmem>>, vector<1x1024x128xf32>
    %get3A_8 = vector.shape_cast %get3A_7 : vector<1x1024x128xf32> to vector<1024x128xf32>
    %add3A = arith.addf %get3A_3, %get3A_8 : vector<1024x128xf32>
    %get3A_9 = arith.constant 0 : index
    %get3A_10 = arith.constant 0 : index
    %get3A_11 = vector.load %arg1[%get3A_9, %get3A_10] : memref<1024x128xf32, #tpu.memory_space<vmem>>, vector<1024x128xf32>
    %get3A_12 = arith.constant 0 : index
    %get3A_13 = arith.constant 0 : index
    %get3A_14 = vector.load %arg3[%get3A_12, %get3A_13] : memref<128x384xf32, #tpu.memory_space<vmem>>, vector<128x384xf32>
    %get3A_15 = arith.constant 0 : index
    %get3A_16 = arith.constant 0 : index
    %get3A_17 = vector.load %arg4[%get3A_15, %get3A_16] : memref<128x384xf32, #tpu.memory_space<vmem>>, vector<128x384xf32>
    %get3A_18 = arith.constant 0 : index
    %get3A_19 = arith.constant 0 : index
    %get3A_20 = vector.load %arg5[%get3A_18, %get3A_19] : memref<1x384xf32, #tpu.memory_space<vmem>>, vector<1x384xf32>
    %get3A_21 = arith.constant 0 : index
    %get3A_22 = arith.constant 0 : index
    %get3A_23 = vector.load %arg6[%get3A_21, %get3A_22] : memref<1x384xf32, #tpu.memory_space<vmem>>, vector<1x384xf32>
    %dot_general3A = arith.constant dense<0.000000e+00> : vector<1024x384xf32>
    %dot_general3A_24 = tpu.matmul %add3A, %get3A_14, %dot_general3A {dimension_numbers = #tpu.dot_dimension_numbers<[1], [0], [0], [1], [0, 0, 1, 1], [], []>, transpose_lhs_hint = false} : vector<1024x128xf32>, vector<128x384xf32>, vector<1024x384xf32> -> vector<1024x384xf32>
    %add3A_25 = vector.broadcast %get3A_20 : vector<1x384xf32> to vector<1024x384xf32>
    %add3A_26 = arith.addf %dot_general3A_24, %add3A_25 : vector<1024x384xf32>
    %dot_general3A_27 = arith.constant dense<0.000000e+00> : vector<1024x384xf32>
    %dot_general3A_28 = tpu.matmul %get3A_11, %get3A_17, %dot_general3A_27 {dimension_numbers = #tpu.dot_dimension_numbers<[1], [0], [0], [1], [0, 0, 1, 1], [], []>, transpose_lhs_hint = false} : vector<1024x128xf32>, vector<128x384xf32>, vector<1024x384xf32> -> vector<1024x384xf32>
    %add3A_29 = vector.broadcast %get3A_23 : vector<1x384xf32> to vector<1024x384xf32>
    %add3A_30 = arith.addf %dot_general3A_28, %add3A_29 : vector<1024x384xf32>
    %slice3A = vector.extract_strided_slice %add3A_26 {offsets = [0, 0], sizes = [1024, 128], strides = [1, 1]} : vector<1024x384xf32> to vector<1024x128xf32>
    %slice3A_31 = vector.extract_strided_slice %add3A_30 {offsets = [0, 0], sizes = [1024, 128], strides = [1, 1]} : vector<1024x384xf32> to vector<1024x128xf32>
    %add3A_32 = arith.addf %slice3A, %slice3A_31 : vector<1024x128xf32>
    %logistic3A = arith.negf %add3A_32 : vector<1024x128xf32>
    %logistic3A_33 = math.exp %logistic3A : vector<1024x128xf32>
    %logistic3A_34 = arith.constant 1.000000e+00 : f32
    %logistic3A_35 = vector.broadcast %logistic3A_34 : f32 to vector<1024x128xf32>
    %logistic3A_36 = arith.addf %logistic3A_35, %logistic3A_33 : vector<1024x128xf32>
    %logistic3A_37 = arith.divf %logistic3A_35, %logistic3A_36 : vector<1024x128xf32>
    %slice3A_38 = vector.extract_strided_slice %add3A_26 {offsets = [0, 128], sizes = [1024, 128], strides = [1, 1]} : vector<1024x384xf32> to vector<1024x128xf32>
    %slice3A_39 = vector.extract_strided_slice %add3A_30 {offsets = [0, 128], sizes = [1024, 128], strides = [1, 1]} : vector<1024x384xf32> to vector<1024x128xf32>
    %add3A_40 = arith.addf %slice3A_38, %slice3A_39 : vector<1024x128xf32>
    %logistic3A_41 = arith.negf %add3A_40 : vector<1024x128xf32>
    %logistic3A_42 = math.exp %logistic3A_41 : vector<1024x128xf32>
    %logistic3A_43 = arith.constant 1.000000e+00 : f32
    %logistic3A_44 = vector.broadcast %logistic3A_43 : f32 to vector<1024x128xf32>
    %logistic3A_45 = arith.addf %logistic3A_44, %logistic3A_42 : vector<1024x128xf32>
    %logistic3A_46 = arith.divf %logistic3A_44, %logistic3A_45 : vector<1024x128xf32>
    %slice3A_47 = vector.extract_strided_slice %add3A_26 {offsets = [0, 256], sizes = [1024, 128], strides = [1, 1]} : vector<1024x384xf32> to vector<1024x128xf32>
    %slice3A_48 = vector.extract_strided_slice %add3A_30 {offsets = [0, 256], sizes = [1024, 128], strides = [1, 1]} : vector<1024x384xf32> to vector<1024x128xf32>
    %mul3A = arith.mulf %logistic3A_37, %slice3A_48 : vector<1024x128xf32>
    %add3A_49 = arith.addf %slice3A_47, %mul3A : vector<1024x128xf32>
    %tanh3A = math.tanh %add3A_49 : vector<1024x128xf32>
    %sub3A = arith.constant 1.000000e+00 : f32
    %sub3A_50 = vector.broadcast %sub3A : f32 to vector<1024x128xf32>
    %sub3A_51 = arith.subf %sub3A_50, %logistic3A_46 : vector<1024x128xf32>
    %mul3A_52 = arith.mulf %sub3A_51, %tanh3A : vector<1024x128xf32>
    %mul3A_53 = arith.mulf %logistic3A_46, %get3A_11 : vector<1024x128xf32>
    %add3A_54 = arith.addf %mul3A_52, %mul3A_53 : vector<1024x128xf32>
    %swap3A = arith.constant 0 : index
    %swap3A_55 = arith.constant 0 : index
    %swap3A_56 = vector.load %arg9[%swap3A, %swap3A_55] : memref<1024x128xf32, #tpu.memory_space<vmem>>, vector<1024x128xf32>
    tpu.vector_store %arg9[%swap3A, %swap3A_55], %add3A_54 {strides = array<i32>} : memref<1024x128xf32, #tpu.memory_space<vmem>>, vector<1024x128xf32>,
    %get3A_57 = arith.constant 0 : index
    %get3A_58 = arith.constant 0 : index
    %get3A_59 = vector.load %arg7[%get3A_57, %get3A_58] : memref<128x512xf32, #tpu.memory_space<vmem>>, vector<128x512xf32>
    %dot_general3A_60 = arith.constant dense<0.000000e+00> : vector<1024x512xf32>
    %dot_general3A_61 = tpu.matmul %add3A_54, %get3A_59, %dot_general3A_60 {dimension_numbers = #tpu.dot_dimension_numbers<[1], [0], [0], [1], [0, 0, 1, 1], [], []>, transpose_lhs_hint = false} : vector<1024x128xf32>, vector<128x512xf32>, vector<1024x512xf32> -> vector<1024x512xf32>
    %get3A_62 = arith.constant 0 : index
    %get3A_63 = arith.constant 0 : index
    %get3A_64 = vector.load %arg8[%get3A_62, %get3A_63] : memref<1x512xf32, #tpu.memory_space<vmem>>, vector<1x512xf32>
    %add3A_65 = vector.broadcast %get3A_64 : vector<1x512xf32> to vector<1024x512xf32>
    %add3A_66 = arith.addf %dot_general3A_61, %add3A_65 : vector<1024x512xf32>
    %swap3A_67 = arith.constant 0 : index
    %swap3A_68 = arith.constant 0 : index
    %swap3A_69 = vector.load %arg10[%swap3A_67, %swap3A_68] : memref<1024x512xf32, #tpu.memory_space<vmem>>, vector<1024x512xf32>
    tpu.vector_store %arg10[%swap3A_67, %swap3A_68], %add3A_66 {strides = array<i32>} : memref<1024x512xf32, #tpu.memory_space<vmem>>, vector<1024x512xf32>,
    return
  }
  func.func @transform_0(%arg0: i32) -> (i32, i32) {
    %c0_i32 = arith.constant 0 : i32
    %c0_i32_0 = arith.constant 0 : i32
    return %arg0, %c0_i32 : i32, i32
  }
  func.func @transform_1(%arg0: i32) -> (i32, i32, i32) {
    %c0_i32 = arith.constant 0 : i32
    %c0_i32_0 = arith.constant 0 : i32
    %c0_i32_1 = arith.constant 0 : i32
    return %c0_i32, %arg0, %c0_i32_0 : i32, i32, i32
  }
  func.func @transform_2(%arg0: i32) -> (i32, i32) {
    %c0_i32 = arith.constant 0 : i32
    %c0_i32_0 = arith.constant 0 : i32
    %c0_i32_1 = arith.constant 0 : i32
    return %c0_i32, %c0_i32_0 : i32, i32
  }
  func.func @transform_3(%arg0: i32) -> (i32, i32) {
    %c0_i32 = arith.constant 0 : i32
    %c0_i32_0 = arith.constant 0 : i32
    %c0_i32_1 = arith.constant 0 : i32
    return %c0_i32, %c0_i32_0 : i32, i32
  }
  func.func @transform_4(%arg0: i32) -> (i32, i32) {
    %c0_i32 = arith.constant 0 : i32
    %c0_i32_0 = arith.constant 0 : i32
    %c0_i32_1 = arith.constant 0 : i32
    return %c0_i32, %c0_i32_0 : i32, i32
  }
  func.func @transform_5(%arg0: i32) -> (i32, i32) {
    %c0_i32 = arith.constant 0 : i32
    %c0_i32_0 = arith.constant 0 : i32
    %c0_i32_1 = arith.constant 0 : i32
    return %c0_i32, %c0_i32_0 : i32, i32
  }
  func.func @transform_6(%arg0: i32) -> (i32, i32) {
    %c0_i32 = arith.constant 0 : i32
    %c0_i32_0 = arith.constant 0 : i32
    %c0_i32_1 = arith.constant 0 : i32
    return %c0_i32, %c0_i32_0 : i32, i32
  }
  func.func @transform_7(%arg0: i32) -> (i32, i32) {
    %c0_i32 = arith.constant 0 : i32
    %c0_i32_0 = arith.constant 0 : i32
    %c0_i32_1 = arith.constant 0 : i32
    return %c0_i32, %c0_i32_0 : i32, i32
  }
  func.func @transform_8(%arg0: i32) -> (i32, i32) {
    %c0_i32 = arith.constant 0 : i32
    %c0_i32_0 = arith.constant 0 : i32
    return %arg0, %c0_i32 : i32, i32
  }
  func.func @transform_9(%arg0: i32) -> (i32, i32) {
    %c0_i32 = arith.constant 0 : i32
    %c0_i32_0 = arith.constant 0 : i32
    return %arg0, %c0_i32 : i32, i32
  }
}

module attributes {stable_mosaic.version = 14 : i64} {
  func.func @_final_body(%arg0: i32, %arg1: memref<1024x128xf32, #tpu.memory_space<vmem>>, %arg2: memref<2x1024x128xf32, #tpu.memory_space<vmem>>, %arg3: memref<128x384xf32, #tpu.memory_space<vmem>>, %arg4: memref<128x384xf32, #tpu.memory_space<vmem>>, %arg5: memref<1x384xf32, #tpu.memory_space<vmem>>, %arg6: memref<1x384xf32, #tpu.memory_space<vmem>>, %arg7: memref<8x128xf32, #tpu.memory_space<vmem>>, %arg8: memref<1x128xf32, #tpu.memory_space<vmem>>, %arg9: memref<1x1xf32, #tpu.memory_space<vmem>>, %arg10: memref<16x128xf32, #tpu.memory_space<vmem>>, %arg11: memref<16x1xf32, #tpu.memory_space<vmem>>) attributes {dimension_semantics = [#tpu.dimension_semantics<arbitrary>], iteration_bounds = array<i64: 10>, scalar_prefetch = 0 : i64, scratch_operands = 0 : i64, tpu.core_type = #tpu.core_type<tc>, window_params = [{transform_indices = @transform_0, window_bounds = array<i64: 1024, 128>}, {transform_indices = @transform_1, window_bounds = array<i64: 2, 1024, 128>}, {pipeline_mode = #tpu.pipeline_mode<synchronous>, transform_indices = @transform_2, window_bounds = array<i64: 128, 384>}, {pipeline_mode = #tpu.pipeline_mode<synchronous>, transform_indices = @transform_3, window_bounds = array<i64: 128, 384>}, {pipeline_mode = #tpu.pipeline_mode<synchronous>, transform_indices = @transform_4, window_bounds = array<i64: 1, 384>}, {pipeline_mode = #tpu.pipeline_mode<synchronous>, transform_indices = @transform_5, window_bounds = array<i64: 1, 384>}, {transform_indices = @transform_6, window_bounds = array<i64: 8, 128>}, {pipeline_mode = #tpu.pipeline_mode<synchronous>, transform_indices = @transform_7, window_bounds = array<i64: 1, 128>}, {pipeline_mode = #tpu.pipeline_mode<synchronous>, transform_indices = @transform_8, window_bounds = array<i64: 1, 1>}, {pipeline_mode = #tpu.pipeline_mode<synchronous>, transform_indices = @transform_9, window_bounds = array<i64: 16, 128>}, {pipeline_mode = #tpu.pipeline_mode<synchronous>, transform_indices = @transform_10, window_bounds = array<i64: 16, 1>}]} {
    %get3A = arith.constant 0 : index
    %get3A_0 = arith.constant 0 : index
    %get3A_1 = arith.constant 0 : index
    %get3A_2 = vector.load %arg2[%get3A, %get3A_0, %get3A_1] : memref<2x1024x128xf32, #tpu.memory_space<vmem>>, vector<1x1024x128xf32>
    %get3A_3 = vector.shape_cast %get3A_2 : vector<1x1024x128xf32> to vector<1024x128xf32>
    %get3A_4 = arith.constant 1 : index
    %get3A_5 = arith.constant 0 : index
    %get3A_6 = arith.constant 0 : index
    %get3A_7 = vector.load %arg2[%get3A_4, %get3A_5, %get3A_6] : memref<2x1024x128xf32, #tpu.memory_space<vmem>>, vector<1x1024x128xf32>
    %get3A_8 = vector.shape_cast %get3A_7 : vector<1x1024x128xf32> to vector<1024x128xf32>
    %add3A = arith.addf %get3A_3, %get3A_8 : vector<1024x128xf32>
    %get3A_9 = arith.constant 0 : index
    %get3A_10 = arith.constant 0 : index
    %get3A_11 = vector.load %arg1[%get3A_9, %get3A_10] : memref<1024x128xf32, #tpu.memory_space<vmem>>, vector<1024x128xf32>
    %get3A_12 = arith.constant 0 : index
    %get3A_13 = arith.constant 0 : index
    %get3A_14 = vector.load %arg3[%get3A_12, %get3A_13] : memref<128x384xf32, #tpu.memory_space<vmem>>, vector<128x384xf32>
    %get3A_15 = arith.constant 0 : index
    %get3A_16 = arith.constant 0 : index
    %get3A_17 = vector.load %arg4[%get3A_15, %get3A_16] : memref<128x384xf32, #tpu.memory_space<vmem>>, vector<128x384xf32>
    %get3A_18 = arith.constant 0 : index
    %get3A_19 = arith.constant 0 : index
    %get3A_20 = vector.load %arg5[%get3A_18, %get3A_19] : memref<1x384xf32, #tpu.memory_space<vmem>>, vector<1x384xf32>
    %get3A_21 = arith.constant 0 : index
    %get3A_22 = arith.constant 0 : index
    %get3A_23 = vector.load %arg6[%get3A_21, %get3A_22] : memref<1x384xf32, #tpu.memory_space<vmem>>, vector<1x384xf32>
    %dot_general3A = arith.constant dense<0.000000e+00> : vector<1024x384xf32>
    %dot_general3A_24 = tpu.matmul %add3A, %get3A_14, %dot_general3A {dimension_numbers = #tpu.dot_dimension_numbers<[1], [0], [0], [1], [0, 0, 1, 1], [], []>, transpose_lhs_hint = false} : vector<1024x128xf32>, vector<128x384xf32>, vector<1024x384xf32> -> vector<1024x384xf32>
    %add3A_25 = vector.broadcast %get3A_20 : vector<1x384xf32> to vector<1024x384xf32>
    %add3A_26 = arith.addf %dot_general3A_24, %add3A_25 : vector<1024x384xf32>
    %dot_general3A_27 = arith.constant dense<0.000000e+00> : vector<1024x384xf32>
    %dot_general3A_28 = tpu.matmul %get3A_11, %get3A_17, %dot_general3A_27 {dimension_numbers = #tpu.dot_dimension_numbers<[1], [0], [0], [1], [0, 0, 1, 1], [], []>, transpose_lhs_hint = false} : vector<1024x128xf32>, vector<128x384xf32>, vector<1024x384xf32> -> vector<1024x384xf32>
    %add3A_29 = vector.broadcast %get3A_23 : vector<1x384xf32> to vector<1024x384xf32>
    %add3A_30 = arith.addf %dot_general3A_28, %add3A_29 : vector<1024x384xf32>
    %slice3A = vector.extract_strided_slice %add3A_26 {offsets = [0, 0], sizes = [1024, 128], strides = [1, 1]} : vector<1024x384xf32> to vector<1024x128xf32>
    %slice3A_31 = vector.extract_strided_slice %add3A_30 {offsets = [0, 0], sizes = [1024, 128], strides = [1, 1]} : vector<1024x384xf32> to vector<1024x128xf32>
    %add3A_32 = arith.addf %slice3A, %slice3A_31 : vector<1024x128xf32>
    %logistic3A = arith.negf %add3A_32 : vector<1024x128xf32>
    %logistic3A_33 = math.exp %logistic3A : vector<1024x128xf32>
    %logistic3A_34 = arith.constant 1.000000e+00 : f32
    %logistic3A_35 = vector.broadcast %logistic3A_34 : f32 to vector<1024x128xf32>
    %logistic3A_36 = arith.addf %logistic3A_35, %logistic3A_33 : vector<1024x128xf32>
    %logistic3A_37 = arith.divf %logistic3A_35, %logistic3A_36 : vector<1024x128xf32>
    %slice3A_38 = vector.extract_strided_slice %add3A_26 {offsets = [0, 128], sizes = [1024, 128], strides = [1, 1]} : vector<1024x384xf32> to vector<1024x128xf32>
    %slice3A_39 = vector.extract_strided_slice %add3A_30 {offsets = [0, 128], sizes = [1024, 128], strides = [1, 1]} : vector<1024x384xf32> to vector<1024x128xf32>
    %add3A_40 = arith.addf %slice3A_38, %slice3A_39 : vector<1024x128xf32>
    %logistic3A_41 = arith.negf %add3A_40 : vector<1024x128xf32>
    %logistic3A_42 = math.exp %logistic3A_41 : vector<1024x128xf32>
    %logistic3A_43 = arith.constant 1.000000e+00 : f32
    %logistic3A_44 = vector.broadcast %logistic3A_43 : f32 to vector<1024x128xf32>
    %logistic3A_45 = arith.addf %logistic3A_44, %logistic3A_42 : vector<1024x128xf32>
    %logistic3A_46 = arith.divf %logistic3A_44, %logistic3A_45 : vector<1024x128xf32>
    %slice3A_47 = vector.extract_strided_slice %add3A_26 {offsets = [0, 256], sizes = [1024, 128], strides = [1, 1]} : vector<1024x384xf32> to vector<1024x128xf32>
    %slice3A_48 = vector.extract_strided_slice %add3A_30 {offsets = [0, 256], sizes = [1024, 128], strides = [1, 1]} : vector<1024x384xf32> to vector<1024x128xf32>
    %mul3A = arith.mulf %logistic3A_37, %slice3A_48 : vector<1024x128xf32>
    %add3A_49 = arith.addf %slice3A_47, %mul3A : vector<1024x128xf32>
    %tanh3A = math.tanh %add3A_49 : vector<1024x128xf32>
    %sub3A = arith.constant 1.000000e+00 : f32
    %sub3A_50 = vector.broadcast %sub3A : f32 to vector<1024x128xf32>
    %sub3A_51 = arith.subf %sub3A_50, %logistic3A_46 : vector<1024x128xf32>
    %mul3A_52 = arith.mulf %sub3A_51, %tanh3A : vector<1024x128xf32>
    %mul3A_53 = arith.mulf %logistic3A_46, %get3A_11 : vector<1024x128xf32>
    %add3A_54 = arith.addf %mul3A_52, %mul3A_53 : vector<1024x128xf32>
    %get3A_55 = arith.constant 0 : index
    %get3A_56 = arith.constant 0 : index
    %get3A_57 = vector.load %arg7[%get3A_55, %get3A_56] : memref<8x128xf32, #tpu.memory_space<vmem>>, vector<8x128xf32>
    %reshape3A = vector.shape_cast %get3A_57 : vector<8x128xf32> to vector<1024xf32>
    %convert_element_type3A = arith.fptosi %reshape3A : vector<1024xf32> to vector<1024xi32>
    %iota3A = tpu.iota {dimensions = array<i32: 0>} : vector<16x1024xi32>
    %broadcast_in_dim3A = vector.shape_cast %convert_element_type3A : vector<1024xi32> to vector<1x1024xi32>
    %eq3A = vector.broadcast %broadcast_in_dim3A : vector<1x1024xi32> to vector<16x1024xi32>
    %eq3A_58 = arith.cmpi eq, %iota3A, %eq3A : vector<16x1024xi32>
    %convert_element_type3A_59 = arith.extui %eq3A_58 : vector<16x1024xi1> to vector<16x1024xi32>
    %convert_element_type3A_60 = arith.sitofp %convert_element_type3A_59 : vector<16x1024xi32> to vector<16x1024xf32>
    %dot_general3A_61 = arith.constant dense<0.000000e+00> : vector<16x128xf32>
    %dot_general3A_62 = tpu.matmul %convert_element_type3A_60, %add3A_54, %dot_general3A_61 {dimension_numbers = #tpu.dot_dimension_numbers<[1], [0], [0], [1], [0, 0, 1, 1], [], []>, transpose_lhs_hint = false} : vector<16x1024xf32>, vector<1024x128xf32>, vector<16x128xf32> -> vector<16x128xf32>
    %eq3A_63 = arith.constant 0 : i32
    %eq3A_64 = arith.cmpi eq, %arg0, %eq3A_63 : i32
    %convert_element_type3A_65 = arith.extui %eq3A_64 : i1 to i32
    %cond3A = arith.constant 0 : i32
    %cond3A_66 = arith.cmpi ne, %convert_element_type3A_65, %cond3A : i32
    scf.if %cond3A_66 {
      %broadcast_in_dim3A_78 = arith.constant 0.000000e+00 : f32
      %broadcast_in_dim3A_79 = vector.broadcast %broadcast_in_dim3A_78 : f32 to vector<16x128xf32>
      %swap3A_80 = arith.constant 0 : index
      %swap3A_81 = arith.constant 0 : index
      %swap3A_82 = vector.load %arg10[%swap3A_80, %swap3A_81] : memref<16x128xf32, #tpu.memory_space<vmem>>, vector<16x128xf32>
      tpu.vector_store %arg10[%swap3A_80, %swap3A_81], %broadcast_in_dim3A_79 {strides = array<i32>} : memref<16x128xf32, #tpu.memory_space<vmem>>, vector<16x128xf32>,
    } else {
    }
    %get3A_67 = arith.constant 0 : index
    %get3A_68 = arith.constant 0 : index
    %get3A_69 = vector.load %arg10[%get3A_67, %get3A_68] : memref<16x128xf32, #tpu.memory_space<vmem>>, vector<16x128xf32>
    %add3A_70 = arith.addf %get3A_69, %dot_general3A_62 : vector<16x128xf32>
    %swap3A = arith.constant 0 : index
    %swap3A_71 = arith.constant 0 : index
    %swap3A_72 = vector.load %arg10[%swap3A, %swap3A_71] : memref<16x128xf32, #tpu.memory_space<vmem>>, vector<16x128xf32>
    tpu.vector_store %arg10[%swap3A, %swap3A_71], %add3A_70 {strides = array<i32>} : memref<16x128xf32, #tpu.memory_space<vmem>>, vector<16x128xf32>,
    %eq3A_73 = arith.constant 9 : i32
    %eq3A_74 = arith.cmpi eq, %arg0, %eq3A_73 : i32
    %convert_element_type3A_75 = arith.extui %eq3A_74 : i1 to i32
    %cond3A_76 = arith.constant 0 : i32
    %cond3A_77 = arith.cmpi ne, %convert_element_type3A_75, %cond3A_76 : i32
    scf.if %cond3A_77 {
      %get3A_78 = arith.constant 0 : index
      %get3A_79 = arith.constant 0 : index
      %get3A_80 = vector.load %arg10[%get3A_78, %get3A_79] : memref<16x128xf32, #tpu.memory_space<vmem>>, vector<16x128xf32>
      %get3A_81 = arith.constant 0 : index
      %get3A_82 = arith.constant 0 : index
      %get3A_83 = vector.load %arg8[%get3A_81, %get3A_82] : memref<1x128xf32, #tpu.memory_space<vmem>>, vector<1x128xf32>
      %mul3A_84 = vector.broadcast %get3A_83 : vector<1x128xf32> to vector<16x128xf32>
      %mul3A_85 = arith.mulf %get3A_80, %mul3A_84 : vector<16x128xf32>
      %reduce_sum3A = arith.constant dense<0.000000e+00> : vector<16xf32>
      %reduce_sum3A_86 = vector.multi_reduction <add>, %mul3A_85, %reduce_sum3A [1] : vector<16x128xf32> to vector<16xf32>
      %broadcast_in_dim3A_87 = vector.shape_cast %reduce_sum3A_86 : vector<16xf32> to vector<16x1xf32>
      %get3A_88 = arith.constant 0 : index
      %get3A_89 = arith.constant 0 : index
      %get3A_90 = vector.load %arg9[%get3A_88, %get3A_89] : memref<1x1xf32, #tpu.memory_space<vmem>>, vector<1x1xf32>
      %add3A_91 = vector.broadcast %get3A_90 : vector<1x1xf32> to vector<16x1xf32>
      %add3A_92 = arith.addf %broadcast_in_dim3A_87, %add3A_91 : vector<16x1xf32>
      %swap3A_93 = arith.constant 0 : index
      %swap3A_94 = arith.constant 0 : index
      %swap3A_95 = vector.load %arg11[%swap3A_93, %swap3A_94] : memref<16x1xf32, #tpu.memory_space<vmem>>, vector<16x1xf32>
      tpu.vector_store %arg11[%swap3A_93, %swap3A_94], %add3A_92 {strides = array<i32>} : memref<16x1xf32, #tpu.memory_space<vmem>>, vector<16x1xf32>,
    } else {
    }
    return
  }
  func.func @transform_0(%arg0: i32) -> (i32, i32) {
    %c0_i32 = arith.constant 0 : i32
    %c0_i32_0 = arith.constant 0 : i32
    return %arg0, %c0_i32 : i32, i32
  }
  func.func @transform_1(%arg0: i32) -> (i32, i32, i32) {
    %c0_i32 = arith.constant 0 : i32
    %c0_i32_0 = arith.constant 0 : i32
    %c0_i32_1 = arith.constant 0 : i32
    return %c0_i32, %arg0, %c0_i32_0 : i32, i32, i32
  }
  func.func @transform_2(%arg0: i32) -> (i32, i32) {
    %c0_i32 = arith.constant 0 : i32
    %c0_i32_0 = arith.constant 0 : i32
    %c0_i32_1 = arith.constant 0 : i32
    return %c0_i32, %c0_i32_0 : i32, i32
  }
  func.func @transform_3(%arg0: i32) -> (i32, i32) {
    %c0_i32 = arith.constant 0 : i32
    %c0_i32_0 = arith.constant 0 : i32
    %c0_i32_1 = arith.constant 0 : i32
    return %c0_i32, %c0_i32_0 : i32, i32
  }
  func.func @transform_4(%arg0: i32) -> (i32, i32) {
    %c0_i32 = arith.constant 0 : i32
    %c0_i32_0 = arith.constant 0 : i32
    %c0_i32_1 = arith.constant 0 : i32
    return %c0_i32, %c0_i32_0 : i32, i32
  }
  func.func @transform_5(%arg0: i32) -> (i32, i32) {
    %c0_i32 = arith.constant 0 : i32
    %c0_i32_0 = arith.constant 0 : i32
    %c0_i32_1 = arith.constant 0 : i32
    return %c0_i32, %c0_i32_0 : i32, i32
  }
  func.func @transform_6(%arg0: i32) -> (i32, i32) {
    %c0_i32 = arith.constant 0 : i32
    %c0_i32_0 = arith.constant 0 : i32
    return %arg0, %c0_i32 : i32, i32
  }
  func.func @transform_7(%arg0: i32) -> (i32, i32) {
    %c0_i32 = arith.constant 0 : i32
    %c0_i32_0 = arith.constant 0 : i32
    %c0_i32_1 = arith.constant 0 : i32
    return %c0_i32, %c0_i32_0 : i32, i32
  }
  func.func @transform_8(%arg0: i32) -> (i32, i32) {
    %c0_i32 = arith.constant 0 : i32
    %c0_i32_0 = arith.constant 0 : i32
    %c0_i32_1 = arith.constant 0 : i32
    return %c0_i32, %c0_i32_0 : i32, i32
  }
  func.func @transform_9(%arg0: i32) -> (i32, i32) {
    %c0_i32 = arith.constant 0 : i32
    %c0_i32_0 = arith.constant 0 : i32
    %c0_i32_1 = arith.constant 0 : i32
    return %c0_i32, %c0_i32_0 : i32, i32
  }
  func.func @transform_10(%arg0: i32) -> (i32, i32) {
    %c0_i32 = arith.constant 0 : i32
    %c0_i32_0 = arith.constant 0 : i32
    %c0_i32_1 = arith.constant 0 : i32
    return %c0_i32, %c0_i32_0 : i32, i32
  }
}

</mosaic_0001>

<sc_bundles>
// kernel: kernel.19.cloned.1.call-start
scs
__scs_entry_jumppad:
0x0: {  	(pc) =	sbr.rel $0x88, $3  }
0x1: {  	(tag) =	ssettag $0x0;
	lr =	simm.s32 $0x1  }
0x2: {  	[smem:$0x3F95] =	sst lr;
	_ =	strace $0xD0000000  }
0x3: {  	_ = 	snop  }
0x4: {  	_ = 	snop  }
0x5: {  	_ = 	snop  }
0x6: {  	_ = 	snop  }
0x7: {  	_ = 	snop  }
__scs_overlays_trampoline_lowered:
0x8: {  	[smem:$0x3FA4] =	sst s0  }
0x9: {  	[smem:$0x3FA5] =	sst s1  }
0xa: {  	[smem:$0x3FA6] =	sst s2  }
0xb: {  	[smem:$0x3FA7] =	sst s3  }
0xc: {  	[smem:$0x3FA8] =	sst s4  }
0xd: {  	[smem:$0x3FA9] =	sst s5  }
0xe: {  	[smem:$0x3FAA] =	sst s6  }
0xf: {  	[smem:$0x3FAB] =	sst s7  }
0x10: {  	[smem:$0x3FAC] =	sst s8  }
0x11: {  	[smem:$0x3FAD] =	sst s9;
	s0 =	simm.s32 @!p0 $0x0  }
0x12: {  	s1 =	sld [smem:$0x3F93];
	s0 =	simm.s32 @p0 $0x1  }
0x13: {  	[smem:$0x3FAE] =	sst s0;
	s0 =	simm.s32 @!p1 $0x0  }
0x14: {  	s2 =	sld [smem:$0x3F92];
	s0 =	simm.s32 @p1 $0x1  }
0x15: {  	[smem:$0x3FAF] =	sst s0;
	s0 =	simm.s32 @!p2 $0x0  }
0x16: {  	s3 =	sld [smem:$0x3FDB];
	s0 =	simm.s32 @p2 $0x1  }
0x17: {  	s4 =	simm.s32 $0x1BF5;
	[smem:$0x3FB1] =	sst s0  }
0x18: {  	s0 =	sld [smem:$0x3F94];
	_ =	swait.ge [sflag:s4], $0x0  }
0x19: {  	s7 =	sld [smem:$0x3F95]  }
0x1a: {  	s8 =	sadd.s32 $0xFFFFE003, lr  }
0x1b: {  	s9 =	sadd.s32 $0xFFFFFEF7, lr;
	s5 =	simm.s32 $0xFFFFFFFF;
	p2 =	slt.u32 s8, $0xFFFFF086  }
0x1c: {  	p1 =	slt.u32 s9, $0xF7A;
	s5 =	simm.s32 @!p2 $0x0  }
0x1d: {  	s5 =	simm.s32 @p1 $0x1;
	p0 =	seq.s32 s7, s2  }
0x1e: {  	s7 =	smul.u32 @!p0 $0xF7A, s2;
	p2 =	seq.s32 @!p0 s5, $0x0  }
0x1f: {  	s9 =	smul.u32 $0xF7A, s1;
	s8 =	simm.s32 @!p0 $0x1BF5;
	p2 =	por !p2, p0  }
0x20: {  	[sflag:s8] =	ssyncset.s32 @!p0 $0xFFFFF086;
	s6 =	sadd.s32 @!p0 s3, s7;
	s7 =	simm.s32 @!p0 $0x108  }
0x21: {  	s3 =	sadd.s32 s3, s9;
	s6 =	sadd.s32 @!p0 $0x88, s6;
	s7 =	simm.s32 @p2 $0x1082  }
0x22: {  	[simem:s7], [sflag:s8] =	dma.local @!p0 [hbm:s6], $0xF7A  }
0x23: {  	s9 =	sor.u32 $0xD0000000, s2;
	s6 =	simm.s32 $0x108;
	_ =	swait.ge @!p0 [sflag:s8], $0x0  }
0x24: {  	s3 =	sadd.s32 $0x88, s3;
	s6 =	simm.s32 @!p1 $0x1082;
	[sflag:s4] =	ssyncset.s32 $0xFFFFF086  }
0x25: {  	[simem:s6], [sflag:s4] =	dma.local [hbm:s3], $0xF7A  }
0x26: {  	[smem:$0x3F95] =	sst s1;
	(tag) =	ssettag s2;
	_ =	strace s9  }
0x27: {  	s1 =	sld [smem:$0x3FA5]  }
0x28: {  	s2 =	sld [smem:$0x3FA6]  }
0x29: {  	s4 =	sld [smem:$0x3FA8]  }
0x2a: {  	p0 =	seq.s32 s5, $0x0;
	s5 =	sld [smem:$0x3FA9]  }
0x2b: {  	s6 =	sld [smem:$0x3FAA]  }
0x2c: {  	s7 =	sld [smem:$0x3FAB]  }
0x2d: {  	s3 =	simm.s32 $0x108;
	s8 =	sld [smem:$0x3FAC]  }
0x2e: {  	s3 =	simm.s32 @!p0 $0x1082;
	s9 =	sld [smem:$0x3FAD]  }
0x2f: {  	lr =	sadd.s32 s0, s3;
	s0 =	sld [smem:$0x3FA4]  }
0x30: {  	s3 =	sld [smem:$0x3FA7]  }
0x31: {  	[smem:$0x3FB0] =	sst s10  }
0x32: {  	s10 =	sld [smem:$0x3FAE];
	_ =	sdelay $0x3  }
0x33: {  	p0 =	seq.s32 s10, $0x1;
	s10 =	sld [smem:$0x3FB0];
	_ =	sdelay $0x3  }
0x34: {  	[smem:$0x3FB0] =	sst s10  }
0x35: {  	s10 =	sld [smem:$0x3FAF];
	_ =	sdelay $0x3  }
0x36: {  	p1 =	seq.s32 s10, $0x1;
	s10 =	sld [smem:$0x3FB0];
	_ =	sdelay $0x3  }
0x37: {  	[smem:$0x3FB0] =	sst s10  }
0x38: {  	s10 =	sld [smem:$0x3FB1]  }
0x39: {  	_ = 	snop;
	(pc) =	sbr.ind lr, $3  }
0x3a: {  	_ = 	snop  }
0x3b: {  	_ = 	snop  }
0x3c: {  	p2 =	seq.s32 s10, $0x1;
	s10 =	sld [smem:$0x3FB0]  }
0x3d: {  	_ =	shalt  }
0x3e: {  	_ =	shalt  }
0x3f: {  	_ =	shalt  }
0x40: {  	_ =	shalt  }
0x41: {  	_ =	shalt  }
0x42: {  	_ =	shalt  }
0x43: {  	_ =	shalt  }
0x44: {  	_ =	shalt  }
0x45: {  	_ =	shalt  }
0x46: {  	_ =	shalt  }
0x47: {  	_ =	shalt  }
0x48: {  	_ =	shalt  }
0x49: {  	_ =	shalt  }
0x4a: {  	_ =	shalt  }
0x4b: {  	_ =	shalt  }
0x4c: {  	_ =	shalt  }
0x4d: {  	_ =	shalt  }
0x4e: {  	_ =	shalt  }
0x4f: {  	_ =	shalt  }
0x50: {  	_ =	shalt  }
0x51: {  	_ =	shalt  }
0x52: {  	_ =	shalt  }
0x53: {  	_ =	shalt  }
0x54: {  	_ =	shalt  }
0x55: {  	_ =	shalt  }
0x56: {  	_ =	shalt  }
0x57: {  	_ =	shalt  }
0x58: {  	_ =	shalt  }
0x59: {  	_ =	shalt  }
0x5a: {  	_ =	shalt  }
0x5b: {  	_ =	shalt  }
0x5c: {  	_ =	shalt  }
0x5d: {  	_ =	shalt  }
0x5e: {  	_ =	shalt  }
0x5f: {  	_ =	shalt  }
0x60: {  	_ =	shalt  }
0x61: {  	_ =	shalt  }
0x62: {  	_ =	shalt  }
0x63: {  	_ =	shalt  }
0x64: {  	_ =	shalt  }
0x65: {  	_ =	shalt  }
0x66: {  	_ =	shalt  }
0x67: {  	_ =	shalt  }
0x68: {  	_ =	shalt  }
0x69: {  	_ =	shalt  }
0x6a: {  	_ =	shalt  }
0x6b: {  	_ =	shalt  }
0x6c: {  	_ =	shalt  }
0x6d: {  	_ =	shalt  }
0x6e: {  	_ =	shalt  }
0x6f: {  	_ =	shalt  }
0x70: {  	_ =	shalt  }
0x71: {  	_ =	shalt  }
0x72: {  	_ =	shalt  }
0x73: {  	_ =	shalt  }
0x74: {  	_ =	shalt  }
0x75: {  	_ =	shalt  }
0x76: {  	_ =	shalt  }
0x77: {  	_ =	shalt  }
0x78: {  	_ =	shalt  }
0x79: {  	_ =	shalt  }
0x7a: {  	_ =	shalt  }
0x7b: {  	_ =	shalt  }
0x7c: {  	_ =	shalt  }
0x7d: {  	_ =	shalt  }
0x7e: {  	_ =	shalt  }
0x7f: {  	_ =	shalt  }
0x80: {  	_ =	shalt  }
0x81: {  	_ =	shalt  }
0x82: {  	_ =	shalt  }
0x83: {  	_ =	shalt  }
0x84: {  	_ =	shalt  }
0x85: {  	_ =	shalt  }
0x86: {  	_ =	shalt  }
0x87: {  	_ =	shalt  }
.Lfunc_end0:
.L_simem_size_0:
called_computation_lowered:
.L_overlay_start_0:
0x88: {  	s2 =	sld [smem:$0x3FD9]  }
0x89: {  	s3 =	sld [smem:$0x3FFE];
	_ =	sdelay $0x1  }
0x8a: {  	s1 =	srdreg.scid  }
0x8b: {  	s0 =	sand.u32 $0x1, s1  }
0x8c: {  	s16 =	sshll.u32 s0, $0xA;
	s2 =	sadd.s32 s3, s2  }
0x8d: {  	s2 =	sadd.s32 s2, s16  }
0x8e: {  	[smem:$0x3FBC] =	sst s2  }
0x8f: {  	_ = 	snop  }
0x90: {  	(tm) =	ssettm $0x1  }
0x91: {  	s17 =	sld [smem:$0x3FFB];
	_ =	sdelay $0x3  }
0x92: {  	_ =	strace s17  }
0x93: {  	s2 =	sld [smem:$0x3FFC];
	_ =	sdelay $0x3  }
0x94: {  	_ =	strace s2  }
0x95: {  	s2 =	sld [smem:$0x3FFD];
	_ =	sdelay $0x3  }
0x96: {  	_ =	strace s2  }
0x97: {  	_ =	strace $0x8FFFFFFF  }
0x98: {  	s18 =	sld [smem:$0x3FDB];
	_ =	sdelay $0x1  }
0x99: {  	s19 =	simm.s32 $_scs_section_size  }
0x9a: {  	s4 =	simm.s32 $_size__tile_overlayer_lowered;
	s5 =	simm.s32 $_tile_overlayer_lowered  }
0x9b: {  	s22 =	simm.s32 $0x1BFF;
	s21 =	sshll.u32 s5, $0x1;
	s2 =	sadd.s32 s19, s18  }
0x9c: {  	s6 =	simm.s32 $0x0;
	s20 =	sshll.u32 s4, $0x1;
	s4 =	sadd.s32 s21, s2  }
0x9d: {  	[timem:s6], [sflag:s22] =	dma.local [hbm:s4], s20  }
0x9e: {  	_ =	swait.ge [sflag:s22], s20  }
0x9f: {  	s3 =	ssub.s32 $0x0, s20;
	[sflag:s22] =	ssyncset.done $0x0  }
0xa0: {  	[sflag:s22] =	ssyncadd.s32 s3;
	_ =	sdelay $0x1  }
0xa1: {  	s23 =	simm.s32 $0x1B8B  }
0xa2: {  	_ =	swait.ge [sflag:s23], $0x1  }
0xa3: {  	[sflag:s23] =	ssyncset.done $0x0  }
0xa4: {  	s25 =	simm.s32 $0x1B8E;
	s24 =	sld [smem:$0x3FFE];
	[sflag:s23] =	ssyncadd.s32 $0xFFFFFFFF  }
0xa5: {  	s26 =	simm.s32 $execute0_lowered;
	[smem:$0x3FD2] =	sst s25  }
0xa6: {  	s4 =	sshll.u32 s26, $0x1;
	_ =	strace $0x80000046;
	[dreg:$0x1] =	wrdreg $0xFFFFFFFF  }
0xa7: {  	s28 =	simm.s32 $_size_execute0_lowered;
	s2 =	sadd.s32 s2, s4;
	[dreg:$0x0] =	wrdreg $0x0  }
0xa8: {  	s4 =	sshll.u32 s28, $0x1;
	[dreg:$0x2] =	wrdreg s2  }
0xa9: {  	[dreg:$0x3] =	wrdreg s4  }
0xaa: {  	[dreg:$0x4] =	wrdreg $0xC0  }
0xab: {  	_ =	task [dreg:s6], $0x5FFFF  }
0xac: {  	[dreg:$0x1] =	wrdreg $0xFFFFFFFF  }
0xad: {  	[dreg:$0x0] =	wrdreg $0x60  }
0xae: {  	[dreg:$0x2] =	wrdreg s24  }
0xaf: {  	[dreg:$0x3] =	wrdreg $0x0  }
0xb0: {  	[dreg:$0x4] =	wrdreg $0x9  }
0xb1: {  	_ =	task.clear_ibuf [dreg:s6], $0x5FFFF;
	_ =	strace $0x90000046  }
0xb2: {  	s29 =	simm.s32 $0x9;
	_ =	strace $0x80000048  }
0xb3: {  	_ =	swait.ge [sflag:s29], $0x1  }
0xb4: {  	[sflag:s29] =	ssyncadd.s32 $0xFFFFFFFF  }
0xb5: {  	_ =	strace $0x90000048  }
0xb6: {  	_ =	sfence  }
0xb7: {  	s30 =	sld [smem:$0x0];
	_ =	sdelay $0x2  }
0xb8: {  	s31 =	sshll.u32 s1, $0xD;
	s1 =	sshrl.u32 s1, $0x2  }
0xb9: {  	s3 =	sand.u32 $0x4000, s31;
	s1 =	sadd.s32 s1, s30  }
0xba: {  	s0 =	sor.u32 s3, s0;
	s1 =	sshll.u32 s1, $0x11  }
0xbb: {  	s0 =	sor.u32 s1, s0  }
0xbc: {  	s0 =	sadd.s32 $0x8F2B, s0  }
0xbd: {  	[sflag:s0] =	ssyncadd.remote.s32 $0x1  }
0xbe: {  	_ =	sfence.sel $0xFFFF  }
0xbf: {  	[dreg:$0x0] =	wrdreg $0xFFFFFFFF;
	(pc) =	sbr.abs _section_cstart, $3  }
0xc0: {  	[dreg:$0x1] =	wrdreg $0xFFFFFFFF  }
0xc1: {  	_ =	task.clear_ibuf [dreg:s6], $0x2FFFF;
	_ =	strace $0x9FFFFFFF  }
0xc2: {  	(tm) =	ssettm $0x7FFFFFFF  }
0xc3: {  	_ =	shalt  }
tec
execute0_lowered:
.L_overlay_start_1:
0x0: {  	(tag) =	ssettag $0x1  }
0x1: {  	s6 =	rddreg [dreg:$0x0]  }
0x2: {  	s0 =	srdreg.scid;
	s1 =	rddreg [dreg:$0x1]  }
0x3: {  	s3 =	simm.s32 $0x0;
	s2 =	stileid.u32;
	s12 =	simm.s32 $0x2  }
0x4: {  	s17 =	simm.s32 $0x14000;
	s18 =	simm.s32 $0x14080;
	s19 =	simm.s32 $0x80  }
0x5: {  	s20 =	simm.s32 $0x14100;
	s21 =	simm.s32 $0x1;
	s9 =	smul.u32 $0x14000, s2  }
0x6: {  	s5 =	sand.u32 $0x1, s0;
	s0 =	rddreg [dreg:$0x2];
	s26 =	smul.u32 $0x50000, s2  }
0x7: {  	s22 =	simm.s32 $0x0;
	[smem:$0x7FF] =	sst s3;
	s31 =	smul.u32 $0x4F0, s2  }
0x8: {  	s4 =	sadd.s32 $0xA4A00, s6;
	s30 =	sshll.u32 s2, $0x6;
	s7 =	smul.u32 $0x4F00, s5  }
0x9: {  	s8 =	smul.u32 $0x140000, s5;
	_ =	strace $0x80000047;
	s25 =	ssub.s32 $0x2, s5  }
0xa: {  	s5 =	sadd.s32 $0x18600, s6;
	s28 =	sshrl.u32 s25, $0x1;
	s29 =	sshrl.u32 s26, $0x2  }
0xb: {  	s10 =	sadd.s32 s7, s6;
	s24 =	sadd.s32 s9, s8;
	s11 =	sadd.s32 s29, s1  }
0xc: {  	s8 =	ssub.s32 s25, s28;
	s7 =	sshrl.u32 s24, $0x3;
	s13 =	sadd.s32 $0x4000, s11  }
0xd: {  	s14 =	sadd.s32 $0x8000, s11;
	s15 =	sadd.s32 $0xC000, s11;
	s16 =	sadd.s32 $0x10000, s11  }
0xe: {  	s10 =	sadd.s32 s31, s10;
	s8 =	smax.u32 s8, $0x1;
	s11 =	sshrl.u32 s11, $0x3  }
0xf: {  	s7 =	sadd.s32 s7, s6;
	s6 =	sor.u32 $0x1C02, s30;
	s9 =	sadd.s32 $0xE800, s10  }
0x10: {  	s10 =	sadd.s32 $0x4A00, s10;
	s13 =	sshrl.u32 s13, $0x3;
	s14 =	sshrl.u32 s14, $0x3  }
0x11: {  	s15 =	sshrl.u32 s15, $0x3;
	s16 =	sshrl.u32 s16, $0x3;
	s7 =	sadd.s32 $0x18E00, s7  }
.LBB2_1:
0x12: {  	[spmem:s11], [sflag:s6] =	dma.local [hbm:s5], $0x800  }
0x13: {  	_ =	swait.ge [sflag:s12], $0x800  }
0x14: {  	[sflag:s12] =	ssyncset.done $0x0  }
0x15: {  	[sflag:s12] =	ssyncadd.s32 $0xFFFFF800  }
0x16: {  	[spmem:s13], [sflag:s6] =	dma.local [hbm:s5], $0x800  }
0x17: {  	_ =	swait.ge [sflag:s12], $0x800  }
0x18: {  	[sflag:s12] =	ssyncset.done $0x0  }
0x19: {  	[sflag:s12] =	ssyncadd.s32 $0xFFFFF800  }
0x1a: {  	[spmem:s14], [sflag:s6] =	dma.local [hbm:s5], $0x800  }
0x1b: {  	_ =	swait.ge [sflag:s12], $0x800  }
0x1c: {  	[sflag:s12] =	ssyncset.done $0x0  }
0x1d: {  	[sflag:s12] =	ssyncadd.s32 $0xFFFFF800  }
0x1e: {  	[spmem:s15], [sflag:s6] =	dma.local [hbm:s5], $0x800  }
0x1f: {  	_ =	swait.ge [sflag:s12], $0x800  }
0x20: {  	[sflag:s12] =	ssyncset.done $0x0  }
0x21: {  	[sflag:s12] =	ssyncadd.s32 $0xFFFFF800  }
0x22: {  	[spmem:s16], [sflag:s6] =	dma.local [hbm:s5], $0x800  }
0x23: {  	_ =	swait.ge [sflag:s12], $0x800  }
0x24: {  	[sflag:s12] =	ssyncset.done $0x0  }
0x25: {  	[sflag:s12] =	ssyncadd.s32 $0xFFFFF800  }
0x26: {  	s23 =	sadd.s32 $0x0, s10;
	[bflag:$0x0] =	sbarrier.arrive $0xFFFF  }
0x27: {  	[tilespmem:s17], [sflag:$0x2] =	stream.linear.gather [hbm4b:s23+s3], $0x80, $0x38;
	[tilespmem:$0x18100] =	vst v63  }
0x28: {  	_ =	swait.ge [sflag:s12], $0x80  }
0x29: {  	[sflag:s12] =	ssyncset.done $0x0  }
0x2a: {  	s31 =	sadd.s32 $0x0, s9;
	[sflag:s12] =	ssyncadd.s32 $0xFFFFFF80  }
0x2b: {  	[tilespmem:s18], [sflag:$0x2] =	stream.linear.gather [hbm4b:s31+s3], $0x80, $0x38;
	[tilespmem:$0x18100] =	vst v63  }
0x2c: {  	_ =	swait.ge [sflag:s12], $0x80  }
0x2d: {  	[sflag:s12] =	ssyncset.done $0x0  }
0x2e: {  	[sflag:s12] =	ssyncadd.s32 $0xFFFFFF80  }
0x2f: {  	[tilespmem:s20], [sflag:$0x1] =	stream.indirect.gather [hbm4b:s4+s19], $0x80, s17, s19, $0xb8;
	[tilespmem:$0x18100] =	vst v63  }
0x30: {  	_ =	swait.ge [sflag:s21], $0x4000  }
0x31: {  	[sflag:s21] =	ssyncset.done $0x0  }
0x32: {  	[sflag:s21] =	ssyncadd.s32 $0xFFFFC000  }
0x33: {  	[spmem:s1] =	stream.indirect.scatter.add.f32 [tilespmem:s20], [sflag:$0x2], $0x80, s18, s19, $0xb8;
	[tilespmem:$0x18100] =	vst v63  }
0x34: {  	_ =	swait.ge [sflag:s12], $0x4000  }
0x35: {  	s24 =	simm.s32 $0x20;
	s23 =	simm.s32 $0x10;
	[sflag:s12] =	ssyncset.done $0x0  }
.LBB2_2:
0x36: {  	s25 =	sadd.s32 s23, s10  }
0x37: {  	[sflag:s12] =	ssyncadd.s32 $0xFFFFC000;
	s26 =	smov.u32 s24;
	s28 =	sadd.s32 $0x10, s24  }
0x38: {  	[tilespmem:s17], [sflag:$0x2] =	stream.linear.gather [hbm4b:s25+s3], $0x80, $0x38;
	[tilespmem:$0x18100] =	vst v63  }
0x39: {  	p0 =	sne.s32 s24, $0x4E0;
	_ =	swait.ge [sflag:s12], $0x80  }
0x3a: {  	[sflag:s12] =	ssyncset.done $0x0  }
0x3b: {  	s24 =	sadd.s32 s23, s9;
	s23 =	smov.u32 s26;
	[sflag:s12] =	ssyncadd.s32 $0xFFFFFF80  }
0x3c: {  	[tilespmem:s18], [sflag:$0x2] =	stream.linear.gather [hbm4b:s24+s3], $0x80, $0x38;
	[tilespmem:$0x18100] =	vst v63  }
0x3d: {  	_ =	swait.ge [sflag:s12], $0x80  }
0x3e: {  	[sflag:s12] =	ssyncset.done $0x0  }
0x3f: {  	[sflag:s12] =	ssyncadd.s32 $0xFFFFFF80  }
0x40: {  	[tilespmem:s20], [sflag:$0x1] =	stream.indirect.gather [hbm4b:s4+s19], $0x80, s17, s19, $0xb8;
	[tilespmem:$0x18100] =	vst v63  }
0x41: {  	_ =	swait.ge [sflag:s21], $0x4000  }
.Ltmp0:
0x42: {  	[sflag:s21] =	ssyncset.done $0x0;
	(pc) =	sbr.rel @p0 .LBB2_2-.Ltmp0, $4  }
0x43: {  	[sflag:s21] =	ssyncadd.s32 $0xFFFFC000  }
0x44: {  	[spmem:s1] =	stream.indirect.scatter.add.f32 [tilespmem:s20], [sflag:$0x2], $0x80, s18, s19, $0xb8;
	[tilespmem:$0x18100] =	vst v63  }
0x45: {  	_ =	swait.ge [sflag:s12], $0x4000  }
0x46: {  	s24 =	smov.u32 s28;
	[sflag:s12] =	ssyncset.done $0x0  }
0x47: {  	s24 =	sadd.s32 s23, s10;
	[sflag:s12] =	ssyncadd.s32 $0xFFFFC000  }
0x48: {  	[tilespmem:s17], [sflag:$0x2] =	stream.linear.gather [hbm4b:s24+s3], $0x80, $0x38;
	[tilespmem:$0x18100] =	vst v63  }
0x49: {  	_ =	swait.ge [sflag:s12], $0x80  }
0x4a: {  	[sflag:s12] =	ssyncset.done $0x0  }
0x4b: {  	s31 =	sadd.s32 s23, s9;
	[sflag:s12] =	ssyncadd.s32 $0xFFFFFF80  }
0x4c: {  	[tilespmem:s18], [sflag:$0x2] =	stream.linear.gather [hbm4b:s31+s3], $0x80, $0x38;
	[tilespmem:$0x18100] =	vst v63  }
0x4d: {  	_ =	swait.ge [sflag:s12], $0x80  }
0x4e: {  	[sflag:s12] =	ssyncset.done $0x0  }
0x4f: {  	[sflag:s12] =	ssyncadd.s32 $0xFFFFFF80  }
0x50: {  	[tilespmem:s20], [sflag:$0x1] =	stream.indirect.gather [hbm4b:s4+s19], $0x80, s17, s19, $0xb8;
	[tilespmem:$0x18100] =	vst v63  }
0x51: {  	_ =	swait.ge [sflag:s21], $0x4000  }
0x52: {  	[sflag:s21] =	ssyncset.done $0x0  }
0x53: {  	[sflag:s21] =	ssyncadd.s32 $0xFFFFC000  }
0x54: {  	[spmem:s1] =	stream.indirect.scatter.add.f32 [tilespmem:s20], [sflag:$0x2], $0x80, s18, s19, $0xb8;
	[tilespmem:$0x18100] =	vst v63  }
0x55: {  	_ =	swait.ge [sflag:s12], $0x4000  }
0x56: {  	s22 =	sadd.s32 $0x1, s22;
	[sflag:s12] =	ssyncset.done $0x0  }
0x57: {  	p0 =	sne.s32 s22, s8;
	[sflag:s12] =	ssyncadd.s32 $0xFFFFC000  }
.Ltmp1:
0x58: {  	[bflag:$0x0] =	sbarrier.arrive $0xFFFF;
	(pc) =	sbr.rel @p0 .LBB2_1-.Ltmp1, $4  }
0x59: {  	[hbm:s7], [sflag:s6] =	dma.local [spmem:s11], $0x2800  }
0x5a: {  	_ =	swait.ge [sflag:s12], $0x2800  }
0x5b: {  	[sflag:s12] =	ssyncset.done $0x0  }
0x5c: {  	[sflag:s12] =	ssyncadd.s32 $0xFFFFD800  }
0x5d: {  	_ =	sfence.sel $0x180000  }
0x5e: {  	[bflag:$0x0] =	sbarrier.arrive $0xFFFF  }
0x5f: {  	p0 =	sne.s32 s2, $0x0;
	_ =	strace $0x90000047  }
0x60: {  	s0 =	sadd.s32 @!p0 $0x100000, s0;
	[bflag:$0x2] =	sbarrier.arrive $0xFFFF  }
0x61: {  	[sflag:s0] =	ssyncadd.tile.s32 @!p0 $0x1;
	_ =	shalt  }
.Lfunc_end2:
_tile_overlayer_lowered:
.L_overlay_start_2:
0x62: {  	(tag) =	ssettag $0x2  }
0x63: {  	s0 =	rddreg [dreg:$0x0];
	s2 =	stileid.u32  }
0x64: {  	s1 =	rddreg [dreg:$0x1];
	p0 =	sne.s32 s2, $0x0  }
0x65: {  	s3 =	rddreg [dreg:$0x2];
	[bflag:$0x3] =	sbarrier.arrive $0xFFFF;
	s2 =	simm.s32 @!p0 $0x1C02  }
0x66: {  	[timem:s3], [sflag:s2] =	dma.local @!p0 [hbm:s0], s1  }
0x67: {  	s0 =	simm.s32 @!p0 $0x2  }
0x68: {  	_ =	swait.ge @!p0 [sflag:s0], s1  }
0x69: {  	s1 =	ssub.s32 @!p0 $0x0, s1;
	[sflag:s0] =	ssyncset.done @!p0 $0x0  }
0x6a: {  	[sflag:s0] =	ssyncadd.s32 @!p0 s1  }
0x6b: {  	[bflag:$0x3] =	sbarrier.arrive $0xFFFF  }
0x6c: {  	_ =	shalt  }

// kernel: kernel.22.cloned.1.call-start
scs
__scs_entry_jumppad:
0x0: {  	(pc) =	sbr.rel $0x88, $3  }
0x1: {  	(tag) =	ssettag $0x0;
	lr =	simm.s32 $0x1  }
0x2: {  	[smem:$0x3F95] =	sst lr;
	_ =	strace $0xD0000000  }
0x3: {  	_ = 	snop  }
0x4: {  	_ = 	snop  }
0x5: {  	_ = 	snop  }
0x6: {  	_ = 	snop  }
0x7: {  	_ = 	snop  }
__scs_overlays_trampoline_lowered:
0x8: {  	[smem:$0x3FA4] =	sst s0  }
0x9: {  	[smem:$0x3FA5] =	sst s1  }
0xa: {  	[smem:$0x3FA6] =	sst s2  }
0xb: {  	[smem:$0x3FA7] =	sst s3  }
0xc: {  	[smem:$0x3FA8] =	sst s4  }
0xd: {  	[smem:$0x3FA9] =	sst s5  }
0xe: {  	[smem:$0x3FAA] =	sst s6  }
0xf: {  	[smem:$0x3FAB] =	sst s7  }
0x10: {  	[smem:$0x3FAC] =	sst s8  }
0x11: {  	[smem:$0x3FAD] =	sst s9;
	s0 =	simm.s32 @!p0 $0x0  }
0x12: {  	s1 =	sld [smem:$0x3F93];
	s0 =	simm.s32 @p0 $0x1  }
0x13: {  	[smem:$0x3FAE] =	sst s0;
	s0 =	simm.s32 @!p1 $0x0  }
0x14: {  	s2 =	sld [smem:$0x3F92];
	s0 =	simm.s32 @p1 $0x1  }
0x15: {  	[smem:$0x3FAF] =	sst s0;
	s0 =	simm.s32 @!p2 $0x0  }
0x16: {  	s3 =	sld [smem:$0x3FDB];
	s0 =	simm.s32 @p2 $0x1  }
0x17: {  	s4 =	simm.s32 $0x1BF5;
	[smem:$0x3FB1] =	sst s0  }
0x18: {  	s0 =	sld [smem:$0x3F94];
	_ =	swait.ge [sflag:s4], $0x0  }
0x19: {  	s7 =	sld [smem:$0x3F95]  }
0x1a: {  	s8 =	sadd.s32 $0xFFFFE003, lr  }
0x1b: {  	s9 =	sadd.s32 $0xFFFFFEF7, lr;
	s5 =	simm.s32 $0xFFFFFFFF;
	p2 =	slt.u32 s8, $0xFFFFF086  }
0x1c: {  	p1 =	slt.u32 s9, $0xF7A;
	s5 =	simm.s32 @!p2 $0x0  }
0x1d: {  	s5 =	simm.s32 @p1 $0x1;
	p0 =	seq.s32 s7, s2  }
0x1e: {  	s7 =	smul.u32 @!p0 $0xF7A, s2;
	p2 =	seq.s32 @!p0 s5, $0x0  }
0x1f: {  	s9 =	smul.u32 $0xF7A, s1;
	s8 =	simm.s32 @!p0 $0x1BF5;
	p2 =	por !p2, p0  }
0x20: {  	[sflag:s8] =	ssyncset.s32 @!p0 $0xFFFFF086;
	s6 =	sadd.s32 @!p0 s3, s7;
	s7 =	simm.s32 @!p0 $0x108  }
0x21: {  	s3 =	sadd.s32 s3, s9;
	s6 =	sadd.s32 @!p0 $0x88, s6;
	s7 =	simm.s32 @p2 $0x1082  }
0x22: {  	[simem:s7], [sflag:s8] =	dma.local @!p0 [hbm:s6], $0xF7A  }
0x23: {  	s9 =	sor.u32 $0xD0000000, s2;
	s6 =	simm.s32 $0x108;
	_ =	swait.ge @!p0 [sflag:s8], $0x0  }
0x24: {  	s3 =	sadd.s32 $0x88, s3;
	s6 =	simm.s32 @!p1 $0x1082;
	[sflag:s4] =	ssyncset.s32 $0xFFFFF086  }
0x25: {  	[simem:s6], [sflag:s4] =	dma.local [hbm:s3], $0xF7A  }
0x26: {  	[smem:$0x3F95] =	sst s1;
	(tag) =	ssettag s2;
	_ =	strace s9  }
0x27: {  	s1 =	sld [smem:$0x3FA5]  }
0x28: {  	s2 =	sld [smem:$0x3FA6]  }
0x29: {  	s4 =	sld [smem:$0x3FA8]  }
0x2a: {  	p0 =	seq.s32 s5, $0x0;
	s5 =	sld [smem:$0x3FA9]  }
0x2b: {  	s6 =	sld [smem:$0x3FAA]  }
0x2c: {  	s7 =	sld [smem:$0x3FAB]  }
0x2d: {  	s3 =	simm.s32 $0x108;
	s8 =	sld [smem:$0x3FAC]  }
0x2e: {  	s3 =	simm.s32 @!p0 $0x1082;
	s9 =	sld [smem:$0x3FAD]  }
0x2f: {  	lr =	sadd.s32 s0, s3;
	s0 =	sld [smem:$0x3FA4]  }
0x30: {  	s3 =	sld [smem:$0x3FA7]  }
0x31: {  	[smem:$0x3FB0] =	sst s10  }
0x32: {  	s10 =	sld [smem:$0x3FAE];
	_ =	sdelay $0x3  }
0x33: {  	p0 =	seq.s32 s10, $0x1;
	s10 =	sld [smem:$0x3FB0];
	_ =	sdelay $0x3  }
0x34: {  	[smem:$0x3FB0] =	sst s10  }
0x35: {  	s10 =	sld [smem:$0x3FAF];
	_ =	sdelay $0x3  }
0x36: {  	p1 =	seq.s32 s10, $0x1;
	s10 =	sld [smem:$0x3FB0];
	_ =	sdelay $0x3  }
0x37: {  	[smem:$0x3FB0] =	sst s10  }
0x38: {  	s10 =	sld [smem:$0x3FB1]  }
0x39: {  	_ = 	snop;
	(pc) =	sbr.ind lr, $3  }
0x3a: {  	_ = 	snop  }
0x3b: {  	_ = 	snop  }
0x3c: {  	p2 =	seq.s32 s10, $0x1;
	s10 =	sld [smem:$0x3FB0]  }
0x3d: {  	_ =	shalt  }
0x3e: {  	_ =	shalt  }
0x3f: {  	_ =	shalt  }
0x40: {  	_ =	shalt  }
0x41: {  	_ =	shalt  }
0x42: {  	_ =	shalt  }
0x43: {  	_ =	shalt  }
0x44: {  	_ =	shalt  }
0x45: {  	_ =	shalt  }
0x46: {  	_ =	shalt  }
0x47: {  	_ =	shalt  }
0x48: {  	_ =	shalt  }
0x49: {  	_ =	shalt  }
0x4a: {  	_ =	shalt  }
0x4b: {  	_ =	shalt  }
0x4c: {  	_ =	shalt  }
0x4d: {  	_ =	shalt  }
0x4e: {  	_ =	shalt  }
0x4f: {  	_ =	shalt  }
0x50: {  	_ =	shalt  }
0x51: {  	_ =	shalt  }
0x52: {  	_ =	shalt  }
0x53: {  	_ =	shalt  }
0x54: {  	_ =	shalt  }
0x55: {  	_ =	shalt  }
0x56: {  	_ =	shalt  }
0x57: {  	_ =	shalt  }
0x58: {  	_ =	shalt  }
0x59: {  	_ =	shalt  }
0x5a: {  	_ =	shalt  }
0x5b: {  	_ =	shalt  }
0x5c: {  	_ =	shalt  }
0x5d: {  	_ =	shalt  }
0x5e: {  	_ =	shalt  }
0x5f: {  	_ =	shalt  }
0x60: {  	_ =	shalt  }
0x61: {  	_ =	shalt  }
0x62: {  	_ =	shalt  }
0x63: {  	_ =	shalt  }
0x64: {  	_ =	shalt  }
0x65: {  	_ =	shalt  }
0x66: {  	_ =	shalt  }
0x67: {  	_ =	shalt  }
0x68: {  	_ =	shalt  }
0x69: {  	_ =	shalt  }
0x6a: {  	_ =	shalt  }
0x6b: {  	_ =	shalt  }
0x6c: {  	_ =	shalt  }
0x6d: {  	_ =	shalt  }
0x6e: {  	_ =	shalt  }
0x6f: {  	_ =	shalt  }
0x70: {  	_ =	shalt  }
0x71: {  	_ =	shalt  }
0x72: {  	_ =	shalt  }
0x73: {  	_ =	shalt  }
0x74: {  	_ =	shalt  }
0x75: {  	_ =	shalt  }
0x76: {  	_ =	shalt  }
0x77: {  	_ =	shalt  }
0x78: {  	_ =	shalt  }
0x79: {  	_ =	shalt  }
0x7a: {  	_ =	shalt  }
0x7b: {  	_ =	shalt  }
0x7c: {  	_ =	shalt  }
0x7d: {  	_ =	shalt  }
0x7e: {  	_ =	shalt  }
0x7f: {  	_ =	shalt  }
0x80: {  	_ =	shalt  }
0x81: {  	_ =	shalt  }
0x82: {  	_ =	shalt  }
0x83: {  	_ =	shalt  }
0x84: {  	_ =	shalt  }
0x85: {  	_ =	shalt  }
0x86: {  	_ =	shalt  }
0x87: {  	_ =	shalt  }
.Lfunc_end0:
.L_simem_size_0:
called_computation.1_lowered:
.L_overlay_start_0:
0x88: {  	s2 =	sld [smem:$0x3FD9]  }
0x89: {  	s3 =	sld [smem:$0x3FFE];
	_ =	sdelay $0x1  }
0x8a: {  	s1 =	srdreg.scid  }
0x8b: {  	s0 =	sand.u32 $0x1, s1  }
0x8c: {  	s16 =	sshll.u32 s0, $0xA;
	s2 =	sadd.s32 s3, s2  }
0x8d: {  	s2 =	sadd.s32 s2, s16  }
0x8e: {  	[smem:$0x3FBC] =	sst s2  }
0x8f: {  	_ = 	snop  }
0x90: {  	(tm) =	ssettm $0x1  }
0x91: {  	s17 =	sld [smem:$0x3FFB];
	_ =	sdelay $0x3  }
0x92: {  	_ =	strace s17  }
0x93: {  	s2 =	sld [smem:$0x3FFC];
	_ =	sdelay $0x3  }
0x94: {  	_ =	strace s2  }
0x95: {  	s2 =	sld [smem:$0x3FFD];
	_ =	sdelay $0x3  }
0x96: {  	_ =	strace s2  }
0x97: {  	_ =	strace $0x8FFFFFFF  }
0x98: {  	s18 =	sld [smem:$0x3FDB];
	_ =	sdelay $0x1  }
0x99: {  	s19 =	simm.s32 $_scs_section_size  }
0x9a: {  	s4 =	simm.s32 $_size__tile_overlayer_lowered;
	s5 =	simm.s32 $_tile_overlayer_lowered  }
0x9b: {  	s22 =	simm.s32 $0x1BFF;
	s21 =	sshll.u32 s5, $0x1;
	s2 =	sadd.s32 s19, s18  }
0x9c: {  	s6 =	simm.s32 $0x0;
	s20 =	sshll.u32 s4, $0x1;
	s4 =	sadd.s32 s21, s2  }
0x9d: {  	[timem:s6], [sflag:s22] =	dma.local [hbm:s4], s20  }
0x9e: {  	_ =	swait.ge [sflag:s22], s20  }
0x9f: {  	s3 =	ssub.s32 $0x0, s20;
	[sflag:s22] =	ssyncset.done $0x0  }
0xa0: {  	[sflag:s22] =	ssyncadd.s32 s3;
	_ =	sdelay $0x1  }
0xa1: {  	s23 =	simm.s32 $0x1B8B  }
0xa2: {  	_ =	swait.ge [sflag:s23], $0x1  }
0xa3: {  	[sflag:s23] =	ssyncset.done $0x0  }
0xa4: {  	s25 =	simm.s32 $0x1B8E;
	s24 =	sld [smem:$0x3FFE];
	[sflag:s23] =	ssyncadd.s32 $0xFFFFFFFF  }
0xa5: {  	s26 =	simm.s32 $execute0_lowered;
	[smem:$0x3FD2] =	sst s25  }
0xa6: {  	s4 =	sshll.u32 s26, $0x1;
	_ =	strace $0x80000049;
	[dreg:$0x1] =	wrdreg $0xFFFFFFFF  }
0xa7: {  	s28 =	simm.s32 $_size_execute0_lowered;
	s2 =	sadd.s32 s2, s4;
	[dreg:$0x0] =	wrdreg $0x0  }
0xa8: {  	s4 =	sshll.u32 s28, $0x1;
	[dreg:$0x2] =	wrdreg s2  }
0xa9: {  	[dreg:$0x3] =	wrdreg s4  }
0xaa: {  	[dreg:$0x4] =	wrdreg $0xC0  }
0xab: {  	_ =	task [dreg:s6], $0x5FFFF  }
0xac: {  	[dreg:$0x1] =	wrdreg $0xFFFFFFFF  }
0xad: {  	[dreg:$0x0] =	wrdreg $0x60  }
0xae: {  	[dreg:$0x2] =	wrdreg s24  }
0xaf: {  	[dreg:$0x3] =	wrdreg $0x0  }
0xb0: {  	[dreg:$0x4] =	wrdreg $0x9  }
0xb1: {  	_ =	task.clear_ibuf [dreg:s6], $0x5FFFF;
	_ =	strace $0x90000049  }
0xb2: {  	s29 =	simm.s32 $0x9;
	_ =	strace $0x8000004B  }
0xb3: {  	_ =	swait.ge [sflag:s29], $0x1  }
0xb4: {  	[sflag:s29] =	ssyncadd.s32 $0xFFFFFFFF  }
0xb5: {  	_ =	strace $0x9000004B  }
0xb6: {  	_ =	sfence  }
0xb7: {  	s30 =	sld [smem:$0x0];
	_ =	sdelay $0x2  }
0xb8: {  	s31 =	sshll.u32 s1, $0xD;
	s1 =	sshrl.u32 s1, $0x2  }
0xb9: {  	s3 =	sand.u32 $0x4000, s31;
	s1 =	sadd.s32 s1, s30  }
0xba: {  	s0 =	sor.u32 s3, s0;
	s1 =	sshll.u32 s1, $0x11  }
0xbb: {  	s0 =	sor.u32 s1, s0  }
0xbc: {  	s0 =	sadd.s32 $0x8F2B, s0  }
0xbd: {  	[sflag:s0] =	ssyncadd.remote.s32 $0x1  }
0xbe: {  	_ =	sfence.sel $0xFFFF  }
0xbf: {  	[dreg:$0x0] =	wrdreg $0xFFFFFFFF;
	(pc) =	sbr.abs _section_cstart, $3  }
0xc0: {  	[dreg:$0x1] =	wrdreg $0xFFFFFFFF  }
0xc1: {  	_ =	task.clear_ibuf [dreg:s6], $0x2FFFF;
	_ =	strace $0x9FFFFFFF  }
0xc2: {  	(tm) =	ssettm $0x7FFFFFFF  }
0xc3: {  	_ =	shalt  }
tec
execute0_lowered:
.L_overlay_start_1:
0x0: {  	(tag) =	ssettag $0x1  }
0x1: {  	s6 =	rddreg [dreg:$0x0]  }
0x2: {  	s0 =	srdreg.scid;
	s1 =	rddreg [dreg:$0x1]  }
0x3: {  	s3 =	simm.s32 $0x0;
	s2 =	stileid.u32;
	s12 =	simm.s32 $0x2  }
0x4: {  	s17 =	simm.s32 $0x14000;
	s18 =	simm.s32 $0x14080;
	s19 =	simm.s32 $0x80  }
0x5: {  	s20 =	simm.s32 $0x14100;
	s21 =	simm.s32 $0x1;
	s9 =	smul.u32 $0x14000, s2  }
0x6: {  	s5 =	sand.u32 $0x1, s0;
	s0 =	rddreg [dreg:$0x2];
	s26 =	smul.u32 $0x50000, s2  }
0x7: {  	s22 =	simm.s32 $0x0;
	[smem:$0x7FF] =	sst s3;
	s31 =	smul.u32 $0x4F0, s2  }
0x8: {  	s4 =	sadd.s32 $0xB8E00, s6;
	s30 =	sshll.u32 s2, $0x6;
	s7 =	smul.u32 $0x4F00, s5  }
0x9: {  	s8 =	smul.u32 $0x140000, s5;
	_ =	strace $0x8000004A;
	s25 =	ssub.s32 $0x2, s5  }
0xa: {  	s5 =	sadd.s32 $0x18600, s6;
	s28 =	sshrl.u32 s25, $0x1;
	s29 =	sshrl.u32 s26, $0x2  }
0xb: {  	s10 =	sadd.s32 s7, s6;
	s24 =	sadd.s32 s9, s8;
	s11 =	sadd.s32 s29, s1  }
0xc: {  	s8 =	ssub.s32 s25, s28;
	s7 =	sshrl.u32 s24, $0x3;
	s13 =	sadd.s32 $0x4000, s11  }
0xd: {  	s14 =	sadd.s32 $0x8000, s11;
	s15 =	sadd.s32 $0xC000, s11;
	s16 =	sadd.s32 $0x10000, s11  }
0xe: {  	s10 =	sadd.s32 s31, s10;
	s8 =	smax.u32 s8, $0x1;
	s11 =	sshrl.u32 s11, $0x3  }
0xf: {  	s7 =	sadd.s32 s7, s6;
	s6 =	sor.u32 $0x1C02, s30;
	s9 =	sadd.s32 $0xE800, s10  }
0x10: {  	s10 =	sadd.s32 $0x4A00, s10;
	s13 =	sshrl.u32 s13, $0x3;
	s14 =	sshrl.u32 s14, $0x3  }
0x11: {  	s15 =	sshrl.u32 s15, $0x3;
	s16 =	sshrl.u32 s16, $0x3;
	s7 =	sadd.s32 $0x18E00, s7  }
.LBB2_1:
0x12: {  	[spmem:s11], [sflag:s6] =	dma.local [hbm:s5], $0x800  }
0x13: {  	_ =	swait.ge [sflag:s12], $0x800  }
0x14: {  	[sflag:s12] =	ssyncset.done $0x0  }
0x15: {  	[sflag:s12] =	ssyncadd.s32 $0xFFFFF800  }
0x16: {  	[spmem:s13], [sflag:s6] =	dma.local [hbm:s5], $0x800  }
0x17: {  	_ =	swait.ge [sflag:s12], $0x800  }
0x18: {  	[sflag:s12] =	ssyncset.done $0x0  }
0x19: {  	[sflag:s12] =	ssyncadd.s32 $0xFFFFF800  }
0x1a: {  	[spmem:s14], [sflag:s6] =	dma.local [hbm:s5], $0x800  }
0x1b: {  	_ =	swait.ge [sflag:s12], $0x800  }
0x1c: {  	[sflag:s12] =	ssyncset.done $0x0  }
0x1d: {  	[sflag:s12] =	ssyncadd.s32 $0xFFFFF800  }
0x1e: {  	[spmem:s15], [sflag:s6] =	dma.local [hbm:s5], $0x800  }
0x1f: {  	_ =	swait.ge [sflag:s12], $0x800  }
0x20: {  	[sflag:s12] =	ssyncset.done $0x0  }
0x21: {  	[sflag:s12] =	ssyncadd.s32 $0xFFFFF800  }
0x22: {  	[spmem:s16], [sflag:s6] =	dma.local [hbm:s5], $0x800  }
0x23: {  	_ =	swait.ge [sflag:s12], $0x800  }
0x24: {  	[sflag:s12] =	ssyncset.done $0x0  }
0x25: {  	[sflag:s12] =	ssyncadd.s32 $0xFFFFF800  }
0x26: {  	s23 =	sadd.s32 $0x0, s10;
	[bflag:$0x0] =	sbarrier.arrive $0xFFFF  }
0x27: {  	[tilespmem:s17], [sflag:$0x2] =	stream.linear.gather [hbm4b:s23+s3], $0x80, $0x38;
	[tilespmem:$0x18100] =	vst v63  }
0x28: {  	_ =	swait.ge [sflag:s12], $0x80  }
0x29: {  	[sflag:s12] =	ssyncset.done $0x0  }
0x2a: {  	s31 =	sadd.s32 $0x0, s9;
	[sflag:s12] =	ssyncadd.s32 $0xFFFFFF80  }
0x2b: {  	[tilespmem:s18], [sflag:$0x2] =	stream.linear.gather [hbm4b:s31+s3], $0x80, $0x38;
	[tilespmem:$0x18100] =	vst v63  }
0x2c: {  	_ =	swait.ge [sflag:s12], $0x80  }
0x2d: {  	[sflag:s12] =	ssyncset.done $0x0  }
0x2e: {  	[sflag:s12] =	ssyncadd.s32 $0xFFFFFF80  }
0x2f: {  	[tilespmem:s20], [sflag:$0x1] =	stream.indirect.gather [hbm4b:s4+s19], $0x80, s17, s19, $0xb8;
	[tilespmem:$0x18100] =	vst v63  }
0x30: {  	_ =	swait.ge [sflag:s21], $0x4000  }
0x31: {  	[sflag:s21] =	ssyncset.done $0x0  }
0x32: {  	[sflag:s21] =	ssyncadd.s32 $0xFFFFC000  }
0x33: {  	[spmem:s1] =	stream.indirect.scatter.add.f32 [tilespmem:s20], [sflag:$0x2], $0x80, s18, s19, $0xb8;
	[tilespmem:$0x18100] =	vst v63  }
0x34: {  	_ =	swait.ge [sflag:s12], $0x4000  }
0x35: {  	s24 =	simm.s32 $0x20;
	s23 =	simm.s32 $0x10;
	[sflag:s12] =	ssyncset.done $0x0  }
.LBB2_2:
0x36: {  	s25 =	sadd.s32 s23, s10  }
0x37: {  	[sflag:s12] =	ssyncadd.s32 $0xFFFFC000;
	s26 =	smov.u32 s24;
	s28 =	sadd.s32 $0x10, s24  }
0x38: {  	[tilespmem:s17], [sflag:$0x2] =	stream.linear.gather [hbm4b:s25+s3], $0x80, $0x38;
	[tilespmem:$0x18100] =	vst v63  }
0x39: {  	p0 =	sne.s32 s24, $0x4E0;
	_ =	swait.ge [sflag:s12], $0x80  }
0x3a: {  	[sflag:s12] =	ssyncset.done $0x0  }
0x3b: {  	s24 =	sadd.s32 s23, s9;
	s23 =	smov.u32 s26;
	[sflag:s12] =	ssyncadd.s32 $0xFFFFFF80  }
0x3c: {  	[tilespmem:s18], [sflag:$0x2] =	stream.linear.gather [hbm4b:s24+s3], $0x80, $0x38;
	[tilespmem:$0x18100] =	vst v63  }
0x3d: {  	_ =	swait.ge [sflag:s12], $0x80  }
0x3e: {  	[sflag:s12] =	ssyncset.done $0x0  }
0x3f: {  	[sflag:s12] =	ssyncadd.s32 $0xFFFFFF80  }
0x40: {  	[tilespmem:s20], [sflag:$0x1] =	stream.indirect.gather [hbm4b:s4+s19], $0x80, s17, s19, $0xb8;
	[tilespmem:$0x18100] =	vst v63  }
0x41: {  	_ =	swait.ge [sflag:s21], $0x4000  }
.Ltmp0:
0x42: {  	[sflag:s21] =	ssyncset.done $0x0;
	(pc) =	sbr.rel @p0 .LBB2_2-.Ltmp0, $4  }
0x43: {  	[sflag:s21] =	ssyncadd.s32 $0xFFFFC000  }
0x44: {  	[spmem:s1] =	stream.indirect.scatter.add.f32 [tilespmem:s20], [sflag:$0x2], $0x80, s18, s19, $0xb8;
	[tilespmem:$0x18100] =	vst v63  }
0x45: {  	_ =	swait.ge [sflag:s12], $0x4000  }
0x46: {  	s24 =	smov.u32 s28;
	[sflag:s12] =	ssyncset.done $0x0  }
0x47: {  	s24 =	sadd.s32 s23, s10;
	[sflag:s12] =	ssyncadd.s32 $0xFFFFC000  }
0x48: {  	[tilespmem:s17], [sflag:$0x2] =	stream.linear.gather [hbm4b:s24+s3], $0x80, $0x38;
	[tilespmem:$0x18100] =	vst v63  }
0x49: {  	_ =	swait.ge [sflag:s12], $0x80  }
0x4a: {  	[sflag:s12] =	ssyncset.done $0x0  }
0x4b: {  	s31 =	sadd.s32 s23, s9;
	[sflag:s12] =	ssyncadd.s32 $0xFFFFFF80  }
0x4c: {  	[tilespmem:s18], [sflag:$0x2] =	stream.linear.gather [hbm4b:s31+s3], $0x80, $0x38;
	[tilespmem:$0x18100] =	vst v63  }
0x4d: {  	_ =	swait.ge [sflag:s12], $0x80  }
0x4e: {  	[sflag:s12] =	ssyncset.done $0x0  }
0x4f: {  	[sflag:s12] =	ssyncadd.s32 $0xFFFFFF80  }
0x50: {  	[tilespmem:s20], [sflag:$0x1] =	stream.indirect.gather [hbm4b:s4+s19], $0x80, s17, s19, $0xb8;
	[tilespmem:$0x18100] =	vst v63  }
0x51: {  	_ =	swait.ge [sflag:s21], $0x4000  }
0x52: {  	[sflag:s21] =	ssyncset.done $0x0  }
0x53: {  	[sflag:s21] =	ssyncadd.s32 $0xFFFFC000  }
0x54: {  	[spmem:s1] =	stream.indirect.scatter.add.f32 [tilespmem:s20], [sflag:$0x2], $0x80, s18, s19, $0xb8;
	[tilespmem:$0x18100] =	vst v63  }
0x55: {  	_ =	swait.ge [sflag:s12], $0x4000  }
0x56: {  	s22 =	sadd.s32 $0x1, s22;
	[sflag:s12] =	ssyncset.done $0x0  }
0x57: {  	p0 =	sne.s32 s22, s8;
	[sflag:s12] =	ssyncadd.s32 $0xFFFFC000  }
.Ltmp1:
0x58: {  	[bflag:$0x0] =	sbarrier.arrive $0xFFFF;
	(pc) =	sbr.rel @p0 .LBB2_1-.Ltmp1, $4  }
0x59: {  	[hbm:s7], [sflag:s6] =	dma.local [spmem:s11], $0x2800  }
0x5a: {  	_ =	swait.ge [sflag:s12], $0x2800  }
0x5b: {  	[sflag:s12] =	ssyncset.done $0x0  }
0x5c: {  	[sflag:s12] =	ssyncadd.s32 $0xFFFFD800  }
0x5d: {  	_ =	sfence.sel $0x180000  }
0x5e: {  	[bflag:$0x0] =	sbarrier.arrive $0xFFFF  }
0x5f: {  	p0 =	sne.s32 s2, $0x0;
	_ =	strace $0x9000004A  }
0x60: {  	s0 =	sadd.s32 @!p0 $0x100000, s0;
	[bflag:$0x2] =	sbarrier.arrive $0xFFFF  }
0x61: {  	[sflag:s0] =	ssyncadd.tile.s32 @!p0 $0x1;
	_ =	shalt  }
.Lfunc_end2:
_tile_overlayer_lowered:
.L_overlay_start_2:
0x62: {  	(tag) =	ssettag $0x2  }
0x63: {  	s0 =	rddreg [dreg:$0x0];
	s2 =	stileid.u32  }
0x64: {  	s1 =	rddreg [dreg:$0x1];
	p0 =	sne.s32 s2, $0x0  }
0x65: {  	s3 =	rddreg [dreg:$0x2];
	[bflag:$0x3] =	sbarrier.arrive $0xFFFF;
	s2 =	simm.s32 @!p0 $0x1C02  }
0x66: {  	[timem:s3], [sflag:s2] =	dma.local @!p0 [hbm:s0], s1  }
0x67: {  	s0 =	simm.s32 @!p0 $0x2  }
0x68: {  	_ =	swait.ge @!p0 [sflag:s0], s1  }
0x69: {  	s1 =	ssub.s32 @!p0 $0x0, s1;
	[sflag:s0] =	ssyncset.done @!p0 $0x0  }
0x6a: {  	[sflag:s0] =	ssyncadd.s32 @!p0 s1  }
0x6b: {  	[bflag:$0x3] =	sbarrier.arrive $0xFFFF  }
0x6c: {  	_ =	shalt  }

// kernel: kernel.25.cloned.1.call-start
scs
__scs_entry_jumppad:
0x0: {  	(pc) =	sbr.rel $0x88, $3  }
0x1: {  	(tag) =	ssettag $0x0;
	lr =	simm.s32 $0x1  }
0x2: {  	[smem:$0x3F95] =	sst lr;
	_ =	strace $0xD0000000  }
0x3: {  	_ = 	snop  }
0x4: {  	_ = 	snop  }
0x5: {  	_ = 	snop  }
0x6: {  	_ = 	snop  }
0x7: {  	_ = 	snop  }
__scs_overlays_trampoline_lowered:
0x8: {  	[smem:$0x3FA4] =	sst s0  }
0x9: {  	[smem:$0x3FA5] =	sst s1  }
0xa: {  	[smem:$0x3FA6] =	sst s2  }
0xb: {  	[smem:$0x3FA7] =	sst s3  }
0xc: {  	[smem:$0x3FA8] =	sst s4  }
0xd: {  	[smem:$0x3FA9] =	sst s5  }
0xe: {  	[smem:$0x3FAA] =	sst s6  }
0xf: {  	[smem:$0x3FAB] =	sst s7  }
0x10: {  	[smem:$0x3FAC] =	sst s8  }
0x11: {  	[smem:$0x3FAD] =	sst s9;
	s0 =	simm.s32 @!p0 $0x0  }
0x12: {  	s1 =	sld [smem:$0x3F93];
	s0 =	simm.s32 @p0 $0x1  }
0x13: {  	[smem:$0x3FAE] =	sst s0;
	s0 =	simm.s32 @!p1 $0x0  }
0x14: {  	s2 =	sld [smem:$0x3F92];
	s0 =	simm.s32 @p1 $0x1  }
0x15: {  	[smem:$0x3FAF] =	sst s0;
	s0 =	simm.s32 @!p2 $0x0  }
0x16: {  	s3 =	sld [smem:$0x3FDB];
	s0 =	simm.s32 @p2 $0x1  }
0x17: {  	s4 =	simm.s32 $0x1BF5;
	[smem:$0x3FB1] =	sst s0  }
0x18: {  	s0 =	sld [smem:$0x3F94];
	_ =	swait.ge [sflag:s4], $0x0  }
0x19: {  	s7 =	sld [smem:$0x3F95]  }
0x1a: {  	s8 =	sadd.s32 $0xFFFFE003, lr  }
0x1b: {  	s9 =	sadd.s32 $0xFFFFFEF7, lr;
	s5 =	simm.s32 $0xFFFFFFFF;
	p2 =	slt.u32 s8, $0xFFFFF086  }
0x1c: {  	p1 =	slt.u32 s9, $0xF7A;
	s5 =	simm.s32 @!p2 $0x0  }
0x1d: {  	s5 =	simm.s32 @p1 $0x1;
	p0 =	seq.s32 s7, s2  }
0x1e: {  	s7 =	smul.u32 @!p0 $0xF7A, s2;
	p2 =	seq.s32 @!p0 s5, $0x0  }
0x1f: {  	s9 =	smul.u32 $0xF7A, s1;
	s8 =	simm.s32 @!p0 $0x1BF5;
	p2 =	por !p2, p0  }
0x20: {  	[sflag:s8] =	ssyncset.s32 @!p0 $0xFFFFF086;
	s6 =	sadd.s32 @!p0 s3, s7;
	s7 =	simm.s32 @!p0 $0x108  }
0x21: {  	s3 =	sadd.s32 s3, s9;
	s6 =	sadd.s32 @!p0 $0x88, s6;
	s7 =	simm.s32 @p2 $0x1082  }
0x22: {  	[simem:s7], [sflag:s8] =	dma.local @!p0 [hbm:s6], $0xF7A  }
0x23: {  	s9 =	sor.u32 $0xD0000000, s2;
	s6 =	simm.s32 $0x108;
	_ =	swait.ge @!p0 [sflag:s8], $0x0  }
0x24: {  	s3 =	sadd.s32 $0x88, s3;
	s6 =	simm.s32 @!p1 $0x1082;
	[sflag:s4] =	ssyncset.s32 $0xFFFFF086  }
0x25: {  	[simem:s6], [sflag:s4] =	dma.local [hbm:s3], $0xF7A  }
0x26: {  	[smem:$0x3F95] =	sst s1;
	(tag) =	ssettag s2;
	_ =	strace s9  }
0x27: {  	s1 =	sld [smem:$0x3FA5]  }
0x28: {  	s2 =	sld [smem:$0x3FA6]  }
0x29: {  	s4 =	sld [smem:$0x3FA8]  }
0x2a: {  	p0 =	seq.s32 s5, $0x0;
	s5 =	sld [smem:$0x3FA9]  }
0x2b: {  	s6 =	sld [smem:$0x3FAA]  }
0x2c: {  	s7 =	sld [smem:$0x3FAB]  }
0x2d: {  	s3 =	simm.s32 $0x108;
	s8 =	sld [smem:$0x3FAC]  }
0x2e: {  	s3 =	simm.s32 @!p0 $0x1082;
	s9 =	sld [smem:$0x3FAD]  }
0x2f: {  	lr =	sadd.s32 s0, s3;
	s0 =	sld [smem:$0x3FA4]  }
0x30: {  	s3 =	sld [smem:$0x3FA7]  }
0x31: {  	[smem:$0x3FB0] =	sst s10  }
0x32: {  	s10 =	sld [smem:$0x3FAE];
	_ =	sdelay $0x3  }
0x33: {  	p0 =	seq.s32 s10, $0x1;
	s10 =	sld [smem:$0x3FB0];
	_ =	sdelay $0x3  }
0x34: {  	[smem:$0x3FB0] =	sst s10  }
0x35: {  	s10 =	sld [smem:$0x3FAF];
	_ =	sdelay $0x3  }
0x36: {  	p1 =	seq.s32 s10, $0x1;
	s10 =	sld [smem:$0x3FB0];
	_ =	sdelay $0x3  }
0x37: {  	[smem:$0x3FB0] =	sst s10  }
0x38: {  	s10 =	sld [smem:$0x3FB1]  }
0x39: {  	_ = 	snop;
	(pc) =	sbr.ind lr, $3  }
0x3a: {  	_ = 	snop  }
0x3b: {  	_ = 	snop  }
0x3c: {  	p2 =	seq.s32 s10, $0x1;
	s10 =	sld [smem:$0x3FB0]  }
0x3d: {  	_ =	shalt  }
0x3e: {  	_ =	shalt  }
0x3f: {  	_ =	shalt  }
0x40: {  	_ =	shalt  }
0x41: {  	_ =	shalt  }
0x42: {  	_ =	shalt  }
0x43: {  	_ =	shalt  }
0x44: {  	_ =	shalt  }
0x45: {  	_ =	shalt  }
0x46: {  	_ =	shalt  }
0x47: {  	_ =	shalt  }
0x48: {  	_ =	shalt  }
0x49: {  	_ =	shalt  }
0x4a: {  	_ =	shalt  }
0x4b: {  	_ =	shalt  }
0x4c: {  	_ =	shalt  }
0x4d: {  	_ =	shalt  }
0x4e: {  	_ =	shalt  }
0x4f: {  	_ =	shalt  }
0x50: {  	_ =	shalt  }
0x51: {  	_ =	shalt  }
0x52: {  	_ =	shalt  }
0x53: {  	_ =	shalt  }
0x54: {  	_ =	shalt  }
0x55: {  	_ =	shalt  }
0x56: {  	_ =	shalt  }
0x57: {  	_ =	shalt  }
0x58: {  	_ =	shalt  }
0x59: {  	_ =	shalt  }
0x5a: {  	_ =	shalt  }
0x5b: {  	_ =	shalt  }
0x5c: {  	_ =	shalt  }
0x5d: {  	_ =	shalt  }
0x5e: {  	_ =	shalt  }
0x5f: {  	_ =	shalt  }
0x60: {  	_ =	shalt  }
0x61: {  	_ =	shalt  }
0x62: {  	_ =	shalt  }
0x63: {  	_ =	shalt  }
0x64: {  	_ =	shalt  }
0x65: {  	_ =	shalt  }
0x66: {  	_ =	shalt  }
0x67: {  	_ =	shalt  }
0x68: {  	_ =	shalt  }
0x69: {  	_ =	shalt  }
0x6a: {  	_ =	shalt  }
0x6b: {  	_ =	shalt  }
0x6c: {  	_ =	shalt  }
0x6d: {  	_ =	shalt  }
0x6e: {  	_ =	shalt  }
0x6f: {  	_ =	shalt  }
0x70: {  	_ =	shalt  }
0x71: {  	_ =	shalt  }
0x72: {  	_ =	shalt  }
0x73: {  	_ =	shalt  }
0x74: {  	_ =	shalt  }
0x75: {  	_ =	shalt  }
0x76: {  	_ =	shalt  }
0x77: {  	_ =	shalt  }
0x78: {  	_ =	shalt  }
0x79: {  	_ =	shalt  }
0x7a: {  	_ =	shalt  }
0x7b: {  	_ =	shalt  }
0x7c: {  	_ =	shalt  }
0x7d: {  	_ =	shalt  }
0x7e: {  	_ =	shalt  }
0x7f: {  	_ =	shalt  }
0x80: {  	_ =	shalt  }
0x81: {  	_ =	shalt  }
0x82: {  	_ =	shalt  }
0x83: {  	_ =	shalt  }
0x84: {  	_ =	shalt  }
0x85: {  	_ =	shalt  }
0x86: {  	_ =	shalt  }
0x87: {  	_ =	shalt  }
.Lfunc_end0:
.L_simem_size_0:
called_computation.2_lowered:
.L_overlay_start_0:
0x88: {  	s2 =	sld [smem:$0x3FD9]  }
0x89: {  	s3 =	sld [smem:$0x3FFE];
	_ =	sdelay $0x1  }
0x8a: {  	s1 =	srdreg.scid  }
0x8b: {  	s0 =	sand.u32 $0x1, s1  }
0x8c: {  	s16 =	sshll.u32 s0, $0xA;
	s2 =	sadd.s32 s3, s2  }
0x8d: {  	s2 =	sadd.s32 s2, s16  }
0x8e: {  	[smem:$0x3FBC] =	sst s2  }
0x8f: {  	_ = 	snop  }
0x90: {  	(tm) =	ssettm $0x1  }
0x91: {  	s17 =	sld [smem:$0x3FFB];
	_ =	sdelay $0x3  }
0x92: {  	_ =	strace s17  }
0x93: {  	s2 =	sld [smem:$0x3FFC];
	_ =	sdelay $0x3  }
0x94: {  	_ =	strace s2  }
0x95: {  	s2 =	sld [smem:$0x3FFD];
	_ =	sdelay $0x3  }
0x96: {  	_ =	strace s2  }
0x97: {  	_ =	strace $0x8FFFFFFF  }
0x98: {  	s18 =	sld [smem:$0x3FDB];
	_ =	sdelay $0x1  }
0x99: {  	s19 =	simm.s32 $_scs_section_size  }
0x9a: {  	s4 =	simm.s32 $_size__tile_overlayer_lowered;
	s5 =	simm.s32 $_tile_overlayer_lowered  }
0x9b: {  	s22 =	simm.s32 $0x1BFF;
	s21 =	sshll.u32 s5, $0x1;
	s2 =	sadd.s32 s19, s18  }
0x9c: {  	s6 =	simm.s32 $0x0;
	s20 =	sshll.u32 s4, $0x1;
	s4 =	sadd.s32 s21, s2  }
0x9d: {  	[timem:s6], [sflag:s22] =	dma.local [hbm:s4], s20  }
0x9e: {  	_ =	swait.ge [sflag:s22], s20  }
0x9f: {  	s3 =	ssub.s32 $0x0, s20;
	[sflag:s22] =	ssyncset.done $0x0  }
0xa0: {  	[sflag:s22] =	ssyncadd.s32 s3;
	_ =	sdelay $0x1  }
0xa1: {  	s23 =	simm.s32 $0x1B8B  }
0xa2: {  	_ =	swait.ge [sflag:s23], $0x1  }
0xa3: {  	[sflag:s23] =	ssyncset.done $0x0  }
0xa4: {  	s25 =	simm.s32 $0x1B8E;
	s24 =	sld [smem:$0x3FFE];
	[sflag:s23] =	ssyncadd.s32 $0xFFFFFFFF  }
0xa5: {  	s26 =	simm.s32 $execute0_lowered;
	[smem:$0x3FD2] =	sst s25  }
0xa6: {  	s4 =	sshll.u32 s26, $0x1;
	_ =	strace $0x8000004C;
	[dreg:$0x1] =	wrdreg $0xFFFFFFFF  }
0xa7: {  	s28 =	simm.s32 $_size_execute0_lowered;
	s2 =	sadd.s32 s2, s4;
	[dreg:$0x0] =	wrdreg $0x0  }
0xa8: {  	s4 =	sshll.u32 s28, $0x1;
	[dreg:$0x2] =	wrdreg s2  }
0xa9: {  	[dreg:$0x3] =	wrdreg s4  }
0xaa: {  	[dreg:$0x4] =	wrdreg $0xC0  }
0xab: {  	_ =	task [dreg:s6], $0x5FFFF  }
0xac: {  	[dreg:$0x1] =	wrdreg $0xFFFFFFFF  }
0xad: {  	[dreg:$0x0] =	wrdreg $0x60  }
0xae: {  	[dreg:$0x2] =	wrdreg s24  }
0xaf: {  	[dreg:$0x3] =	wrdreg $0x0  }
0xb0: {  	[dreg:$0x4] =	wrdreg $0x9  }
0xb1: {  	_ =	task.clear_ibuf [dreg:s6], $0x5FFFF;
	_ =	strace $0x9000004C  }
0xb2: {  	s29 =	simm.s32 $0x9;
	_ =	strace $0x8000004E  }
0xb3: {  	_ =	swait.ge [sflag:s29], $0x1  }
0xb4: {  	[sflag:s29] =	ssyncadd.s32 $0xFFFFFFFF  }
0xb5: {  	_ =	strace $0x9000004E  }
0xb6: {  	_ =	sfence  }
0xb7: {  	s30 =	sld [smem:$0x0];
	_ =	sdelay $0x2  }
0xb8: {  	s31 =	sshll.u32 s1, $0xD;
	s1 =	sshrl.u32 s1, $0x2  }
0xb9: {  	s3 =	sand.u32 $0x4000, s31;
	s1 =	sadd.s32 s1, s30  }
0xba: {  	s0 =	sor.u32 s3, s0;
	s1 =	sshll.u32 s1, $0x11  }
0xbb: {  	s0 =	sor.u32 s1, s0  }
0xbc: {  	s0 =	sadd.s32 $0x8F2B, s0  }
0xbd: {  	[sflag:s0] =	ssyncadd.remote.s32 $0x1  }
0xbe: {  	_ =	sfence.sel $0xFFFF  }
0xbf: {  	[dreg:$0x0] =	wrdreg $0xFFFFFFFF;
	(pc) =	sbr.abs _section_cstart, $3  }
0xc0: {  	[dreg:$0x1] =	wrdreg $0xFFFFFFFF  }
0xc1: {  	_ =	task.clear_ibuf [dreg:s6], $0x2FFFF;
	_ =	strace $0x9FFFFFFF  }
0xc2: {  	(tm) =	ssettm $0x7FFFFFFF  }
0xc3: {  	_ =	shalt  }
tec
execute0_lowered:
.L_overlay_start_1:
0x0: {  	(tag) =	ssettag $0x1  }
0x1: {  	s6 =	rddreg [dreg:$0x0]  }
0x2: {  	s0 =	srdreg.scid;
	s1 =	rddreg [dreg:$0x1]  }
0x3: {  	s3 =	simm.s32 $0x0;
	s2 =	stileid.u32;
	s12 =	simm.s32 $0x2  }
0x4: {  	s17 =	simm.s32 $0x14000;
	s18 =	simm.s32 $0x14080;
	s19 =	simm.s32 $0x80  }
0x5: {  	s20 =	simm.s32 $0x14100;
	s21 =	simm.s32 $0x1;
	s9 =	smul.u32 $0x14000, s2  }
0x6: {  	s5 =	sand.u32 $0x1, s0;
	s0 =	rddreg [dreg:$0x2];
	s26 =	smul.u32 $0x50000, s2  }
0x7: {  	s22 =	simm.s32 $0x0;
	[smem:$0x7FF] =	sst s3;
	s31 =	smul.u32 $0x4F0, s2  }
0x8: {  	s4 =	sadd.s32 $0xB8E00, s6;
	s30 =	sshll.u32 s2, $0x6;
	s7 =	smul.u32 $0x4F00, s5  }
0x9: {  	s8 =	smul.u32 $0x140000, s5;
	_ =	strace $0x8000004D;
	s25 =	ssub.s32 $0x2, s5  }
0xa: {  	s5 =	sadd.s32 $0x18600, s6;
	s28 =	sshrl.u32 s25, $0x1;
	s29 =	sshrl.u32 s26, $0x2  }
0xb: {  	s10 =	sadd.s32 s7, s6;
	s24 =	sadd.s32 s9, s8;
	s11 =	sadd.s32 s29, s1  }
0xc: {  	s8 =	ssub.s32 s25, s28;
	s7 =	sshrl.u32 s24, $0x3;
	s13 =	sadd.s32 $0x4000, s11  }
0xd: {  	s14 =	sadd.s32 $0x8000, s11;
	s15 =	sadd.s32 $0xC000, s11;
	s16 =	sadd.s32 $0x10000, s11  }
0xe: {  	s10 =	sadd.s32 s31, s10;
	s8 =	smax.u32 s8, $0x1;
	s11 =	sshrl.u32 s11, $0x3  }
0xf: {  	s7 =	sadd.s32 s7, s6;
	s6 =	sor.u32 $0x1C02, s30;
	s9 =	sadd.s32 $0xE800, s10  }
0x10: {  	s10 =	sadd.s32 $0x4A00, s10;
	s13 =	sshrl.u32 s13, $0x3;
	s14 =	sshrl.u32 s14, $0x3  }
0x11: {  	s15 =	sshrl.u32 s15, $0x3;
	s16 =	sshrl.u32 s16, $0x3;
	s7 =	sadd.s32 $0x18E00, s7  }
.LBB2_1:
0x12: {  	[spmem:s11], [sflag:s6] =	dma.local [hbm:s5], $0x800  }
0x13: {  	_ =	swait.ge [sflag:s12], $0x800  }
0x14: {  	[sflag:s12] =	ssyncset.done $0x0  }
0x15: {  	[sflag:s12] =	ssyncadd.s32 $0xFFFFF800  }
0x16: {  	[spmem:s13], [sflag:s6] =	dma.local [hbm:s5], $0x800  }
0x17: {  	_ =	swait.ge [sflag:s12], $0x800  }
0x18: {  	[sflag:s12] =	ssyncset.done $0x0  }
0x19: {  	[sflag:s12] =	ssyncadd.s32 $0xFFFFF800  }
0x1a: {  	[spmem:s14], [sflag:s6] =	dma.local [hbm:s5], $0x800  }
0x1b: {  	_ =	swait.ge [sflag:s12], $0x800  }
0x1c: {  	[sflag:s12] =	ssyncset.done $0x0  }
0x1d: {  	[sflag:s12] =	ssyncadd.s32 $0xFFFFF800  }
0x1e: {  	[spmem:s15], [sflag:s6] =	dma.local [hbm:s5], $0x800  }
0x1f: {  	_ =	swait.ge [sflag:s12], $0x800  }
0x20: {  	[sflag:s12] =	ssyncset.done $0x0  }
0x21: {  	[sflag:s12] =	ssyncadd.s32 $0xFFFFF800  }
0x22: {  	[spmem:s16], [sflag:s6] =	dma.local [hbm:s5], $0x800  }
0x23: {  	_ =	swait.ge [sflag:s12], $0x800  }
0x24: {  	[sflag:s12] =	ssyncset.done $0x0  }
0x25: {  	[sflag:s12] =	ssyncadd.s32 $0xFFFFF800  }
0x26: {  	s23 =	sadd.s32 $0x0, s10;
	[bflag:$0x0] =	sbarrier.arrive $0xFFFF  }
0x27: {  	[tilespmem:s17], [sflag:$0x2] =	stream.linear.gather [hbm4b:s23+s3], $0x80, $0x38;
	[tilespmem:$0x18100] =	vst v63  }
0x28: {  	_ =	swait.ge [sflag:s12], $0x80  }
0x29: {  	[sflag:s12] =	ssyncset.done $0x0  }
0x2a: {  	s31 =	sadd.s32 $0x0, s9;
	[sflag:s12] =	ssyncadd.s32 $0xFFFFFF80  }
0x2b: {  	[tilespmem:s18], [sflag:$0x2] =	stream.linear.gather [hbm4b:s31+s3], $0x80, $0x38;
	[tilespmem:$0x18100] =	vst v63  }
0x2c: {  	_ =	swait.ge [sflag:s12], $0x80  }
0x2d: {  	[sflag:s12] =	ssyncset.done $0x0  }
0x2e: {  	[sflag:s12] =	ssyncadd.s32 $0xFFFFFF80  }
0x2f: {  	[tilespmem:s20], [sflag:$0x1] =	stream.indirect.gather [hbm4b:s4+s19], $0x80, s17, s19, $0xb8;
	[tilespmem:$0x18100] =	vst v63  }
0x30: {  	_ =	swait.ge [sflag:s21], $0x4000  }
0x31: {  	[sflag:s21] =	ssyncset.done $0x0  }
0x32: {  	[sflag:s21] =	ssyncadd.s32 $0xFFFFC000  }
0x33: {  	[spmem:s1] =	stream.indirect.scatter.add.f32 [tilespmem:s20], [sflag:$0x2], $0x80, s18, s19, $0xb8;
	[tilespmem:$0x18100] =	vst v63  }
0x34: {  	_ =	swait.ge [sflag:s12], $0x4000  }
0x35: {  	s24 =	simm.s32 $0x20;
	s23 =	simm.s32 $0x10;
	[sflag:s12] =	ssyncset.done $0x0  }
.LBB2_2:
0x36: {  	s25 =	sadd.s32 s23, s10  }
0x37: {  	[sflag:s12] =	ssyncadd.s32 $0xFFFFC000;
	s26 =	smov.u32 s24;
	s28 =	sadd.s32 $0x10, s24  }
0x38: {  	[tilespmem:s17], [sflag:$0x2] =	stream.linear.gather [hbm4b:s25+s3], $0x80, $0x38;
	[tilespmem:$0x18100] =	vst v63  }
0x39: {  	p0 =	sne.s32 s24, $0x4E0;
	_ =	swait.ge [sflag:s12], $0x80  }
0x3a: {  	[sflag:s12] =	ssyncset.done $0x0  }
0x3b: {  	s24 =	sadd.s32 s23, s9;
	s23 =	smov.u32 s26;
	[sflag:s12] =	ssyncadd.s32 $0xFFFFFF80  }
0x3c: {  	[tilespmem:s18], [sflag:$0x2] =	stream.linear.gather [hbm4b:s24+s3], $0x80, $0x38;
	[tilespmem:$0x18100] =	vst v63  }
0x3d: {  	_ =	swait.ge [sflag:s12], $0x80  }
0x3e: {  	[sflag:s12] =	ssyncset.done $0x0  }
0x3f: {  	[sflag:s12] =	ssyncadd.s32 $0xFFFFFF80  }
0x40: {  	[tilespmem:s20], [sflag:$0x1] =	stream.indirect.gather [hbm4b:s4+s19], $0x80, s17, s19, $0xb8;
	[tilespmem:$0x18100] =	vst v63  }
0x41: {  	_ =	swait.ge [sflag:s21], $0x4000  }
.Ltmp0:
0x42: {  	[sflag:s21] =	ssyncset.done $0x0;
	(pc) =	sbr.rel @p0 .LBB2_2-.Ltmp0, $4  }
0x43: {  	[sflag:s21] =	ssyncadd.s32 $0xFFFFC000  }
0x44: {  	[spmem:s1] =	stream.indirect.scatter.add.f32 [tilespmem:s20], [sflag:$0x2], $0x80, s18, s19, $0xb8;
	[tilespmem:$0x18100] =	vst v63  }
0x45: {  	_ =	swait.ge [sflag:s12], $0x4000  }
0x46: {  	s24 =	smov.u32 s28;
	[sflag:s12] =	ssyncset.done $0x0  }
0x47: {  	s24 =	sadd.s32 s23, s10;
	[sflag:s12] =	ssyncadd.s32 $0xFFFFC000  }
0x48: {  	[tilespmem:s17], [sflag:$0x2] =	stream.linear.gather [hbm4b:s24+s3], $0x80, $0x38;
	[tilespmem:$0x18100] =	vst v63  }
0x49: {  	_ =	swait.ge [sflag:s12], $0x80  }
0x4a: {  	[sflag:s12] =	ssyncset.done $0x0  }
0x4b: {  	s31 =	sadd.s32 s23, s9;
	[sflag:s12] =	ssyncadd.s32 $0xFFFFFF80  }
0x4c: {  	[tilespmem:s18], [sflag:$0x2] =	stream.linear.gather [hbm4b:s31+s3], $0x80, $0x38;
	[tilespmem:$0x18100] =	vst v63  }
0x4d: {  	_ =	swait.ge [sflag:s12], $0x80  }
0x4e: {  	[sflag:s12] =	ssyncset.done $0x0  }
0x4f: {  	[sflag:s12] =	ssyncadd.s32 $0xFFFFFF80  }
0x50: {  	[tilespmem:s20], [sflag:$0x1] =	stream.indirect.gather [hbm4b:s4+s19], $0x80, s17, s19, $0xb8;
	[tilespmem:$0x18100] =	vst v63  }
0x51: {  	_ =	swait.ge [sflag:s21], $0x4000  }
0x52: {  	[sflag:s21] =	ssyncset.done $0x0  }
0x53: {  	[sflag:s21] =	ssyncadd.s32 $0xFFFFC000  }
0x54: {  	[spmem:s1] =	stream.indirect.scatter.add.f32 [tilespmem:s20], [sflag:$0x2], $0x80, s18, s19, $0xb8;
	[tilespmem:$0x18100] =	vst v63  }
0x55: {  	_ =	swait.ge [sflag:s12], $0x4000  }
0x56: {  	s22 =	sadd.s32 $0x1, s22;
	[sflag:s12] =	ssyncset.done $0x0  }
0x57: {  	p0 =	sne.s32 s22, s8;
	[sflag:s12] =	ssyncadd.s32 $0xFFFFC000  }
.Ltmp1:
0x58: {  	[bflag:$0x0] =	sbarrier.arrive $0xFFFF;
	(pc) =	sbr.rel @p0 .LBB2_1-.Ltmp1, $4  }
0x59: {  	[hbm:s7], [sflag:s6] =	dma.local [spmem:s11], $0x2800  }
0x5a: {  	_ =	swait.ge [sflag:s12], $0x2800  }
0x5b: {  	[sflag:s12] =	ssyncset.done $0x0  }
0x5c: {  	[sflag:s12] =	ssyncadd.s32 $0xFFFFD800  }
0x5d: {  	_ =	sfence.sel $0x180000  }
0x5e: {  	[bflag:$0x0] =	sbarrier.arrive $0xFFFF  }
0x5f: {  	p0 =	sne.s32 s2, $0x0;
	_ =	strace $0x9000004D  }
0x60: {  	s0 =	sadd.s32 @!p0 $0x100000, s0;
	[bflag:$0x2] =	sbarrier.arrive $0xFFFF  }
0x61: {  	[sflag:s0] =	ssyncadd.tile.s32 @!p0 $0x1;
	_ =	shalt  }
.Lfunc_end2:
_tile_overlayer_lowered:
.L_overlay_start_2:
0x62: {  	(tag) =	ssettag $0x2  }
0x63: {  	s0 =	rddreg [dreg:$0x0];
	s2 =	stileid.u32  }
0x64: {  	s1 =	rddreg [dreg:$0x1];
	p0 =	sne.s32 s2, $0x0  }
0x65: {  	s3 =	rddreg [dreg:$0x2];
	[bflag:$0x3] =	sbarrier.arrive $0xFFFF;
	s2 =	simm.s32 @!p0 $0x1C02  }
0x66: {  	[timem:s3], [sflag:s2] =	dma.local @!p0 [hbm:s0], s1  }
0x67: {  	s0 =	simm.s32 @!p0 $0x2  }
0x68: {  	_ =	swait.ge @!p0 [sflag:s0], s1  }
0x69: {  	s1 =	ssub.s32 @!p0 $0x0, s1;
	[sflag:s0] =	ssyncset.done @!p0 $0x0  }
0x6a: {  	[sflag:s0] =	ssyncadd.s32 @!p0 s1  }
0x6b: {  	[bflag:$0x3] =	sbarrier.arrive $0xFFFF  }
0x6c: {  	_ =	shalt  }

// kernel: kernel.28.cloned.1.call-start
scs
__scs_entry_jumppad:
0x0: {  	(pc) =	sbr.rel $0x88, $3  }
0x1: {  	(tag) =	ssettag $0x0;
	lr =	simm.s32 $0x1  }
0x2: {  	[smem:$0x3F95] =	sst lr;
	_ =	strace $0xD0000000  }
0x3: {  	_ = 	snop  }
0x4: {  	_ = 	snop  }
0x5: {  	_ = 	snop  }
0x6: {  	_ = 	snop  }
0x7: {  	_ = 	snop  }
__scs_overlays_trampoline_lowered:
0x8: {  	[smem:$0x3FA4] =	sst s0  }
0x9: {  	[smem:$0x3FA5] =	sst s1  }
0xa: {  	[smem:$0x3FA6] =	sst s2  }
0xb: {  	[smem:$0x3FA7] =	sst s3  }
0xc: {  	[smem:$0x3FA8] =	sst s4  }
0xd: {  	[smem:$0x3FA9] =	sst s5  }
0xe: {  	[smem:$0x3FAA] =	sst s6  }
0xf: {  	[smem:$0x3FAB] =	sst s7  }
0x10: {  	[smem:$0x3FAC] =	sst s8  }
0x11: {  	[smem:$0x3FAD] =	sst s9;
	s0 =	simm.s32 @!p0 $0x0  }
0x12: {  	s1 =	sld [smem:$0x3F93];
	s0 =	simm.s32 @p0 $0x1  }
0x13: {  	[smem:$0x3FAE] =	sst s0;
	s0 =	simm.s32 @!p1 $0x0  }
0x14: {  	s2 =	sld [smem:$0x3F92];
	s0 =	simm.s32 @p1 $0x1  }
0x15: {  	[smem:$0x3FAF] =	sst s0;
	s0 =	simm.s32 @!p2 $0x0  }
0x16: {  	s3 =	sld [smem:$0x3FDB];
	s0 =	simm.s32 @p2 $0x1  }
0x17: {  	s4 =	simm.s32 $0x1BF5;
	[smem:$0x3FB1] =	sst s0  }
0x18: {  	s0 =	sld [smem:$0x3F94];
	_ =	swait.ge [sflag:s4], $0x0  }
0x19: {  	s7 =	sld [smem:$0x3F95]  }
0x1a: {  	s8 =	sadd.s32 $0xFFFFE003, lr  }
0x1b: {  	s9 =	sadd.s32 $0xFFFFFEF7, lr;
	s5 =	simm.s32 $0xFFFFFFFF;
	p2 =	slt.u32 s8, $0xFFFFF086  }
0x1c: {  	p1 =	slt.u32 s9, $0xF7A;
	s5 =	simm.s32 @!p2 $0x0  }
0x1d: {  	s5 =	simm.s32 @p1 $0x1;
	p0 =	seq.s32 s7, s2  }
0x1e: {  	s7 =	smul.u32 @!p0 $0xF7A, s2;
	p2 =	seq.s32 @!p0 s5, $0x0  }
0x1f: {  	s9 =	smul.u32 $0xF7A, s1;
	s8 =	simm.s32 @!p0 $0x1BF5;
	p2 =	por !p2, p0  }
0x20: {  	[sflag:s8] =	ssyncset.s32 @!p0 $0xFFFFF086;
	s6 =	sadd.s32 @!p0 s3, s7;
	s7 =	simm.s32 @!p0 $0x108  }
0x21: {  	s3 =	sadd.s32 s3, s9;
	s6 =	sadd.s32 @!p0 $0x88, s6;
	s7 =	simm.s32 @p2 $0x1082  }
0x22: {  	[simem:s7], [sflag:s8] =	dma.local @!p0 [hbm:s6], $0xF7A  }
0x23: {  	s9 =	sor.u32 $0xD0000000, s2;
	s6 =	simm.s32 $0x108;
	_ =	swait.ge @!p0 [sflag:s8], $0x0  }
0x24: {  	s3 =	sadd.s32 $0x88, s3;
	s6 =	simm.s32 @!p1 $0x1082;
	[sflag:s4] =	ssyncset.s32 $0xFFFFF086  }
0x25: {  	[simem:s6], [sflag:s4] =	dma.local [hbm:s3], $0xF7A  }
0x26: {  	[smem:$0x3F95] =	sst s1;
	(tag) =	ssettag s2;
	_ =	strace s9  }
0x27: {  	s1 =	sld [smem:$0x3FA5]  }
0x28: {  	s2 =	sld [smem:$0x3FA6]  }
0x29: {  	s4 =	sld [smem:$0x3FA8]  }
0x2a: {  	p0 =	seq.s32 s5, $0x0;
	s5 =	sld [smem:$0x3FA9]  }
0x2b: {  	s6 =	sld [smem:$0x3FAA]  }
0x2c: {  	s7 =	sld [smem:$0x3FAB]  }
0x2d: {  	s3 =	simm.s32 $0x108;
	s8 =	sld [smem:$0x3FAC]  }
0x2e: {  	s3 =	simm.s32 @!p0 $0x1082;
	s9 =	sld [smem:$0x3FAD]  }
0x2f: {  	lr =	sadd.s32 s0, s3;
	s0 =	sld [smem:$0x3FA4]  }
0x30: {  	s3 =	sld [smem:$0x3FA7]  }
0x31: {  	[smem:$0x3FB0] =	sst s10  }
0x32: {  	s10 =	sld [smem:$0x3FAE];
	_ =	sdelay $0x3  }
0x33: {  	p0 =	seq.s32 s10, $0x1;
	s10 =	sld [smem:$0x3FB0];
	_ =	sdelay $0x3  }
0x34: {  	[smem:$0x3FB0] =	sst s10  }
0x35: {  	s10 =	sld [smem:$0x3FAF];
	_ =	sdelay $0x3  }
0x36: {  	p1 =	seq.s32 s10, $0x1;
	s10 =	sld [smem:$0x3FB0];
	_ =	sdelay $0x3  }
0x37: {  	[smem:$0x3FB0] =	sst s10  }
0x38: {  	s10 =	sld [smem:$0x3FB1]  }
0x39: {  	_ = 	snop;
	(pc) =	sbr.ind lr, $3  }
0x3a: {  	_ = 	snop  }
0x3b: {  	_ = 	snop  }
0x3c: {  	p2 =	seq.s32 s10, $0x1;
	s10 =	sld [smem:$0x3FB0]  }
0x3d: {  	_ =	shalt  }
0x3e: {  	_ =	shalt  }
0x3f: {  	_ =	shalt  }
0x40: {  	_ =	shalt  }
0x41: {  	_ =	shalt  }
0x42: {  	_ =	shalt  }
0x43: {  	_ =	shalt  }
0x44: {  	_ =	shalt  }
0x45: {  	_ =	shalt  }
0x46: {  	_ =	shalt  }
0x47: {  	_ =	shalt  }
0x48: {  	_ =	shalt  }
0x49: {  	_ =	shalt  }
0x4a: {  	_ =	shalt  }
0x4b: {  	_ =	shalt  }
0x4c: {  	_ =	shalt  }
0x4d: {  	_ =	shalt  }
0x4e: {  	_ =	shalt  }
0x4f: {  	_ =	shalt  }
0x50: {  	_ =	shalt  }
0x51: {  	_ =	shalt  }
0x52: {  	_ =	shalt  }
0x53: {  	_ =	shalt  }
0x54: {  	_ =	shalt  }
0x55: {  	_ =	shalt  }
0x56: {  	_ =	shalt  }
0x57: {  	_ =	shalt  }
0x58: {  	_ =	shalt  }
0x59: {  	_ =	shalt  }
0x5a: {  	_ =	shalt  }
0x5b: {  	_ =	shalt  }
0x5c: {  	_ =	shalt  }
0x5d: {  	_ =	shalt  }
0x5e: {  	_ =	shalt  }
0x5f: {  	_ =	shalt  }
0x60: {  	_ =	shalt  }
0x61: {  	_ =	shalt  }
0x62: {  	_ =	shalt  }
0x63: {  	_ =	shalt  }
0x64: {  	_ =	shalt  }
0x65: {  	_ =	shalt  }
0x66: {  	_ =	shalt  }
0x67: {  	_ =	shalt  }
0x68: {  	_ =	shalt  }
0x69: {  	_ =	shalt  }
0x6a: {  	_ =	shalt  }
0x6b: {  	_ =	shalt  }
0x6c: {  	_ =	shalt  }
0x6d: {  	_ =	shalt  }
0x6e: {  	_ =	shalt  }
0x6f: {  	_ =	shalt  }
0x70: {  	_ =	shalt  }
0x71: {  	_ =	shalt  }
0x72: {  	_ =	shalt  }
0x73: {  	_ =	shalt  }
0x74: {  	_ =	shalt  }
0x75: {  	_ =	shalt  }
0x76: {  	_ =	shalt  }
0x77: {  	_ =	shalt  }
0x78: {  	_ =	shalt  }
0x79: {  	_ =	shalt  }
0x7a: {  	_ =	shalt  }
0x7b: {  	_ =	shalt  }
0x7c: {  	_ =	shalt  }
0x7d: {  	_ =	shalt  }
0x7e: {  	_ =	shalt  }
0x7f: {  	_ =	shalt  }
0x80: {  	_ =	shalt  }
0x81: {  	_ =	shalt  }
0x82: {  	_ =	shalt  }
0x83: {  	_ =	shalt  }
0x84: {  	_ =	shalt  }
0x85: {  	_ =	shalt  }
0x86: {  	_ =	shalt  }
0x87: {  	_ =	shalt  }
.Lfunc_end0:
.L_simem_size_0:
called_computation.3_lowered:
.L_overlay_start_0:
0x88: {  	s2 =	sld [smem:$0x3FD9]  }
0x89: {  	s3 =	sld [smem:$0x3FFE];
	_ =	sdelay $0x1  }
0x8a: {  	s1 =	srdreg.scid  }
0x8b: {  	s0 =	sand.u32 $0x1, s1  }
0x8c: {  	s16 =	sshll.u32 s0, $0xA;
	s2 =	sadd.s32 s3, s2  }
0x8d: {  	s2 =	sadd.s32 s2, s16  }
0x8e: {  	[smem:$0x3FBC] =	sst s2  }
0x8f: {  	_ = 	snop  }
0x90: {  	(tm) =	ssettm $0x1  }
0x91: {  	s17 =	sld [smem:$0x3FFB];
	_ =	sdelay $0x3  }
0x92: {  	_ =	strace s17  }
0x93: {  	s2 =	sld [smem:$0x3FFC];
	_ =	sdelay $0x3  }
0x94: {  	_ =	strace s2  }
0x95: {  	s2 =	sld [smem:$0x3FFD];
	_ =	sdelay $0x3  }
0x96: {  	_ =	strace s2  }
0x97: {  	_ =	strace $0x8FFFFFFF  }
0x98: {  	s18 =	sld [smem:$0x3FDB];
	_ =	sdelay $0x1  }
0x99: {  	s19 =	simm.s32 $_scs_section_size  }
0x9a: {  	s4 =	simm.s32 $_size__tile_overlayer_lowered;
	s5 =	simm.s32 $_tile_overlayer_lowered  }
0x9b: {  	s22 =	simm.s32 $0x1BFF;
	s21 =	sshll.u32 s5, $0x1;
	s2 =	sadd.s32 s19, s18  }
0x9c: {  	s6 =	simm.s32 $0x0;
	s20 =	sshll.u32 s4, $0x1;
	s4 =	sadd.s32 s21, s2  }
0x9d: {  	[timem:s6], [sflag:s22] =	dma.local [hbm:s4], s20  }
0x9e: {  	_ =	swait.ge [sflag:s22], s20  }
0x9f: {  	s3 =	ssub.s32 $0x0, s20;
	[sflag:s22] =	ssyncset.done $0x0  }
0xa0: {  	[sflag:s22] =	ssyncadd.s32 s3;
	_ =	sdelay $0x1  }
0xa1: {  	s23 =	simm.s32 $0x1B8B  }
0xa2: {  	_ =	swait.ge [sflag:s23], $0x1  }
0xa3: {  	[sflag:s23] =	ssyncset.done $0x0  }
0xa4: {  	s25 =	simm.s32 $0x1B8E;
	s24 =	sld [smem:$0x3FFE];
	[sflag:s23] =	ssyncadd.s32 $0xFFFFFFFF  }
0xa5: {  	s26 =	simm.s32 $execute0_lowered;
	[smem:$0x3FD2] =	sst s25  }
0xa6: {  	s4 =	sshll.u32 s26, $0x1;
	_ =	strace $0x8000004F;
	[dreg:$0x1] =	wrdreg $0xFFFFFFFF  }
0xa7: {  	s28 =	simm.s32 $_size_execute0_lowered;
	s2 =	sadd.s32 s2, s4;
	[dreg:$0x0] =	wrdreg $0x0  }
0xa8: {  	s4 =	sshll.u32 s28, $0x1;
	[dreg:$0x2] =	wrdreg s2  }
0xa9: {  	[dreg:$0x3] =	wrdreg s4  }
0xaa: {  	[dreg:$0x4] =	wrdreg $0xC0  }
0xab: {  	_ =	task [dreg:s6], $0x5FFFF  }
0xac: {  	[dreg:$0x1] =	wrdreg $0xFFFFFFFF  }
0xad: {  	[dreg:$0x0] =	wrdreg $0x60  }
0xae: {  	[dreg:$0x2] =	wrdreg s24  }
0xaf: {  	[dreg:$0x3] =	wrdreg $0x0  }
0xb0: {  	[dreg:$0x4] =	wrdreg $0x9  }
0xb1: {  	_ =	task.clear_ibuf [dreg:s6], $0x5FFFF;
	_ =	strace $0x9000004F  }
0xb2: {  	s29 =	simm.s32 $0x9;
	_ =	strace $0x80000051  }
0xb3: {  	_ =	swait.ge [sflag:s29], $0x1  }
0xb4: {  	[sflag:s29] =	ssyncadd.s32 $0xFFFFFFFF  }
0xb5: {  	_ =	strace $0x90000051  }
0xb6: {  	_ =	sfence  }
0xb7: {  	s30 =	sld [smem:$0x0];
	_ =	sdelay $0x2  }
0xb8: {  	s31 =	sshll.u32 s1, $0xD;
	s1 =	sshrl.u32 s1, $0x2  }
0xb9: {  	s3 =	sand.u32 $0x4000, s31;
	s1 =	sadd.s32 s1, s30  }
0xba: {  	s0 =	sor.u32 s3, s0;
	s1 =	sshll.u32 s1, $0x11  }
0xbb: {  	s0 =	sor.u32 s1, s0  }
0xbc: {  	s0 =	sadd.s32 $0x8F2B, s0  }
0xbd: {  	[sflag:s0] =	ssyncadd.remote.s32 $0x1  }
0xbe: {  	_ =	sfence.sel $0xFFFF  }
0xbf: {  	[dreg:$0x0] =	wrdreg $0xFFFFFFFF;
	(pc) =	sbr.abs _section_cstart, $3  }
0xc0: {  	[dreg:$0x1] =	wrdreg $0xFFFFFFFF  }
0xc1: {  	_ =	task.clear_ibuf [dreg:s6], $0x2FFFF;
	_ =	strace $0x9FFFFFFF  }
0xc2: {  	(tm) =	ssettm $0x7FFFFFFF  }
0xc3: {  	_ =	shalt  }
tec
execute0_lowered:
.L_overlay_start_1:
0x0: {  	(tag) =	ssettag $0x1  }
0x1: {  	s6 =	rddreg [dreg:$0x0]  }
0x2: {  	s0 =	srdreg.scid;
	s1 =	rddreg [dreg:$0x1]  }
0x3: {  	s3 =	simm.s32 $0x0;
	s2 =	stileid.u32;
	s12 =	simm.s32 $0x2  }
0x4: {  	s17 =	simm.s32 $0x14000;
	s18 =	simm.s32 $0x14080;
	s19 =	simm.s32 $0x80  }
0x5: {  	s20 =	simm.s32 $0x14100;
	s21 =	simm.s32 $0x1;
	s9 =	smul.u32 $0x14000, s2  }
0x6: {  	s5 =	sand.u32 $0x1, s0;
	s0 =	rddreg [dreg:$0x2];
	s26 =	smul.u32 $0x50000, s2  }
0x7: {  	s22 =	simm.s32 $0x0;
	[smem:$0x7FF] =	sst s3;
	s31 =	smul.u32 $0x4F0, s2  }
0x8: {  	s4 =	sadd.s32 $0xB8E00, s6;
	s30 =	sshll.u32 s2, $0x6;
	s7 =	smul.u32 $0x4F00, s5  }
0x9: {  	s8 =	smul.u32 $0x140000, s5;
	_ =	strace $0x80000050;
	s25 =	ssub.s32 $0x2, s5  }
0xa: {  	s5 =	sadd.s32 $0x18600, s6;
	s28 =	sshrl.u32 s25, $0x1;
	s29 =	sshrl.u32 s26, $0x2  }
0xb: {  	s10 =	sadd.s32 s7, s6;
	s24 =	sadd.s32 s9, s8;
	s11 =	sadd.s32 s29, s1  }
0xc: {  	s8 =	ssub.s32 s25, s28;
	s7 =	sshrl.u32 s24, $0x3;
	s13 =	sadd.s32 $0x4000, s11  }
0xd: {  	s14 =	sadd.s32 $0x8000, s11;
	s15 =	sadd.s32 $0xC000, s11;
	s16 =	sadd.s32 $0x10000, s11  }
0xe: {  	s10 =	sadd.s32 s31, s10;
	s8 =	smax.u32 s8, $0x1;
	s11 =	sshrl.u32 s11, $0x3  }
0xf: {  	s7 =	sadd.s32 s7, s6;
	s6 =	sor.u32 $0x1C02, s30;
	s9 =	sadd.s32 $0xE800, s10  }
0x10: {  	s10 =	sadd.s32 $0x4A00, s10;
	s13 =	sshrl.u32 s13, $0x3;
	s14 =	sshrl.u32 s14, $0x3  }
0x11: {  	s15 =	sshrl.u32 s15, $0x3;
	s16 =	sshrl.u32 s16, $0x3;
	s7 =	sadd.s32 $0x18E00, s7  }
.LBB2_1:
0x12: {  	[spmem:s11], [sflag:s6] =	dma.local [hbm:s5], $0x800  }
0x13: {  	_ =	swait.ge [sflag:s12], $0x800  }
0x14: {  	[sflag:s12] =	ssyncset.done $0x0  }
0x15: {  	[sflag:s12] =	ssyncadd.s32 $0xFFFFF800  }
0x16: {  	[spmem:s13], [sflag:s6] =	dma.local [hbm:s5], $0x800  }
0x17: {  	_ =	swait.ge [sflag:s12], $0x800  }
0x18: {  	[sflag:s12] =	ssyncset.done $0x0  }
0x19: {  	[sflag:s12] =	ssyncadd.s32 $0xFFFFF800  }
0x1a: {  	[spmem:s14], [sflag:s6] =	dma.local [hbm:s5], $0x800  }
0x1b: {  	_ =	swait.ge [sflag:s12], $0x800  }
0x1c: {  	[sflag:s12] =	ssyncset.done $0x0  }
0x1d: {  	[sflag:s12] =	ssyncadd.s32 $0xFFFFF800  }
0x1e: {  	[spmem:s15], [sflag:s6] =	dma.local [hbm:s5], $0x800  }
0x1f: {  	_ =	swait.ge [sflag:s12], $0x800  }
0x20: {  	[sflag:s12] =	ssyncset.done $0x0  }
0x21: {  	[sflag:s12] =	ssyncadd.s32 $0xFFFFF800  }
0x22: {  	[spmem:s16], [sflag:s6] =	dma.local [hbm:s5], $0x800  }
0x23: {  	_ =	swait.ge [sflag:s12], $0x800  }
0x24: {  	[sflag:s12] =	ssyncset.done $0x0  }
0x25: {  	[sflag:s12] =	ssyncadd.s32 $0xFFFFF800  }
0x26: {  	s23 =	sadd.s32 $0x0, s10;
	[bflag:$0x0] =	sbarrier.arrive $0xFFFF  }
0x27: {  	[tilespmem:s17], [sflag:$0x2] =	stream.linear.gather [hbm4b:s23+s3], $0x80, $0x38;
	[tilespmem:$0x18100] =	vst v63  }
0x28: {  	_ =	swait.ge [sflag:s12], $0x80  }
0x29: {  	[sflag:s12] =	ssyncset.done $0x0  }
0x2a: {  	s31 =	sadd.s32 $0x0, s9;
	[sflag:s12] =	ssyncadd.s32 $0xFFFFFF80  }
0x2b: {  	[tilespmem:s18], [sflag:$0x2] =	stream.linear.gather [hbm4b:s31+s3], $0x80, $0x38;
	[tilespmem:$0x18100] =	vst v63  }
0x2c: {  	_ =	swait.ge [sflag:s12], $0x80  }
0x2d: {  	[sflag:s12] =	ssyncset.done $0x0  }
0x2e: {  	[sflag:s12] =	ssyncadd.s32 $0xFFFFFF80  }
0x2f: {  	[tilespmem:s20], [sflag:$0x1] =	stream.indirect.gather [hbm4b:s4+s19], $0x80, s17, s19, $0xb8;
	[tilespmem:$0x18100] =	vst v63  }
0x30: {  	_ =	swait.ge [sflag:s21], $0x4000  }
0x31: {  	[sflag:s21] =	ssyncset.done $0x0  }
0x32: {  	[sflag:s21] =	ssyncadd.s32 $0xFFFFC000  }
0x33: {  	[spmem:s1] =	stream.indirect.scatter.add.f32 [tilespmem:s20], [sflag:$0x2], $0x80, s18, s19, $0xb8;
	[tilespmem:$0x18100] =	vst v63  }
0x34: {  	_ =	swait.ge [sflag:s12], $0x4000  }
0x35: {  	s24 =	simm.s32 $0x20;
	s23 =	simm.s32 $0x10;
	[sflag:s12] =	ssyncset.done $0x0  }
.LBB2_2:
0x36: {  	s25 =	sadd.s32 s23, s10  }
0x37: {  	[sflag:s12] =	ssyncadd.s32 $0xFFFFC000;
	s26 =	smov.u32 s24;
	s28 =	sadd.s32 $0x10, s24  }
0x38: {  	[tilespmem:s17], [sflag:$0x2] =	stream.linear.gather [hbm4b:s25+s3], $0x80, $0x38;
	[tilespmem:$0x18100] =	vst v63  }
0x39: {  	p0 =	sne.s32 s24, $0x4E0;
	_ =	swait.ge [sflag:s12], $0x80  }
0x3a: {  	[sflag:s12] =	ssyncset.done $0x0  }
0x3b: {  	s24 =	sadd.s32 s23, s9;
	s23 =	smov.u32 s26;
	[sflag:s12] =	ssyncadd.s32 $0xFFFFFF80  }
0x3c: {  	[tilespmem:s18], [sflag:$0x2] =	stream.linear.gather [hbm4b:s24+s3], $0x80, $0x38;
	[tilespmem:$0x18100] =	vst v63  }
0x3d: {  	_ =	swait.ge [sflag:s12], $0x80  }
0x3e: {  	[sflag:s12] =	ssyncset.done $0x0  }
0x3f: {  	[sflag:s12] =	ssyncadd.s32 $0xFFFFFF80  }
0x40: {  	[tilespmem:s20], [sflag:$0x1] =	stream.indirect.gather [hbm4b:s4+s19], $0x80, s17, s19, $0xb8;
	[tilespmem:$0x18100] =	vst v63  }
0x41: {  	_ =	swait.ge [sflag:s21], $0x4000  }
.Ltmp0:
0x42: {  	[sflag:s21] =	ssyncset.done $0x0;
	(pc) =	sbr.rel @p0 .LBB2_2-.Ltmp0, $4  }
0x43: {  	[sflag:s21] =	ssyncadd.s32 $0xFFFFC000  }
0x44: {  	[spmem:s1] =	stream.indirect.scatter.add.f32 [tilespmem:s20], [sflag:$0x2], $0x80, s18, s19, $0xb8;
	[tilespmem:$0x18100] =	vst v63  }
0x45: {  	_ =	swait.ge [sflag:s12], $0x4000  }
0x46: {  	s24 =	smov.u32 s28;
	[sflag:s12] =	ssyncset.done $0x0  }
0x47: {  	s24 =	sadd.s32 s23, s10;
	[sflag:s12] =	ssyncadd.s32 $0xFFFFC000  }
0x48: {  	[tilespmem:s17], [sflag:$0x2] =	stream.linear.gather [hbm4b:s24+s3], $0x80, $0x38;
	[tilespmem:$0x18100] =	vst v63  }
0x49: {  	_ =	swait.ge [sflag:s12], $0x80  }
0x4a: {  	[sflag:s12] =	ssyncset.done $0x0  }
0x4b: {  	s31 =	sadd.s32 s23, s9;
	[sflag:s12] =	ssyncadd.s32 $0xFFFFFF80  }
0x4c: {  	[tilespmem:s18], [sflag:$0x2] =	stream.linear.gather [hbm4b:s31+s3], $0x80, $0x38;
	[tilespmem:$0x18100] =	vst v63  }
0x4d: {  	_ =	swait.ge [sflag:s12], $0x80  }
0x4e: {  	[sflag:s12] =	ssyncset.done $0x0  }
0x4f: {  	[sflag:s12] =	ssyncadd.s32 $0xFFFFFF80  }
0x50: {  	[tilespmem:s20], [sflag:$0x1] =	stream.indirect.gather [hbm4b:s4+s19], $0x80, s17, s19, $0xb8;
	[tilespmem:$0x18100] =	vst v63  }
0x51: {  	_ =	swait.ge [sflag:s21], $0x4000  }
0x52: {  	[sflag:s21] =	ssyncset.done $0x0  }
0x53: {  	[sflag:s21] =	ssyncadd.s32 $0xFFFFC000  }
0x54: {  	[spmem:s1] =	stream.indirect.scatter.add.f32 [tilespmem:s20], [sflag:$0x2], $0x80, s18, s19, $0xb8;
	[tilespmem:$0x18100] =	vst v63  }
0x55: {  	_ =	swait.ge [sflag:s12], $0x4000  }
0x56: {  	s22 =	sadd.s32 $0x1, s22;
	[sflag:s12] =	ssyncset.done $0x0  }
0x57: {  	p0 =	sne.s32 s22, s8;
	[sflag:s12] =	ssyncadd.s32 $0xFFFFC000  }
.Ltmp1:
0x58: {  	[bflag:$0x0] =	sbarrier.arrive $0xFFFF;
	(pc) =	sbr.rel @p0 .LBB2_1-.Ltmp1, $4  }
0x59: {  	[hbm:s7], [sflag:s6] =	dma.local [spmem:s11], $0x2800  }
0x5a: {  	_ =	swait.ge [sflag:s12], $0x2800  }
0x5b: {  	[sflag:s12] =	ssyncset.done $0x0  }
0x5c: {  	[sflag:s12] =	ssyncadd.s32 $0xFFFFD800  }
0x5d: {  	_ =	sfence.sel $0x180000  }
0x5e: {  	[bflag:$0x0] =	sbarrier.arrive $0xFFFF  }
0x5f: {  	p0 =	sne.s32 s2, $0x0;
	_ =	strace $0x90000050  }
0x60: {  	s0 =	sadd.s32 @!p0 $0x100000, s0;
	[bflag:$0x2] =	sbarrier.arrive $0xFFFF  }
0x61: {  	[sflag:s0] =	ssyncadd.tile.s32 @!p0 $0x1;
	_ =	shalt  }
.Lfunc_end2:
_tile_overlayer_lowered:
.L_overlay_start_2:
0x62: {  	(tag) =	ssettag $0x2  }
0x63: {  	s0 =	rddreg [dreg:$0x0];
	s2 =	stileid.u32  }
0x64: {  	s1 =	rddreg [dreg:$0x1];
	p0 =	sne.s32 s2, $0x0  }
0x65: {  	s3 =	rddreg [dreg:$0x2];
	[bflag:$0x3] =	sbarrier.arrive $0xFFFF;
	s2 =	simm.s32 @!p0 $0x1C02  }
0x66: {  	[timem:s3], [sflag:s2] =	dma.local @!p0 [hbm:s0], s1  }
0x67: {  	s0 =	simm.s32 @!p0 $0x2  }
0x68: {  	_ =	swait.ge @!p0 [sflag:s0], s1  }
0x69: {  	s1 =	ssub.s32 @!p0 $0x0, s1;
	[sflag:s0] =	ssyncset.done @!p0 $0x0  }
0x6a: {  	[sflag:s0] =	ssyncadd.s32 @!p0 s1  }
0x6b: {  	[bflag:$0x3] =	sbarrier.arrive $0xFFFF  }
0x6c: {  	_ =	shalt  }

// kernel: kernel.31.cloned.1.call-start
scs
__scs_entry_jumppad:
0x0: {  	(pc) =	sbr.rel $0x88, $3  }
0x1: {  	(tag) =	ssettag $0x0;
	lr =	simm.s32 $0x1  }
0x2: {  	[smem:$0x3F95] =	sst lr;
	_ =	strace $0xD0000000  }
0x3: {  	_ = 	snop  }
0x4: {  	_ = 	snop  }
0x5: {  	_ = 	snop  }
0x6: {  	_ = 	snop  }
0x7: {  	_ = 	snop  }
__scs_overlays_trampoline_lowered:
0x8: {  	[smem:$0x3FA4] =	sst s0  }
0x9: {  	[smem:$0x3FA5] =	sst s1  }
0xa: {  	[smem:$0x3FA6] =	sst s2  }
0xb: {  	[smem:$0x3FA7] =	sst s3  }
0xc: {  	[smem:$0x3FA8] =	sst s4  }
0xd: {  	[smem:$0x3FA9] =	sst s5  }
0xe: {  	[smem:$0x3FAA] =	sst s6  }
0xf: {  	[smem:$0x3FAB] =	sst s7  }
0x10: {  	[smem:$0x3FAC] =	sst s8  }
0x11: {  	[smem:$0x3FAD] =	sst s9;
	s0 =	simm.s32 @!p0 $0x0  }
0x12: {  	s1 =	sld [smem:$0x3F93];
	s0 =	simm.s32 @p0 $0x1  }
0x13: {  	[smem:$0x3FAE] =	sst s0;
	s0 =	simm.s32 @!p1 $0x0  }
0x14: {  	s2 =	sld [smem:$0x3F92];
	s0 =	simm.s32 @p1 $0x1  }
0x15: {  	[smem:$0x3FAF] =	sst s0;
	s0 =	simm.s32 @!p2 $0x0  }
0x16: {  	s3 =	sld [smem:$0x3FDB];
	s0 =	simm.s32 @p2 $0x1  }
0x17: {  	s4 =	simm.s32 $0x1BF5;
	[smem:$0x3FB1] =	sst s0  }
0x18: {  	s0 =	sld [smem:$0x3F94];
	_ =	swait.ge [sflag:s4], $0x0  }
0x19: {  	s7 =	sld [smem:$0x3F95]  }
0x1a: {  	s8 =	sadd.s32 $0xFFFFE003, lr  }
0x1b: {  	s9 =	sadd.s32 $0xFFFFFEF7, lr;
	s5 =	simm.s32 $0xFFFFFFFF;
	p2 =	slt.u32 s8, $0xFFFFF086  }
0x1c: {  	p1 =	slt.u32 s9, $0xF7A;
	s5 =	simm.s32 @!p2 $0x0  }
0x1d: {  	s5 =	simm.s32 @p1 $0x1;
	p0 =	seq.s32 s7, s2  }
0x1e: {  	s7 =	smul.u32 @!p0 $0xF7A, s2;
	p2 =	seq.s32 @!p0 s5, $0x0  }
0x1f: {  	s9 =	smul.u32 $0xF7A, s1;
	s8 =	simm.s32 @!p0 $0x1BF5;
	p2 =	por !p2, p0  }
0x20: {  	[sflag:s8] =	ssyncset.s32 @!p0 $0xFFFFF086;
	s6 =	sadd.s32 @!p0 s3, s7;
	s7 =	simm.s32 @!p0 $0x108  }
0x21: {  	s3 =	sadd.s32 s3, s9;
	s6 =	sadd.s32 @!p0 $0x88, s6;
	s7 =	simm.s32 @p2 $0x1082  }
0x22: {  	[simem:s7], [sflag:s8] =	dma.local @!p0 [hbm:s6], $0xF7A  }
0x23: {  	s9 =	sor.u32 $0xD0000000, s2;
	s6 =	simm.s32 $0x108;
	_ =	swait.ge @!p0 [sflag:s8], $0x0  }
0x24: {  	s3 =	sadd.s32 $0x88, s3;
	s6 =	simm.s32 @!p1 $0x1082;
	[sflag:s4] =	ssyncset.s32 $0xFFFFF086  }
0x25: {  	[simem:s6], [sflag:s4] =	dma.local [hbm:s3], $0xF7A  }
0x26: {  	[smem:$0x3F95] =	sst s1;
	(tag) =	ssettag s2;
	_ =	strace s9  }
0x27: {  	s1 =	sld [smem:$0x3FA5]  }
0x28: {  	s2 =	sld [smem:$0x3FA6]  }
0x29: {  	s4 =	sld [smem:$0x3FA8]  }
0x2a: {  	p0 =	seq.s32 s5, $0x0;
	s5 =	sld [smem:$0x3FA9]  }
0x2b: {  	s6 =	sld [smem:$0x3FAA]  }
0x2c: {  	s7 =	sld [smem:$0x3FAB]  }
0x2d: {  	s3 =	simm.s32 $0x108;
	s8 =	sld [smem:$0x3FAC]  }
0x2e: {  	s3 =	simm.s32 @!p0 $0x1082;
	s9 =	sld [smem:$0x3FAD]  }
0x2f: {  	lr =	sadd.s32 s0, s3;
	s0 =	sld [smem:$0x3FA4]  }
0x30: {  	s3 =	sld [smem:$0x3FA7]  }
0x31: {  	[smem:$0x3FB0] =	sst s10  }
0x32: {  	s10 =	sld [smem:$0x3FAE];
	_ =	sdelay $0x3  }
0x33: {  	p0 =	seq.s32 s10, $0x1;
	s10 =	sld [smem:$0x3FB0];
	_ =	sdelay $0x3  }
0x34: {  	[smem:$0x3FB0] =	sst s10  }
0x35: {  	s10 =	sld [smem:$0x3FAF];
	_ =	sdelay $0x3  }
0x36: {  	p1 =	seq.s32 s10, $0x1;
	s10 =	sld [smem:$0x3FB0];
	_ =	sdelay $0x3  }
0x37: {  	[smem:$0x3FB0] =	sst s10  }
0x38: {  	s10 =	sld [smem:$0x3FB1]  }
0x39: {  	_ = 	snop;
	(pc) =	sbr.ind lr, $3  }
0x3a: {  	_ = 	snop  }
0x3b: {  	_ = 	snop  }
0x3c: {  	p2 =	seq.s32 s10, $0x1;
	s10 =	sld [smem:$0x3FB0]  }
0x3d: {  	_ =	shalt  }
0x3e: {  	_ =	shalt  }
0x3f: {  	_ =	shalt  }
0x40: {  	_ =	shalt  }
0x41: {  	_ =	shalt  }
0x42: {  	_ =	shalt  }
0x43: {  	_ =	shalt  }
0x44: {  	_ =	shalt  }
0x45: {  	_ =	shalt  }
0x46: {  	_ =	shalt  }
0x47: {  	_ =	shalt  }
0x48: {  	_ =	shalt  }
0x49: {  	_ =	shalt  }
0x4a: {  	_ =	shalt  }
0x4b: {  	_ =	shalt  }
0x4c: {  	_ =	shalt  }
0x4d: {  	_ =	shalt  }
0x4e: {  	_ =	shalt  }
0x4f: {  	_ =	shalt  }
0x50: {  	_ =	shalt  }
0x51: {  	_ =	shalt  }
0x52: {  	_ =	shalt  }
0x53: {  	_ =	shalt  }
0x54: {  	_ =	shalt  }
0x55: {  	_ =	shalt  }
0x56: {  	_ =	shalt  }
0x57: {  	_ =	shalt  }
0x58: {  	_ =	shalt  }
0x59: {  	_ =	shalt  }
0x5a: {  	_ =	shalt  }
0x5b: {  	_ =	shalt  }
0x5c: {  	_ =	shalt  }
0x5d: {  	_ =	shalt  }
0x5e: {  	_ =	shalt  }
0x5f: {  	_ =	shalt  }
0x60: {  	_ =	shalt  }
0x61: {  	_ =	shalt  }
0x62: {  	_ =	shalt  }
0x63: {  	_ =	shalt  }
0x64: {  	_ =	shalt  }
0x65: {  	_ =	shalt  }
0x66: {  	_ =	shalt  }
0x67: {  	_ =	shalt  }
0x68: {  	_ =	shalt  }
0x69: {  	_ =	shalt  }
0x6a: {  	_ =	shalt  }
0x6b: {  	_ =	shalt  }
0x6c: {  	_ =	shalt  }
0x6d: {  	_ =	shalt  }
0x6e: {  	_ =	shalt  }
0x6f: {  	_ =	shalt  }
0x70: {  	_ =	shalt  }
0x71: {  	_ =	shalt  }
0x72: {  	_ =	shalt  }
0x73: {  	_ =	shalt  }
0x74: {  	_ =	shalt  }
0x75: {  	_ =	shalt  }
0x76: {  	_ =	shalt  }
0x77: {  	_ =	shalt  }
0x78: {  	_ =	shalt  }
0x79: {  	_ =	shalt  }
0x7a: {  	_ =	shalt  }
0x7b: {  	_ =	shalt  }
0x7c: {  	_ =	shalt  }
0x7d: {  	_ =	shalt  }
0x7e: {  	_ =	shalt  }
0x7f: {  	_ =	shalt  }
0x80: {  	_ =	shalt  }
0x81: {  	_ =	shalt  }
0x82: {  	_ =	shalt  }
0x83: {  	_ =	shalt  }
0x84: {  	_ =	shalt  }
0x85: {  	_ =	shalt  }
0x86: {  	_ =	shalt  }
0x87: {  	_ =	shalt  }
.Lfunc_end0:
.L_simem_size_0:
called_computation.4_lowered:
.L_overlay_start_0:
0x88: {  	s2 =	sld [smem:$0x3FD9]  }
0x89: {  	s3 =	sld [smem:$0x3FFE];
	_ =	sdelay $0x1  }
0x8a: {  	s1 =	srdreg.scid  }
0x8b: {  	s0 =	sand.u32 $0x1, s1  }
0x8c: {  	s16 =	sshll.u32 s0, $0xA;
	s2 =	sadd.s32 s3, s2  }
0x8d: {  	s2 =	sadd.s32 s2, s16  }
0x8e: {  	[smem:$0x3FBC] =	sst s2  }
0x8f: {  	_ = 	snop  }
0x90: {  	(tm) =	ssettm $0x1  }
0x91: {  	s17 =	sld [smem:$0x3FFB];
	_ =	sdelay $0x3  }
0x92: {  	_ =	strace s17  }
0x93: {  	s2 =	sld [smem:$0x3FFC];
	_ =	sdelay $0x3  }
0x94: {  	_ =	strace s2  }
0x95: {  	s2 =	sld [smem:$0x3FFD];
	_ =	sdelay $0x3  }
0x96: {  	_ =	strace s2  }
0x97: {  	_ =	strace $0x8FFFFFFF  }
0x98: {  	s18 =	sld [smem:$0x3FDB];
	_ =	sdelay $0x1  }
0x99: {  	s19 =	simm.s32 $_scs_section_size  }
0x9a: {  	s4 =	simm.s32 $_size__tile_overlayer_lowered;
	s5 =	simm.s32 $_tile_overlayer_lowered  }
0x9b: {  	s22 =	simm.s32 $0x1BFF;
	s21 =	sshll.u32 s5, $0x1;
	s2 =	sadd.s32 s19, s18  }
0x9c: {  	s6 =	simm.s32 $0x0;
	s20 =	sshll.u32 s4, $0x1;
	s4 =	sadd.s32 s21, s2  }
0x9d: {  	[timem:s6], [sflag:s22] =	dma.local [hbm:s4], s20  }
0x9e: {  	_ =	swait.ge [sflag:s22], s20  }
0x9f: {  	s3 =	ssub.s32 $0x0, s20;
	[sflag:s22] =	ssyncset.done $0x0  }
0xa0: {  	[sflag:s22] =	ssyncadd.s32 s3;
	_ =	sdelay $0x1  }
0xa1: {  	s23 =	simm.s32 $0x1B8B  }
0xa2: {  	_ =	swait.ge [sflag:s23], $0x1  }
0xa3: {  	[sflag:s23] =	ssyncset.done $0x0  }
0xa4: {  	s25 =	simm.s32 $0x1B8E;
	s24 =	sld [smem:$0x3FFE];
	[sflag:s23] =	ssyncadd.s32 $0xFFFFFFFF  }
0xa5: {  	s26 =	simm.s32 $execute0_lowered;
	[smem:$0x3FD2] =	sst s25  }
0xa6: {  	s4 =	sshll.u32 s26, $0x1;
	_ =	strace $0x80000052;
	[dreg:$0x1] =	wrdreg $0xFFFFFFFF  }
0xa7: {  	s28 =	simm.s32 $_size_execute0_lowered;
	s2 =	sadd.s32 s2, s4;
	[dreg:$0x0] =	wrdreg $0x0  }
0xa8: {  	s4 =	sshll.u32 s28, $0x1;
	[dreg:$0x2] =	wrdreg s2  }
0xa9: {  	[dreg:$0x3] =	wrdreg s4  }
0xaa: {  	[dreg:$0x4] =	wrdreg $0xC0  }
0xab: {  	_ =	task [dreg:s6], $0x5FFFF  }
0xac: {  	[dreg:$0x1] =	wrdreg $0xFFFFFFFF  }
0xad: {  	[dreg:$0x0] =	wrdreg $0x60  }
0xae: {  	[dreg:$0x2] =	wrdreg s24  }
0xaf: {  	[dreg:$0x3] =	wrdreg $0x0  }
0xb0: {  	[dreg:$0x4] =	wrdreg $0x9  }
0xb1: {  	_ =	task.clear_ibuf [dreg:s6], $0x5FFFF;
	_ =	strace $0x90000052  }
0xb2: {  	s29 =	simm.s32 $0x9;
	_ =	strace $0x80000054  }
0xb3: {  	_ =	swait.ge [sflag:s29], $0x1  }
0xb4: {  	[sflag:s29] =	ssyncadd.s32 $0xFFFFFFFF  }
0xb5: {  	_ =	strace $0x90000054  }
0xb6: {  	_ =	sfence  }
0xb7: {  	s30 =	sld [smem:$0x0];
	_ =	sdelay $0x2  }
0xb8: {  	s31 =	sshll.u32 s1, $0xD;
	s1 =	sshrl.u32 s1, $0x2  }
0xb9: {  	s3 =	sand.u32 $0x4000, s31;
	s1 =	sadd.s32 s1, s30  }
0xba: {  	s0 =	sor.u32 s3, s0;
	s1 =	sshll.u32 s1, $0x11  }
0xbb: {  	s0 =	sor.u32 s1, s0  }
0xbc: {  	s0 =	sadd.s32 $0x8F2B, s0  }
0xbd: {  	[sflag:s0] =	ssyncadd.remote.s32 $0x1  }
0xbe: {  	_ =	sfence.sel $0xFFFF  }
0xbf: {  	[dreg:$0x0] =	wrdreg $0xFFFFFFFF;
	(pc) =	sbr.abs _section_cstart, $3  }
0xc0: {  	[dreg:$0x1] =	wrdreg $0xFFFFFFFF  }
0xc1: {  	_ =	task.clear_ibuf [dreg:s6], $0x2FFFF;
	_ =	strace $0x9FFFFFFF  }
0xc2: {  	(tm) =	ssettm $0x7FFFFFFF  }
0xc3: {  	_ =	shalt  }
tec
execute0_lowered:
.L_overlay_start_1:
0x0: {  	(tag) =	ssettag $0x1  }
0x1: {  	s6 =	rddreg [dreg:$0x0]  }
0x2: {  	s0 =	srdreg.scid;
	s1 =	rddreg [dreg:$0x1]  }
0x3: {  	s3 =	simm.s32 $0x0;
	s2 =	stileid.u32;
	s12 =	simm.s32 $0x2  }
0x4: {  	s17 =	simm.s32 $0x14000;
	s18 =	simm.s32 $0x14080;
	s19 =	simm.s32 $0x80  }
0x5: {  	s20 =	simm.s32 $0x14100;
	s21 =	simm.s32 $0x1;
	s9 =	smul.u32 $0x14000, s2  }
0x6: {  	s5 =	sand.u32 $0x1, s0;
	s0 =	rddreg [dreg:$0x2];
	s26 =	smul.u32 $0x50000, s2  }
0x7: {  	s22 =	simm.s32 $0x0;
	[smem:$0x7FF] =	sst s3;
	s31 =	smul.u32 $0x4F0, s2  }
0x8: {  	s4 =	sadd.s32 $0xB8E00, s6;
	s30 =	sshll.u32 s2, $0x6;
	s7 =	smul.u32 $0x4F00, s5  }
0x9: {  	s8 =	smul.u32 $0x140000, s5;
	_ =	strace $0x80000053;
	s25 =	ssub.s32 $0x2, s5  }
0xa: {  	s5 =	sadd.s32 $0x18600, s6;
	s28 =	sshrl.u32 s25, $0x1;
	s29 =	sshrl.u32 s26, $0x2  }
0xb: {  	s10 =	sadd.s32 s7, s6;
	s24 =	sadd.s32 s9, s8;
	s11 =	sadd.s32 s29, s1  }
0xc: {  	s8 =	ssub.s32 s25, s28;
	s7 =	sshrl.u32 s24, $0x3;
	s13 =	sadd.s32 $0x4000, s11  }
0xd: {  	s14 =	sadd.s32 $0x8000, s11;
	s15 =	sadd.s32 $0xC000, s11;
	s16 =	sadd.s32 $0x10000, s11  }
0xe: {  	s10 =	sadd.s32 s31, s10;
	s8 =	smax.u32 s8, $0x1;
	s11 =	sshrl.u32 s11, $0x3  }
0xf: {  	s7 =	sadd.s32 s7, s6;
	s6 =	sor.u32 $0x1C02, s30;
	s9 =	sadd.s32 $0xE800, s10  }
0x10: {  	s10 =	sadd.s32 $0x4A00, s10;
	s13 =	sshrl.u32 s13, $0x3;
	s14 =	sshrl.u32 s14, $0x3  }
0x11: {  	s15 =	sshrl.u32 s15, $0x3;
	s16 =	sshrl.u32 s16, $0x3;
	s7 =	sadd.s32 $0x18E00, s7  }
.LBB2_1:
0x12: {  	[spmem:s11], [sflag:s6] =	dma.local [hbm:s5], $0x800  }
0x13: {  	_ =	swait.ge [sflag:s12], $0x800  }
0x14: {  	[sflag:s12] =	ssyncset.done $0x0  }
0x15: {  	[sflag:s12] =	ssyncadd.s32 $0xFFFFF800  }
0x16: {  	[spmem:s13], [sflag:s6] =	dma.local [hbm:s5], $0x800  }
0x17: {  	_ =	swait.ge [sflag:s12], $0x800  }
0x18: {  	[sflag:s12] =	ssyncset.done $0x0  }
0x19: {  	[sflag:s12] =	ssyncadd.s32 $0xFFFFF800  }
0x1a: {  	[spmem:s14], [sflag:s6] =	dma.local [hbm:s5], $0x800  }
0x1b: {  	_ =	swait.ge [sflag:s12], $0x800  }
0x1c: {  	[sflag:s12] =	ssyncset.done $0x0  }
0x1d: {  	[sflag:s12] =	ssyncadd.s32 $0xFFFFF800  }
0x1e: {  	[spmem:s15], [sflag:s6] =	dma.local [hbm:s5], $0x800  }
0x1f: {  	_ =	swait.ge [sflag:s12], $0x800  }
0x20: {  	[sflag:s12] =	ssyncset.done $0x0  }
0x21: {  	[sflag:s12] =	ssyncadd.s32 $0xFFFFF800  }
0x22: {  	[spmem:s16], [sflag:s6] =	dma.local [hbm:s5], $0x800  }
0x23: {  	_ =	swait.ge [sflag:s12], $0x800  }
0x24: {  	[sflag:s12] =	ssyncset.done $0x0  }
0x25: {  	[sflag:s12] =	ssyncadd.s32 $0xFFFFF800  }
0x26: {  	s23 =	sadd.s32 $0x0, s10;
	[bflag:$0x0] =	sbarrier.arrive $0xFFFF  }
0x27: {  	[tilespmem:s17], [sflag:$0x2] =	stream.linear.gather [hbm4b:s23+s3], $0x80, $0x38;
	[tilespmem:$0x18100] =	vst v63  }
0x28: {  	_ =	swait.ge [sflag:s12], $0x80  }
0x29: {  	[sflag:s12] =	ssyncset.done $0x0  }
0x2a: {  	s31 =	sadd.s32 $0x0, s9;
	[sflag:s12] =	ssyncadd.s32 $0xFFFFFF80  }
0x2b: {  	[tilespmem:s18], [sflag:$0x2] =	stream.linear.gather [hbm4b:s31+s3], $0x80, $0x38;
	[tilespmem:$0x18100] =	vst v63  }
0x2c: {  	_ =	swait.ge [sflag:s12], $0x80  }
0x2d: {  	[sflag:s12] =	ssyncset.done $0x0  }
0x2e: {  	[sflag:s12] =	ssyncadd.s32 $0xFFFFFF80  }
0x2f: {  	[tilespmem:s20], [sflag:$0x1] =	stream.indirect.gather [hbm4b:s4+s19], $0x80, s17, s19, $0xb8;
	[tilespmem:$0x18100] =	vst v63  }
0x30: {  	_ =	swait.ge [sflag:s21], $0x4000  }
0x31: {  	[sflag:s21] =	ssyncset.done $0x0  }
0x32: {  	[sflag:s21] =	ssyncadd.s32 $0xFFFFC000  }
0x33: {  	[spmem:s1] =	stream.indirect.scatter.add.f32 [tilespmem:s20], [sflag:$0x2], $0x80, s18, s19, $0xb8;
	[tilespmem:$0x18100] =	vst v63  }
0x34: {  	_ =	swait.ge [sflag:s12], $0x4000  }
0x35: {  	s24 =	simm.s32 $0x20;
	s23 =	simm.s32 $0x10;
	[sflag:s12] =	ssyncset.done $0x0  }
.LBB2_2:
0x36: {  	s25 =	sadd.s32 s23, s10  }
0x37: {  	[sflag:s12] =	ssyncadd.s32 $0xFFFFC000;
	s26 =	smov.u32 s24;
	s28 =	sadd.s32 $0x10, s24  }
0x38: {  	[tilespmem:s17], [sflag:$0x2] =	stream.linear.gather [hbm4b:s25+s3], $0x80, $0x38;
	[tilespmem:$0x18100] =	vst v63  }
0x39: {  	p0 =	sne.s32 s24, $0x4E0;
	_ =	swait.ge [sflag:s12], $0x80  }
0x3a: {  	[sflag:s12] =	ssyncset.done $0x0  }
0x3b: {  	s24 =	sadd.s32 s23, s9;
	s23 =	smov.u32 s26;
	[sflag:s12] =	ssyncadd.s32 $0xFFFFFF80  }
0x3c: {  	[tilespmem:s18], [sflag:$0x2] =	stream.linear.gather [hbm4b:s24+s3], $0x80, $0x38;
	[tilespmem:$0x18100] =	vst v63  }
0x3d: {  	_ =	swait.ge [sflag:s12], $0x80  }
0x3e: {  	[sflag:s12] =	ssyncset.done $0x0  }
0x3f: {  	[sflag:s12] =	ssyncadd.s32 $0xFFFFFF80  }
0x40: {  	[tilespmem:s20], [sflag:$0x1] =	stream.indirect.gather [hbm4b:s4+s19], $0x80, s17, s19, $0xb8;
	[tilespmem:$0x18100] =	vst v63  }
0x41: {  	_ =	swait.ge [sflag:s21], $0x4000  }
.Ltmp0:
0x42: {  	[sflag:s21] =	ssyncset.done $0x0;
	(pc) =	sbr.rel @p0 .LBB2_2-.Ltmp0, $4  }
0x43: {  	[sflag:s21] =	ssyncadd.s32 $0xFFFFC000  }
0x44: {  	[spmem:s1] =	stream.indirect.scatter.add.f32 [tilespmem:s20], [sflag:$0x2], $0x80, s18, s19, $0xb8;
	[tilespmem:$0x18100] =	vst v63  }
0x45: {  	_ =	swait.ge [sflag:s12], $0x4000  }
0x46: {  	s24 =	smov.u32 s28;
	[sflag:s12] =	ssyncset.done $0x0  }
0x47: {  	s24 =	sadd.s32 s23, s10;
	[sflag:s12] =	ssyncadd.s32 $0xFFFFC000  }
0x48: {  	[tilespmem:s17], [sflag:$0x2] =	stream.linear.gather [hbm4b:s24+s3], $0x80, $0x38;
	[tilespmem:$0x18100] =	vst v63  }
0x49: {  	_ =	swait.ge [sflag:s12], $0x80  }
0x4a: {  	[sflag:s12] =	ssyncset.done $0x0  }
0x4b: {  	s31 =	sadd.s32 s23, s9;
	[sflag:s12] =	ssyncadd.s32 $0xFFFFFF80  }
0x4c: {  	[tilespmem:s18], [sflag:$0x2] =	stream.linear.gather [hbm4b:s31+s3], $0x80, $0x38;
	[tilespmem:$0x18100] =	vst v63  }
0x4d: {  	_ =	swait.ge [sflag:s12], $0x80  }
0x4e: {  	[sflag:s12] =	ssyncset.done $0x0  }
0x4f: {  	[sflag:s12] =	ssyncadd.s32 $0xFFFFFF80  }
0x50: {  	[tilespmem:s20], [sflag:$0x1] =	stream.indirect.gather [hbm4b:s4+s19], $0x80, s17, s19, $0xb8;
	[tilespmem:$0x18100] =	vst v63  }
0x51: {  	_ =	swait.ge [sflag:s21], $0x4000  }
0x52: {  	[sflag:s21] =	ssyncset.done $0x0  }
0x53: {  	[sflag:s21] =	ssyncadd.s32 $0xFFFFC000  }
0x54: {  	[spmem:s1] =	stream.indirect.scatter.add.f32 [tilespmem:s20], [sflag:$0x2], $0x80, s18, s19, $0xb8;
	[tilespmem:$0x18100] =	vst v63  }
0x55: {  	_ =	swait.ge [sflag:s12], $0x4000  }
0x56: {  	s22 =	sadd.s32 $0x1, s22;
	[sflag:s12] =	ssyncset.done $0x0  }
0x57: {  	p0 =	sne.s32 s22, s8;
	[sflag:s12] =	ssyncadd.s32 $0xFFFFC000  }
.Ltmp1:
0x58: {  	[bflag:$0x0] =	sbarrier.arrive $0xFFFF;
	(pc) =	sbr.rel @p0 .LBB2_1-.Ltmp1, $4  }
0x59: {  	[hbm:s7], [sflag:s6] =	dma.local [spmem:s11], $0x2800  }
0x5a: {  	_ =	swait.ge [sflag:s12], $0x2800  }
0x5b: {  	[sflag:s12] =	ssyncset.done $0x0  }
0x5c: {  	[sflag:s12] =	ssyncadd.s32 $0xFFFFD800  }
0x5d: {  	_ =	sfence.sel $0x180000  }
0x5e: {  	[bflag:$0x0] =	sbarrier.arrive $0xFFFF  }
0x5f: {  	p0 =	sne.s32 s2, $0x0;
	_ =	strace $0x90000053  }
0x60: {  	s0 =	sadd.s32 @!p0 $0x100000, s0;
	[bflag:$0x2] =	sbarrier.arrive $0xFFFF  }
0x61: {  	[sflag:s0] =	ssyncadd.tile.s32 @!p0 $0x1;
	_ =	shalt  }
.Lfunc_end2:
_tile_overlayer_lowered:
.L_overlay_start_2:
0x62: {  	(tag) =	ssettag $0x2  }
0x63: {  	s0 =	rddreg [dreg:$0x0];
	s2 =	stileid.u32  }
0x64: {  	s1 =	rddreg [dreg:$0x1];
	p0 =	sne.s32 s2, $0x0  }
0x65: {  	s3 =	rddreg [dreg:$0x2];
	[bflag:$0x3] =	sbarrier.arrive $0xFFFF;
	s2 =	simm.s32 @!p0 $0x1C02  }
0x66: {  	[timem:s3], [sflag:s2] =	dma.local @!p0 [hbm:s0], s1  }
0x67: {  	s0 =	simm.s32 @!p0 $0x2  }
0x68: {  	_ =	swait.ge @!p0 [sflag:s0], s1  }
0x69: {  	s1 =	ssub.s32 @!p0 $0x0, s1;
	[sflag:s0] =	ssyncset.done @!p0 $0x0  }
0x6a: {  	[sflag:s0] =	ssyncadd.s32 @!p0 s1  }
0x6b: {  	[bflag:$0x3] =	sbarrier.arrive $0xFFFF  }
0x6c: {  	_ =	shalt  }

// kernel: kernel.34.cloned.1.call-start
scs
__scs_entry_jumppad:
0x0: {  	(pc) =	sbr.rel $0x88, $3  }
0x1: {  	(tag) =	ssettag $0x0;
	lr =	simm.s32 $0x1  }
0x2: {  	[smem:$0x3F95] =	sst lr;
	_ =	strace $0xD0000000  }
0x3: {  	_ = 	snop  }
0x4: {  	_ = 	snop  }
0x5: {  	_ = 	snop  }
0x6: {  	_ = 	snop  }
0x7: {  	_ = 	snop  }
__scs_overlays_trampoline_lowered:
0x8: {  	[smem:$0x3FA4] =	sst s0  }
0x9: {  	[smem:$0x3FA5] =	sst s1  }
0xa: {  	[smem:$0x3FA6] =	sst s2  }
0xb: {  	[smem:$0x3FA7] =	sst s3  }
0xc: {  	[smem:$0x3FA8] =	sst s4  }
0xd: {  	[smem:$0x3FA9] =	sst s5  }
0xe: {  	[smem:$0x3FAA] =	sst s6  }
0xf: {  	[smem:$0x3FAB] =	sst s7  }
0x10: {  	[smem:$0x3FAC] =	sst s8  }
0x11: {  	[smem:$0x3FAD] =	sst s9;
	s0 =	simm.s32 @!p0 $0x0  }
0x12: {  	s1 =	sld [smem:$0x3F93];
	s0 =	simm.s32 @p0 $0x1  }
0x13: {  	[smem:$0x3FAE] =	sst s0;
	s0 =	simm.s32 @!p1 $0x0  }
0x14: {  	s2 =	sld [smem:$0x3F92];
	s0 =	simm.s32 @p1 $0x1  }
0x15: {  	[smem:$0x3FAF] =	sst s0;
	s0 =	simm.s32 @!p2 $0x0  }
0x16: {  	s3 =	sld [smem:$0x3FDB];
	s0 =	simm.s32 @p2 $0x1  }
0x17: {  	s4 =	simm.s32 $0x1BF5;
	[smem:$0x3FB1] =	sst s0  }
0x18: {  	s0 =	sld [smem:$0x3F94];
	_ =	swait.ge [sflag:s4], $0x0  }
0x19: {  	s7 =	sld [smem:$0x3F95]  }
0x1a: {  	s8 =	sadd.s32 $0xFFFFE003, lr  }
0x1b: {  	s9 =	sadd.s32 $0xFFFFFEF7, lr;
	s5 =	simm.s32 $0xFFFFFFFF;
	p2 =	slt.u32 s8, $0xFFFFF086  }
0x1c: {  	p1 =	slt.u32 s9, $0xF7A;
	s5 =	simm.s32 @!p2 $0x0  }
0x1d: {  	s5 =	simm.s32 @p1 $0x1;
	p0 =	seq.s32 s7, s2  }
0x1e: {  	s7 =	smul.u32 @!p0 $0xF7A, s2;
	p2 =	seq.s32 @!p0 s5, $0x0  }
0x1f: {  	s9 =	smul.u32 $0xF7A, s1;
	s8 =	simm.s32 @!p0 $0x1BF5;
	p2 =	por !p2, p0  }
0x20: {  	[sflag:s8] =	ssyncset.s32 @!p0 $0xFFFFF086;
	s6 =	sadd.s32 @!p0 s3, s7;
	s7 =	simm.s32 @!p0 $0x108  }
0x21: {  	s3 =	sadd.s32 s3, s9;
	s6 =	sadd.s32 @!p0 $0x88, s6;
	s7 =	simm.s32 @p2 $0x1082  }
0x22: {  	[simem:s7], [sflag:s8] =	dma.local @!p0 [hbm:s6], $0xF7A  }
0x23: {  	s9 =	sor.u32 $0xD0000000, s2;
	s6 =	simm.s32 $0x108;
	_ =	swait.ge @!p0 [sflag:s8], $0x0  }
0x24: {  	s3 =	sadd.s32 $0x88, s3;
	s6 =	simm.s32 @!p1 $0x1082;
	[sflag:s4] =	ssyncset.s32 $0xFFFFF086  }
0x25: {  	[simem:s6], [sflag:s4] =	dma.local [hbm:s3], $0xF7A  }
0x26: {  	[smem:$0x3F95] =	sst s1;
	(tag) =	ssettag s2;
	_ =	strace s9  }
0x27: {  	s1 =	sld [smem:$0x3FA5]  }
0x28: {  	s2 =	sld [smem:$0x3FA6]  }
0x29: {  	s4 =	sld [smem:$0x3FA8]  }
0x2a: {  	p0 =	seq.s32 s5, $0x0;
	s5 =	sld [smem:$0x3FA9]  }
0x2b: {  	s6 =	sld [smem:$0x3FAA]  }
0x2c: {  	s7 =	sld [smem:$0x3FAB]  }
0x2d: {  	s3 =	simm.s32 $0x108;
	s8 =	sld [smem:$0x3FAC]  }
0x2e: {  	s3 =	simm.s32 @!p0 $0x1082;
	s9 =	sld [smem:$0x3FAD]  }
0x2f: {  	lr =	sadd.s32 s0, s3;
	s0 =	sld [smem:$0x3FA4]  }
0x30: {  	s3 =	sld [smem:$0x3FA7]  }
0x31: {  	[smem:$0x3FB0] =	sst s10  }
0x32: {  	s10 =	sld [smem:$0x3FAE];
	_ =	sdelay $0x3  }
0x33: {  	p0 =	seq.s32 s10, $0x1;
	s10 =	sld [smem:$0x3FB0];
	_ =	sdelay $0x3  }
0x34: {  	[smem:$0x3FB0] =	sst s10  }
0x35: {  	s10 =	sld [smem:$0x3FAF];
	_ =	sdelay $0x3  }
0x36: {  	p1 =	seq.s32 s10, $0x1;
	s10 =	sld [smem:$0x3FB0];
	_ =	sdelay $0x3  }
0x37: {  	[smem:$0x3FB0] =	sst s10  }
0x38: {  	s10 =	sld [smem:$0x3FB1]  }
0x39: {  	_ = 	snop;
	(pc) =	sbr.ind lr, $3  }
0x3a: {  	_ = 	snop  }
0x3b: {  	_ = 	snop  }
0x3c: {  	p2 =	seq.s32 s10, $0x1;
	s10 =	sld [smem:$0x3FB0]  }
0x3d: {  	_ =	shalt  }
0x3e: {  	_ =	shalt  }
0x3f: {  	_ =	shalt  }
0x40: {  	_ =	shalt  }
0x41: {  	_ =	shalt  }
0x42: {  	_ =	shalt  }
0x43: {  	_ =	shalt  }
0x44: {  	_ =	shalt  }
0x45: {  	_ =	shalt  }
0x46: {  	_ =	shalt  }
0x47: {  	_ =	shalt  }
0x48: {  	_ =	shalt  }
0x49: {  	_ =	shalt  }
0x4a: {  	_ =	shalt  }
0x4b: {  	_ =	shalt  }
0x4c: {  	_ =	shalt  }
0x4d: {  	_ =	shalt  }
0x4e: {  	_ =	shalt  }
0x4f: {  	_ =	shalt  }
0x50: {  	_ =	shalt  }
0x51: {  	_ =	shalt  }
0x52: {  	_ =	shalt  }
0x53: {  	_ =	shalt  }
0x54: {  	_ =	shalt  }
0x55: {  	_ =	shalt  }
0x56: {  	_ =	shalt  }
0x57: {  	_ =	shalt  }
0x58: {  	_ =	shalt  }
0x59: {  	_ =	shalt  }
0x5a: {  	_ =	shalt  }
0x5b: {  	_ =	shalt  }
0x5c: {  	_ =	shalt  }
0x5d: {  	_ =	shalt  }
0x5e: {  	_ =	shalt  }
0x5f: {  	_ =	shalt  }
0x60: {  	_ =	shalt  }
0x61: {  	_ =	shalt  }
0x62: {  	_ =	shalt  }
0x63: {  	_ =	shalt  }
0x64: {  	_ =	shalt  }
0x65: {  	_ =	shalt  }
0x66: {  	_ =	shalt  }
0x67: {  	_ =	shalt  }
0x68: {  	_ =	shalt  }
0x69: {  	_ =	shalt  }
0x6a: {  	_ =	shalt  }
0x6b: {  	_ =	shalt  }
0x6c: {  	_ =	shalt  }
0x6d: {  	_ =	shalt  }
0x6e: {  	_ =	shalt  }
0x6f: {  	_ =	shalt  }
0x70: {  	_ =	shalt  }
0x71: {  	_ =	shalt  }
0x72: {  	_ =	shalt  }
0x73: {  	_ =	shalt  }
0x74: {  	_ =	shalt  }
0x75: {  	_ =	shalt  }
0x76: {  	_ =	shalt  }
0x77: {  	_ =	shalt  }
0x78: {  	_ =	shalt  }
0x79: {  	_ =	shalt  }
0x7a: {  	_ =	shalt  }
0x7b: {  	_ =	shalt  }
0x7c: {  	_ =	shalt  }
0x7d: {  	_ =	shalt  }
0x7e: {  	_ =	shalt  }
0x7f: {  	_ =	shalt  }
0x80: {  	_ =	shalt  }
0x81: {  	_ =	shalt  }
0x82: {  	_ =	shalt  }
0x83: {  	_ =	shalt  }
0x84: {  	_ =	shalt  }
0x85: {  	_ =	shalt  }
0x86: {  	_ =	shalt  }
0x87: {  	_ =	shalt  }
.Lfunc_end0:
.L_simem_size_0:
called_computation.5_lowered:
.L_overlay_start_0:
0x88: {  	s2 =	sld [smem:$0x3FD9]  }
0x89: {  	s3 =	sld [smem:$0x3FFE];
	_ =	sdelay $0x1  }
0x8a: {  	s1 =	srdreg.scid  }
0x8b: {  	s0 =	sand.u32 $0x1, s1  }
0x8c: {  	s16 =	sshll.u32 s0, $0xA;
	s2 =	sadd.s32 s3, s2  }
0x8d: {  	s2 =	sadd.s32 s2, s16  }
0x8e: {  	[smem:$0x3FBC] =	sst s2  }
0x8f: {  	_ = 	snop  }
0x90: {  	(tm) =	ssettm $0x1  }
0x91: {  	s17 =	sld [smem:$0x3FFB];
	_ =	sdelay $0x3  }
0x92: {  	_ =	strace s17  }
0x93: {  	s2 =	sld [smem:$0x3FFC];
	_ =	sdelay $0x3  }
0x94: {  	_ =	strace s2  }
0x95: {  	s2 =	sld [smem:$0x3FFD];
	_ =	sdelay $0x3  }
0x96: {  	_ =	strace s2  }
0x97: {  	_ =	strace $0x8FFFFFFF  }
0x98: {  	s18 =	sld [smem:$0x3FDB];
	_ =	sdelay $0x1  }
0x99: {  	s19 =	simm.s32 $_scs_section_size  }
0x9a: {  	s4 =	simm.s32 $_size__tile_overlayer_lowered;
	s5 =	simm.s32 $_tile_overlayer_lowered  }
0x9b: {  	s22 =	simm.s32 $0x1BFF;
	s21 =	sshll.u32 s5, $0x1;
	s2 =	sadd.s32 s19, s18  }
0x9c: {  	s6 =	simm.s32 $0x0;
	s20 =	sshll.u32 s4, $0x1;
	s4 =	sadd.s32 s21, s2  }
0x9d: {  	[timem:s6], [sflag:s22] =	dma.local [hbm:s4], s20  }
0x9e: {  	_ =	swait.ge [sflag:s22], s20  }
0x9f: {  	s3 =	ssub.s32 $0x0, s20;
	[sflag:s22] =	ssyncset.done $0x0  }
0xa0: {  	[sflag:s22] =	ssyncadd.s32 s3;
	_ =	sdelay $0x1  }
0xa1: {  	s23 =	simm.s32 $0x1B8B  }
0xa2: {  	_ =	swait.ge [sflag:s23], $0x1  }
0xa3: {  	[sflag:s23] =	ssyncset.done $0x0  }
0xa4: {  	s25 =	simm.s32 $0x1B8E;
	s24 =	sld [smem:$0x3FFE];
	[sflag:s23] =	ssyncadd.s32 $0xFFFFFFFF  }
0xa5: {  	s26 =	simm.s32 $execute0_lowered;
	[smem:$0x3FD2] =	sst s25  }
0xa6: {  	s4 =	sshll.u32 s26, $0x1;
	_ =	strace $0x80000055;
	[dreg:$0x1] =	wrdreg $0xFFFFFFFF  }
0xa7: {  	s28 =	simm.s32 $_size_execute0_lowered;
	s2 =	sadd.s32 s2, s4;
	[dreg:$0x0] =	wrdreg $0x0  }
0xa8: {  	s4 =	sshll.u32 s28, $0x1;
	[dreg:$0x2] =	wrdreg s2  }
0xa9: {  	[dreg:$0x3] =	wrdreg s4  }
0xaa: {  	[dreg:$0x4] =	wrdreg $0xC0  }
0xab: {  	_ =	task [dreg:s6], $0x5FFFF  }
0xac: {  	[dreg:$0x1] =	wrdreg $0xFFFFFFFF  }
0xad: {  	[dreg:$0x0] =	wrdreg $0x60  }
0xae: {  	[dreg:$0x2] =	wrdreg s24  }
0xaf: {  	[dreg:$0x3] =	wrdreg $0x0  }
0xb0: {  	[dreg:$0x4] =	wrdreg $0x9  }
0xb1: {  	_ =	task.clear_ibuf [dreg:s6], $0x5FFFF;
	_ =	strace $0x90000055  }
0xb2: {  	s29 =	simm.s32 $0x9;
	_ =	strace $0x80000057  }
0xb3: {  	_ =	swait.ge [sflag:s29], $0x1  }
0xb4: {  	[sflag:s29] =	ssyncadd.s32 $0xFFFFFFFF  }
0xb5: {  	_ =	strace $0x90000057  }
0xb6: {  	_ =	sfence  }
0xb7: {  	s30 =	sld [smem:$0x0];
	_ =	sdelay $0x2  }
0xb8: {  	s31 =	sshll.u32 s1, $0xD;
	s1 =	sshrl.u32 s1, $0x2  }
0xb9: {  	s3 =	sand.u32 $0x4000, s31;
	s1 =	sadd.s32 s1, s30  }
0xba: {  	s0 =	sor.u32 s3, s0;
	s1 =	sshll.u32 s1, $0x11  }
0xbb: {  	s0 =	sor.u32 s1, s0  }
0xbc: {  	s0 =	sadd.s32 $0x8F2B, s0  }
0xbd: {  	[sflag:s0] =	ssyncadd.remote.s32 $0x1  }
0xbe: {  	_ =	sfence.sel $0xFFFF  }
0xbf: {  	[dreg:$0x0] =	wrdreg $0xFFFFFFFF;
	(pc) =	sbr.abs _section_cstart, $3  }
0xc0: {  	[dreg:$0x1] =	wrdreg $0xFFFFFFFF  }
0xc1: {  	_ =	task.clear_ibuf [dreg:s6], $0x2FFFF;
	_ =	strace $0x9FFFFFFF  }
0xc2: {  	(tm) =	ssettm $0x7FFFFFFF  }
0xc3: {  	_ =	shalt  }
tec
execute0_lowered:
.L_overlay_start_1:
0x0: {  	(tag) =	ssettag $0x1  }
0x1: {  	s6 =	rddreg [dreg:$0x0]  }
0x2: {  	s0 =	srdreg.scid;
	s1 =	rddreg [dreg:$0x1]  }
0x3: {  	s3 =	simm.s32 $0x0;
	s2 =	stileid.u32;
	s12 =	simm.s32 $0x2  }
0x4: {  	s17 =	simm.s32 $0x14000;
	s18 =	simm.s32 $0x14080;
	s19 =	simm.s32 $0x80  }
0x5: {  	s20 =	simm.s32 $0x14100;
	s21 =	simm.s32 $0x1;
	s9 =	smul.u32 $0x14000, s2  }
0x6: {  	s5 =	sand.u32 $0x1, s0;
	s0 =	rddreg [dreg:$0x2];
	s26 =	smul.u32 $0x50000, s2  }
0x7: {  	s22 =	simm.s32 $0x0;
	[smem:$0x7FF] =	sst s3;
	s31 =	smul.u32 $0x4F0, s2  }
0x8: {  	s4 =	sadd.s32 $0xB8E00, s6;
	s30 =	sshll.u32 s2, $0x6;
	s7 =	smul.u32 $0x4F00, s5  }
0x9: {  	s8 =	smul.u32 $0x140000, s5;
	_ =	strace $0x80000056;
	s25 =	ssub.s32 $0x2, s5  }
0xa: {  	s5 =	sadd.s32 $0x18600, s6;
	s28 =	sshrl.u32 s25, $0x1;
	s29 =	sshrl.u32 s26, $0x2  }
0xb: {  	s10 =	sadd.s32 s7, s6;
	s24 =	sadd.s32 s9, s8;
	s11 =	sadd.s32 s29, s1  }
0xc: {  	s8 =	ssub.s32 s25, s28;
	s7 =	sshrl.u32 s24, $0x3;
	s13 =	sadd.s32 $0x4000, s11  }
0xd: {  	s14 =	sadd.s32 $0x8000, s11;
	s15 =	sadd.s32 $0xC000, s11;
	s16 =	sadd.s32 $0x10000, s11  }
0xe: {  	s10 =	sadd.s32 s31, s10;
	s8 =	smax.u32 s8, $0x1;
	s11 =	sshrl.u32 s11, $0x3  }
0xf: {  	s7 =	sadd.s32 s7, s6;
	s6 =	sor.u32 $0x1C02, s30;
	s9 =	sadd.s32 $0xE800, s10  }
0x10: {  	s10 =	sadd.s32 $0x4A00, s10;
	s13 =	sshrl.u32 s13, $0x3;
	s14 =	sshrl.u32 s14, $0x3  }
0x11: {  	s15 =	sshrl.u32 s15, $0x3;
	s16 =	sshrl.u32 s16, $0x3;
	s7 =	sadd.s32 $0x18E00, s7  }
.LBB2_1:
0x12: {  	[spmem:s11], [sflag:s6] =	dma.local [hbm:s5], $0x800  }
0x13: {  	_ =	swait.ge [sflag:s12], $0x800  }
0x14: {  	[sflag:s12] =	ssyncset.done $0x0  }
0x15: {  	[sflag:s12] =	ssyncadd.s32 $0xFFFFF800  }
0x16: {  	[spmem:s13], [sflag:s6] =	dma.local [hbm:s5], $0x800  }
0x17: {  	_ =	swait.ge [sflag:s12], $0x800  }
0x18: {  	[sflag:s12] =	ssyncset.done $0x0  }
0x19: {  	[sflag:s12] =	ssyncadd.s32 $0xFFFFF800  }
0x1a: {  	[spmem:s14], [sflag:s6] =	dma.local [hbm:s5], $0x800  }
0x1b: {  	_ =	swait.ge [sflag:s12], $0x800  }
0x1c: {  	[sflag:s12] =	ssyncset.done $0x0  }
0x1d: {  	[sflag:s12] =	ssyncadd.s32 $0xFFFFF800  }
0x1e: {  	[spmem:s15], [sflag:s6] =	dma.local [hbm:s5], $0x800  }
0x1f: {  	_ =	swait.ge [sflag:s12], $0x800  }
0x20: {  	[sflag:s12] =	ssyncset.done $0x0  }
0x21: {  	[sflag:s12] =	ssyncadd.s32 $0xFFFFF800  }
0x22: {  	[spmem:s16], [sflag:s6] =	dma.local [hbm:s5], $0x800  }
0x23: {  	_ =	swait.ge [sflag:s12], $0x800  }
0x24: {  	[sflag:s12] =	ssyncset.done $0x0  }
0x25: {  	[sflag:s12] =	ssyncadd.s32 $0xFFFFF800  }
0x26: {  	s23 =	sadd.s32 $0x0, s10;
	[bflag:$0x0] =	sbarrier.arrive $0xFFFF  }
0x27: {  	[tilespmem:s17], [sflag:$0x2] =	stream.linear.gather [hbm4b:s23+s3], $0x80, $0x38;
	[tilespmem:$0x18100] =	vst v63  }
0x28: {  	_ =	swait.ge [sflag:s12], $0x80  }
0x29: {  	[sflag:s12] =	ssyncset.done $0x0  }
0x2a: {  	s31 =	sadd.s32 $0x0, s9;
	[sflag:s12] =	ssyncadd.s32 $0xFFFFFF80  }
0x2b: {  	[tilespmem:s18], [sflag:$0x2] =	stream.linear.gather [hbm4b:s31+s3], $0x80, $0x38;
	[tilespmem:$0x18100] =	vst v63  }
0x2c: {  	_ =	swait.ge [sflag:s12], $0x80  }
0x2d: {  	[sflag:s12] =	ssyncset.done $0x0  }
0x2e: {  	[sflag:s12] =	ssyncadd.s32 $0xFFFFFF80  }
0x2f: {  	[tilespmem:s20], [sflag:$0x1] =	stream.indirect.gather [hbm4b:s4+s19], $0x80, s17, s19, $0xb8;
	[tilespmem:$0x18100] =	vst v63  }
0x30: {  	_ =	swait.ge [sflag:s21], $0x4000  }
0x31: {  	[sflag:s21] =	ssyncset.done $0x0  }
0x32: {  	[sflag:s21] =	ssyncadd.s32 $0xFFFFC000  }
0x33: {  	[spmem:s1] =	stream.indirect.scatter.add.f32 [tilespmem:s20], [sflag:$0x2], $0x80, s18, s19, $0xb8;
	[tilespmem:$0x18100] =	vst v63  }
0x34: {  	_ =	swait.ge [sflag:s12], $0x4000  }
0x35: {  	s24 =	simm.s32 $0x20;
	s23 =	simm.s32 $0x10;
	[sflag:s12] =	ssyncset.done $0x0  }
.LBB2_2:
0x36: {  	s25 =	sadd.s32 s23, s10  }
0x37: {  	[sflag:s12] =	ssyncadd.s32 $0xFFFFC000;
	s26 =	smov.u32 s24;
	s28 =	sadd.s32 $0x10, s24  }
0x38: {  	[tilespmem:s17], [sflag:$0x2] =	stream.linear.gather [hbm4b:s25+s3], $0x80, $0x38;
	[tilespmem:$0x18100] =	vst v63  }
0x39: {  	p0 =	sne.s32 s24, $0x4E0;
	_ =	swait.ge [sflag:s12], $0x80  }
0x3a: {  	[sflag:s12] =	ssyncset.done $0x0  }
0x3b: {  	s24 =	sadd.s32 s23, s9;
	s23 =	smov.u32 s26;
	[sflag:s12] =	ssyncadd.s32 $0xFFFFFF80  }
0x3c: {  	[tilespmem:s18], [sflag:$0x2] =	stream.linear.gather [hbm4b:s24+s3], $0x80, $0x38;
	[tilespmem:$0x18100] =	vst v63  }
0x3d: {  	_ =	swait.ge [sflag:s12], $0x80  }
0x3e: {  	[sflag:s12] =	ssyncset.done $0x0  }
0x3f: {  	[sflag:s12] =	ssyncadd.s32 $0xFFFFFF80  }
0x40: {  	[tilespmem:s20], [sflag:$0x1] =	stream.indirect.gather [hbm4b:s4+s19], $0x80, s17, s19, $0xb8;
	[tilespmem:$0x18100] =	vst v63  }
0x41: {  	_ =	swait.ge [sflag:s21], $0x4000  }
.Ltmp0:
0x42: {  	[sflag:s21] =	ssyncset.done $0x0;
	(pc) =	sbr.rel @p0 .LBB2_2-.Ltmp0, $4  }
0x43: {  	[sflag:s21] =	ssyncadd.s32 $0xFFFFC000  }
0x44: {  	[spmem:s1] =	stream.indirect.scatter.add.f32 [tilespmem:s20], [sflag:$0x2], $0x80, s18, s19, $0xb8;
	[tilespmem:$0x18100] =	vst v63  }
0x45: {  	_ =	swait.ge [sflag:s12], $0x4000  }
0x46: {  	s24 =	smov.u32 s28;
	[sflag:s12] =	ssyncset.done $0x0  }
0x47: {  	s24 =	sadd.s32 s23, s10;
	[sflag:s12] =	ssyncadd.s32 $0xFFFFC000  }
0x48: {  	[tilespmem:s17], [sflag:$0x2] =	stream.linear.gather [hbm4b:s24+s3], $0x80, $0x38;
	[tilespmem:$0x18100] =	vst v63  }
0x49: {  	_ =	swait.ge [sflag:s12], $0x80  }
0x4a: {  	[sflag:s12] =	ssyncset.done $0x0  }
0x4b: {  	s31 =	sadd.s32 s23, s9;
	[sflag:s12] =	ssyncadd.s32 $0xFFFFFF80  }
0x4c: {  	[tilespmem:s18], [sflag:$0x2] =	stream.linear.gather [hbm4b:s31+s3], $0x80, $0x38;
	[tilespmem:$0x18100] =	vst v63  }
0x4d: {  	_ =	swait.ge [sflag:s12], $0x80  }
0x4e: {  	[sflag:s12] =	ssyncset.done $0x0  }
0x4f: {  	[sflag:s12] =	ssyncadd.s32 $0xFFFFFF80  }
0x50: {  	[tilespmem:s20], [sflag:$0x1] =	stream.indirect.gather [hbm4b:s4+s19], $0x80, s17, s19, $0xb8;
	[tilespmem:$0x18100] =	vst v63  }
0x51: {  	_ =	swait.ge [sflag:s21], $0x4000  }
0x52: {  	[sflag:s21] =	ssyncset.done $0x0  }
0x53: {  	[sflag:s21] =	ssyncadd.s32 $0xFFFFC000  }
0x54: {  	[spmem:s1] =	stream.indirect.scatter.add.f32 [tilespmem:s20], [sflag:$0x2], $0x80, s18, s19, $0xb8;
	[tilespmem:$0x18100] =	vst v63  }
0x55: {  	_ =	swait.ge [sflag:s12], $0x4000  }
0x56: {  	s22 =	sadd.s32 $0x1, s22;
	[sflag:s12] =	ssyncset.done $0x0  }
0x57: {  	p0 =	sne.s32 s22, s8;
	[sflag:s12] =	ssyncadd.s32 $0xFFFFC000  }
.Ltmp1:
0x58: {  	[bflag:$0x0] =	sbarrier.arrive $0xFFFF;
	(pc) =	sbr.rel @p0 .LBB2_1-.Ltmp1, $4  }
0x59: {  	[hbm:s7], [sflag:s6] =	dma.local [spmem:s11], $0x2800  }
0x5a: {  	_ =	swait.ge [sflag:s12], $0x2800  }
0x5b: {  	[sflag:s12] =	ssyncset.done $0x0  }
0x5c: {  	[sflag:s12] =	ssyncadd.s32 $0xFFFFD800  }
0x5d: {  	_ =	sfence.sel $0x180000  }
0x5e: {  	[bflag:$0x0] =	sbarrier.arrive $0xFFFF  }
0x5f: {  	p0 =	sne.s32 s2, $0x0;
	_ =	strace $0x90000056  }
0x60: {  	s0 =	sadd.s32 @!p0 $0x100000, s0;
	[bflag:$0x2] =	sbarrier.arrive $0xFFFF  }
0x61: {  	[sflag:s0] =	ssyncadd.tile.s32 @!p0 $0x1;
	_ =	shalt  }
.Lfunc_end2:
_tile_overlayer_lowered:
.L_overlay_start_2:
0x62: {  	(tag) =	ssettag $0x2  }
0x63: {  	s0 =	rddreg [dreg:$0x0];
	s2 =	stileid.u32  }
0x64: {  	s1 =	rddreg [dreg:$0x1];
	p0 =	sne.s32 s2, $0x0  }
0x65: {  	s3 =	rddreg [dreg:$0x2];
	[bflag:$0x3] =	sbarrier.arrive $0xFFFF;
	s2 =	simm.s32 @!p0 $0x1C02  }
0x66: {  	[timem:s3], [sflag:s2] =	dma.local @!p0 [hbm:s0], s1  }
0x67: {  	s0 =	simm.s32 @!p0 $0x2  }
0x68: {  	_ =	swait.ge @!p0 [sflag:s0], s1  }
0x69: {  	s1 =	ssub.s32 @!p0 $0x0, s1;
	[sflag:s0] =	ssyncset.done @!p0 $0x0  }
0x6a: {  	[sflag:s0] =	ssyncadd.s32 @!p0 s1  }
0x6b: {  	[bflag:$0x3] =	sbarrier.arrive $0xFFFF  }
0x6c: {  	_ =	shalt  }

// kernel: kernel.37.cloned.1.call-start
scs
__scs_entry_jumppad:
0x0: {  	(pc) =	sbr.rel $0x88, $3  }
0x1: {  	(tag) =	ssettag $0x0;
	lr =	simm.s32 $0x1  }
0x2: {  	[smem:$0x3F95] =	sst lr;
	_ =	strace $0xD0000000  }
0x3: {  	_ = 	snop  }
0x4: {  	_ = 	snop  }
0x5: {  	_ = 	snop  }
0x6: {  	_ = 	snop  }
0x7: {  	_ = 	snop  }
__scs_overlays_trampoline_lowered:
0x8: {  	[smem:$0x3FA4] =	sst s0  }
0x9: {  	[smem:$0x3FA5] =	sst s1  }
0xa: {  	[smem:$0x3FA6] =	sst s2  }
0xb: {  	[smem:$0x3FA7] =	sst s3  }
0xc: {  	[smem:$0x3FA8] =	sst s4  }
0xd: {  	[smem:$0x3FA9] =	sst s5  }
0xe: {  	[smem:$0x3FAA] =	sst s6  }
0xf: {  	[smem:$0x3FAB] =	sst s7  }
0x10: {  	[smem:$0x3FAC] =	sst s8  }
0x11: {  	[smem:$0x3FAD] =	sst s9;
	s0 =	simm.s32 @!p0 $0x0  }
0x12: {  	s1 =	sld [smem:$0x3F93];
	s0 =	simm.s32 @p0 $0x1  }
0x13: {  	[smem:$0x3FAE] =	sst s0;
	s0 =	simm.s32 @!p1 $0x0  }
0x14: {  	s2 =	sld [smem:$0x3F92];
	s0 =	simm.s32 @p1 $0x1  }
0x15: {  	[smem:$0x3FAF] =	sst s0;
	s0 =	simm.s32 @!p2 $0x0  }
0x16: {  	s3 =	sld [smem:$0x3FDB];
	s0 =	simm.s32 @p2 $0x1  }
0x17: {  	s4 =	simm.s32 $0x1BF5;
	[smem:$0x3FB1] =	sst s0  }
0x18: {  	s0 =	sld [smem:$0x3F94];
	_ =	swait.ge [sflag:s4], $0x0  }
0x19: {  	s7 =	sld [smem:$0x3F95]  }
0x1a: {  	s8 =	sadd.s32 $0xFFFFE003, lr  }
0x1b: {  	s9 =	sadd.s32 $0xFFFFFEF7, lr;
	s5 =	simm.s32 $0xFFFFFFFF;
	p2 =	slt.u32 s8, $0xFFFFF086  }
0x1c: {  	p1 =	slt.u32 s9, $0xF7A;
	s5 =	simm.s32 @!p2 $0x0  }
0x1d: {  	s5 =	simm.s32 @p1 $0x1;
	p0 =	seq.s32 s7, s2  }
0x1e: {  	s7 =	smul.u32 @!p0 $0xF7A, s2;
	p2 =	seq.s32 @!p0 s5, $0x0  }
0x1f: {  	s9 =	smul.u32 $0xF7A, s1;
	s8 =	simm.s32 @!p0 $0x1BF5;
	p2 =	por !p2, p0  }
0x20: {  	[sflag:s8] =	ssyncset.s32 @!p0 $0xFFFFF086;
	s6 =	sadd.s32 @!p0 s3, s7;
	s7 =	simm.s32 @!p0 $0x108  }
0x21: {  	s3 =	sadd.s32 s3, s9;
	s6 =	sadd.s32 @!p0 $0x88, s6;
	s7 =	simm.s32 @p2 $0x1082  }
0x22: {  	[simem:s7], [sflag:s8] =	dma.local @!p0 [hbm:s6], $0xF7A  }
0x23: {  	s9 =	sor.u32 $0xD0000000, s2;
	s6 =	simm.s32 $0x108;
	_ =	swait.ge @!p0 [sflag:s8], $0x0  }
0x24: {  	s3 =	sadd.s32 $0x88, s3;
	s6 =	simm.s32 @!p1 $0x1082;
	[sflag:s4] =	ssyncset.s32 $0xFFFFF086  }
0x25: {  	[simem:s6], [sflag:s4] =	dma.local [hbm:s3], $0xF7A  }
0x26: {  	[smem:$0x3F95] =	sst s1;
	(tag) =	ssettag s2;
	_ =	strace s9  }
0x27: {  	s1 =	sld [smem:$0x3FA5]  }
0x28: {  	s2 =	sld [smem:$0x3FA6]  }
0x29: {  	s4 =	sld [smem:$0x3FA8]  }
0x2a: {  	p0 =	seq.s32 s5, $0x0;
	s5 =	sld [smem:$0x3FA9]  }
0x2b: {  	s6 =	sld [smem:$0x3FAA]  }
0x2c: {  	s7 =	sld [smem:$0x3FAB]  }
0x2d: {  	s3 =	simm.s32 $0x108;
	s8 =	sld [smem:$0x3FAC]  }
0x2e: {  	s3 =	simm.s32 @!p0 $0x1082;
	s9 =	sld [smem:$0x3FAD]  }
0x2f: {  	lr =	sadd.s32 s0, s3;
	s0 =	sld [smem:$0x3FA4]  }
0x30: {  	s3 =	sld [smem:$0x3FA7]  }
0x31: {  	[smem:$0x3FB0] =	sst s10  }
0x32: {  	s10 =	sld [smem:$0x3FAE];
	_ =	sdelay $0x3  }
0x33: {  	p0 =	seq.s32 s10, $0x1;
	s10 =	sld [smem:$0x3FB0];
	_ =	sdelay $0x3  }
0x34: {  	[smem:$0x3FB0] =	sst s10  }
0x35: {  	s10 =	sld [smem:$0x3FAF];
	_ =	sdelay $0x3  }
0x36: {  	p1 =	seq.s32 s10, $0x1;
	s10 =	sld [smem:$0x3FB0];
	_ =	sdelay $0x3  }
0x37: {  	[smem:$0x3FB0] =	sst s10  }
0x38: {  	s10 =	sld [smem:$0x3FB1]  }
0x39: {  	_ = 	snop;
	(pc) =	sbr.ind lr, $3  }
0x3a: {  	_ = 	snop  }
0x3b: {  	_ = 	snop  }
0x3c: {  	p2 =	seq.s32 s10, $0x1;
	s10 =	sld [smem:$0x3FB0]  }
0x3d: {  	_ =	shalt  }
0x3e: {  	_ =	shalt  }
0x3f: {  	_ =	shalt  }
0x40: {  	_ =	shalt  }
0x41: {  	_ =	shalt  }
0x42: {  	_ =	shalt  }
0x43: {  	_ =	shalt  }
0x44: {  	_ =	shalt  }
0x45: {  	_ =	shalt  }
0x46: {  	_ =	shalt  }
0x47: {  	_ =	shalt  }
0x48: {  	_ =	shalt  }
0x49: {  	_ =	shalt  }
0x4a: {  	_ =	shalt  }
0x4b: {  	_ =	shalt  }
0x4c: {  	_ =	shalt  }
0x4d: {  	_ =	shalt  }
0x4e: {  	_ =	shalt  }
0x4f: {  	_ =	shalt  }
0x50: {  	_ =	shalt  }
0x51: {  	_ =	shalt  }
0x52: {  	_ =	shalt  }
0x53: {  	_ =	shalt  }
0x54: {  	_ =	shalt  }
0x55: {  	_ =	shalt  }
0x56: {  	_ =	shalt  }
0x57: {  	_ =	shalt  }
0x58: {  	_ =	shalt  }
0x59: {  	_ =	shalt  }
0x5a: {  	_ =	shalt  }
0x5b: {  	_ =	shalt  }
0x5c: {  	_ =	shalt  }
0x5d: {  	_ =	shalt  }
0x5e: {  	_ =	shalt  }
0x5f: {  	_ =	shalt  }
0x60: {  	_ =	shalt  }
0x61: {  	_ =	shalt  }
0x62: {  	_ =	shalt  }
0x63: {  	_ =	shalt  }
0x64: {  	_ =	shalt  }
0x65: {  	_ =	shalt  }
0x66: {  	_ =	shalt  }
0x67: {  	_ =	shalt  }
0x68: {  	_ =	shalt  }
0x69: {  	_ =	shalt  }
0x6a: {  	_ =	shalt  }
0x6b: {  	_ =	shalt  }
0x6c: {  	_ =	shalt  }
0x6d: {  	_ =	shalt  }
0x6e: {  	_ =	shalt  }
0x6f: {  	_ =	shalt  }
0x70: {  	_ =	shalt  }
0x71: {  	_ =	shalt  }
0x72: {  	_ =	shalt  }
0x73: {  	_ =	shalt  }
0x74: {  	_ =	shalt  }
0x75: {  	_ =	shalt  }
0x76: {  	_ =	shalt  }
0x77: {  	_ =	shalt  }
0x78: {  	_ =	shalt  }
0x79: {  	_ =	shalt  }
0x7a: {  	_ =	shalt  }
0x7b: {  	_ =	shalt  }
0x7c: {  	_ =	shalt  }
0x7d: {  	_ =	shalt  }
0x7e: {  	_ =	shalt  }
0x7f: {  	_ =	shalt  }
0x80: {  	_ =	shalt  }
0x81: {  	_ =	shalt  }
0x82: {  	_ =	shalt  }
0x83: {  	_ =	shalt  }
0x84: {  	_ =	shalt  }
0x85: {  	_ =	shalt  }
0x86: {  	_ =	shalt  }
0x87: {  	_ =	shalt  }
.Lfunc_end0:
.L_simem_size_0:
called_computation.6_lowered:
.L_overlay_start_0:
0x88: {  	s2 =	sld [smem:$0x3FD9]  }
0x89: {  	s3 =	sld [smem:$0x3FFE];
	_ =	sdelay $0x1  }
0x8a: {  	s1 =	srdreg.scid  }
0x8b: {  	s0 =	sand.u32 $0x1, s1  }
0x8c: {  	s16 =	sshll.u32 s0, $0xA;
	s2 =	sadd.s32 s3, s2  }
0x8d: {  	s2 =	sadd.s32 s2, s16  }
0x8e: {  	[smem:$0x3FBC] =	sst s2  }
0x8f: {  	_ = 	snop  }
0x90: {  	(tm) =	ssettm $0x1  }
0x91: {  	s17 =	sld [smem:$0x3FFB];
	_ =	sdelay $0x3  }
0x92: {  	_ =	strace s17  }
0x93: {  	s2 =	sld [smem:$0x3FFC];
	_ =	sdelay $0x3  }
0x94: {  	_ =	strace s2  }
0x95: {  	s2 =	sld [smem:$0x3FFD];
	_ =	sdelay $0x3  }
0x96: {  	_ =	strace s2  }
0x97: {  	_ =	strace $0x8FFFFFFF  }
0x98: {  	s18 =	sld [smem:$0x3FDB];
	_ =	sdelay $0x1  }
0x99: {  	s19 =	simm.s32 $_scs_section_size  }
0x9a: {  	s4 =	simm.s32 $_size__tile_overlayer_lowered;
	s5 =	simm.s32 $_tile_overlayer_lowered  }
0x9b: {  	s22 =	simm.s32 $0x1BFF;
	s21 =	sshll.u32 s5, $0x1;
	s2 =	sadd.s32 s19, s18  }
0x9c: {  	s6 =	simm.s32 $0x0;
	s20 =	sshll.u32 s4, $0x1;
	s4 =	sadd.s32 s21, s2  }
0x9d: {  	[timem:s6], [sflag:s22] =	dma.local [hbm:s4], s20  }
0x9e: {  	_ =	swait.ge [sflag:s22], s20  }
0x9f: {  	s3 =	ssub.s32 $0x0, s20;
	[sflag:s22] =	ssyncset.done $0x0  }
0xa0: {  	[sflag:s22] =	ssyncadd.s32 s3;
	_ =	sdelay $0x1  }
0xa1: {  	s23 =	simm.s32 $0x1B8B  }
0xa2: {  	_ =	swait.ge [sflag:s23], $0x1  }
0xa3: {  	[sflag:s23] =	ssyncset.done $0x0  }
0xa4: {  	s25 =	simm.s32 $0x1B8E;
	s24 =	sld [smem:$0x3FFE];
	[sflag:s23] =	ssyncadd.s32 $0xFFFFFFFF  }
0xa5: {  	s26 =	simm.s32 $execute0_lowered;
	[smem:$0x3FD2] =	sst s25  }
0xa6: {  	s4 =	sshll.u32 s26, $0x1;
	_ =	strace $0x80000058;
	[dreg:$0x1] =	wrdreg $0xFFFFFFFF  }
0xa7: {  	s28 =	simm.s32 $_size_execute0_lowered;
	s2 =	sadd.s32 s2, s4;
	[dreg:$0x0] =	wrdreg $0x0  }
0xa8: {  	s4 =	sshll.u32 s28, $0x1;
	[dreg:$0x2] =	wrdreg s2  }
0xa9: {  	[dreg:$0x3] =	wrdreg s4  }
0xaa: {  	[dreg:$0x4] =	wrdreg $0xC0  }
0xab: {  	_ =	task [dreg:s6], $0x5FFFF  }
0xac: {  	[dreg:$0x1] =	wrdreg $0xFFFFFFFF  }
0xad: {  	[dreg:$0x0] =	wrdreg $0x60  }
0xae: {  	[dreg:$0x2] =	wrdreg s24  }
0xaf: {  	[dreg:$0x3] =	wrdreg $0x0  }
0xb0: {  	[dreg:$0x4] =	wrdreg $0x9  }
0xb1: {  	_ =	task.clear_ibuf [dreg:s6], $0x5FFFF;
	_ =	strace $0x90000058  }
0xb2: {  	s29 =	simm.s32 $0x9;
	_ =	strace $0x8000005A  }
0xb3: {  	_ =	swait.ge [sflag:s29], $0x1  }
0xb4: {  	[sflag:s29] =	ssyncadd.s32 $0xFFFFFFFF  }
0xb5: {  	_ =	strace $0x9000005A  }
0xb6: {  	_ =	sfence  }
0xb7: {  	s30 =	sld [smem:$0x0];
	_ =	sdelay $0x2  }
0xb8: {  	s31 =	sshll.u32 s1, $0xD;
	s1 =	sshrl.u32 s1, $0x2  }
0xb9: {  	s3 =	sand.u32 $0x4000, s31;
	s1 =	sadd.s32 s1, s30  }
0xba: {  	s0 =	sor.u32 s3, s0;
	s1 =	sshll.u32 s1, $0x11  }
0xbb: {  	s0 =	sor.u32 s1, s0  }
0xbc: {  	s0 =	sadd.s32 $0x8F2B, s0  }
0xbd: {  	[sflag:s0] =	ssyncadd.remote.s32 $0x1  }
0xbe: {  	_ =	sfence.sel $0xFFFF  }
0xbf: {  	[dreg:$0x0] =	wrdreg $0xFFFFFFFF;
	(pc) =	sbr.abs _section_cstart, $3  }
0xc0: {  	[dreg:$0x1] =	wrdreg $0xFFFFFFFF  }
0xc1: {  	_ =	task.clear_ibuf [dreg:s6], $0x2FFFF;
	_ =	strace $0x9FFFFFFF  }
0xc2: {  	(tm) =	ssettm $0x7FFFFFFF  }
0xc3: {  	_ =	shalt  }
tec
execute0_lowered:
.L_overlay_start_1:
0x0: {  	(tag) =	ssettag $0x1  }
0x1: {  	s6 =	rddreg [dreg:$0x0]  }
0x2: {  	s0 =	srdreg.scid;
	s1 =	rddreg [dreg:$0x1]  }
0x3: {  	s3 =	simm.s32 $0x0;
	s2 =	stileid.u32;
	s12 =	simm.s32 $0x2  }
0x4: {  	s17 =	simm.s32 $0x14000;
	s18 =	simm.s32 $0x14080;
	s19 =	simm.s32 $0x80  }
0x5: {  	s20 =	simm.s32 $0x14100;
	s21 =	simm.s32 $0x1;
	s9 =	smul.u32 $0x14000, s2  }
0x6: {  	s5 =	sand.u32 $0x1, s0;
	s0 =	rddreg [dreg:$0x2];
	s26 =	smul.u32 $0x50000, s2  }
0x7: {  	s22 =	simm.s32 $0x0;
	[smem:$0x7FF] =	sst s3;
	s31 =	smul.u32 $0x4F0, s2  }
0x8: {  	s4 =	sadd.s32 $0xB8E00, s6;
	s30 =	sshll.u32 s2, $0x6;
	s7 =	smul.u32 $0x4F00, s5  }
0x9: {  	s8 =	smul.u32 $0x140000, s5;
	_ =	strace $0x80000059;
	s25 =	ssub.s32 $0x2, s5  }
0xa: {  	s5 =	sadd.s32 $0x18600, s6;
	s28 =	sshrl.u32 s25, $0x1;
	s29 =	sshrl.u32 s26, $0x2  }
0xb: {  	s10 =	sadd.s32 s7, s6;
	s24 =	sadd.s32 s9, s8;
	s11 =	sadd.s32 s29, s1  }
0xc: {  	s8 =	ssub.s32 s25, s28;
	s7 =	sshrl.u32 s24, $0x3;
	s13 =	sadd.s32 $0x4000, s11  }
0xd: {  	s14 =	sadd.s32 $0x8000, s11;
	s15 =	sadd.s32 $0xC000, s11;
	s16 =	sadd.s32 $0x10000, s11  }
0xe: {  	s10 =	sadd.s32 s31, s10;
	s8 =	smax.u32 s8, $0x1;
	s11 =	sshrl.u32 s11, $0x3  }
0xf: {  	s7 =	sadd.s32 s7, s6;
	s6 =	sor.u32 $0x1C02, s30;
	s9 =	sadd.s32 $0xE800, s10  }
0x10: {  	s10 =	sadd.s32 $0x4A00, s10;
	s13 =	sshrl.u32 s13, $0x3;
	s14 =	sshrl.u32 s14, $0x3  }
0x11: {  	s15 =	sshrl.u32 s15, $0x3;
	s16 =	sshrl.u32 s16, $0x3;
	s7 =	sadd.s32 $0x18E00, s7  }
.LBB2_1:
0x12: {  	[spmem:s11], [sflag:s6] =	dma.local [hbm:s5], $0x800  }
0x13: {  	_ =	swait.ge [sflag:s12], $0x800  }
0x14: {  	[sflag:s12] =	ssyncset.done $0x0  }
0x15: {  	[sflag:s12] =	ssyncadd.s32 $0xFFFFF800  }
0x16: {  	[spmem:s13], [sflag:s6] =	dma.local [hbm:s5], $0x800  }
0x17: {  	_ =	swait.ge [sflag:s12], $0x800  }
0x18: {  	[sflag:s12] =	ssyncset.done $0x0  }
0x19: {  	[sflag:s12] =	ssyncadd.s32 $0xFFFFF800  }
0x1a: {  	[spmem:s14], [sflag:s6] =	dma.local [hbm:s5], $0x800  }
0x1b: {  	_ =	swait.ge [sflag:s12], $0x800  }
0x1c: {  	[sflag:s12] =	ssyncset.done $0x0  }
0x1d: {  	[sflag:s12] =	ssyncadd.s32 $0xFFFFF800  }
0x1e: {  	[spmem:s15], [sflag:s6] =	dma.local [hbm:s5], $0x800  }
0x1f: {  	_ =	swait.ge [sflag:s12], $0x800  }
0x20: {  	[sflag:s12] =	ssyncset.done $0x0  }
0x21: {  	[sflag:s12] =	ssyncadd.s32 $0xFFFFF800  }
0x22: {  	[spmem:s16], [sflag:s6] =	dma.local [hbm:s5], $0x800  }
0x23: {  	_ =	swait.ge [sflag:s12], $0x800  }
0x24: {  	[sflag:s12] =	ssyncset.done $0x0  }
0x25: {  	[sflag:s12] =	ssyncadd.s32 $0xFFFFF800  }
0x26: {  	s23 =	sadd.s32 $0x0, s10;
	[bflag:$0x0] =	sbarrier.arrive $0xFFFF  }
0x27: {  	[tilespmem:s17], [sflag:$0x2] =	stream.linear.gather [hbm4b:s23+s3], $0x80, $0x38;
	[tilespmem:$0x18100] =	vst v63  }
0x28: {  	_ =	swait.ge [sflag:s12], $0x80  }
0x29: {  	[sflag:s12] =	ssyncset.done $0x0  }
0x2a: {  	s31 =	sadd.s32 $0x0, s9;
	[sflag:s12] =	ssyncadd.s32 $0xFFFFFF80  }
0x2b: {  	[tilespmem:s18], [sflag:$0x2] =	stream.linear.gather [hbm4b:s31+s3], $0x80, $0x38;
	[tilespmem:$0x18100] =	vst v63  }
0x2c: {  	_ =	swait.ge [sflag:s12], $0x80  }
0x2d: {  	[sflag:s12] =	ssyncset.done $0x0  }
0x2e: {  	[sflag:s12] =	ssyncadd.s32 $0xFFFFFF80  }
0x2f: {  	[tilespmem:s20], [sflag:$0x1] =	stream.indirect.gather [hbm4b:s4+s19], $0x80, s17, s19, $0xb8;
	[tilespmem:$0x18100] =	vst v63  }
0x30: {  	_ =	swait.ge [sflag:s21], $0x4000  }
0x31: {  	[sflag:s21] =	ssyncset.done $0x0  }
0x32: {  	[sflag:s21] =	ssyncadd.s32 $0xFFFFC000  }
0x33: {  	[spmem:s1] =	stream.indirect.scatter.add.f32 [tilespmem:s20], [sflag:$0x2], $0x80, s18, s19, $0xb8;
	[tilespmem:$0x18100] =	vst v63  }
0x34: {  	_ =	swait.ge [sflag:s12], $0x4000  }
0x35: {  	s24 =	simm.s32 $0x20;
	s23 =	simm.s32 $0x10;
	[sflag:s12] =	ssyncset.done $0x0  }
.LBB2_2:
0x36: {  	s25 =	sadd.s32 s23, s10  }
0x37: {  	[sflag:s12] =	ssyncadd.s32 $0xFFFFC000;
	s26 =	smov.u32 s24;
	s28 =	sadd.s32 $0x10, s24  }
0x38: {  	[tilespmem:s17], [sflag:$0x2] =	stream.linear.gather [hbm4b:s25+s3], $0x80, $0x38;
	[tilespmem:$0x18100] =	vst v63  }
0x39: {  	p0 =	sne.s32 s24, $0x4E0;
	_ =	swait.ge [sflag:s12], $0x80  }
0x3a: {  	[sflag:s12] =	ssyncset.done $0x0  }
0x3b: {  	s24 =	sadd.s32 s23, s9;
	s23 =	smov.u32 s26;
	[sflag:s12] =	ssyncadd.s32 $0xFFFFFF80  }
0x3c: {  	[tilespmem:s18], [sflag:$0x2] =	stream.linear.gather [hbm4b:s24+s3], $0x80, $0x38;
	[tilespmem:$0x18100] =	vst v63  }
0x3d: {  	_ =	swait.ge [sflag:s12], $0x80  }
0x3e: {  	[sflag:s12] =	ssyncset.done $0x0  }
0x3f: {  	[sflag:s12] =	ssyncadd.s32 $0xFFFFFF80  }
0x40: {  	[tilespmem:s20], [sflag:$0x1] =	stream.indirect.gather [hbm4b:s4+s19], $0x80, s17, s19, $0xb8;
	[tilespmem:$0x18100] =	vst v63  }
0x41: {  	_ =	swait.ge [sflag:s21], $0x4000  }
.Ltmp0:
0x42: {  	[sflag:s21] =	ssyncset.done $0x0;
	(pc) =	sbr.rel @p0 .LBB2_2-.Ltmp0, $4  }
0x43: {  	[sflag:s21] =	ssyncadd.s32 $0xFFFFC000  }
0x44: {  	[spmem:s1] =	stream.indirect.scatter.add.f32 [tilespmem:s20], [sflag:$0x2], $0x80, s18, s19, $0xb8;
	[tilespmem:$0x18100] =	vst v63  }
0x45: {  	_ =	swait.ge [sflag:s12], $0x4000  }
0x46: {  	s24 =	smov.u32 s28;
	[sflag:s12] =	ssyncset.done $0x0  }
0x47: {  	s24 =	sadd.s32 s23, s10;
	[sflag:s12] =	ssyncadd.s32 $0xFFFFC000  }
0x48: {  	[tilespmem:s17], [sflag:$0x2] =	stream.linear.gather [hbm4b:s24+s3], $0x80, $0x38;
	[tilespmem:$0x18100] =	vst v63  }
0x49: {  	_ =	swait.ge [sflag:s12], $0x80  }
0x4a: {  	[sflag:s12] =	ssyncset.done $0x0  }
0x4b: {  	s31 =	sadd.s32 s23, s9;
	[sflag:s12] =	ssyncadd.s32 $0xFFFFFF80  }
0x4c: {  	[tilespmem:s18], [sflag:$0x2] =	stream.linear.gather [hbm4b:s31+s3], $0x80, $0x38;
	[tilespmem:$0x18100] =	vst v63  }
0x4d: {  	_ =	swait.ge [sflag:s12], $0x80  }
0x4e: {  	[sflag:s12] =	ssyncset.done $0x0  }
0x4f: {  	[sflag:s12] =	ssyncadd.s32 $0xFFFFFF80  }
0x50: {  	[tilespmem:s20], [sflag:$0x1] =	stream.indirect.gather [hbm4b:s4+s19], $0x80, s17, s19, $0xb8;
	[tilespmem:$0x18100] =	vst v63  }
0x51: {  	_ =	swait.ge [sflag:s21], $0x4000  }
0x52: {  	[sflag:s21] =	ssyncset.done $0x0  }
0x53: {  	[sflag:s21] =	ssyncadd.s32 $0xFFFFC000  }
0x54: {  	[spmem:s1] =	stream.indirect.scatter.add.f32 [tilespmem:s20], [sflag:$0x2], $0x80, s18, s19, $0xb8;
	[tilespmem:$0x18100] =	vst v63  }
0x55: {  	_ =	swait.ge [sflag:s12], $0x4000  }
0x56: {  	s22 =	sadd.s32 $0x1, s22;
	[sflag:s12] =	ssyncset.done $0x0  }
0x57: {  	p0 =	sne.s32 s22, s8;
	[sflag:s12] =	ssyncadd.s32 $0xFFFFC000  }
.Ltmp1:
0x58: {  	[bflag:$0x0] =	sbarrier.arrive $0xFFFF;
	(pc) =	sbr.rel @p0 .LBB2_1-.Ltmp1, $4  }
0x59: {  	[hbm:s7], [sflag:s6] =	dma.local [spmem:s11], $0x2800  }
0x5a: {  	_ =	swait.ge [sflag:s12], $0x2800  }
0x5b: {  	[sflag:s12] =	ssyncset.done $0x0  }
0x5c: {  	[sflag:s12] =	ssyncadd.s32 $0xFFFFD800  }
0x5d: {  	_ =	sfence.sel $0x180000  }
0x5e: {  	[bflag:$0x0] =	sbarrier.arrive $0xFFFF  }
0x5f: {  	p0 =	sne.s32 s2, $0x0;
	_ =	strace $0x90000059  }
0x60: {  	s0 =	sadd.s32 @!p0 $0x100000, s0;
	[bflag:$0x2] =	sbarrier.arrive $0xFFFF  }
0x61: {  	[sflag:s0] =	ssyncadd.tile.s32 @!p0 $0x1;
	_ =	shalt  }
.Lfunc_end2:
_tile_overlayer_lowered:
.L_overlay_start_2:
0x62: {  	(tag) =	ssettag $0x2  }
0x63: {  	s0 =	rddreg [dreg:$0x0];
	s2 =	stileid.u32  }
0x64: {  	s1 =	rddreg [dreg:$0x1];
	p0 =	sne.s32 s2, $0x0  }
0x65: {  	s3 =	rddreg [dreg:$0x2];
	[bflag:$0x3] =	sbarrier.arrive $0xFFFF;
	s2 =	simm.s32 @!p0 $0x1C02  }
0x66: {  	[timem:s3], [sflag:s2] =	dma.local @!p0 [hbm:s0], s1  }
0x67: {  	s0 =	simm.s32 @!p0 $0x2  }
0x68: {  	_ =	swait.ge @!p0 [sflag:s0], s1  }
0x69: {  	s1 =	ssub.s32 @!p0 $0x0, s1;
	[sflag:s0] =	ssyncset.done @!p0 $0x0  }
0x6a: {  	[sflag:s0] =	ssyncadd.s32 @!p0 s1  }
0x6b: {  	[bflag:$0x3] =	sbarrier.arrive $0xFFFF  }
0x6c: {  	_ =	shalt  }

// kernel: kernel.40.cloned.1.call-start
scs
__scs_entry_jumppad:
0x0: {  	(pc) =	sbr.rel $0x88, $3  }
0x1: {  	(tag) =	ssettag $0x0;
	lr =	simm.s32 $0x1  }
0x2: {  	[smem:$0x3F95] =	sst lr;
	_ =	strace $0xD0000000  }
0x3: {  	_ = 	snop  }
0x4: {  	_ = 	snop  }
0x5: {  	_ = 	snop  }
0x6: {  	_ = 	snop  }
0x7: {  	_ = 	snop  }
__scs_overlays_trampoline_lowered:
0x8: {  	[smem:$0x3FA4] =	sst s0  }
0x9: {  	[smem:$0x3FA5] =	sst s1  }
0xa: {  	[smem:$0x3FA6] =	sst s2  }
0xb: {  	[smem:$0x3FA7] =	sst s3  }
0xc: {  	[smem:$0x3FA8] =	sst s4  }
0xd: {  	[smem:$0x3FA9] =	sst s5  }
0xe: {  	[smem:$0x3FAA] =	sst s6  }
0xf: {  	[smem:$0x3FAB] =	sst s7  }
0x10: {  	[smem:$0x3FAC] =	sst s8  }
0x11: {  	[smem:$0x3FAD] =	sst s9;
	s0 =	simm.s32 @!p0 $0x0  }
0x12: {  	s1 =	sld [smem:$0x3F93];
	s0 =	simm.s32 @p0 $0x1  }
0x13: {  	[smem:$0x3FAE] =	sst s0;
	s0 =	simm.s32 @!p1 $0x0  }
0x14: {  	s2 =	sld [smem:$0x3F92];
	s0 =	simm.s32 @p1 $0x1  }
0x15: {  	[smem:$0x3FAF] =	sst s0;
	s0 =	simm.s32 @!p2 $0x0  }
0x16: {  	s3 =	sld [smem:$0x3FDB];
	s0 =	simm.s32 @p2 $0x1  }
0x17: {  	s4 =	simm.s32 $0x1BF5;
	[smem:$0x3FB1] =	sst s0  }
0x18: {  	s0 =	sld [smem:$0x3F94];
	_ =	swait.ge [sflag:s4], $0x0  }
0x19: {  	s7 =	sld [smem:$0x3F95]  }
0x1a: {  	s8 =	sadd.s32 $0xFFFFE003, lr  }
0x1b: {  	s9 =	sadd.s32 $0xFFFFFEF7, lr;
	s5 =	simm.s32 $0xFFFFFFFF;
	p2 =	slt.u32 s8, $0xFFFFF086  }
0x1c: {  	p1 =	slt.u32 s9, $0xF7A;
	s5 =	simm.s32 @!p2 $0x0  }
0x1d: {  	s5 =	simm.s32 @p1 $0x1;
	p0 =	seq.s32 s7, s2  }
0x1e: {  	s7 =	smul.u32 @!p0 $0xF7A, s2;
	p2 =	seq.s32 @!p0 s5, $0x0  }
0x1f: {  	s9 =	smul.u32 $0xF7A, s1;
	s8 =	simm.s32 @!p0 $0x1BF5;
	p2 =	por !p2, p0  }
0x20: {  	[sflag:s8] =	ssyncset.s32 @!p0 $0xFFFFF086;
	s6 =	sadd.s32 @!p0 s3, s7;
	s7 =	simm.s32 @!p0 $0x108  }
0x21: {  	s3 =	sadd.s32 s3, s9;
	s6 =	sadd.s32 @!p0 $0x88, s6;
	s7 =	simm.s32 @p2 $0x1082  }
0x22: {  	[simem:s7], [sflag:s8] =	dma.local @!p0 [hbm:s6], $0xF7A  }
0x23: {  	s9 =	sor.u32 $0xD0000000, s2;
	s6 =	simm.s32 $0x108;
	_ =	swait.ge @!p0 [sflag:s8], $0x0  }
0x24: {  	s3 =	sadd.s32 $0x88, s3;
	s6 =	simm.s32 @!p1 $0x1082;
	[sflag:s4] =	ssyncset.s32 $0xFFFFF086  }
0x25: {  	[simem:s6], [sflag:s4] =	dma.local [hbm:s3], $0xF7A  }
0x26: {  	[smem:$0x3F95] =	sst s1;
	(tag) =	ssettag s2;
	_ =	strace s9  }
0x27: {  	s1 =	sld [smem:$0x3FA5]  }
0x28: {  	s2 =	sld [smem:$0x3FA6]  }
0x29: {  	s4 =	sld [smem:$0x3FA8]  }
0x2a: {  	p0 =	seq.s32 s5, $0x0;
	s5 =	sld [smem:$0x3FA9]  }
0x2b: {  	s6 =	sld [smem:$0x3FAA]  }
0x2c: {  	s7 =	sld [smem:$0x3FAB]  }
0x2d: {  	s3 =	simm.s32 $0x108;
	s8 =	sld [smem:$0x3FAC]  }
0x2e: {  	s3 =	simm.s32 @!p0 $0x1082;
	s9 =	sld [smem:$0x3FAD]  }
0x2f: {  	lr =	sadd.s32 s0, s3;
	s0 =	sld [smem:$0x3FA4]  }
0x30: {  	s3 =	sld [smem:$0x3FA7]  }
0x31: {  	[smem:$0x3FB0] =	sst s10  }
0x32: {  	s10 =	sld [smem:$0x3FAE];
	_ =	sdelay $0x3  }
0x33: {  	p0 =	seq.s32 s10, $0x1;
	s10 =	sld [smem:$0x3FB0];
	_ =	sdelay $0x3  }
0x34: {  	[smem:$0x3FB0] =	sst s10  }
0x35: {  	s10 =	sld [smem:$0x3FAF];
	_ =	sdelay $0x3  }
0x36: {  	p1 =	seq.s32 s10, $0x1;
	s10 =	sld [smem:$0x3FB0];
	_ =	sdelay $0x3  }
0x37: {  	[smem:$0x3FB0] =	sst s10  }
0x38: {  	s10 =	sld [smem:$0x3FB1]  }
0x39: {  	_ = 	snop;
	(pc) =	sbr.ind lr, $3  }
0x3a: {  	_ = 	snop  }
0x3b: {  	_ = 	snop  }
0x3c: {  	p2 =	seq.s32 s10, $0x1;
	s10 =	sld [smem:$0x3FB0]  }
0x3d: {  	_ =	shalt  }
0x3e: {  	_ =	shalt  }
0x3f: {  	_ =	shalt  }
0x40: {  	_ =	shalt  }
0x41: {  	_ =	shalt  }
0x42: {  	_ =	shalt  }
0x43: {  	_ =	shalt  }
0x44: {  	_ =	shalt  }
0x45: {  	_ =	shalt  }
0x46: {  	_ =	shalt  }
0x47: {  	_ =	shalt  }
0x48: {  	_ =	shalt  }
0x49: {  	_ =	shalt  }
0x4a: {  	_ =	shalt  }
0x4b: {  	_ =	shalt  }
0x4c: {  	_ =	shalt  }
0x4d: {  	_ =	shalt  }
0x4e: {  	_ =	shalt  }
0x4f: {  	_ =	shalt  }
0x50: {  	_ =	shalt  }
0x51: {  	_ =	shalt  }
0x52: {  	_ =	shalt  }
0x53: {  	_ =	shalt  }
0x54: {  	_ =	shalt  }
0x55: {  	_ =	shalt  }
0x56: {  	_ =	shalt  }
0x57: {  	_ =	shalt  }
0x58: {  	_ =	shalt  }
0x59: {  	_ =	shalt  }
0x5a: {  	_ =	shalt  }
0x5b: {  	_ =	shalt  }
0x5c: {  	_ =	shalt  }
0x5d: {  	_ =	shalt  }
0x5e: {  	_ =	shalt  }
0x5f: {  	_ =	shalt  }
0x60: {  	_ =	shalt  }
0x61: {  	_ =	shalt  }
0x62: {  	_ =	shalt  }
0x63: {  	_ =	shalt  }
0x64: {  	_ =	shalt  }
0x65: {  	_ =	shalt  }
0x66: {  	_ =	shalt  }
0x67: {  	_ =	shalt  }
0x68: {  	_ =	shalt  }
0x69: {  	_ =	shalt  }
0x6a: {  	_ =	shalt  }
0x6b: {  	_ =	shalt  }
0x6c: {  	_ =	shalt  }
0x6d: {  	_ =	shalt  }
0x6e: {  	_ =	shalt  }
0x6f: {  	_ =	shalt  }
0x70: {  	_ =	shalt  }
0x71: {  	_ =	shalt  }
0x72: {  	_ =	shalt  }
0x73: {  	_ =	shalt  }
0x74: {  	_ =	shalt  }
0x75: {  	_ =	shalt  }
0x76: {  	_ =	shalt  }
0x77: {  	_ =	shalt  }
0x78: {  	_ =	shalt  }
0x79: {  	_ =	shalt  }
0x7a: {  	_ =	shalt  }
0x7b: {  	_ =	shalt  }
0x7c: {  	_ =	shalt  }
0x7d: {  	_ =	shalt  }
0x7e: {  	_ =	shalt  }
0x7f: {  	_ =	shalt  }
0x80: {  	_ =	shalt  }
0x81: {  	_ =	shalt  }
0x82: {  	_ =	shalt  }
0x83: {  	_ =	shalt  }
0x84: {  	_ =	shalt  }
0x85: {  	_ =	shalt  }
0x86: {  	_ =	shalt  }
0x87: {  	_ =	shalt  }
.Lfunc_end0:
.L_simem_size_0:
called_computation.7_lowered:
.L_overlay_start_0:
0x88: {  	s2 =	sld [smem:$0x3FD9]  }
0x89: {  	s3 =	sld [smem:$0x3FFE];
	_ =	sdelay $0x1  }
0x8a: {  	s1 =	srdreg.scid  }
0x8b: {  	s0 =	sand.u32 $0x1, s1  }
0x8c: {  	s16 =	sshll.u32 s0, $0xA;
	s2 =	sadd.s32 s3, s2  }
0x8d: {  	s2 =	sadd.s32 s2, s16  }
0x8e: {  	[smem:$0x3FBC] =	sst s2  }
0x8f: {  	_ = 	snop  }
0x90: {  	(tm) =	ssettm $0x1  }
0x91: {  	s17 =	sld [smem:$0x3FFB];
	_ =	sdelay $0x3  }
0x92: {  	_ =	strace s17  }
0x93: {  	s2 =	sld [smem:$0x3FFC];
	_ =	sdelay $0x3  }
0x94: {  	_ =	strace s2  }
0x95: {  	s2 =	sld [smem:$0x3FFD];
	_ =	sdelay $0x3  }
0x96: {  	_ =	strace s2  }
0x97: {  	_ =	strace $0x8FFFFFFF  }
0x98: {  	s18 =	sld [smem:$0x3FDB];
	_ =	sdelay $0x1  }
0x99: {  	s19 =	simm.s32 $_scs_section_size  }
0x9a: {  	s4 =	simm.s32 $_size__tile_overlayer_lowered;
	s5 =	simm.s32 $_tile_overlayer_lowered  }
0x9b: {  	s22 =	simm.s32 $0x1BFF;
	s21 =	sshll.u32 s5, $0x1;
	s2 =	sadd.s32 s19, s18  }
0x9c: {  	s6 =	simm.s32 $0x0;
	s20 =	sshll.u32 s4, $0x1;
	s4 =	sadd.s32 s21, s2  }
0x9d: {  	[timem:s6], [sflag:s22] =	dma.local [hbm:s4], s20  }
0x9e: {  	_ =	swait.ge [sflag:s22], s20  }
0x9f: {  	s3 =	ssub.s32 $0x0, s20;
	[sflag:s22] =	ssyncset.done $0x0  }
0xa0: {  	[sflag:s22] =	ssyncadd.s32 s3;
	_ =	sdelay $0x1  }
0xa1: {  	s23 =	simm.s32 $0x1B8B  }
0xa2: {  	_ =	swait.ge [sflag:s23], $0x1  }
0xa3: {  	[sflag:s23] =	ssyncset.done $0x0  }
0xa4: {  	s25 =	simm.s32 $0x1B8E;
	s24 =	sld [smem:$0x3FFE];
	[sflag:s23] =	ssyncadd.s32 $0xFFFFFFFF  }
0xa5: {  	s26 =	simm.s32 $execute0_lowered;
	[smem:$0x3FD2] =	sst s25  }
0xa6: {  	s4 =	sshll.u32 s26, $0x1;
	_ =	strace $0x8000005B;
	[dreg:$0x1] =	wrdreg $0xFFFFFFFF  }
0xa7: {  	s28 =	simm.s32 $_size_execute0_lowered;
	s2 =	sadd.s32 s2, s4;
	[dreg:$0x0] =	wrdreg $0x0  }
0xa8: {  	s4 =	sshll.u32 s28, $0x1;
	[dreg:$0x2] =	wrdreg s2  }
0xa9: {  	[dreg:$0x3] =	wrdreg s4  }
0xaa: {  	[dreg:$0x4] =	wrdreg $0xC0  }
0xab: {  	_ =	task [dreg:s6], $0x5FFFF  }
0xac: {  	[dreg:$0x1] =	wrdreg $0xFFFFFFFF  }
0xad: {  	[dreg:$0x0] =	wrdreg $0x60  }
0xae: {  	[dreg:$0x2] =	wrdreg s24  }
0xaf: {  	[dreg:$0x3] =	wrdreg $0x0  }
0xb0: {  	[dreg:$0x4] =	wrdreg $0x9  }
0xb1: {  	_ =	task.clear_ibuf [dreg:s6], $0x5FFFF;
	_ =	strace $0x9000005B  }
0xb2: {  	s29 =	simm.s32 $0x9;
	_ =	strace $0x8000005D  }
0xb3: {  	_ =	swait.ge [sflag:s29], $0x1  }
0xb4: {  	[sflag:s29] =	ssyncadd.s32 $0xFFFFFFFF  }
0xb5: {  	_ =	strace $0x9000005D  }
0xb6: {  	_ =	sfence  }
0xb7: {  	s30 =	sld [smem:$0x0];
	_ =	sdelay $0x2  }
0xb8: {  	s31 =	sshll.u32 s1, $0xD;
	s1 =	sshrl.u32 s1, $0x2  }
0xb9: {  	s3 =	sand.u32 $0x4000, s31;
	s1 =	sadd.s32 s1, s30  }
0xba: {  	s0 =	sor.u32 s3, s0;
	s1 =	sshll.u32 s1, $0x11  }
0xbb: {  	s0 =	sor.u32 s1, s0  }
0xbc: {  	s0 =	sadd.s32 $0x8F2B, s0  }
0xbd: {  	[sflag:s0] =	ssyncadd.remote.s32 $0x1  }
0xbe: {  	_ =	sfence.sel $0xFFFF  }
0xbf: {  	[dreg:$0x0] =	wrdreg $0xFFFFFFFF;
	(pc) =	sbr.abs _section_cstart, $3  }
0xc0: {  	[dreg:$0x1] =	wrdreg $0xFFFFFFFF  }
0xc1: {  	_ =	task.clear_ibuf [dreg:s6], $0x2FFFF;
	_ =	strace $0x9FFFFFFF  }
0xc2: {  	(tm) =	ssettm $0x7FFFFFFF  }
0xc3: {  	_ =	shalt  }
tec
execute0_lowered:
.L_overlay_start_1:
0x0: {  	(tag) =	ssettag $0x1  }
0x1: {  	s6 =	rddreg [dreg:$0x0]  }
0x2: {  	s0 =	srdreg.scid;
	s1 =	rddreg [dreg:$0x1]  }
0x3: {  	s3 =	simm.s32 $0x0;
	s2 =	stileid.u32;
	s12 =	simm.s32 $0x2  }
0x4: {  	s17 =	simm.s32 $0x14000;
	s18 =	simm.s32 $0x14080;
	s19 =	simm.s32 $0x80  }
0x5: {  	s20 =	simm.s32 $0x14100;
	s21 =	simm.s32 $0x1;
	s9 =	smul.u32 $0x14000, s2  }
0x6: {  	s5 =	sand.u32 $0x1, s0;
	s0 =	rddreg [dreg:$0x2];
	s26 =	smul.u32 $0x50000, s2  }
0x7: {  	s22 =	simm.s32 $0x0;
	[smem:$0x7FF] =	sst s3;
	s31 =	smul.u32 $0x4F0, s2  }
0x8: {  	s4 =	sadd.s32 $0xB8E00, s6;
	s30 =	sshll.u32 s2, $0x6;
	s7 =	smul.u32 $0x4F00, s5  }
0x9: {  	s8 =	smul.u32 $0x140000, s5;
	_ =	strace $0x8000005C;
	s25 =	ssub.s32 $0x2, s5  }
0xa: {  	s5 =	sadd.s32 $0x18600, s6;
	s28 =	sshrl.u32 s25, $0x1;
	s29 =	sshrl.u32 s26, $0x2  }
0xb: {  	s10 =	sadd.s32 s7, s6;
	s24 =	sadd.s32 s9, s8;
	s11 =	sadd.s32 s29, s1  }
0xc: {  	s8 =	ssub.s32 s25, s28;
	s7 =	sshrl.u32 s24, $0x3;
	s13 =	sadd.s32 $0x4000, s11  }
0xd: {  	s14 =	sadd.s32 $0x8000, s11;
	s15 =	sadd.s32 $0xC000, s11;
	s16 =	sadd.s32 $0x10000, s11  }
0xe: {  	s10 =	sadd.s32 s31, s10;
	s8 =	smax.u32 s8, $0x1;
	s11 =	sshrl.u32 s11, $0x3  }
0xf: {  	s7 =	sadd.s32 s7, s6;
	s6 =	sor.u32 $0x1C02, s30;
	s9 =	sadd.s32 $0xE800, s10  }
0x10: {  	s10 =	sadd.s32 $0x4A00, s10;
	s13 =	sshrl.u32 s13, $0x3;
	s14 =	sshrl.u32 s14, $0x3  }
0x11: {  	s15 =	sshrl.u32 s15, $0x3;
	s16 =	sshrl.u32 s16, $0x3;
	s7 =	sadd.s32 $0x18E00, s7  }
.LBB2_1:
0x12: {  	[spmem:s11], [sflag:s6] =	dma.local [hbm:s5], $0x800  }
0x13: {  	_ =	swait.ge [sflag:s12], $0x800  }
0x14: {  	[sflag:s12] =	ssyncset.done $0x0  }
0x15: {  	[sflag:s12] =	ssyncadd.s32 $0xFFFFF800  }
0x16: {  	[spmem:s13], [sflag:s6] =	dma.local [hbm:s5], $0x800  }
0x17: {  	_ =	swait.ge [sflag:s12], $0x800  }
0x18: {  	[sflag:s12] =	ssyncset.done $0x0  }
0x19: {  	[sflag:s12] =	ssyncadd.s32 $0xFFFFF800  }
0x1a: {  	[spmem:s14], [sflag:s6] =	dma.local [hbm:s5], $0x800  }
0x1b: {  	_ =	swait.ge [sflag:s12], $0x800  }
0x1c: {  	[sflag:s12] =	ssyncset.done $0x0  }
0x1d: {  	[sflag:s12] =	ssyncadd.s32 $0xFFFFF800  }
0x1e: {  	[spmem:s15], [sflag:s6] =	dma.local [hbm:s5], $0x800  }
0x1f: {  	_ =	swait.ge [sflag:s12], $0x800  }
0x20: {  	[sflag:s12] =	ssyncset.done $0x0  }
0x21: {  	[sflag:s12] =	ssyncadd.s32 $0xFFFFF800  }
0x22: {  	[spmem:s16], [sflag:s6] =	dma.local [hbm:s5], $0x800  }
0x23: {  	_ =	swait.ge [sflag:s12], $0x800  }
0x24: {  	[sflag:s12] =	ssyncset.done $0x0  }
0x25: {  	[sflag:s12] =	ssyncadd.s32 $0xFFFFF800  }
0x26: {  	s23 =	sadd.s32 $0x0, s10;
	[bflag:$0x0] =	sbarrier.arrive $0xFFFF  }
0x27: {  	[tilespmem:s17], [sflag:$0x2] =	stream.linear.gather [hbm4b:s23+s3], $0x80, $0x38;
	[tilespmem:$0x18100] =	vst v63  }
0x28: {  	_ =	swait.ge [sflag:s12], $0x80  }
0x29: {  	[sflag:s12] =	ssyncset.done $0x0  }
0x2a: {  	s31 =	sadd.s32 $0x0, s9;
	[sflag:s12] =	ssyncadd.s32 $0xFFFFFF80  }
0x2b: {  	[tilespmem:s18], [sflag:$0x2] =	stream.linear.gather [hbm4b:s31+s3], $0x80, $0x38;
	[tilespmem:$0x18100] =	vst v63  }
0x2c: {  	_ =	swait.ge [sflag:s12], $0x80  }
0x2d: {  	[sflag:s12] =	ssyncset.done $0x0  }
0x2e: {  	[sflag:s12] =	ssyncadd.s32 $0xFFFFFF80  }
0x2f: {  	[tilespmem:s20], [sflag:$0x1] =	stream.indirect.gather [hbm4b:s4+s19], $0x80, s17, s19, $0xb8;
	[tilespmem:$0x18100] =	vst v63  }
0x30: {  	_ =	swait.ge [sflag:s21], $0x4000  }
0x31: {  	[sflag:s21] =	ssyncset.done $0x0  }
0x32: {  	[sflag:s21] =	ssyncadd.s32 $0xFFFFC000  }
0x33: {  	[spmem:s1] =	stream.indirect.scatter.add.f32 [tilespmem:s20], [sflag:$0x2], $0x80, s18, s19, $0xb8;
	[tilespmem:$0x18100] =	vst v63  }
0x34: {  	_ =	swait.ge [sflag:s12], $0x4000  }
0x35: {  	s24 =	simm.s32 $0x20;
	s23 =	simm.s32 $0x10;
	[sflag:s12] =	ssyncset.done $0x0  }
.LBB2_2:
0x36: {  	s25 =	sadd.s32 s23, s10  }
0x37: {  	[sflag:s12] =	ssyncadd.s32 $0xFFFFC000;
	s26 =	smov.u32 s24;
	s28 =	sadd.s32 $0x10, s24  }
0x38: {  	[tilespmem:s17], [sflag:$0x2] =	stream.linear.gather [hbm4b:s25+s3], $0x80, $0x38;
	[tilespmem:$0x18100] =	vst v63  }
0x39: {  	p0 =	sne.s32 s24, $0x4E0;
	_ =	swait.ge [sflag:s12], $0x80  }
0x3a: {  	[sflag:s12] =	ssyncset.done $0x0  }
0x3b: {  	s24 =	sadd.s32 s23, s9;
	s23 =	smov.u32 s26;
	[sflag:s12] =	ssyncadd.s32 $0xFFFFFF80  }
0x3c: {  	[tilespmem:s18], [sflag:$0x2] =	stream.linear.gather [hbm4b:s24+s3], $0x80, $0x38;
	[tilespmem:$0x18100] =	vst v63  }
0x3d: {  	_ =	swait.ge [sflag:s12], $0x80  }
0x3e: {  	[sflag:s12] =	ssyncset.done $0x0  }
0x3f: {  	[sflag:s12] =	ssyncadd.s32 $0xFFFFFF80  }
0x40: {  	[tilespmem:s20], [sflag:$0x1] =	stream.indirect.gather [hbm4b:s4+s19], $0x80, s17, s19, $0xb8;
	[tilespmem:$0x18100] =	vst v63  }
0x41: {  	_ =	swait.ge [sflag:s21], $0x4000  }
.Ltmp0:
0x42: {  	[sflag:s21] =	ssyncset.done $0x0;
	(pc) =	sbr.rel @p0 .LBB2_2-.Ltmp0, $4  }
0x43: {  	[sflag:s21] =	ssyncadd.s32 $0xFFFFC000  }
0x44: {  	[spmem:s1] =	stream.indirect.scatter.add.f32 [tilespmem:s20], [sflag:$0x2], $0x80, s18, s19, $0xb8;
	[tilespmem:$0x18100] =	vst v63  }
0x45: {  	_ =	swait.ge [sflag:s12], $0x4000  }
0x46: {  	s24 =	smov.u32 s28;
	[sflag:s12] =	ssyncset.done $0x0  }
0x47: {  	s24 =	sadd.s32 s23, s10;
	[sflag:s12] =	ssyncadd.s32 $0xFFFFC000  }
0x48: {  	[tilespmem:s17], [sflag:$0x2] =	stream.linear.gather [hbm4b:s24+s3], $0x80, $0x38;
	[tilespmem:$0x18100] =	vst v63  }
0x49: {  	_ =	swait.ge [sflag:s12], $0x80  }
0x4a: {  	[sflag:s12] =	ssyncset.done $0x0  }
0x4b: {  	s31 =	sadd.s32 s23, s9;
	[sflag:s12] =	ssyncadd.s32 $0xFFFFFF80  }
0x4c: {  	[tilespmem:s18], [sflag:$0x2] =	stream.linear.gather [hbm4b:s31+s3], $0x80, $0x38;
	[tilespmem:$0x18100] =	vst v63  }
0x4d: {  	_ =	swait.ge [sflag:s12], $0x80  }
0x4e: {  	[sflag:s12] =	ssyncset.done $0x0  }
0x4f: {  	[sflag:s12] =	ssyncadd.s32 $0xFFFFFF80  }
0x50: {  	[tilespmem:s20], [sflag:$0x1] =	stream.indirect.gather [hbm4b:s4+s19], $0x80, s17, s19, $0xb8;
	[tilespmem:$0x18100] =	vst v63  }
0x51: {  	_ =	swait.ge [sflag:s21], $0x4000  }
0x52: {  	[sflag:s21] =	ssyncset.done $0x0  }
0x53: {  	[sflag:s21] =	ssyncadd.s32 $0xFFFFC000  }
0x54: {  	[spmem:s1] =	stream.indirect.scatter.add.f32 [tilespmem:s20], [sflag:$0x2], $0x80, s18, s19, $0xb8;
	[tilespmem:$0x18100] =	vst v63  }
0x55: {  	_ =	swait.ge [sflag:s12], $0x4000  }
0x56: {  	s22 =	sadd.s32 $0x1, s22;
	[sflag:s12] =	ssyncset.done $0x0  }
0x57: {  	p0 =	sne.s32 s22, s8;
	[sflag:s12] =	ssyncadd.s32 $0xFFFFC000  }
.Ltmp1:
0x58: {  	[bflag:$0x0] =	sbarrier.arrive $0xFFFF;
	(pc) =	sbr.rel @p0 .LBB2_1-.Ltmp1, $4  }
0x59: {  	[hbm:s7], [sflag:s6] =	dma.local [spmem:s11], $0x2800  }
0x5a: {  	_ =	swait.ge [sflag:s12], $0x2800  }
0x5b: {  	[sflag:s12] =	ssyncset.done $0x0  }
0x5c: {  	[sflag:s12] =	ssyncadd.s32 $0xFFFFD800  }
0x5d: {  	_ =	sfence.sel $0x180000  }
0x5e: {  	[bflag:$0x0] =	sbarrier.arrive $0xFFFF  }
0x5f: {  	p0 =	sne.s32 s2, $0x0;
	_ =	strace $0x9000005C  }
0x60: {  	s0 =	sadd.s32 @!p0 $0x100000, s0;
	[bflag:$0x2] =	sbarrier.arrive $0xFFFF  }
0x61: {  	[sflag:s0] =	ssyncadd.tile.s32 @!p0 $0x1;
	_ =	shalt  }
.Lfunc_end2:
_tile_overlayer_lowered:
.L_overlay_start_2:
0x62: {  	(tag) =	ssettag $0x2  }
0x63: {  	s0 =	rddreg [dreg:$0x0];
	s2 =	stileid.u32  }
0x64: {  	s1 =	rddreg [dreg:$0x1];
	p0 =	sne.s32 s2, $0x0  }
0x65: {  	s3 =	rddreg [dreg:$0x2];
	[bflag:$0x3] =	sbarrier.arrive $0xFFFF;
	s2 =	simm.s32 @!p0 $0x1C02  }
0x66: {  	[timem:s3], [sflag:s2] =	dma.local @!p0 [hbm:s0], s1  }
0x67: {  	s0 =	simm.s32 @!p0 $0x2  }
0x68: {  	_ =	swait.ge @!p0 [sflag:s0], s1  }
0x69: {  	s1 =	ssub.s32 @!p0 $0x0, s1;
	[sflag:s0] =	ssyncset.done @!p0 $0x0  }
0x6a: {  	[sflag:s0] =	ssyncadd.s32 @!p0 s1  }
0x6b: {  	[bflag:$0x3] =	sbarrier.arrive $0xFFFF  }
0x6c: {  	_ =	shalt  }

</sc_bundles>
